<compile_context>
chip_gen: v7x
topology: tpu7x:2x2x1
jax: 0.10.2.dev20260603
libtpu: 0.0.44.dev20260713+nightly
codegen_flags: <defaults>
</compile_context>

<pallas_src>
import functools

import jax
import jax.numpy as jnp
from jax import lax
from jax.experimental import pallas as pl
from jax.experimental.pallas import tpu as pltpu
from jax.experimental.pallas import tpu_sc as plsc

C, HF, WF = 256, 64, 64
NB = 5000
OH, OW = 7, 7
IMG_H, IMG_W = 1024.0, 1024.0

NPOS = OH * OW
CSTRIDE = 52
NROWS = 4 * CSTRIDE
ROW_WORDS = C * NPOS
NW = 32
BPW = 160
NB_PAD = NW * BPW
CHUNK_STARTS = (0, 16, 32, 33)

SX = (WF - 1) / (IMG_W - 1)
SY = (HF - 1) / (IMG_H - 1)


def _splat_f32(x):
  return jnp.full((16,), x, dtype=jnp.float32)


def _splat_i32(x):
  return jnp.full((16,), x, dtype=jnp.int32)


def _coords(boxes_v, k, tpos_v, st):
  bv = boxes_v[k]
  xc = _splat_f32(bv[0])
  yc = _splat_f32(bv[1])
  w = _splat_f32(bv[2])
  h = _splat_f32(bv[3])
  x0 = xc - w * 0.5
  y0 = yc - h * 0.5
  typ = tpos_v[pl.ds(st, 16)]
  txp = tpos_v[pl.ds(64 + st, 16)]
  ys = jnp.minimum(jnp.maximum((y0 + h * typ) * SY, 0.0), HF - 1.0)
  xs = jnp.minimum(jnp.maximum((x0 + w * txp) * SX, 0.0), WF - 1.0)
  y0i = ys.astype(jnp.int32)
  x0i = xs.astype(jnp.int32)
  wy = ys - y0i.astype(jnp.float32)
  wx = xs - x0i.astype(jnp.float32)
  y1i = jnp.minimum(y0i + 1, HF - 1)
  x1i = jnp.minimum(x0i + 1, WF - 1)
  idx = (y0i * WF + x0i, y0i * WF + x1i, y1i * WF + x0i, y1i * WF + x1i)
  wts = ((1.0 - wy) * (1.0 - wx), (1.0 - wy) * wx, wy * (1.0 - wx), wy * wx)
  return idx, wts


def _sc_body(table_h, boxes_h, tpos_h, out_h,
             boxes_v, tpos_v, idx_v, g_v, out_v, wbuf_v, sem0):
  cid = lax.axis_index("c")
  sid = lax.axis_index("s")
  wid = sid * 2 + cid
  start = wid * BPW
  count = jnp.minimum(BPW, jnp.maximum(NB - start, 0))

  pltpu.sync_copy(tpos_h, tpos_v)
  pltpu.sync_copy(boxes_h.at[pl.ds(start, BPW)], boxes_v)

  zeros16 = _splat_i32(0)
  for i in range(NROWS // 16):
    idx_v[pl.ds(16 * i, 16)] = zeros16

  iota16 = lax.iota(jnp.int32, 16)

  iota49 = iota16 * NPOS

  def blend(k):
    @plsc.parallel_loop(0, NPOS, 1, unroll=7)
    def p_body(p):
      w = []
      for corner in range(4):
        wv = wbuf_v[corner, pl.ds(p, 16)]
        w.append(_splat_f32(wv[0]))
      for cc in range(16):
        sl = pl.ds(cc * 16, 16)
        acc = w[0] * g_v[p, sl]
        acc += w[1] * g_v[p + CSTRIDE, sl]
        acc += w[2] * g_v[p + 2 * CSTRIDE, sl]
        acc += w[3] * g_v[p + 3 * CSTRIDE, sl]
        plsc.store_scatter(out_v, [iota49 + (cc * 16 * NPOS + p)], acc)

  def box_body(k, carry):
    for st in CHUNK_STARTS:
      idx, wts = _coords(boxes_v, k, tpos_v, st)
      for corner in range(4):
        idx_v[pl.ds(corner * CSTRIDE + st, 16)] = idx[corner]
        wbuf_v[corner, pl.ds(st, 16)] = wts[corner]
    for j in range(13):
      pltpu.async_copy(table_h.at[idx_v.at[pl.ds(16 * j, 16)]],
                       g_v.at[pl.ds(16 * j, 16)], sem0)
    for j in range(13):
      pltpu.make_async_copy(table_h.at[idx_v.at[pl.ds(16 * j, 16)]],
                            g_v.at[pl.ds(16 * j, 16)], sem0).wait()
    blend(k)
    pltpu.sync_copy(out_v, out_h.at[start + k])
    return carry

  lax.fori_loop(0, count, box_body, 0)


_mesh = plsc.VectorSubcoreMesh(core_axis_name="c", subcore_axis_name="s")

_sc_call = functools.partial(
    pl.kernel, mesh=_mesh,
    out_type=jax.ShapeDtypeStruct((NB, ROW_WORDS), jnp.float32),
    scratch_types=[
        pltpu.VMEM((BPW, 16), jnp.float32),
        pltpu.VMEM((128,), jnp.float32),
        pltpu.VMEM((NROWS,), jnp.int32),
        pltpu.VMEM((NROWS, C), jnp.float32),
        pltpu.VMEM((ROW_WORDS,), jnp.float32),
        pltpu.VMEM((4, 64), jnp.float32),
        pltpu.SemaphoreType.DMA,
    ],
    compiler_params=pltpu.CompilerParams(needs_layout_passes=False),
)(_sc_body)


def _tpos_host():
  ty = jnp.linspace(0.0, 1.0, OH)
  tx = jnp.linspace(0.0, 1.0, OW)
  p = jnp.arange(64)
  typ = jnp.where(p < NPOS, ty[jnp.minimum(p // OW, OH - 1)], 0.0)
  txp = jnp.where(p < NPOS, tx[p % OW], 0.0)
  return jnp.concatenate([typ, txp]).astype(jnp.float32)


def kernel(cnn_features, boxes):
  feat = cnn_features[0]
  table = jnp.transpose(feat, (1, 2, 0)).reshape(HF * WF, C)
  boxes_p = jnp.zeros((NB_PAD, 16), jnp.float32).at[:NB, :4].set(boxes)
  out = _sc_call(table, boxes_p, _tpos_host())
  return out.reshape(NB, C, OH, OW)

# --- scband reference (transcript-rebuilt; emitter-appended) ---
"""Pipeline reference for scband-localization-layer-89962384982482 (READ-ONLY COPY).

The authoritative reference and input builder live on the scoring server;
editing this copy changes nothing except your own understanding.
"""

import jax, jax.numpy as jnp
import numpy as np

C, HF, WF = 256, 64, 64
NB = 5000
OH, OW = 7, 7
IMG_H, IMG_W = 1024.0, 1024.0

def setup_inputs(seed: int = 0) -> dict:
    key = jax.random.key(seed)
    k1, k2 = jax.random.split(key)
    cnn_features = jax.random.normal(k1, (1, C, HF, WF), dtype=jnp.float32)
    u = jax.random.uniform(k2, (NB, 4), dtype=jnp.float32)
    # boxes in (xc, yc, w, h) image-pixel format, matching eval_boxes contract
    xc = u[:, 0] * IMG_W
    yc = u[:, 1] * IMG_H
    w = 16.0 + u[:, 2] * 240.0
    h = 16.0 + u[:, 3] * 240.0
    boxes = jnp.stack([xc, yc, w, h], axis=1)
    return {"cnn_features": cnn_features, "boxes": boxes}

def _roi_pool(feat, boxes):
    # feat: [C, HF, WF]; boxes: [NB, 4] (xc, yc, w, h) in image pixel coords
    sx = (WF - 1) / (IMG_W - 1)
    sy = (HF - 1) / (IMG_H - 1)
    tx = jnp.linspace(0.0, 1.0, OW)
    ty = jnp.linspace(0.0, 1.0, OH)
    def pool_one(box):
        xc, yc, w, h = box[0], box[1], box[2], box[3]
        x0 = xc - w / 2.0
        y0 = yc - h / 2.0
        xs = jnp.clip((x0 + w * tx) * sx, 0.0, WF - 1.0)   # [OW]
        ys = jnp.clip((y0 + h * ty) * sy, 0.0, HF - 1.0)   # [OH]
        x0i = jnp.floor(xs).astype(jnp.int32)
        y0i = jnp.floor(ys).astype(jnp.int32)
        x1i = jnp.minimum(x0i + 1, WF - 1)
        y1i = jnp.minimum(y0i + 1, HF - 1)
        wx = (xs - x0i.astype(jnp.float32))[None, :]  # [1, OW]
        wy = (ys - y0i.astype(jnp.float32))[:, None]  # [OH, 1]
        f00 = feat[:, y0i[:, None], x0i[None, :]]  # [C, OH, OW]
        f01 = feat[:, y0i[:, None], x1i[None, :]]
        f10 = feat[:, y1i[:, None], x0i[None, :]]
        f11 = feat[:, y1i[:, None], x1i[None, :]]
        out = (f00 * (1.0 - wy) * (1.0 - wx)
               + f01 * (1.0 - wy) * wx
               + f10 * wy * (1.0 - wx)
               + f11 * wy * wx)
        return out
    return jax.vmap(pool_one)(boxes)  # [NB, C, OH, OW]

def reference(cnn_features, boxes):
    # Faithful jax translation of LocalizationLayer.eval_boxes / the ROI-pooling
    # core of _forward_train: BilinearRoiPooling of (xc,yc,w,h) boxes over the
    # single-image CNN feature map, with image size set via setImageSize.
    feat = cnn_features[0]
    return _roi_pool(feat, boxes)

if __name__ == "__main__":
    import jax
    _d = setup_inputs()
    print(jax.jit(kernel)(*tuple(_d.values())))

</pallas_src>

<mosaic_0001>
#map = affine_map<(d0, d1) -> (0, 0)>
#map1 = affine_map<(d0, d1) -> (0)>
module attributes {stable_mosaic.version = 14 : i64} {
  func.func @_sc_body(%arg0: i32, %arg1: i32, %arg2: memref<4096x256xf32, #tpu.memory_space<hbm>>, %arg3: memref<5120x16xf32, #tpu.memory_space<hbm>>, %arg4: memref<128xf32, #tpu.memory_space<hbm>>, %arg5: memref<5000x12544xf32, #tpu.memory_space<hbm>>, %arg6: memref<160x16xf32, #tpu.memory_space<vmem>>, %arg7: memref<128xf32, #tpu.memory_space<vmem>>, %arg8: memref<208xi32, #tpu.memory_space<vmem>>, %arg9: memref<208x256xf32, #tpu.memory_space<vmem>>, %arg10: memref<12544xf32, #tpu.memory_space<vmem>>, %arg11: memref<4x64xf32, #tpu.memory_space<vmem>>, %arg12: memref<!tpu.dma_semaphore, #tpu.memory_space<semaphore_mem>>) attributes {dimension_semantics = [#tpu.dimension_semantics<core_parallel>, #tpu.dimension_semantics<subcore_parallel>], iteration_bounds = array<i64: 2, 16>, scalar_prefetch = 0 : i64, scratch_operands = 7 : i64, tpu.core_type = #tpu.core_type<sc_vector_subcore>, window_params = [{transform_indices = #map}, {transform_indices = #map}, {transform_indices = #map1}, {transform_indices = #map}]} {
    %mul3A = arith.constant 2 : i32
    %mul3A_0 = arith.muli %arg1, %mul3A : i32
    %add3A = arith.addi %mul3A_0, %arg0 : i32
    %mul3A_1 = arith.constant 160 : i32
    %mul3A_2 = arith.muli %add3A, %mul3A_1 : i32
    %sub3A = arith.constant 5000 : i32
    %sub3A_3 = arith.subi %sub3A, %mul3A_2 : i32
    %max3A = arith.constant 0 : i32
    %max3A_4 = arith.maxsi %sub3A_3, %max3A : i32
    %min3A = arith.constant 160 : i32
    %min3A_5 = arith.minsi %min3A, %max3A_4 : i32
    "tpu.region"() ({
      %run_scoped3A = tpu.sem_alloc : memref<!tpu.dma_semaphore, #tpu.memory_space<semaphore_mem>>
      tpu.enqueue_dma source(%arg4 : memref<128xf32, #tpu.memory_space<hbm>>) target(%arg7 : memref<128xf32, #tpu.memory_space<vmem>>) target_semaphore(%run_scoped3A : memref<!tpu.dma_semaphore, #tpu.memory_space<semaphore_mem>>)
      tpu.wait_dma2 semaphore(%run_scoped3A : memref<!tpu.dma_semaphore, #tpu.memory_space<semaphore_mem>>) src(%arg4 : memref<128xf32, #tpu.memory_space<hbm>>) dst(%arg7 : memref<128xf32, #tpu.memory_space<vmem>>)
      tpu.yield
    }) : () -> ()
    "tpu.region"() ({
      %run_scoped3A = tpu.sem_alloc : memref<!tpu.dma_semaphore, #tpu.memory_space<semaphore_mem>>
      %dma_start3A = arith.constant 0 : i32
      %dma_start3A_44 = tpu.memref_slice %arg3[%mul3A_2, %dma_start3A] : memref<5120x16xf32, #tpu.memory_space<hbm>> -> memref<160x16xf32, #tpu.memory_space<hbm>>
      %dma_start3A_45 = arith.constant 0 : i32
      %dma_start3A_46 = tpu.memref_slice %arg3[%mul3A_2, %dma_start3A_45] : memref<5120x16xf32, #tpu.memory_space<hbm>> -> memref<160x16xf32, #tpu.memory_space<hbm>>
      tpu.enqueue_dma source(%dma_start3A_46 : memref<160x16xf32, #tpu.memory_space<hbm>>) target(%arg6 : memref<160x16xf32, #tpu.memory_space<vmem>>) target_semaphore(%run_scoped3A : memref<!tpu.dma_semaphore, #tpu.memory_space<semaphore_mem>>)
      %dma_wait3A = arith.constant 0 : i32
      %dma_wait3A_47 = tpu.memref_slice %arg3[%mul3A_2, %dma_wait3A] : memref<5120x16xf32, #tpu.memory_space<hbm>> -> memref<160x16xf32, #tpu.memory_space<hbm>>
      %dma_wait3A_48 = arith.constant 0 : i32
      %dma_wait3A_49 = tpu.memref_slice %arg3[%mul3A_2, %dma_wait3A_48] : memref<5120x16xf32, #tpu.memory_space<hbm>> -> memref<160x16xf32, #tpu.memory_space<hbm>>
      tpu.wait_dma2 semaphore(%run_scoped3A : memref<!tpu.dma_semaphore, #tpu.memory_space<semaphore_mem>>) src(%dma_wait3A_49 : memref<160x16xf32, #tpu.memory_space<hbm>>) dst(%arg6 : memref<160x16xf32, #tpu.memory_space<vmem>>)
      tpu.yield
    }) : () -> ()
    %broadcast_in_dim3A = arith.constant 0 : i32
    %broadcast_in_dim3A_6 = vector.broadcast %broadcast_in_dim3A : i32 to vector<16xi32>
    %swap3A = arith.constant 0 : index
    %swap3A_7 = tpu.vector_load %arg8[%swap3A] {strides = array<i32>} : memref<208xi32, #tpu.memory_space<vmem>>, vector<16xi32>,
    tpu.vector_store %arg8[%swap3A], %broadcast_in_dim3A_6 {strides = array<i32>} : memref<208xi32, #tpu.memory_space<vmem>>, vector<16xi32>,
    %swap3A_8 = arith.constant 16 : index
    %swap3A_9 = tpu.vector_load %arg8[%swap3A_8] {strides = array<i32>} : memref<208xi32, #tpu.memory_space<vmem>>, vector<16xi32>,
    tpu.vector_store %arg8[%swap3A_8], %broadcast_in_dim3A_6 {strides = array<i32>} : memref<208xi32, #tpu.memory_space<vmem>>, vector<16xi32>,
    %swap3A_10 = arith.constant 32 : index
    %swap3A_11 = tpu.vector_load %arg8[%swap3A_10] {strides = array<i32>} : memref<208xi32, #tpu.memory_space<vmem>>, vector<16xi32>,
    tpu.vector_store %arg8[%swap3A_10], %broadcast_in_dim3A_6 {strides = array<i32>} : memref<208xi32, #tpu.memory_space<vmem>>, vector<16xi32>,
    %swap3A_12 = arith.constant 48 : index
    %swap3A_13 = tpu.vector_load %arg8[%swap3A_12] {strides = array<i32>} : memref<208xi32, #tpu.memory_space<vmem>>, vector<16xi32>,
    tpu.vector_store %arg8[%swap3A_12], %broadcast_in_dim3A_6 {strides = array<i32>} : memref<208xi32, #tpu.memory_space<vmem>>, vector<16xi32>,
    %swap3A_14 = arith.constant 64 : index
    %swap3A_15 = tpu.vector_load %arg8[%swap3A_14] {strides = array<i32>} : memref<208xi32, #tpu.memory_space<vmem>>, vector<16xi32>,
    tpu.vector_store %arg8[%swap3A_14], %broadcast_in_dim3A_6 {strides = array<i32>} : memref<208xi32, #tpu.memory_space<vmem>>, vector<16xi32>,
    %swap3A_16 = arith.constant 80 : index
    %swap3A_17 = tpu.vector_load %arg8[%swap3A_16] {strides = array<i32>} : memref<208xi32, #tpu.memory_space<vmem>>, vector<16xi32>,
    tpu.vector_store %arg8[%swap3A_16], %broadcast_in_dim3A_6 {strides = array<i32>} : memref<208xi32, #tpu.memory_space<vmem>>, vector<16xi32>,
    %swap3A_18 = arith.constant 96 : index
    %swap3A_19 = tpu.vector_load %arg8[%swap3A_18] {strides = array<i32>} : memref<208xi32, #tpu.memory_space<vmem>>, vector<16xi32>,
    tpu.vector_store %arg8[%swap3A_18], %broadcast_in_dim3A_6 {strides = array<i32>} : memref<208xi32, #tpu.memory_space<vmem>>, vector<16xi32>,
    %swap3A_20 = arith.constant 112 : index
    %swap3A_21 = tpu.vector_load %arg8[%swap3A_20] {strides = array<i32>} : memref<208xi32, #tpu.memory_space<vmem>>, vector<16xi32>,
    tpu.vector_store %arg8[%swap3A_20], %broadcast_in_dim3A_6 {strides = array<i32>} : memref<208xi32, #tpu.memory_space<vmem>>, vector<16xi32>,
    %swap3A_22 = arith.constant 128 : index
    %swap3A_23 = tpu.vector_load %arg8[%swap3A_22] {strides = array<i32>} : memref<208xi32, #tpu.memory_space<vmem>>, vector<16xi32>,
    tpu.vector_store %arg8[%swap3A_22], %broadcast_in_dim3A_6 {strides = array<i32>} : memref<208xi32, #tpu.memory_space<vmem>>, vector<16xi32>,
    %swap3A_24 = arith.constant 144 : index
    %swap3A_25 = tpu.vector_load %arg8[%swap3A_24] {strides = array<i32>} : memref<208xi32, #tpu.memory_space<vmem>>, vector<16xi32>,
    tpu.vector_store %arg8[%swap3A_24], %broadcast_in_dim3A_6 {strides = array<i32>} : memref<208xi32, #tpu.memory_space<vmem>>, vector<16xi32>,
    %swap3A_26 = arith.constant 160 : index
    %swap3A_27 = tpu.vector_load %arg8[%swap3A_26] {strides = array<i32>} : memref<208xi32, #tpu.memory_space<vmem>>, vector<16xi32>,
    tpu.vector_store %arg8[%swap3A_26], %broadcast_in_dim3A_6 {strides = array<i32>} : memref<208xi32, #tpu.memory_space<vmem>>, vector<16xi32>,
    %swap3A_28 = arith.constant 176 : index
    %swap3A_29 = tpu.vector_load %arg8[%swap3A_28] {strides = array<i32>} : memref<208xi32, #tpu.memory_space<vmem>>, vector<16xi32>,
    tpu.vector_store %arg8[%swap3A_28], %broadcast_in_dim3A_6 {strides = array<i32>} : memref<208xi32, #tpu.memory_space<vmem>>, vector<16xi32>,
    %swap3A_30 = arith.constant 192 : index
    %swap3A_31 = tpu.vector_load %arg8[%swap3A_30] {strides = array<i32>} : memref<208xi32, #tpu.memory_space<vmem>>, vector<16xi32>,
    tpu.vector_store %arg8[%swap3A_30], %broadcast_in_dim3A_6 {strides = array<i32>} : memref<208xi32, #tpu.memory_space<vmem>>, vector<16xi32>,
    %iota3A = tpu.iota {dimensions = array<i32: 0>} : vector<16xi32>
    %mul3A_32 = arith.constant 49 : i32
    %mul3A_33 = vector.broadcast %mul3A_32 : i32 to vector<16xi32>
    %mul3A_34 = arith.muli %iota3A, %mul3A_33 : vector<16xi32>
    %while3A = arith.constant 0 : i32
    %while3A_35 = arith.constant 0 : i32
    %while3A_36 = arith.subi %min3A_5, %while3A_35 : i32
    %while3A_37 = arith.addi %while3A_35, %while3A_36 : i32
    %while3A_38 = arith.constant 1 : i32
    %while3A_39 = arith.divsi %while3A_36, %while3A_38 : i32
    %while3A_40 = arith.muli %while3A_39, %while3A_38 : i32
    %while3A_41 = arith.addi %while3A_35, %while3A_40 : i32
    %while3A_42 = arith.constant 1 : i32
    scf.for %while3A_44 = %while3A_35 to %while3A_41 step %while3A_42  : i32 {
      %get3A = arith.index_cast %while3A_44 : i32 to index
      %get3A_45 = arith.constant 0 : index
      %get3A_46 = tpu.vector_load %arg6[%get3A, %get3A_45] {strides = array<i32>} : memref<160x16xf32, #tpu.memory_space<vmem>>, vector<16xf32>,
      %slice3A = vector.extract_strided_slice %get3A_46 {offsets = [0], sizes = [1], strides = [1]} : vector<16xf32> to vector<1xf32>
      %squeeze3A = vector.extract %slice3A[0] : f32 from vector<1xf32>
      %broadcast_in_dim3A_47 = vector.broadcast %squeeze3A : f32 to vector<16xf32>
      %slice3A_48 = vector.extract_strided_slice %get3A_46 {offsets = [1], sizes = [1], strides = [1]} : vector<16xf32> to vector<1xf32>
      %squeeze3A_49 = vector.extract %slice3A_48[0] : f32 from vector<1xf32>
      %broadcast_in_dim3A_50 = vector.broadcast %squeeze3A_49 : f32 to vector<16xf32>
      %slice3A_51 = vector.extract_strided_slice %get3A_46 {offsets = [2], sizes = [1], strides = [1]} : vector<16xf32> to vector<1xf32>
      %squeeze3A_52 = vector.extract %slice3A_51[0] : f32 from vector<1xf32>
      %broadcast_in_dim3A_53 = vector.broadcast %squeeze3A_52 : f32 to vector<16xf32>
      %slice3A_54 = vector.extract_strided_slice %get3A_46 {offsets = [3], sizes = [1], strides = [1]} : vector<16xf32> to vector<1xf32>
      %squeeze3A_55 = vector.extract %slice3A_54[0] : f32 from vector<1xf32>
      %broadcast_in_dim3A_56 = vector.broadcast %squeeze3A_55 : f32 to vector<16xf32>
      %mul3A_57 = arith.constant 5.000000e-01 : f32
      %mul3A_58 = vector.broadcast %mul3A_57 : f32 to vector<16xf32>
      %mul3A_59 = arith.mulf %broadcast_in_dim3A_53, %mul3A_58 : vector<16xf32>
      %sub3A_60 = arith.subf %broadcast_in_dim3A_47, %mul3A_59 : vector<16xf32>
      %mul3A_61 = arith.constant 5.000000e-01 : f32
      %mul3A_62 = vector.broadcast %mul3A_61 : f32 to vector<16xf32>
      %mul3A_63 = arith.mulf %broadcast_in_dim3A_56, %mul3A_62 : vector<16xf32>
      %sub3A_64 = arith.subf %broadcast_in_dim3A_50, %mul3A_63 : vector<16xf32>
      %get3A_65 = arith.constant 0 : index
      %get3A_66 = tpu.vector_load %arg7[%get3A_65] {strides = array<i32>} : memref<128xf32, #tpu.memory_space<vmem>>, vector<16xf32>,
      %get3A_67 = arith.constant 64 : index
      %get3A_68 = tpu.vector_load %arg7[%get3A_67] {strides = array<i32>} : memref<128xf32, #tpu.memory_space<vmem>>, vector<16xf32>,
      %mul3A_69 = arith.mulf %broadcast_in_dim3A_56, %get3A_66 : vector<16xf32>
      %add3A_70 = arith.addf %sub3A_64, %mul3A_69 : vector<16xf32>
      %mul3A_71 = arith.constant 0.0615835786 : f32
      %mul3A_72 = vector.broadcast %mul3A_71 : f32 to vector<16xf32>
      %mul3A_73 = arith.mulf %add3A_70, %mul3A_72 : vector<16xf32>
      %max3A_74 = arith.constant 0.000000e+00 : f32
      %max3A_75 = vector.broadcast %max3A_74 : f32 to vector<16xf32>
      %max3A_76 = arith.maximumf %mul3A_73, %max3A_75 : vector<16xf32>
      %min3A_77 = arith.constant 6.300000e+01 : f32
      %min3A_78 = vector.broadcast %min3A_77 : f32 to vector<16xf32>
      %min3A_79 = arith.minimumf %max3A_76, %min3A_78 : vector<16xf32>
      %mul3A_80 = arith.mulf %broadcast_in_dim3A_53, %get3A_68 : vector<16xf32>
      %add3A_81 = arith.addf %sub3A_60, %mul3A_80 : vector<16xf32>
      %mul3A_82 = arith.constant 0.0615835786 : f32
      %mul3A_83 = vector.broadcast %mul3A_82 : f32 to vector<16xf32>
      %mul3A_84 = arith.mulf %add3A_81, %mul3A_83 : vector<16xf32>
      %max3A_85 = arith.constant 0.000000e+00 : f32
      %max3A_86 = vector.broadcast %max3A_85 : f32 to vector<16xf32>
      %max3A_87 = arith.maximumf %mul3A_84, %max3A_86 : vector<16xf32>
      %min3A_88 = arith.constant 6.300000e+01 : f32
      %min3A_89 = vector.broadcast %min3A_88 : f32 to vector<16xf32>
      %min3A_90 = arith.minimumf %max3A_87, %min3A_89 : vector<16xf32>
      %convert_element_type3A = arith.fptosi %min3A_79 : vector<16xf32> to vector<16xi32>
      %convert_element_type3A_91 = arith.fptosi %min3A_90 : vector<16xf32> to vector<16xi32>
      %convert_element_type3A_92 = arith.sitofp %convert_element_type3A : vector<16xi32> to vector<16xf32>
      %sub3A_93 = arith.subf %min3A_79, %convert_element_type3A_92 : vector<16xf32>
      %convert_element_type3A_94 = arith.sitofp %convert_element_type3A_91 : vector<16xi32> to vector<16xf32>
      %sub3A_95 = arith.subf %min3A_90, %convert_element_type3A_94 : vector<16xf32>
      %add3A_96 = arith.constant 1 : i32
      %add3A_97 = vector.broadcast %add3A_96 : i32 to vector<16xi32>
      %add3A_98 = arith.addi %convert_element_type3A, %add3A_97 : vector<16xi32>
      %min3A_99 = arith.constant 63 : i32
      %min3A_100 = vector.broadcast %min3A_99 : i32 to vector<16xi32>
      %min3A_101 = arith.minsi %add3A_98, %min3A_100 : vector<16xi32>
      %add3A_102 = arith.constant 1 : i32
      %add3A_103 = vector.broadcast %add3A_102 : i32 to vector<16xi32>
      %add3A_104 = arith.addi %convert_element_type3A_91, %add3A_103 : vector<16xi32>
      %min3A_105 = arith.constant 63 : i32
      %min3A_106 = vector.broadcast %min3A_105 : i32 to vector<16xi32>
      %min3A_107 = arith.minsi %add3A_104, %min3A_106 : vector<16xi32>
      %mul3A_108 = arith.constant 64 : i32
      %mul3A_109 = vector.broadcast %mul3A_108 : i32 to vector<16xi32>
      %mul3A_110 = arith.muli %convert_element_type3A, %mul3A_109 : vector<16xi32>
      %add3A_111 = arith.addi %mul3A_110, %convert_element_type3A_91 : vector<16xi32>
      %mul3A_112 = arith.constant 64 : i32
      %mul3A_113 = vector.broadcast %mul3A_112 : i32 to vector<16xi32>
      %mul3A_114 = arith.muli %convert_element_type3A, %mul3A_113 : vector<16xi32>
      %add3A_115 = arith.addi %mul3A_114, %min3A_107 : vector<16xi32>
      %mul3A_116 = arith.constant 64 : i32
      %mul3A_117 = vector.broadcast %mul3A_116 : i32 to vector<16xi32>
      %mul3A_118 = arith.muli %min3A_101, %mul3A_117 : vector<16xi32>
      %add3A_119 = arith.addi %mul3A_118, %convert_element_type3A_91 : vector<16xi32>
      %mul3A_120 = arith.constant 64 : i32
      %mul3A_121 = vector.broadcast %mul3A_120 : i32 to vector<16xi32>
      %mul3A_122 = arith.muli %min3A_101, %mul3A_121 : vector<16xi32>
      %add3A_123 = arith.addi %mul3A_122, %min3A_107 : vector<16xi32>
      %sub3A_124 = arith.constant 1.000000e+00 : f32
      %sub3A_125 = vector.broadcast %sub3A_124 : f32 to vector<16xf32>
      %sub3A_126 = arith.subf %sub3A_125, %sub3A_93 : vector<16xf32>
      %sub3A_127 = arith.constant 1.000000e+00 : f32
      %sub3A_128 = vector.broadcast %sub3A_127 : f32 to vector<16xf32>
      %sub3A_129 = arith.subf %sub3A_128, %sub3A_95 : vector<16xf32>
      %mul3A_130 = arith.mulf %sub3A_126, %sub3A_129 : vector<16xf32>
      %sub3A_131 = arith.constant 1.000000e+00 : f32
      %sub3A_132 = vector.broadcast %sub3A_131 : f32 to vector<16xf32>
      %sub3A_133 = arith.subf %sub3A_132, %sub3A_93 : vector<16xf32>
      %mul3A_134 = arith.mulf %sub3A_133, %sub3A_95 : vector<16xf32>
      %sub3A_135 = arith.constant 1.000000e+00 : f32
      %sub3A_136 = vector.broadcast %sub3A_135 : f32 to vector<16xf32>
      %sub3A_137 = arith.subf %sub3A_136, %sub3A_95 : vector<16xf32>
      %mul3A_138 = arith.mulf %sub3A_93, %sub3A_137 : vector<16xf32>
      %mul3A_139 = arith.mulf %sub3A_93, %sub3A_95 : vector<16xf32>
      %swap3A_140 = arith.constant 0 : index
      %swap3A_141 = tpu.vector_load %arg8[%swap3A_140] {strides = array<i32>} : memref<208xi32, #tpu.memory_space<vmem>>, vector<16xi32>,
      tpu.vector_store %arg8[%swap3A_140], %add3A_111 {strides = array<i32>} : memref<208xi32, #tpu.memory_space<vmem>>, vector<16xi32>,
      %swap3A_142 = arith.constant 0 : i32
      %swap3A_143 = arith.index_cast %swap3A_142 : i32 to index
      %swap3A_144 = arith.constant 0 : index
      %swap3A_145 = tpu.vector_load %arg11[%swap3A_143, %swap3A_144] {strides = array<i32>} : memref<4x64xf32, #tpu.memory_space<vmem>>, vector<16xf32>,
      tpu.vector_store %arg11[%swap3A_143, %swap3A_144], %mul3A_130 {strides = array<i32>} : memref<4x64xf32, #tpu.memory_space<vmem>>, vector<16xf32>,
      %swap3A_146 = arith.constant 52 : index
      %swap3A_147 = tpu.vector_load %arg8[%swap3A_146] {strides = array<i32>} : memref<208xi32, #tpu.memory_space<vmem>>, vector<16xi32>,
      tpu.vector_store %arg8[%swap3A_146], %add3A_115 {strides = array<i32>} : memref<208xi32, #tpu.memory_space<vmem>>, vector<16xi32>,
      %swap3A_148 = arith.constant 1 : i32
      %swap3A_149 = arith.index_cast %swap3A_148 : i32 to index
      %swap3A_150 = arith.constant 0 : index
      %swap3A_151 = tpu.vector_load %arg11[%swap3A_149, %swap3A_150] {strides = array<i32>} : memref<4x64xf32, #tpu.memory_space<vmem>>, vector<16xf32>,
      tpu.vector_store %arg11[%swap3A_149, %swap3A_150], %mul3A_134 {strides = array<i32>} : memref<4x64xf32, #tpu.memory_space<vmem>>, vector<16xf32>,
      %swap3A_152 = arith.constant 104 : index
      %swap3A_153 = tpu.vector_load %arg8[%swap3A_152] {strides = array<i32>} : memref<208xi32, #tpu.memory_space<vmem>>, vector<16xi32>,
      tpu.vector_store %arg8[%swap3A_152], %add3A_119 {strides = array<i32>} : memref<208xi32, #tpu.memory_space<vmem>>, vector<16xi32>,
      %swap3A_154 = arith.constant 2 : i32
      %swap3A_155 = arith.index_cast %swap3A_154 : i32 to index
      %swap3A_156 = arith.constant 0 : index
      %swap3A_157 = tpu.vector_load %arg11[%swap3A_155, %swap3A_156] {strides = array<i32>} : memref<4x64xf32, #tpu.memory_space<vmem>>, vector<16xf32>,
      tpu.vector_store %arg11[%swap3A_155, %swap3A_156], %mul3A_138 {strides = array<i32>} : memref<4x64xf32, #tpu.memory_space<vmem>>, vector<16xf32>,
      %swap3A_158 = arith.constant 156 : index
      %swap3A_159 = tpu.vector_load %arg8[%swap3A_158] {strides = array<i32>} : memref<208xi32, #tpu.memory_space<vmem>>, vector<16xi32>,
      tpu.vector_store %arg8[%swap3A_158], %add3A_123 {strides = array<i32>} : memref<208xi32, #tpu.memory_space<vmem>>, vector<16xi32>,
      %swap3A_160 = arith.constant 3 : i32
      %swap3A_161 = arith.index_cast %swap3A_160 : i32 to index
      %swap3A_162 = arith.constant 0 : index
      %swap3A_163 = tpu.vector_load %arg11[%swap3A_161, %swap3A_162] {strides = array<i32>} : memref<4x64xf32, #tpu.memory_space<vmem>>, vector<16xf32>,
      tpu.vector_store %arg11[%swap3A_161, %swap3A_162], %mul3A_139 {strides = array<i32>} : memref<4x64xf32, #tpu.memory_space<vmem>>, vector<16xf32>,
      %get3A_164 = arith.index_cast %while3A_44 : i32 to index
      %get3A_165 = arith.constant 0 : index
      %get3A_166 = tpu.vector_load %arg6[%get3A_164, %get3A_165] {strides = array<i32>} : memref<160x16xf32, #tpu.memory_space<vmem>>, vector<16xf32>,
      %slice3A_167 = vector.extract_strided_slice %get3A_166 {offsets = [0], sizes = [1], strides = [1]} : vector<16xf32> to vector<1xf32>
      %squeeze3A_168 = vector.extract %slice3A_167[0] : f32 from vector<1xf32>
      %broadcast_in_dim3A_169 = vector.broadcast %squeeze3A_168 : f32 to vector<16xf32>
      %slice3A_170 = vector.extract_strided_slice %get3A_166 {offsets = [1], sizes = [1], strides = [1]} : vector<16xf32> to vector<1xf32>
      %squeeze3A_171 = vector.extract %slice3A_170[0] : f32 from vector<1xf32>
      %broadcast_in_dim3A_172 = vector.broadcast %squeeze3A_171 : f32 to vector<16xf32>
      %slice3A_173 = vector.extract_strided_slice %get3A_166 {offsets = [2], sizes = [1], strides = [1]} : vector<16xf32> to vector<1xf32>
      %squeeze3A_174 = vector.extract %slice3A_173[0] : f32 from vector<1xf32>
      %broadcast_in_dim3A_175 = vector.broadcast %squeeze3A_174 : f32 to vector<16xf32>
      %slice3A_176 = vector.extract_strided_slice %get3A_166 {offsets = [3], sizes = [1], strides = [1]} : vector<16xf32> to vector<1xf32>
      %squeeze3A_177 = vector.extract %slice3A_176[0] : f32 from vector<1xf32>
      %broadcast_in_dim3A_178 = vector.broadcast %squeeze3A_177 : f32 to vector<16xf32>
      %mul3A_179 = arith.constant 5.000000e-01 : f32
      %mul3A_180 = vector.broadcast %mul3A_179 : f32 to vector<16xf32>
      %mul3A_181 = arith.mulf %broadcast_in_dim3A_175, %mul3A_180 : vector<16xf32>
      %sub3A_182 = arith.subf %broadcast_in_dim3A_169, %mul3A_181 : vector<16xf32>
      %mul3A_183 = arith.constant 5.000000e-01 : f32
      %mul3A_184 = vector.broadcast %mul3A_183 : f32 to vector<16xf32>
      %mul3A_185 = arith.mulf %broadcast_in_dim3A_178, %mul3A_184 : vector<16xf32>
      %sub3A_186 = arith.subf %broadcast_in_dim3A_172, %mul3A_185 : vector<16xf32>
      %get3A_187 = arith.constant 16 : index
      %get3A_188 = tpu.vector_load %arg7[%get3A_187] {strides = array<i32>} : memref<128xf32, #tpu.memory_space<vmem>>, vector<16xf32>,
      %get3A_189 = arith.constant 80 : index
      %get3A_190 = tpu.vector_load %arg7[%get3A_189] {strides = array<i32>} : memref<128xf32, #tpu.memory_space<vmem>>, vector<16xf32>,
      %mul3A_191 = arith.mulf %broadcast_in_dim3A_178, %get3A_188 : vector<16xf32>
      %add3A_192 = arith.addf %sub3A_186, %mul3A_191 : vector<16xf32>
      %mul3A_193 = arith.constant 0.0615835786 : f32
      %mul3A_194 = vector.broadcast %mul3A_193 : f32 to vector<16xf32>
      %mul3A_195 = arith.mulf %add3A_192, %mul3A_194 : vector<16xf32>
      %max3A_196 = arith.constant 0.000000e+00 : f32
      %max3A_197 = vector.broadcast %max3A_196 : f32 to vector<16xf32>
      %max3A_198 = arith.maximumf %mul3A_195, %max3A_197 : vector<16xf32>
      %min3A_199 = arith.constant 6.300000e+01 : f32
      %min3A_200 = vector.broadcast %min3A_199 : f32 to vector<16xf32>
      %min3A_201 = arith.minimumf %max3A_198, %min3A_200 : vector<16xf32>
      %mul3A_202 = arith.mulf %broadcast_in_dim3A_175, %get3A_190 : vector<16xf32>
      %add3A_203 = arith.addf %sub3A_182, %mul3A_202 : vector<16xf32>
      %mul3A_204 = arith.constant 0.0615835786 : f32
      %mul3A_205 = vector.broadcast %mul3A_204 : f32 to vector<16xf32>
      %mul3A_206 = arith.mulf %add3A_203, %mul3A_205 : vector<16xf32>
      %max3A_207 = arith.constant 0.000000e+00 : f32
      %max3A_208 = vector.broadcast %max3A_207 : f32 to vector<16xf32>
      %max3A_209 = arith.maximumf %mul3A_206, %max3A_208 : vector<16xf32>
      %min3A_210 = arith.constant 6.300000e+01 : f32
      %min3A_211 = vector.broadcast %min3A_210 : f32 to vector<16xf32>
      %min3A_212 = arith.minimumf %max3A_209, %min3A_211 : vector<16xf32>
      %convert_element_type3A_213 = arith.fptosi %min3A_201 : vector<16xf32> to vector<16xi32>
      %convert_element_type3A_214 = arith.fptosi %min3A_212 : vector<16xf32> to vector<16xi32>
      %convert_element_type3A_215 = arith.sitofp %convert_element_type3A_213 : vector<16xi32> to vector<16xf32>
      %sub3A_216 = arith.subf %min3A_201, %convert_element_type3A_215 : vector<16xf32>
      %convert_element_type3A_217 = arith.sitofp %convert_element_type3A_214 : vector<16xi32> to vector<16xf32>
      %sub3A_218 = arith.subf %min3A_212, %convert_element_type3A_217 : vector<16xf32>
      %add3A_219 = arith.constant 1 : i32
      %add3A_220 = vector.broadcast %add3A_219 : i32 to vector<16xi32>
      %add3A_221 = arith.addi %convert_element_type3A_213, %add3A_220 : vector<16xi32>
      %min3A_222 = arith.constant 63 : i32
      %min3A_223 = vector.broadcast %min3A_222 : i32 to vector<16xi32>
      %min3A_224 = arith.minsi %add3A_221, %min3A_223 : vector<16xi32>
      %add3A_225 = arith.constant 1 : i32
      %add3A_226 = vector.broadcast %add3A_225 : i32 to vector<16xi32>
      %add3A_227 = arith.addi %convert_element_type3A_214, %add3A_226 : vector<16xi32>
      %min3A_228 = arith.constant 63 : i32
      %min3A_229 = vector.broadcast %min3A_228 : i32 to vector<16xi32>
      %min3A_230 = arith.minsi %add3A_227, %min3A_229 : vector<16xi32>
      %mul3A_231 = arith.constant 64 : i32
      %mul3A_232 = vector.broadcast %mul3A_231 : i32 to vector<16xi32>
      %mul3A_233 = arith.muli %convert_element_type3A_213, %mul3A_232 : vector<16xi32>
      %add3A_234 = arith.addi %mul3A_233, %convert_element_type3A_214 : vector<16xi32>
      %mul3A_235 = arith.constant 64 : i32
      %mul3A_236 = vector.broadcast %mul3A_235 : i32 to vector<16xi32>
      %mul3A_237 = arith.muli %convert_element_type3A_213, %mul3A_236 : vector<16xi32>
      %add3A_238 = arith.addi %mul3A_237, %min3A_230 : vector<16xi32>
      %mul3A_239 = arith.constant 64 : i32
      %mul3A_240 = vector.broadcast %mul3A_239 : i32 to vector<16xi32>
      %mul3A_241 = arith.muli %min3A_224, %mul3A_240 : vector<16xi32>
      %add3A_242 = arith.addi %mul3A_241, %convert_element_type3A_214 : vector<16xi32>
      %mul3A_243 = arith.constant 64 : i32
      %mul3A_244 = vector.broadcast %mul3A_243 : i32 to vector<16xi32>
      %mul3A_245 = arith.muli %min3A_224, %mul3A_244 : vector<16xi32>
      %add3A_246 = arith.addi %mul3A_245, %min3A_230 : vector<16xi32>
      %sub3A_247 = arith.constant 1.000000e+00 : f32
      %sub3A_248 = vector.broadcast %sub3A_247 : f32 to vector<16xf32>
      %sub3A_249 = arith.subf %sub3A_248, %sub3A_216 : vector<16xf32>
      %sub3A_250 = arith.constant 1.000000e+00 : f32
      %sub3A_251 = vector.broadcast %sub3A_250 : f32 to vector<16xf32>
      %sub3A_252 = arith.subf %sub3A_251, %sub3A_218 : vector<16xf32>
      %mul3A_253 = arith.mulf %sub3A_249, %sub3A_252 : vector<16xf32>
      %sub3A_254 = arith.constant 1.000000e+00 : f32
      %sub3A_255 = vector.broadcast %sub3A_254 : f32 to vector<16xf32>
      %sub3A_256 = arith.subf %sub3A_255, %sub3A_216 : vector<16xf32>
      %mul3A_257 = arith.mulf %sub3A_256, %sub3A_218 : vector<16xf32>
      %sub3A_258 = arith.constant 1.000000e+00 : f32
      %sub3A_259 = vector.broadcast %sub3A_258 : f32 to vector<16xf32>
      %sub3A_260 = arith.subf %sub3A_259, %sub3A_218 : vector<16xf32>
      %mul3A_261 = arith.mulf %sub3A_216, %sub3A_260 : vector<16xf32>
      %mul3A_262 = arith.mulf %sub3A_216, %sub3A_218 : vector<16xf32>
      %swap3A_263 = arith.constant 16 : index
      %swap3A_264 = tpu.vector_load %arg8[%swap3A_263] {strides = array<i32>} : memref<208xi32, #tpu.memory_space<vmem>>, vector<16xi32>,
      tpu.vector_store %arg8[%swap3A_263], %add3A_234 {strides = array<i32>} : memref<208xi32, #tpu.memory_space<vmem>>, vector<16xi32>,
      %swap3A_265 = arith.constant 0 : i32
      %swap3A_266 = arith.index_cast %swap3A_265 : i32 to index
      %swap3A_267 = arith.constant 16 : index
      %swap3A_268 = tpu.vector_load %arg11[%swap3A_266, %swap3A_267] {strides = array<i32>} : memref<4x64xf32, #tpu.memory_space<vmem>>, vector<16xf32>,
      tpu.vector_store %arg11[%swap3A_266, %swap3A_267], %mul3A_253 {strides = array<i32>} : memref<4x64xf32, #tpu.memory_space<vmem>>, vector<16xf32>,
      %swap3A_269 = arith.constant 68 : index
      %swap3A_270 = tpu.vector_load %arg8[%swap3A_269] {strides = array<i32>} : memref<208xi32, #tpu.memory_space<vmem>>, vector<16xi32>,
      tpu.vector_store %arg8[%swap3A_269], %add3A_238 {strides = array<i32>} : memref<208xi32, #tpu.memory_space<vmem>>, vector<16xi32>,
      %swap3A_271 = arith.constant 1 : i32
      %swap3A_272 = arith.index_cast %swap3A_271 : i32 to index
      %swap3A_273 = arith.constant 16 : index
      %swap3A_274 = tpu.vector_load %arg11[%swap3A_272, %swap3A_273] {strides = array<i32>} : memref<4x64xf32, #tpu.memory_space<vmem>>, vector<16xf32>,
      tpu.vector_store %arg11[%swap3A_272, %swap3A_273], %mul3A_257 {strides = array<i32>} : memref<4x64xf32, #tpu.memory_space<vmem>>, vector<16xf32>,
      %swap3A_275 = arith.constant 120 : index
      %swap3A_276 = tpu.vector_load %arg8[%swap3A_275] {strides = array<i32>} : memref<208xi32, #tpu.memory_space<vmem>>, vector<16xi32>,
      tpu.vector_store %arg8[%swap3A_275], %add3A_242 {strides = array<i32>} : memref<208xi32, #tpu.memory_space<vmem>>, vector<16xi32>,
      %swap3A_277 = arith.constant 2 : i32
      %swap3A_278 = arith.index_cast %swap3A_277 : i32 to index
      %swap3A_279 = arith.constant 16 : index
      %swap3A_280 = tpu.vector_load %arg11[%swap3A_278, %swap3A_279] {strides = array<i32>} : memref<4x64xf32, #tpu.memory_space<vmem>>, vector<16xf32>,
      tpu.vector_store %arg11[%swap3A_278, %swap3A_279], %mul3A_261 {strides = array<i32>} : memref<4x64xf32, #tpu.memory_space<vmem>>, vector<16xf32>,
      %swap3A_281 = arith.constant 172 : index
      %swap3A_282 = tpu.vector_load %arg8[%swap3A_281] {strides = array<i32>} : memref<208xi32, #tpu.memory_space<vmem>>, vector<16xi32>,
      tpu.vector_store %arg8[%swap3A_281], %add3A_246 {strides = array<i32>} : memref<208xi32, #tpu.memory_space<vmem>>, vector<16xi32>,
      %swap3A_283 = arith.constant 3 : i32
      %swap3A_284 = arith.index_cast %swap3A_283 : i32 to index
      %swap3A_285 = arith.constant 16 : index
      %swap3A_286 = tpu.vector_load %arg11[%swap3A_284, %swap3A_285] {strides = array<i32>} : memref<4x64xf32, #tpu.memory_space<vmem>>, vector<16xf32>,
      tpu.vector_store %arg11[%swap3A_284, %swap3A_285], %mul3A_262 {strides = array<i32>} : memref<4x64xf32, #tpu.memory_space<vmem>>, vector<16xf32>,
      %get3A_287 = arith.index_cast %while3A_44 : i32 to index
      %get3A_288 = arith.constant 0 : index
      %get3A_289 = tpu.vector_load %arg6[%get3A_287, %get3A_288] {strides = array<i32>} : memref<160x16xf32, #tpu.memory_space<vmem>>, vector<16xf32>,
      %slice3A_290 = vector.extract_strided_slice %get3A_289 {offsets = [0], sizes = [1], strides = [1]} : vector<16xf32> to vector<1xf32>
      %squeeze3A_291 = vector.extract %slice3A_290[0] : f32 from vector<1xf32>
      %broadcast_in_dim3A_292 = vector.broadcast %squeeze3A_291 : f32 to vector<16xf32>
      %slice3A_293 = vector.extract_strided_slice %get3A_289 {offsets = [1], sizes = [1], strides = [1]} : vector<16xf32> to vector<1xf32>
      %squeeze3A_294 = vector.extract %slice3A_293[0] : f32 from vector<1xf32>
      %broadcast_in_dim3A_295 = vector.broadcast %squeeze3A_294 : f32 to vector<16xf32>
      %slice3A_296 = vector.extract_strided_slice %get3A_289 {offsets = [2], sizes = [1], strides = [1]} : vector<16xf32> to vector<1xf32>
      %squeeze3A_297 = vector.extract %slice3A_296[0] : f32 from vector<1xf32>
      %broadcast_in_dim3A_298 = vector.broadcast %squeeze3A_297 : f32 to vector<16xf32>
      %slice3A_299 = vector.extract_strided_slice %get3A_289 {offsets = [3], sizes = [1], strides = [1]} : vector<16xf32> to vector<1xf32>
      %squeeze3A_300 = vector.extract %slice3A_299[0] : f32 from vector<1xf32>
      %broadcast_in_dim3A_301 = vector.broadcast %squeeze3A_300 : f32 to vector<16xf32>
      %mul3A_302 = arith.constant 5.000000e-01 : f32
      %mul3A_303 = vector.broadcast %mul3A_302 : f32 to vector<16xf32>
      %mul3A_304 = arith.mulf %broadcast_in_dim3A_298, %mul3A_303 : vector<16xf32>
      %sub3A_305 = arith.subf %broadcast_in_dim3A_292, %mul3A_304 : vector<16xf32>
      %mul3A_306 = arith.constant 5.000000e-01 : f32
      %mul3A_307 = vector.broadcast %mul3A_306 : f32 to vector<16xf32>
      %mul3A_308 = arith.mulf %broadcast_in_dim3A_301, %mul3A_307 : vector<16xf32>
      %sub3A_309 = arith.subf %broadcast_in_dim3A_295, %mul3A_308 : vector<16xf32>
      %get3A_310 = arith.constant 32 : index
      %get3A_311 = tpu.vector_load %arg7[%get3A_310] {strides = array<i32>} : memref<128xf32, #tpu.memory_space<vmem>>, vector<16xf32>,
      %get3A_312 = arith.constant 96 : index
      %get3A_313 = tpu.vector_load %arg7[%get3A_312] {strides = array<i32>} : memref<128xf32, #tpu.memory_space<vmem>>, vector<16xf32>,
      %mul3A_314 = arith.mulf %broadcast_in_dim3A_301, %get3A_311 : vector<16xf32>
      %add3A_315 = arith.addf %sub3A_309, %mul3A_314 : vector<16xf32>
      %mul3A_316 = arith.constant 0.0615835786 : f32
      %mul3A_317 = vector.broadcast %mul3A_316 : f32 to vector<16xf32>
      %mul3A_318 = arith.mulf %add3A_315, %mul3A_317 : vector<16xf32>
      %max3A_319 = arith.constant 0.000000e+00 : f32
      %max3A_320 = vector.broadcast %max3A_319 : f32 to vector<16xf32>
      %max3A_321 = arith.maximumf %mul3A_318, %max3A_320 : vector<16xf32>
      %min3A_322 = arith.constant 6.300000e+01 : f32
      %min3A_323 = vector.broadcast %min3A_322 : f32 to vector<16xf32>
      %min3A_324 = arith.minimumf %max3A_321, %min3A_323 : vector<16xf32>
      %mul3A_325 = arith.mulf %broadcast_in_dim3A_298, %get3A_313 : vector<16xf32>
      %add3A_326 = arith.addf %sub3A_305, %mul3A_325 : vector<16xf32>
      %mul3A_327 = arith.constant 0.0615835786 : f32
      %mul3A_328 = vector.broadcast %mul3A_327 : f32 to vector<16xf32>
      %mul3A_329 = arith.mulf %add3A_326, %mul3A_328 : vector<16xf32>
      %max3A_330 = arith.constant 0.000000e+00 : f32
      %max3A_331 = vector.broadcast %max3A_330 : f32 to vector<16xf32>
      %max3A_332 = arith.maximumf %mul3A_329, %max3A_331 : vector<16xf32>
      %min3A_333 = arith.constant 6.300000e+01 : f32
      %min3A_334 = vector.broadcast %min3A_333 : f32 to vector<16xf32>
      %min3A_335 = arith.minimumf %max3A_332, %min3A_334 : vector<16xf32>
      %convert_element_type3A_336 = arith.fptosi %min3A_324 : vector<16xf32> to vector<16xi32>
      %convert_element_type3A_337 = arith.fptosi %min3A_335 : vector<16xf32> to vector<16xi32>
      %convert_element_type3A_338 = arith.sitofp %convert_element_type3A_336 : vector<16xi32> to vector<16xf32>
      %sub3A_339 = arith.subf %min3A_324, %convert_element_type3A_338 : vector<16xf32>
      %convert_element_type3A_340 = arith.sitofp %convert_element_type3A_337 : vector<16xi32> to vector<16xf32>
      %sub3A_341 = arith.subf %min3A_335, %convert_element_type3A_340 : vector<16xf32>
      %add3A_342 = arith.constant 1 : i32
      %add3A_343 = vector.broadcast %add3A_342 : i32 to vector<16xi32>
      %add3A_344 = arith.addi %convert_element_type3A_336, %add3A_343 : vector<16xi32>
      %min3A_345 = arith.constant 63 : i32
      %min3A_346 = vector.broadcast %min3A_345 : i32 to vector<16xi32>
      %min3A_347 = arith.minsi %add3A_344, %min3A_346 : vector<16xi32>
      %add3A_348 = arith.constant 1 : i32
      %add3A_349 = vector.broadcast %add3A_348 : i32 to vector<16xi32>
      %add3A_350 = arith.addi %convert_element_type3A_337, %add3A_349 : vector<16xi32>
      %min3A_351 = arith.constant 63 : i32
      %min3A_352 = vector.broadcast %min3A_351 : i32 to vector<16xi32>
      %min3A_353 = arith.minsi %add3A_350, %min3A_352 : vector<16xi32>
      %mul3A_354 = arith.constant 64 : i32
      %mul3A_355 = vector.broadcast %mul3A_354 : i32 to vector<16xi32>
      %mul3A_356 = arith.muli %convert_element_type3A_336, %mul3A_355 : vector<16xi32>
      %add3A_357 = arith.addi %mul3A_356, %convert_element_type3A_337 : vector<16xi32>
      %mul3A_358 = arith.constant 64 : i32
      %mul3A_359 = vector.broadcast %mul3A_358 : i32 to vector<16xi32>
      %mul3A_360 = arith.muli %convert_element_type3A_336, %mul3A_359 : vector<16xi32>
      %add3A_361 = arith.addi %mul3A_360, %min3A_353 : vector<16xi32>
      %mul3A_362 = arith.constant 64 : i32
      %mul3A_363 = vector.broadcast %mul3A_362 : i32 to vector<16xi32>
      %mul3A_364 = arith.muli %min3A_347, %mul3A_363 : vector<16xi32>
      %add3A_365 = arith.addi %mul3A_364, %convert_element_type3A_337 : vector<16xi32>
      %mul3A_366 = arith.constant 64 : i32
      %mul3A_367 = vector.broadcast %mul3A_366 : i32 to vector<16xi32>
      %mul3A_368 = arith.muli %min3A_347, %mul3A_367 : vector<16xi32>
      %add3A_369 = arith.addi %mul3A_368, %min3A_353 : vector<16xi32>
      %sub3A_370 = arith.constant 1.000000e+00 : f32
      %sub3A_371 = vector.broadcast %sub3A_370 : f32 to vector<16xf32>
      %sub3A_372 = arith.subf %sub3A_371, %sub3A_339 : vector<16xf32>
      %sub3A_373 = arith.constant 1.000000e+00 : f32
      %sub3A_374 = vector.broadcast %sub3A_373 : f32 to vector<16xf32>
      %sub3A_375 = arith.subf %sub3A_374, %sub3A_341 : vector<16xf32>
      %mul3A_376 = arith.mulf %sub3A_372, %sub3A_375 : vector<16xf32>
      %sub3A_377 = arith.constant 1.000000e+00 : f32
      %sub3A_378 = vector.broadcast %sub3A_377 : f32 to vector<16xf32>
      %sub3A_379 = arith.subf %sub3A_378, %sub3A_339 : vector<16xf32>
      %mul3A_380 = arith.mulf %sub3A_379, %sub3A_341 : vector<16xf32>
      %sub3A_381 = arith.constant 1.000000e+00 : f32
      %sub3A_382 = vector.broadcast %sub3A_381 : f32 to vector<16xf32>
      %sub3A_383 = arith.subf %sub3A_382, %sub3A_341 : vector<16xf32>
      %mul3A_384 = arith.mulf %sub3A_339, %sub3A_383 : vector<16xf32>
      %mul3A_385 = arith.mulf %sub3A_339, %sub3A_341 : vector<16xf32>
      %swap3A_386 = arith.constant 32 : index
      %swap3A_387 = tpu.vector_load %arg8[%swap3A_386] {strides = array<i32>} : memref<208xi32, #tpu.memory_space<vmem>>, vector<16xi32>,
      tpu.vector_store %arg8[%swap3A_386], %add3A_357 {strides = array<i32>} : memref<208xi32, #tpu.memory_space<vmem>>, vector<16xi32>,
      %swap3A_388 = arith.constant 0 : i32
      %swap3A_389 = arith.index_cast %swap3A_388 : i32 to index
      %swap3A_390 = arith.constant 32 : index
      %swap3A_391 = tpu.vector_load %arg11[%swap3A_389, %swap3A_390] {strides = array<i32>} : memref<4x64xf32, #tpu.memory_space<vmem>>, vector<16xf32>,
      tpu.vector_store %arg11[%swap3A_389, %swap3A_390], %mul3A_376 {strides = array<i32>} : memref<4x64xf32, #tpu.memory_space<vmem>>, vector<16xf32>,
      %swap3A_392 = arith.constant 84 : index
      %swap3A_393 = tpu.vector_load %arg8[%swap3A_392] {strides = array<i32>} : memref<208xi32, #tpu.memory_space<vmem>>, vector<16xi32>,
      tpu.vector_store %arg8[%swap3A_392], %add3A_361 {strides = array<i32>} : memref<208xi32, #tpu.memory_space<vmem>>, vector<16xi32>,
      %swap3A_394 = arith.constant 1 : i32
      %swap3A_395 = arith.index_cast %swap3A_394 : i32 to index
      %swap3A_396 = arith.constant 32 : index
      %swap3A_397 = tpu.vector_load %arg11[%swap3A_395, %swap3A_396] {strides = array<i32>} : memref<4x64xf32, #tpu.memory_space<vmem>>, vector<16xf32>,
      tpu.vector_store %arg11[%swap3A_395, %swap3A_396], %mul3A_380 {strides = array<i32>} : memref<4x64xf32, #tpu.memory_space<vmem>>, vector<16xf32>,
      %swap3A_398 = arith.constant 136 : index
      %swap3A_399 = tpu.vector_load %arg8[%swap3A_398] {strides = array<i32>} : memref<208xi32, #tpu.memory_space<vmem>>, vector<16xi32>,
      tpu.vector_store %arg8[%swap3A_398], %add3A_365 {strides = array<i32>} : memref<208xi32, #tpu.memory_space<vmem>>, vector<16xi32>,
      %swap3A_400 = arith.constant 2 : i32
      %swap3A_401 = arith.index_cast %swap3A_400 : i32 to index
      %swap3A_402 = arith.constant 32 : index
      %swap3A_403 = tpu.vector_load %arg11[%swap3A_401, %swap3A_402] {strides = array<i32>} : memref<4x64xf32, #tpu.memory_space<vmem>>, vector<16xf32>,
      tpu.vector_store %arg11[%swap3A_401, %swap3A_402], %mul3A_384 {strides = array<i32>} : memref<4x64xf32, #tpu.memory_space<vmem>>, vector<16xf32>,
      %swap3A_404 = arith.constant 188 : index
      %swap3A_405 = tpu.vector_load %arg8[%swap3A_404] {strides = array<i32>} : memref<208xi32, #tpu.memory_space<vmem>>, vector<16xi32>,
      tpu.vector_store %arg8[%swap3A_404], %add3A_369 {strides = array<i32>} : memref<208xi32, #tpu.memory_space<vmem>>, vector<16xi32>,
      %swap3A_406 = arith.constant 3 : i32
      %swap3A_407 = arith.index_cast %swap3A_406 : i32 to index
      %swap3A_408 = arith.constant 32 : index
      %swap3A_409 = tpu.vector_load %arg11[%swap3A_407, %swap3A_408] {strides = array<i32>} : memref<4x64xf32, #tpu.memory_space<vmem>>, vector<16xf32>,
      tpu.vector_store %arg11[%swap3A_407, %swap3A_408], %mul3A_385 {strides = array<i32>} : memref<4x64xf32, #tpu.memory_space<vmem>>, vector<16xf32>,
      %get3A_410 = arith.index_cast %while3A_44 : i32 to index
      %get3A_411 = arith.constant 0 : index
      %get3A_412 = tpu.vector_load %arg6[%get3A_410, %get3A_411] {strides = array<i32>} : memref<160x16xf32, #tpu.memory_space<vmem>>, vector<16xf32>,
      %slice3A_413 = vector.extract_strided_slice %get3A_412 {offsets = [0], sizes = [1], strides = [1]} : vector<16xf32> to vector<1xf32>
      %squeeze3A_414 = vector.extract %slice3A_413[0] : f32 from vector<1xf32>
      %broadcast_in_dim3A_415 = vector.broadcast %squeeze3A_414 : f32 to vector<16xf32>
      %slice3A_416 = vector.extract_strided_slice %get3A_412 {offsets = [1], sizes = [1], strides = [1]} : vector<16xf32> to vector<1xf32>
      %squeeze3A_417 = vector.extract %slice3A_416[0] : f32 from vector<1xf32>
      %broadcast_in_dim3A_418 = vector.broadcast %squeeze3A_417 : f32 to vector<16xf32>
      %slice3A_419 = vector.extract_strided_slice %get3A_412 {offsets = [2], sizes = [1], strides = [1]} : vector<16xf32> to vector<1xf32>
      %squeeze3A_420 = vector.extract %slice3A_419[0] : f32 from vector<1xf32>
      %broadcast_in_dim3A_421 = vector.broadcast %squeeze3A_420 : f32 to vector<16xf32>
      %slice3A_422 = vector.extract_strided_slice %get3A_412 {offsets = [3], sizes = [1], strides = [1]} : vector<16xf32> to vector<1xf32>
      %squeeze3A_423 = vector.extract %slice3A_422[0] : f32 from vector<1xf32>
      %broadcast_in_dim3A_424 = vector.broadcast %squeeze3A_423 : f32 to vector<16xf32>
      %mul3A_425 = arith.constant 5.000000e-01 : f32
      %mul3A_426 = vector.broadcast %mul3A_425 : f32 to vector<16xf32>
      %mul3A_427 = arith.mulf %broadcast_in_dim3A_421, %mul3A_426 : vector<16xf32>
      %sub3A_428 = arith.subf %broadcast_in_dim3A_415, %mul3A_427 : vector<16xf32>
      %mul3A_429 = arith.constant 5.000000e-01 : f32
      %mul3A_430 = vector.broadcast %mul3A_429 : f32 to vector<16xf32>
      %mul3A_431 = arith.mulf %broadcast_in_dim3A_424, %mul3A_430 : vector<16xf32>
      %sub3A_432 = arith.subf %broadcast_in_dim3A_418, %mul3A_431 : vector<16xf32>
      %get3A_433 = arith.constant 33 : index
      %get3A_434 = tpu.vector_load %arg7[%get3A_433] {strides = array<i32>} : memref<128xf32, #tpu.memory_space<vmem>>, vector<16xf32>,
      %get3A_435 = arith.constant 97 : index
      %get3A_436 = tpu.vector_load %arg7[%get3A_435] {strides = array<i32>} : memref<128xf32, #tpu.memory_space<vmem>>, vector<16xf32>,
      %mul3A_437 = arith.mulf %broadcast_in_dim3A_424, %get3A_434 : vector<16xf32>
      %add3A_438 = arith.addf %sub3A_432, %mul3A_437 : vector<16xf32>
      %mul3A_439 = arith.constant 0.0615835786 : f32
      %mul3A_440 = vector.broadcast %mul3A_439 : f32 to vector<16xf32>
      %mul3A_441 = arith.mulf %add3A_438, %mul3A_440 : vector<16xf32>
      %max3A_442 = arith.constant 0.000000e+00 : f32
      %max3A_443 = vector.broadcast %max3A_442 : f32 to vector<16xf32>
      %max3A_444 = arith.maximumf %mul3A_441, %max3A_443 : vector<16xf32>
      %min3A_445 = arith.constant 6.300000e+01 : f32
      %min3A_446 = vector.broadcast %min3A_445 : f32 to vector<16xf32>
      %min3A_447 = arith.minimumf %max3A_444, %min3A_446 : vector<16xf32>
      %mul3A_448 = arith.mulf %broadcast_in_dim3A_421, %get3A_436 : vector<16xf32>
      %add3A_449 = arith.addf %sub3A_428, %mul3A_448 : vector<16xf32>
      %mul3A_450 = arith.constant 0.0615835786 : f32
      %mul3A_451 = vector.broadcast %mul3A_450 : f32 to vector<16xf32>
      %mul3A_452 = arith.mulf %add3A_449, %mul3A_451 : vector<16xf32>
      %max3A_453 = arith.constant 0.000000e+00 : f32
      %max3A_454 = vector.broadcast %max3A_453 : f32 to vector<16xf32>
      %max3A_455 = arith.maximumf %mul3A_452, %max3A_454 : vector<16xf32>
      %min3A_456 = arith.constant 6.300000e+01 : f32
      %min3A_457 = vector.broadcast %min3A_456 : f32 to vector<16xf32>
      %min3A_458 = arith.minimumf %max3A_455, %min3A_457 : vector<16xf32>
      %convert_element_type3A_459 = arith.fptosi %min3A_447 : vector<16xf32> to vector<16xi32>
      %convert_element_type3A_460 = arith.fptosi %min3A_458 : vector<16xf32> to vector<16xi32>
      %convert_element_type3A_461 = arith.sitofp %convert_element_type3A_459 : vector<16xi32> to vector<16xf32>
      %sub3A_462 = arith.subf %min3A_447, %convert_element_type3A_461 : vector<16xf32>
      %convert_element_type3A_463 = arith.sitofp %convert_element_type3A_460 : vector<16xi32> to vector<16xf32>
      %sub3A_464 = arith.subf %min3A_458, %convert_element_type3A_463 : vector<16xf32>
      %add3A_465 = arith.constant 1 : i32
      %add3A_466 = vector.broadcast %add3A_465 : i32 to vector<16xi32>
      %add3A_467 = arith.addi %convert_element_type3A_459, %add3A_466 : vector<16xi32>
      %min3A_468 = arith.constant 63 : i32
      %min3A_469 = vector.broadcast %min3A_468 : i32 to vector<16xi32>
      %min3A_470 = arith.minsi %add3A_467, %min3A_469 : vector<16xi32>
      %add3A_471 = arith.constant 1 : i32
      %add3A_472 = vector.broadcast %add3A_471 : i32 to vector<16xi32>
      %add3A_473 = arith.addi %convert_element_type3A_460, %add3A_472 : vector<16xi32>
      %min3A_474 = arith.constant 63 : i32
      %min3A_475 = vector.broadcast %min3A_474 : i32 to vector<16xi32>
      %min3A_476 = arith.minsi %add3A_473, %min3A_475 : vector<16xi32>
      %mul3A_477 = arith.constant 64 : i32
      %mul3A_478 = vector.broadcast %mul3A_477 : i32 to vector<16xi32>
      %mul3A_479 = arith.muli %convert_element_type3A_459, %mul3A_478 : vector<16xi32>
      %add3A_480 = arith.addi %mul3A_479, %convert_element_type3A_460 : vector<16xi32>
      %mul3A_481 = arith.constant 64 : i32
      %mul3A_482 = vector.broadcast %mul3A_481 : i32 to vector<16xi32>
      %mul3A_483 = arith.muli %convert_element_type3A_459, %mul3A_482 : vector<16xi32>
      %add3A_484 = arith.addi %mul3A_483, %min3A_476 : vector<16xi32>
      %mul3A_485 = arith.constant 64 : i32
      %mul3A_486 = vector.broadcast %mul3A_485 : i32 to vector<16xi32>
      %mul3A_487 = arith.muli %min3A_470, %mul3A_486 : vector<16xi32>
      %add3A_488 = arith.addi %mul3A_487, %convert_element_type3A_460 : vector<16xi32>
      %mul3A_489 = arith.constant 64 : i32
      %mul3A_490 = vector.broadcast %mul3A_489 : i32 to vector<16xi32>
      %mul3A_491 = arith.muli %min3A_470, %mul3A_490 : vector<16xi32>
      %add3A_492 = arith.addi %mul3A_491, %min3A_476 : vector<16xi32>
      %sub3A_493 = arith.constant 1.000000e+00 : f32
      %sub3A_494 = vector.broadcast %sub3A_493 : f32 to vector<16xf32>
      %sub3A_495 = arith.subf %sub3A_494, %sub3A_462 : vector<16xf32>
      %sub3A_496 = arith.constant 1.000000e+00 : f32
      %sub3A_497 = vector.broadcast %sub3A_496 : f32 to vector<16xf32>
      %sub3A_498 = arith.subf %sub3A_497, %sub3A_464 : vector<16xf32>
      %mul3A_499 = arith.mulf %sub3A_495, %sub3A_498 : vector<16xf32>
      %sub3A_500 = arith.constant 1.000000e+00 : f32
      %sub3A_501 = vector.broadcast %sub3A_500 : f32 to vector<16xf32>
      %sub3A_502 = arith.subf %sub3A_501, %sub3A_462 : vector<16xf32>
      %mul3A_503 = arith.mulf %sub3A_502, %sub3A_464 : vector<16xf32>
      %sub3A_504 = arith.constant 1.000000e+00 : f32
      %sub3A_505 = vector.broadcast %sub3A_504 : f32 to vector<16xf32>
      %sub3A_506 = arith.subf %sub3A_505, %sub3A_464 : vector<16xf32>
      %mul3A_507 = arith.mulf %sub3A_462, %sub3A_506 : vector<16xf32>
      %mul3A_508 = arith.mulf %sub3A_462, %sub3A_464 : vector<16xf32>
      %swap3A_509 = arith.constant 33 : index
      %swap3A_510 = tpu.vector_load %arg8[%swap3A_509] {strides = array<i32>} : memref<208xi32, #tpu.memory_space<vmem>>, vector<16xi32>,
      tpu.vector_store %arg8[%swap3A_509], %add3A_480 {strides = array<i32>} : memref<208xi32, #tpu.memory_space<vmem>>, vector<16xi32>,
      %swap3A_511 = arith.constant 0 : i32
      %swap3A_512 = arith.index_cast %swap3A_511 : i32 to index
      %swap3A_513 = arith.constant 33 : index
      %swap3A_514 = tpu.vector_load %arg11[%swap3A_512, %swap3A_513] {strides = array<i32>} : memref<4x64xf32, #tpu.memory_space<vmem>>, vector<16xf32>,
      tpu.vector_store %arg11[%swap3A_512, %swap3A_513], %mul3A_499 {strides = array<i32>} : memref<4x64xf32, #tpu.memory_space<vmem>>, vector<16xf32>,
      %swap3A_515 = arith.constant 85 : index
      %swap3A_516 = tpu.vector_load %arg8[%swap3A_515] {strides = array<i32>} : memref<208xi32, #tpu.memory_space<vmem>>, vector<16xi32>,
      tpu.vector_store %arg8[%swap3A_515], %add3A_484 {strides = array<i32>} : memref<208xi32, #tpu.memory_space<vmem>>, vector<16xi32>,
      %swap3A_517 = arith.constant 1 : i32
      %swap3A_518 = arith.index_cast %swap3A_517 : i32 to index
      %swap3A_519 = arith.constant 33 : index
      %swap3A_520 = tpu.vector_load %arg11[%swap3A_518, %swap3A_519] {strides = array<i32>} : memref<4x64xf32, #tpu.memory_space<vmem>>, vector<16xf32>,
      tpu.vector_store %arg11[%swap3A_518, %swap3A_519], %mul3A_503 {strides = array<i32>} : memref<4x64xf32, #tpu.memory_space<vmem>>, vector<16xf32>,
      %swap3A_521 = arith.constant 137 : index
      %swap3A_522 = tpu.vector_load %arg8[%swap3A_521] {strides = array<i32>} : memref<208xi32, #tpu.memory_space<vmem>>, vector<16xi32>,
      tpu.vector_store %arg8[%swap3A_521], %add3A_488 {strides = array<i32>} : memref<208xi32, #tpu.memory_space<vmem>>, vector<16xi32>,
      %swap3A_523 = arith.constant 2 : i32
      %swap3A_524 = arith.index_cast %swap3A_523 : i32 to index
      %swap3A_525 = arith.constant 33 : index
      %swap3A_526 = tpu.vector_load %arg11[%swap3A_524, %swap3A_525] {strides = array<i32>} : memref<4x64xf32, #tpu.memory_space<vmem>>, vector<16xf32>,
      tpu.vector_store %arg11[%swap3A_524, %swap3A_525], %mul3A_507 {strides = array<i32>} : memref<4x64xf32, #tpu.memory_space<vmem>>, vector<16xf32>,
      %swap3A_527 = arith.constant 189 : index
      %swap3A_528 = tpu.vector_load %arg8[%swap3A_527] {strides = array<i32>} : memref<208xi32, #tpu.memory_space<vmem>>, vector<16xi32>,
      tpu.vector_store %arg8[%swap3A_527], %add3A_492 {strides = array<i32>} : memref<208xi32, #tpu.memory_space<vmem>>, vector<16xi32>,
      %swap3A_529 = arith.constant 3 : i32
      %swap3A_530 = arith.index_cast %swap3A_529 : i32 to index
      %swap3A_531 = arith.constant 33 : index
      %swap3A_532 = tpu.vector_load %arg11[%swap3A_530, %swap3A_531] {strides = array<i32>} : memref<4x64xf32, #tpu.memory_space<vmem>>, vector<16xf32>,
      tpu.vector_store %arg11[%swap3A_530, %swap3A_531], %mul3A_508 {strides = array<i32>} : memref<4x64xf32, #tpu.memory_space<vmem>>, vector<16xf32>,
      %dma_start3A = arith.constant 0 : i32
      %dma_start3A_533 = arith.constant 0 : i32
      %dma_start3A_534 = tpu.memref_slice %arg9[%dma_start3A, %dma_start3A_533] : memref<208x256xf32, #tpu.memory_space<vmem>> -> memref<16x256xf32, #tpu.memory_space<vmem>>
      %dma_start3A_535 = arith.constant 0 : i32
      %dma_start3A_536 = tpu.memref_slice %arg8[%dma_start3A_535] : memref<208xi32, #tpu.memory_space<vmem>> -> memref<16xi32, #tpu.memory_space<vmem>>
      %dma_start3A_537 = arith.constant 0 : i32
      %dma_start3A_538 = arith.constant 0 : i32
      %dma_start3A_539 = tpu.memref_slice %arg2[%dma_start3A_537, %dma_start3A_538] : memref<4096x256xf32, #tpu.memory_space<hbm>> -> memref<4096x256xf32, #tpu.memory_space<hbm>>
      tpu.enqueue_indirect_dma source(%dma_start3A_539 : memref<4096x256xf32, #tpu.memory_space<hbm>>) target(%dma_start3A_534 : memref<16x256xf32, #tpu.memory_space<vmem>>) offsets(%dma_start3A_536 : memref<16xi32, #tpu.memory_space<vmem>>) semaphore(%arg12 : memref<!tpu.dma_semaphore, #tpu.memory_space<semaphore_mem>>)
      %dma_start3A_540 = arith.constant 16 : i32
      %dma_start3A_541 = arith.constant 0 : i32
      %dma_start3A_542 = tpu.memref_slice %arg9[%dma_start3A_540, %dma_start3A_541] : memref<208x256xf32, #tpu.memory_space<vmem>> -> memref<16x256xf32, #tpu.memory_space<vmem>>
      %dma_start3A_543 = arith.constant 16 : i32
      %dma_start3A_544 = tpu.memref_slice %arg8[%dma_start3A_543] : memref<208xi32, #tpu.memory_space<vmem>> -> memref<16xi32, #tpu.memory_space<vmem>>
      %dma_start3A_545 = arith.constant 0 : i32
      %dma_start3A_546 = arith.constant 0 : i32
      %dma_start3A_547 = tpu.memref_slice %arg2[%dma_start3A_545, %dma_start3A_546] : memref<4096x256xf32, #tpu.memory_space<hbm>> -> memref<4096x256xf32, #tpu.memory_space<hbm>>
      tpu.enqueue_indirect_dma source(%dma_start3A_547 : memref<4096x256xf32, #tpu.memory_space<hbm>>) target(%dma_start3A_542 : memref<16x256xf32, #tpu.memory_space<vmem>>) offsets(%dma_start3A_544 : memref<16xi32, #tpu.memory_space<vmem>>) semaphore(%arg12 : memref<!tpu.dma_semaphore, #tpu.memory_space<semaphore_mem>>)
      %dma_start3A_548 = arith.constant 32 : i32
      %dma_start3A_549 = arith.constant 0 : i32
      %dma_start3A_550 = tpu.memref_slice %arg9[%dma_start3A_548, %dma_start3A_549] : memref<208x256xf32, #tpu.memory_space<vmem>> -> memref<16x256xf32, #tpu.memory_space<vmem>>
      %dma_start3A_551 = arith.constant 32 : i32
      %dma_start3A_552 = tpu.memref_slice %arg8[%dma_start3A_551] : memref<208xi32, #tpu.memory_space<vmem>> -> memref<16xi32, #tpu.memory_space<vmem>>
      %dma_start3A_553 = arith.constant 0 : i32
      %dma_start3A_554 = arith.constant 0 : i32
      %dma_start3A_555 = tpu.memref_slice %arg2[%dma_start3A_553, %dma_start3A_554] : memref<4096x256xf32, #tpu.memory_space<hbm>> -> memref<4096x256xf32, #tpu.memory_space<hbm>>
      tpu.enqueue_indirect_dma source(%dma_start3A_555 : memref<4096x256xf32, #tpu.memory_space<hbm>>) target(%dma_start3A_550 : memref<16x256xf32, #tpu.memory_space<vmem>>) offsets(%dma_start3A_552 : memref<16xi32, #tpu.memory_space<vmem>>) semaphore(%arg12 : memref<!tpu.dma_semaphore, #tpu.memory_space<semaphore_mem>>)
      %dma_start3A_556 = arith.constant 48 : i32
      %dma_start3A_557 = arith.constant 0 : i32
      %dma_start3A_558 = tpu.memref_slice %arg9[%dma_start3A_556, %dma_start3A_557] : memref<208x256xf32, #tpu.memory_space<vmem>> -> memref<16x256xf32, #tpu.memory_space<vmem>>
      %dma_start3A_559 = arith.constant 48 : i32
      %dma_start3A_560 = tpu.memref_slice %arg8[%dma_start3A_559] : memref<208xi32, #tpu.memory_space<vmem>> -> memref<16xi32, #tpu.memory_space<vmem>>
      %dma_start3A_561 = arith.constant 0 : i32
      %dma_start3A_562 = arith.constant 0 : i32
      %dma_start3A_563 = tpu.memref_slice %arg2[%dma_start3A_561, %dma_start3A_562] : memref<4096x256xf32, #tpu.memory_space<hbm>> -> memref<4096x256xf32, #tpu.memory_space<hbm>>
      tpu.enqueue_indirect_dma source(%dma_start3A_563 : memref<4096x256xf32, #tpu.memory_space<hbm>>) target(%dma_start3A_558 : memref<16x256xf32, #tpu.memory_space<vmem>>) offsets(%dma_start3A_560 : memref<16xi32, #tpu.memory_space<vmem>>) semaphore(%arg12 : memref<!tpu.dma_semaphore, #tpu.memory_space<semaphore_mem>>)
      %dma_start3A_564 = arith.constant 64 : i32
      %dma_start3A_565 = arith.constant 0 : i32
      %dma_start3A_566 = tpu.memref_slice %arg9[%dma_start3A_564, %dma_start3A_565] : memref<208x256xf32, #tpu.memory_space<vmem>> -> memref<16x256xf32, #tpu.memory_space<vmem>>
      %dma_start3A_567 = arith.constant 64 : i32
      %dma_start3A_568 = tpu.memref_slice %arg8[%dma_start3A_567] : memref<208xi32, #tpu.memory_space<vmem>> -> memref<16xi32, #tpu.memory_space<vmem>>
      %dma_start3A_569 = arith.constant 0 : i32
      %dma_start3A_570 = arith.constant 0 : i32
      %dma_start3A_571 = tpu.memref_slice %arg2[%dma_start3A_569, %dma_start3A_570] : memref<4096x256xf32, #tpu.memory_space<hbm>> -> memref<4096x256xf32, #tpu.memory_space<hbm>>
      tpu.enqueue_indirect_dma source(%dma_start3A_571 : memref<4096x256xf32, #tpu.memory_space<hbm>>) target(%dma_start3A_566 : memref<16x256xf32, #tpu.memory_space<vmem>>) offsets(%dma_start3A_568 : memref<16xi32, #tpu.memory_space<vmem>>) semaphore(%arg12 : memref<!tpu.dma_semaphore, #tpu.memory_space<semaphore_mem>>)
      %dma_start3A_572 = arith.constant 80 : i32
      %dma_start3A_573 = arith.constant 0 : i32
      %dma_start3A_574 = tpu.memref_slice %arg9[%dma_start3A_572, %dma_start3A_573] : memref<208x256xf32, #tpu.memory_space<vmem>> -> memref<16x256xf32, #tpu.memory_space<vmem>>
      %dma_start3A_575 = arith.constant 80 : i32
      %dma_start3A_576 = tpu.memref_slice %arg8[%dma_start3A_575] : memref<208xi32, #tpu.memory_space<vmem>> -> memref<16xi32, #tpu.memory_space<vmem>>
      %dma_start3A_577 = arith.constant 0 : i32
      %dma_start3A_578 = arith.constant 0 : i32
      %dma_start3A_579 = tpu.memref_slice %arg2[%dma_start3A_577, %dma_start3A_578] : memref<4096x256xf32, #tpu.memory_space<hbm>> -> memref<4096x256xf32, #tpu.memory_space<hbm>>
      tpu.enqueue_indirect_dma source(%dma_start3A_579 : memref<4096x256xf32, #tpu.memory_space<hbm>>) target(%dma_start3A_574 : memref<16x256xf32, #tpu.memory_space<vmem>>) offsets(%dma_start3A_576 : memref<16xi32, #tpu.memory_space<vmem>>) semaphore(%arg12 : memref<!tpu.dma_semaphore, #tpu.memory_space<semaphore_mem>>)
      %dma_start3A_580 = arith.constant 96 : i32
      %dma_start3A_581 = arith.constant 0 : i32
      %dma_start3A_582 = tpu.memref_slice %arg9[%dma_start3A_580, %dma_start3A_581] : memref<208x256xf32, #tpu.memory_space<vmem>> -> memref<16x256xf32, #tpu.memory_space<vmem>>
      %dma_start3A_583 = arith.constant 96 : i32
      %dma_start3A_584 = tpu.memref_slice %arg8[%dma_start3A_583] : memref<208xi32, #tpu.memory_space<vmem>> -> memref<16xi32, #tpu.memory_space<vmem>>
      %dma_start3A_585 = arith.constant 0 : i32
      %dma_start3A_586 = arith.constant 0 : i32
      %dma_start3A_587 = tpu.memref_slice %arg2[%dma_start3A_585, %dma_start3A_586] : memref<4096x256xf32, #tpu.memory_space<hbm>> -> memref<4096x256xf32, #tpu.memory_space<hbm>>
      tpu.enqueue_indirect_dma source(%dma_start3A_587 : memref<4096x256xf32, #tpu.memory_space<hbm>>) target(%dma_start3A_582 : memref<16x256xf32, #tpu.memory_space<vmem>>) offsets(%dma_start3A_584 : memref<16xi32, #tpu.memory_space<vmem>>) semaphore(%arg12 : memref<!tpu.dma_semaphore, #tpu.memory_space<semaphore_mem>>)
      %dma_start3A_588 = arith.constant 112 : i32
      %dma_start3A_589 = arith.constant 0 : i32
      %dma_start3A_590 = tpu.memref_slice %arg9[%dma_start3A_588, %dma_start3A_589] : memref<208x256xf32, #tpu.memory_space<vmem>> -> memref<16x256xf32, #tpu.memory_space<vmem>>
      %dma_start3A_591 = arith.constant 112 : i32
      %dma_start3A_592 = tpu.memref_slice %arg8[%dma_start3A_591] : memref<208xi32, #tpu.memory_space<vmem>> -> memref<16xi32, #tpu.memory_space<vmem>>
      %dma_start3A_593 = arith.constant 0 : i32
      %dma_start3A_594 = arith.constant 0 : i32
      %dma_start3A_595 = tpu.memref_slice %arg2[%dma_start3A_593, %dma_start3A_594] : memref<4096x256xf32, #tpu.memory_space<hbm>> -> memref<4096x256xf32, #tpu.memory_space<hbm>>
      tpu.enqueue_indirect_dma source(%dma_start3A_595 : memref<4096x256xf32, #tpu.memory_space<hbm>>) target(%dma_start3A_590 : memref<16x256xf32, #tpu.memory_space<vmem>>) offsets(%dma_start3A_592 : memref<16xi32, #tpu.memory_space<vmem>>) semaphore(%arg12 : memref<!tpu.dma_semaphore, #tpu.memory_space<semaphore_mem>>)
      %dma_start3A_596 = arith.constant 128 : i32
      %dma_start3A_597 = arith.constant 0 : i32
      %dma_start3A_598 = tpu.memref_slice %arg9[%dma_start3A_596, %dma_start3A_597] : memref<208x256xf32, #tpu.memory_space<vmem>> -> memref<16x256xf32, #tpu.memory_space<vmem>>
      %dma_start3A_599 = arith.constant 128 : i32
      %dma_start3A_600 = tpu.memref_slice %arg8[%dma_start3A_599] : memref<208xi32, #tpu.memory_space<vmem>> -> memref<16xi32, #tpu.memory_space<vmem>>
      %dma_start3A_601 = arith.constant 0 : i32
      %dma_start3A_602 = arith.constant 0 : i32
      %dma_start3A_603 = tpu.memref_slice %arg2[%dma_start3A_601, %dma_start3A_602] : memref<4096x256xf32, #tpu.memory_space<hbm>> -> memref<4096x256xf32, #tpu.memory_space<hbm>>
      tpu.enqueue_indirect_dma source(%dma_start3A_603 : memref<4096x256xf32, #tpu.memory_space<hbm>>) target(%dma_start3A_598 : memref<16x256xf32, #tpu.memory_space<vmem>>) offsets(%dma_start3A_600 : memref<16xi32, #tpu.memory_space<vmem>>) semaphore(%arg12 : memref<!tpu.dma_semaphore, #tpu.memory_space<semaphore_mem>>)
      %dma_start3A_604 = arith.constant 144 : i32
      %dma_start3A_605 = arith.constant 0 : i32
      %dma_start3A_606 = tpu.memref_slice %arg9[%dma_start3A_604, %dma_start3A_605] : memref<208x256xf32, #tpu.memory_space<vmem>> -> memref<16x256xf32, #tpu.memory_space<vmem>>
      %dma_start3A_607 = arith.constant 144 : i32
      %dma_start3A_608 = tpu.memref_slice %arg8[%dma_start3A_607] : memref<208xi32, #tpu.memory_space<vmem>> -> memref<16xi32, #tpu.memory_space<vmem>>
      %dma_start3A_609 = arith.constant 0 : i32
      %dma_start3A_610 = arith.constant 0 : i32
      %dma_start3A_611 = tpu.memref_slice %arg2[%dma_start3A_609, %dma_start3A_610] : memref<4096x256xf32, #tpu.memory_space<hbm>> -> memref<4096x256xf32, #tpu.memory_space<hbm>>
      tpu.enqueue_indirect_dma source(%dma_start3A_611 : memref<4096x256xf32, #tpu.memory_space<hbm>>) target(%dma_start3A_606 : memref<16x256xf32, #tpu.memory_space<vmem>>) offsets(%dma_start3A_608 : memref<16xi32, #tpu.memory_space<vmem>>) semaphore(%arg12 : memref<!tpu.dma_semaphore, #tpu.memory_space<semaphore_mem>>)
      %dma_start3A_612 = arith.constant 160 : i32
      %dma_start3A_613 = arith.constant 0 : i32
      %dma_start3A_614 = tpu.memref_slice %arg9[%dma_start3A_612, %dma_start3A_613] : memref<208x256xf32, #tpu.memory_space<vmem>> -> memref<16x256xf32, #tpu.memory_space<vmem>>
      %dma_start3A_615 = arith.constant 160 : i32
      %dma_start3A_616 = tpu.memref_slice %arg8[%dma_start3A_615] : memref<208xi32, #tpu.memory_space<vmem>> -> memref<16xi32, #tpu.memory_space<vmem>>
      %dma_start3A_617 = arith.constant 0 : i32
      %dma_start3A_618 = arith.constant 0 : i32
      %dma_start3A_619 = tpu.memref_slice %arg2[%dma_start3A_617, %dma_start3A_618] : memref<4096x256xf32, #tpu.memory_space<hbm>> -> memref<4096x256xf32, #tpu.memory_space<hbm>>
      tpu.enqueue_indirect_dma source(%dma_start3A_619 : memref<4096x256xf32, #tpu.memory_space<hbm>>) target(%dma_start3A_614 : memref<16x256xf32, #tpu.memory_space<vmem>>) offsets(%dma_start3A_616 : memref<16xi32, #tpu.memory_space<vmem>>) semaphore(%arg12 : memref<!tpu.dma_semaphore, #tpu.memory_space<semaphore_mem>>)
      %dma_start3A_620 = arith.constant 176 : i32
      %dma_start3A_621 = arith.constant 0 : i32
      %dma_start3A_622 = tpu.memref_slice %arg9[%dma_start3A_620, %dma_start3A_621] : memref<208x256xf32, #tpu.memory_space<vmem>> -> memref<16x256xf32, #tpu.memory_space<vmem>>
      %dma_start3A_623 = arith.constant 176 : i32
      %dma_start3A_624 = tpu.memref_slice %arg8[%dma_start3A_623] : memref<208xi32, #tpu.memory_space<vmem>> -> memref<16xi32, #tpu.memory_space<vmem>>
      %dma_start3A_625 = arith.constant 0 : i32
      %dma_start3A_626 = arith.constant 0 : i32
      %dma_start3A_627 = tpu.memref_slice %arg2[%dma_start3A_625, %dma_start3A_626] : memref<4096x256xf32, #tpu.memory_space<hbm>> -> memref<4096x256xf32, #tpu.memory_space<hbm>>
      tpu.enqueue_indirect_dma source(%dma_start3A_627 : memref<4096x256xf32, #tpu.memory_space<hbm>>) target(%dma_start3A_622 : memref<16x256xf32, #tpu.memory_space<vmem>>) offsets(%dma_start3A_624 : memref<16xi32, #tpu.memory_space<vmem>>) semaphore(%arg12 : memref<!tpu.dma_semaphore, #tpu.memory_space<semaphore_mem>>)
      %dma_start3A_628 = arith.constant 192 : i32
      %dma_start3A_629 = arith.constant 0 : i32
      %dma_start3A_630 = tpu.memref_slice %arg9[%dma_start3A_628, %dma_start3A_629] : memref<208x256xf32, #tpu.memory_space<vmem>> -> memref<16x256xf32, #tpu.memory_space<vmem>>
      %dma_start3A_631 = arith.constant 192 : i32
      %dma_start3A_632 = tpu.memref_slice %arg8[%dma_start3A_631] : memref<208xi32, #tpu.memory_space<vmem>> -> memref<16xi32, #tpu.memory_space<vmem>>
      %dma_start3A_633 = arith.constant 0 : i32
      %dma_start3A_634 = arith.constant 0 : i32
      %dma_start3A_635 = tpu.memref_slice %arg2[%dma_start3A_633, %dma_start3A_634] : memref<4096x256xf32, #tpu.memory_space<hbm>> -> memref<4096x256xf32, #tpu.memory_space<hbm>>
      tpu.enqueue_indirect_dma source(%dma_start3A_635 : memref<4096x256xf32, #tpu.memory_space<hbm>>) target(%dma_start3A_630 : memref<16x256xf32, #tpu.memory_space<vmem>>) offsets(%dma_start3A_632 : memref<16xi32, #tpu.memory_space<vmem>>) semaphore(%arg12 : memref<!tpu.dma_semaphore, #tpu.memory_space<semaphore_mem>>)
      %dma_wait3A = arith.constant 0 : i32
      %dma_wait3A_636 = arith.constant 0 : i32
      %dma_wait3A_637 = tpu.memref_slice %arg9[%dma_wait3A, %dma_wait3A_636] : memref<208x256xf32, #tpu.memory_space<vmem>> -> memref<16x256xf32, #tpu.memory_space<vmem>>
      %dma_wait3A_638 = arith.constant 0 : i32
      %dma_wait3A_639 = tpu.memref_slice %arg8[%dma_wait3A_638] : memref<208xi32, #tpu.memory_space<vmem>> -> memref<16xi32, #tpu.memory_space<vmem>>
      %dma_wait3A_640 = arith.constant 0 : i32
      %dma_wait3A_641 = arith.constant 0 : i32
      %dma_wait3A_642 = tpu.memref_slice %arg2[%dma_wait3A_640, %dma_wait3A_641] : memref<4096x256xf32, #tpu.memory_space<hbm>> -> memref<4096x256xf32, #tpu.memory_space<hbm>>
      tpu.wait_indirect_dma semaphore(%arg12 : memref<!tpu.dma_semaphore, #tpu.memory_space<semaphore_mem>>) src(%dma_wait3A_642 : memref<4096x256xf32, #tpu.memory_space<hbm>>) dst(%dma_wait3A_637 : memref<16x256xf32, #tpu.memory_space<vmem>>)
      %dma_wait3A_643 = arith.constant 16 : i32
      %dma_wait3A_644 = arith.constant 0 : i32
      %dma_wait3A_645 = tpu.memref_slice %arg9[%dma_wait3A_643, %dma_wait3A_644] : memref<208x256xf32, #tpu.memory_space<vmem>> -> memref<16x256xf32, #tpu.memory_space<vmem>>
      %dma_wait3A_646 = arith.constant 16 : i32
      %dma_wait3A_647 = tpu.memref_slice %arg8[%dma_wait3A_646] : memref<208xi32, #tpu.memory_space<vmem>> -> memref<16xi32, #tpu.memory_space<vmem>>
      %dma_wait3A_648 = arith.constant 0 : i32
      %dma_wait3A_649 = arith.constant 0 : i32
      %dma_wait3A_650 = tpu.memref_slice %arg2[%dma_wait3A_648, %dma_wait3A_649] : memref<4096x256xf32, #tpu.memory_space<hbm>> -> memref<4096x256xf32, #tpu.memory_space<hbm>>
      tpu.wait_indirect_dma semaphore(%arg12 : memref<!tpu.dma_semaphore, #tpu.memory_space<semaphore_mem>>) src(%dma_wait3A_650 : memref<4096x256xf32, #tpu.memory_space<hbm>>) dst(%dma_wait3A_645 : memref<16x256xf32, #tpu.memory_space<vmem>>)
      %dma_wait3A_651 = arith.constant 32 : i32
      %dma_wait3A_652 = arith.constant 0 : i32
      %dma_wait3A_653 = tpu.memref_slice %arg9[%dma_wait3A_651, %dma_wait3A_652] : memref<208x256xf32, #tpu.memory_space<vmem>> -> memref<16x256xf32, #tpu.memory_space<vmem>>
      %dma_wait3A_654 = arith.constant 32 : i32
      %dma_wait3A_655 = tpu.memref_slice %arg8[%dma_wait3A_654] : memref<208xi32, #tpu.memory_space<vmem>> -> memref<16xi32, #tpu.memory_space<vmem>>
      %dma_wait3A_656 = arith.constant 0 : i32
      %dma_wait3A_657 = arith.constant 0 : i32
      %dma_wait3A_658 = tpu.memref_slice %arg2[%dma_wait3A_656, %dma_wait3A_657] : memref<4096x256xf32, #tpu.memory_space<hbm>> -> memref<4096x256xf32, #tpu.memory_space<hbm>>
      tpu.wait_indirect_dma semaphore(%arg12 : memref<!tpu.dma_semaphore, #tpu.memory_space<semaphore_mem>>) src(%dma_wait3A_658 : memref<4096x256xf32, #tpu.memory_space<hbm>>) dst(%dma_wait3A_653 : memref<16x256xf32, #tpu.memory_space<vmem>>)
      %dma_wait3A_659 = arith.constant 48 : i32
      %dma_wait3A_660 = arith.constant 0 : i32
      %dma_wait3A_661 = tpu.memref_slice %arg9[%dma_wait3A_659, %dma_wait3A_660] : memref<208x256xf32, #tpu.memory_space<vmem>> -> memref<16x256xf32, #tpu.memory_space<vmem>>
      %dma_wait3A_662 = arith.constant 48 : i32
      %dma_wait3A_663 = tpu.memref_slice %arg8[%dma_wait3A_662] : memref<208xi32, #tpu.memory_space<vmem>> -> memref<16xi32, #tpu.memory_space<vmem>>
      %dma_wait3A_664 = arith.constant 0 : i32
      %dma_wait3A_665 = arith.constant 0 : i32
      %dma_wait3A_666 = tpu.memref_slice %arg2[%dma_wait3A_664, %dma_wait3A_665] : memref<4096x256xf32, #tpu.memory_space<hbm>> -> memref<4096x256xf32, #tpu.memory_space<hbm>>
      tpu.wait_indirect_dma semaphore(%arg12 : memref<!tpu.dma_semaphore, #tpu.memory_space<semaphore_mem>>) src(%dma_wait3A_666 : memref<4096x256xf32, #tpu.memory_space<hbm>>) dst(%dma_wait3A_661 : memref<16x256xf32, #tpu.memory_space<vmem>>)
      %dma_wait3A_667 = arith.constant 64 : i32
      %dma_wait3A_668 = arith.constant 0 : i32
      %dma_wait3A_669 = tpu.memref_slice %arg9[%dma_wait3A_667, %dma_wait3A_668] : memref<208x256xf32, #tpu.memory_space<vmem>> -> memref<16x256xf32, #tpu.memory_space<vmem>>
      %dma_wait3A_670 = arith.constant 64 : i32
      %dma_wait3A_671 = tpu.memref_slice %arg8[%dma_wait3A_670] : memref<208xi32, #tpu.memory_space<vmem>> -> memref<16xi32, #tpu.memory_space<vmem>>
      %dma_wait3A_672 = arith.constant 0 : i32
      %dma_wait3A_673 = arith.constant 0 : i32
      %dma_wait3A_674 = tpu.memref_slice %arg2[%dma_wait3A_672, %dma_wait3A_673] : memref<4096x256xf32, #tpu.memory_space<hbm>> -> memref<4096x256xf32, #tpu.memory_space<hbm>>
      tpu.wait_indirect_dma semaphore(%arg12 : memref<!tpu.dma_semaphore, #tpu.memory_space<semaphore_mem>>) src(%dma_wait3A_674 : memref<4096x256xf32, #tpu.memory_space<hbm>>) dst(%dma_wait3A_669 : memref<16x256xf32, #tpu.memory_space<vmem>>)
      %dma_wait3A_675 = arith.constant 80 : i32
      %dma_wait3A_676 = arith.constant 0 : i32
      %dma_wait3A_677 = tpu.memref_slice %arg9[%dma_wait3A_675, %dma_wait3A_676] : memref<208x256xf32, #tpu.memory_space<vmem>> -> memref<16x256xf32, #tpu.memory_space<vmem>>
      %dma_wait3A_678 = arith.constant 80 : i32
      %dma_wait3A_679 = tpu.memref_slice %arg8[%dma_wait3A_678] : memref<208xi32, #tpu.memory_space<vmem>> -> memref<16xi32, #tpu.memory_space<vmem>>
      %dma_wait3A_680 = arith.constant 0 : i32
      %dma_wait3A_681 = arith.constant 0 : i32
      %dma_wait3A_682 = tpu.memref_slice %arg2[%dma_wait3A_680, %dma_wait3A_681] : memref<4096x256xf32, #tpu.memory_space<hbm>> -> memref<4096x256xf32, #tpu.memory_space<hbm>>
      tpu.wait_indirect_dma semaphore(%arg12 : memref<!tpu.dma_semaphore, #tpu.memory_space<semaphore_mem>>) src(%dma_wait3A_682 : memref<4096x256xf32, #tpu.memory_space<hbm>>) dst(%dma_wait3A_677 : memref<16x256xf32, #tpu.memory_space<vmem>>)
      %dma_wait3A_683 = arith.constant 96 : i32
      %dma_wait3A_684 = arith.constant 0 : i32
      %dma_wait3A_685 = tpu.memref_slice %arg9[%dma_wait3A_683, %dma_wait3A_684] : memref<208x256xf32, #tpu.memory_space<vmem>> -> memref<16x256xf32, #tpu.memory_space<vmem>>
      %dma_wait3A_686 = arith.constant 96 : i32
      %dma_wait3A_687 = tpu.memref_slice %arg8[%dma_wait3A_686] : memref<208xi32, #tpu.memory_space<vmem>> -> memref<16xi32, #tpu.memory_space<vmem>>
      %dma_wait3A_688 = arith.constant 0 : i32
      %dma_wait3A_689 = arith.constant 0 : i32
      %dma_wait3A_690 = tpu.memref_slice %arg2[%dma_wait3A_688, %dma_wait3A_689] : memref<4096x256xf32, #tpu.memory_space<hbm>> -> memref<4096x256xf32, #tpu.memory_space<hbm>>
      tpu.wait_indirect_dma semaphore(%arg12 : memref<!tpu.dma_semaphore, #tpu.memory_space<semaphore_mem>>) src(%dma_wait3A_690 : memref<4096x256xf32, #tpu.memory_space<hbm>>) dst(%dma_wait3A_685 : memref<16x256xf32, #tpu.memory_space<vmem>>)
      %dma_wait3A_691 = arith.constant 112 : i32
      %dma_wait3A_692 = arith.constant 0 : i32
      %dma_wait3A_693 = tpu.memref_slice %arg9[%dma_wait3A_691, %dma_wait3A_692] : memref<208x256xf32, #tpu.memory_space<vmem>> -> memref<16x256xf32, #tpu.memory_space<vmem>>
      %dma_wait3A_694 = arith.constant 112 : i32
      %dma_wait3A_695 = tpu.memref_slice %arg8[%dma_wait3A_694] : memref<208xi32, #tpu.memory_space<vmem>> -> memref<16xi32, #tpu.memory_space<vmem>>
      %dma_wait3A_696 = arith.constant 0 : i32
      %dma_wait3A_697 = arith.constant 0 : i32
      %dma_wait3A_698 = tpu.memref_slice %arg2[%dma_wait3A_696, %dma_wait3A_697] : memref<4096x256xf32, #tpu.memory_space<hbm>> -> memref<4096x256xf32, #tpu.memory_space<hbm>>
      tpu.wait_indirect_dma semaphore(%arg12 : memref<!tpu.dma_semaphore, #tpu.memory_space<semaphore_mem>>) src(%dma_wait3A_698 : memref<4096x256xf32, #tpu.memory_space<hbm>>) dst(%dma_wait3A_693 : memref<16x256xf32, #tpu.memory_space<vmem>>)
      %dma_wait3A_699 = arith.constant 128 : i32
      %dma_wait3A_700 = arith.constant 0 : i32
      %dma_wait3A_701 = tpu.memref_slice %arg9[%dma_wait3A_699, %dma_wait3A_700] : memref<208x256xf32, #tpu.memory_space<vmem>> -> memref<16x256xf32, #tpu.memory_space<vmem>>
      %dma_wait3A_702 = arith.constant 128 : i32
      %dma_wait3A_703 = tpu.memref_slice %arg8[%dma_wait3A_702] : memref<208xi32, #tpu.memory_space<vmem>> -> memref<16xi32, #tpu.memory_space<vmem>>
      %dma_wait3A_704 = arith.constant 0 : i32
      %dma_wait3A_705 = arith.constant 0 : i32
      %dma_wait3A_706 = tpu.memref_slice %arg2[%dma_wait3A_704, %dma_wait3A_705] : memref<4096x256xf32, #tpu.memory_space<hbm>> -> memref<4096x256xf32, #tpu.memory_space<hbm>>
      tpu.wait_indirect_dma semaphore(%arg12 : memref<!tpu.dma_semaphore, #tpu.memory_space<semaphore_mem>>) src(%dma_wait3A_706 : memref<4096x256xf32, #tpu.memory_space<hbm>>) dst(%dma_wait3A_701 : memref<16x256xf32, #tpu.memory_space<vmem>>)
      %dma_wait3A_707 = arith.constant 144 : i32
      %dma_wait3A_708 = arith.constant 0 : i32
      %dma_wait3A_709 = tpu.memref_slice %arg9[%dma_wait3A_707, %dma_wait3A_708] : memref<208x256xf32, #tpu.memory_space<vmem>> -> memref<16x256xf32, #tpu.memory_space<vmem>>
      %dma_wait3A_710 = arith.constant 144 : i32
      %dma_wait3A_711 = tpu.memref_slice %arg8[%dma_wait3A_710] : memref<208xi32, #tpu.memory_space<vmem>> -> memref<16xi32, #tpu.memory_space<vmem>>
      %dma_wait3A_712 = arith.constant 0 : i32
      %dma_wait3A_713 = arith.constant 0 : i32
      %dma_wait3A_714 = tpu.memref_slice %arg2[%dma_wait3A_712, %dma_wait3A_713] : memref<4096x256xf32, #tpu.memory_space<hbm>> -> memref<4096x256xf32, #tpu.memory_space<hbm>>
      tpu.wait_indirect_dma semaphore(%arg12 : memref<!tpu.dma_semaphore, #tpu.memory_space<semaphore_mem>>) src(%dma_wait3A_714 : memref<4096x256xf32, #tpu.memory_space<hbm>>) dst(%dma_wait3A_709 : memref<16x256xf32, #tpu.memory_space<vmem>>)
      %dma_wait3A_715 = arith.constant 160 : i32
      %dma_wait3A_716 = arith.constant 0 : i32
      %dma_wait3A_717 = tpu.memref_slice %arg9[%dma_wait3A_715, %dma_wait3A_716] : memref<208x256xf32, #tpu.memory_space<vmem>> -> memref<16x256xf32, #tpu.memory_space<vmem>>
      %dma_wait3A_718 = arith.constant 160 : i32
      %dma_wait3A_719 = tpu.memref_slice %arg8[%dma_wait3A_718] : memref<208xi32, #tpu.memory_space<vmem>> -> memref<16xi32, #tpu.memory_space<vmem>>
      %dma_wait3A_720 = arith.constant 0 : i32
      %dma_wait3A_721 = arith.constant 0 : i32
      %dma_wait3A_722 = tpu.memref_slice %arg2[%dma_wait3A_720, %dma_wait3A_721] : memref<4096x256xf32, #tpu.memory_space<hbm>> -> memref<4096x256xf32, #tpu.memory_space<hbm>>
      tpu.wait_indirect_dma semaphore(%arg12 : memref<!tpu.dma_semaphore, #tpu.memory_space<semaphore_mem>>) src(%dma_wait3A_722 : memref<4096x256xf32, #tpu.memory_space<hbm>>) dst(%dma_wait3A_717 : memref<16x256xf32, #tpu.memory_space<vmem>>)
      %dma_wait3A_723 = arith.constant 176 : i32
      %dma_wait3A_724 = arith.constant 0 : i32
      %dma_wait3A_725 = tpu.memref_slice %arg9[%dma_wait3A_723, %dma_wait3A_724] : memref<208x256xf32, #tpu.memory_space<vmem>> -> memref<16x256xf32, #tpu.memory_space<vmem>>
      %dma_wait3A_726 = arith.constant 176 : i32
      %dma_wait3A_727 = tpu.memref_slice %arg8[%dma_wait3A_726] : memref<208xi32, #tpu.memory_space<vmem>> -> memref<16xi32, #tpu.memory_space<vmem>>
      %dma_wait3A_728 = arith.constant 0 : i32
      %dma_wait3A_729 = arith.constant 0 : i32
      %dma_wait3A_730 = tpu.memref_slice %arg2[%dma_wait3A_728, %dma_wait3A_729] : memref<4096x256xf32, #tpu.memory_space<hbm>> -> memref<4096x256xf32, #tpu.memory_space<hbm>>
      tpu.wait_indirect_dma semaphore(%arg12 : memref<!tpu.dma_semaphore, #tpu.memory_space<semaphore_mem>>) src(%dma_wait3A_730 : memref<4096x256xf32, #tpu.memory_space<hbm>>) dst(%dma_wait3A_725 : memref<16x256xf32, #tpu.memory_space<vmem>>)
      %dma_wait3A_731 = arith.constant 192 : i32
      %dma_wait3A_732 = arith.constant 0 : i32
      %dma_wait3A_733 = tpu.memref_slice %arg9[%dma_wait3A_731, %dma_wait3A_732] : memref<208x256xf32, #tpu.memory_space<vmem>> -> memref<16x256xf32, #tpu.memory_space<vmem>>
      %dma_wait3A_734 = arith.constant 192 : i32
      %dma_wait3A_735 = tpu.memref_slice %arg8[%dma_wait3A_734] : memref<208xi32, #tpu.memory_space<vmem>> -> memref<16xi32, #tpu.memory_space<vmem>>
      %dma_wait3A_736 = arith.constant 0 : i32
      %dma_wait3A_737 = arith.constant 0 : i32
      %dma_wait3A_738 = tpu.memref_slice %arg2[%dma_wait3A_736, %dma_wait3A_737] : memref<4096x256xf32, #tpu.memory_space<hbm>> -> memref<4096x256xf32, #tpu.memory_space<hbm>>
      tpu.wait_indirect_dma semaphore(%arg12 : memref<!tpu.dma_semaphore, #tpu.memory_space<semaphore_mem>>) src(%dma_wait3A_738 : memref<4096x256xf32, #tpu.memory_space<hbm>>) dst(%dma_wait3A_733 : memref<16x256xf32, #tpu.memory_space<vmem>>)
      %parallel_loop3A = arith.constant 0 : i32
      %parallel_loop3A_739 = arith.constant 49 : i32
      %parallel_loop3A_740 = arith.constant 1 : i32
      scf.for %parallel_loop3A_742 = %parallel_loop3A to %parallel_loop3A_739 step %parallel_loop3A_740  : i32 {
        %parallel_loop3A_743 = arith.constant 0 : i32
        %parallel_loop3A_744 = arith.index_cast %parallel_loop3A_743 : i32 to index
        %parallel_loop3A_745 = arith.index_cast %parallel_loop3A_742 : i32 to index
        %parallel_loop3A_746 = tpu.vector_load %arg11[%parallel_loop3A_744, %parallel_loop3A_745] {strides = array<i32>} : memref<4x64xf32, #tpu.memory_space<vmem>>, vector<16xf32>,
        %parallel_loop3A_747 = vector.extract_strided_slice %parallel_loop3A_746 {offsets = [0], sizes = [1], strides = [1]} : vector<16xf32> to vector<1xf32>
        %parallel_loop3A_748 = vector.extract %parallel_loop3A_747[0] : f32 from vector<1xf32>
        %parallel_loop3A_749 = vector.broadcast %parallel_loop3A_748 : f32 to vector<16xf32>
        %parallel_loop3A_750 = arith.constant 1 : i32
        %parallel_loop3A_751 = arith.index_cast %parallel_loop3A_750 : i32 to index
        %parallel_loop3A_752 = arith.index_cast %parallel_loop3A_742 : i32 to index
        %parallel_loop3A_753 = tpu.vector_load %arg11[%parallel_loop3A_751, %parallel_loop3A_752] {strides = array<i32>} : memref<4x64xf32, #tpu.memory_space<vmem>>, vector<16xf32>,
        %parallel_loop3A_754 = vector.extract_strided_slice %parallel_loop3A_753 {offsets = [0], sizes = [1], strides = [1]} : vector<16xf32> to vector<1xf32>
        %parallel_loop3A_755 = vector.extract %parallel_loop3A_754[0] : f32 from vector<1xf32>
        %parallel_loop3A_756 = vector.broadcast %parallel_loop3A_755 : f32 to vector<16xf32>
        %parallel_loop3A_757 = arith.constant 2 : i32
        %parallel_loop3A_758 = arith.index_cast %parallel_loop3A_757 : i32 to index
        %parallel_loop3A_759 = arith.index_cast %parallel_loop3A_742 : i32 to index
        %parallel_loop3A_760 = tpu.vector_load %arg11[%parallel_loop3A_758, %parallel_loop3A_759] {strides = array<i32>} : memref<4x64xf32, #tpu.memory_space<vmem>>, vector<16xf32>,
        %parallel_loop3A_761 = vector.extract_strided_slice %parallel_loop3A_760 {offsets = [0], sizes = [1], strides = [1]} : vector<16xf32> to vector<1xf32>
        %parallel_loop3A_762 = vector.extract %parallel_loop3A_761[0] : f32 from vector<1xf32>
        %parallel_loop3A_763 = vector.broadcast %parallel_loop3A_762 : f32 to vector<16xf32>
        %parallel_loop3A_764 = arith.constant 3 : i32
        %parallel_loop3A_765 = arith.index_cast %parallel_loop3A_764 : i32 to index
        %parallel_loop3A_766 = arith.index_cast %parallel_loop3A_742 : i32 to index
        %parallel_loop3A_767 = tpu.vector_load %arg11[%parallel_loop3A_765, %parallel_loop3A_766] {strides = array<i32>} : memref<4x64xf32, #tpu.memory_space<vmem>>, vector<16xf32>,
        %parallel_loop3A_768 = vector.extract_strided_slice %parallel_loop3A_767 {offsets = [0], sizes = [1], strides = [1]} : vector<16xf32> to vector<1xf32>
        %parallel_loop3A_769 = vector.extract %parallel_loop3A_768[0] : f32 from vector<1xf32>
        %parallel_loop3A_770 = vector.broadcast %parallel_loop3A_769 : f32 to vector<16xf32>
        %parallel_loop3A_771 = arith.index_cast %parallel_loop3A_742 : i32 to index
        %parallel_loop3A_772 = arith.constant 0 : index
        %parallel_loop3A_773 = tpu.vector_load %arg9[%parallel_loop3A_771, %parallel_loop3A_772] {strides = array<i32>} : memref<208x256xf32, #tpu.memory_space<vmem>>, vector<16xf32>,
        %parallel_loop3A_774 = arith.mulf %parallel_loop3A_749, %parallel_loop3A_773 : vector<16xf32>
        %parallel_loop3A_775 = arith.constant 52 : i32
        %parallel_loop3A_776 = arith.addi %parallel_loop3A_742, %parallel_loop3A_775 : i32
        %parallel_loop3A_777 = arith.index_cast %parallel_loop3A_776 : i32 to index
        %parallel_loop3A_778 = arith.constant 0 : index
        %parallel_loop3A_779 = tpu.vector_load %arg9[%parallel_loop3A_777, %parallel_loop3A_778] {strides = array<i32>} : memref<208x256xf32, #tpu.memory_space<vmem>>, vector<16xf32>,
        %parallel_loop3A_780 = arith.mulf %parallel_loop3A_756, %parallel_loop3A_779 : vector<16xf32>
        %parallel_loop3A_781 = arith.addf %parallel_loop3A_774, %parallel_loop3A_780 : vector<16xf32>
        %parallel_loop3A_782 = arith.constant 104 : i32
        %parallel_loop3A_783 = arith.addi %parallel_loop3A_742, %parallel_loop3A_782 : i32
        %parallel_loop3A_784 = arith.index_cast %parallel_loop3A_783 : i32 to index
        %parallel_loop3A_785 = arith.constant 0 : index
        %parallel_loop3A_786 = tpu.vector_load %arg9[%parallel_loop3A_784, %parallel_loop3A_785] {strides = array<i32>} : memref<208x256xf32, #tpu.memory_space<vmem>>, vector<16xf32>,
        %parallel_loop3A_787 = arith.mulf %parallel_loop3A_763, %parallel_loop3A_786 : vector<16xf32>
        %parallel_loop3A_788 = arith.addf %parallel_loop3A_781, %parallel_loop3A_787 : vector<16xf32>
        %parallel_loop3A_789 = arith.constant 156 : i32
        %parallel_loop3A_790 = arith.addi %parallel_loop3A_742, %parallel_loop3A_789 : i32
        %parallel_loop3A_791 = arith.index_cast %parallel_loop3A_790 : i32 to index
        %parallel_loop3A_792 = arith.constant 0 : index
        %parallel_loop3A_793 = tpu.vector_load %arg9[%parallel_loop3A_791, %parallel_loop3A_792] {strides = array<i32>} : memref<208x256xf32, #tpu.memory_space<vmem>>, vector<16xf32>,
        %parallel_loop3A_794 = arith.mulf %parallel_loop3A_770, %parallel_loop3A_793 : vector<16xf32>
        %parallel_loop3A_795 = arith.addf %parallel_loop3A_788, %parallel_loop3A_794 : vector<16xf32>
        %parallel_loop3A_796 = arith.constant 0 : i32
        %parallel_loop3A_797 = arith.addi %parallel_loop3A_796, %parallel_loop3A_742 : i32
        %parallel_loop3A_798 = vector.broadcast %parallel_loop3A_797 : i32 to vector<16xi32>
        %parallel_loop3A_799 = arith.addi %mul3A_34, %parallel_loop3A_798 : vector<16xi32>
        tpu.vector_store_idx %arg10[%parallel_loop3A_799], %parallel_loop3A_795 : memref<12544xf32, #tpu.memory_space<vmem>>[vector<16xi32>], vector<16xf32>,
        %parallel_loop3A_800 = arith.index_cast %parallel_loop3A_742 : i32 to index
        %parallel_loop3A_801 = arith.constant 16 : index
        %parallel_loop3A_802 = tpu.vector_load %arg9[%parallel_loop3A_800, %parallel_loop3A_801] {strides = array<i32>} : memref<208x256xf32, #tpu.memory_space<vmem>>, vector<16xf32>,
        %parallel_loop3A_803 = arith.mulf %parallel_loop3A_749, %parallel_loop3A_802 : vector<16xf32>
        %parallel_loop3A_804 = arith.constant 52 : i32
        %parallel_loop3A_805 = arith.addi %parallel_loop3A_742, %parallel_loop3A_804 : i32
        %parallel_loop3A_806 = arith.index_cast %parallel_loop3A_805 : i32 to index
        %parallel_loop3A_807 = arith.constant 16 : index
        %parallel_loop3A_808 = tpu.vector_load %arg9[%parallel_loop3A_806, %parallel_loop3A_807] {strides = array<i32>} : memref<208x256xf32, #tpu.memory_space<vmem>>, vector<16xf32>,
        %parallel_loop3A_809 = arith.mulf %parallel_loop3A_756, %parallel_loop3A_808 : vector<16xf32>
        %parallel_loop3A_810 = arith.addf %parallel_loop3A_803, %parallel_loop3A_809 : vector<16xf32>
        %parallel_loop3A_811 = arith.constant 104 : i32
        %parallel_loop3A_812 = arith.addi %parallel_loop3A_742, %parallel_loop3A_811 : i32
        %parallel_loop3A_813 = arith.index_cast %parallel_loop3A_812 : i32 to index
        %parallel_loop3A_814 = arith.constant 16 : index
        %parallel_loop3A_815 = tpu.vector_load %arg9[%parallel_loop3A_813, %parallel_loop3A_814] {strides = array<i32>} : memref<208x256xf32, #tpu.memory_space<vmem>>, vector<16xf32>,
        %parallel_loop3A_816 = arith.mulf %parallel_loop3A_763, %parallel_loop3A_815 : vector<16xf32>
        %parallel_loop3A_817 = arith.addf %parallel_loop3A_810, %parallel_loop3A_816 : vector<16xf32>
        %parallel_loop3A_818 = arith.constant 156 : i32
        %parallel_loop3A_819 = arith.addi %parallel_loop3A_742, %parallel_loop3A_818 : i32
        %parallel_loop3A_820 = arith.index_cast %parallel_loop3A_819 : i32 to index
        %parallel_loop3A_821 = arith.constant 16 : index
        %parallel_loop3A_822 = tpu.vector_load %arg9[%parallel_loop3A_820, %parallel_loop3A_821] {strides = array<i32>} : memref<208x256xf32, #tpu.memory_space<vmem>>, vector<16xf32>,
        %parallel_loop3A_823 = arith.mulf %parallel_loop3A_770, %parallel_loop3A_822 : vector<16xf32>
        %parallel_loop3A_824 = arith.addf %parallel_loop3A_817, %parallel_loop3A_823 : vector<16xf32>
        %parallel_loop3A_825 = arith.constant 784 : i32
        %parallel_loop3A_826 = arith.addi %parallel_loop3A_825, %parallel_loop3A_742 : i32
        %parallel_loop3A_827 = vector.broadcast %parallel_loop3A_826 : i32 to vector<16xi32>
        %parallel_loop3A_828 = arith.addi %mul3A_34, %parallel_loop3A_827 : vector<16xi32>
        tpu.vector_store_idx %arg10[%parallel_loop3A_828], %parallel_loop3A_824 : memref<12544xf32, #tpu.memory_space<vmem>>[vector<16xi32>], vector<16xf32>,
        %parallel_loop3A_829 = arith.index_cast %parallel_loop3A_742 : i32 to index
        %parallel_loop3A_830 = arith.constant 32 : index
        %parallel_loop3A_831 = tpu.vector_load %arg9[%parallel_loop3A_829, %parallel_loop3A_830] {strides = array<i32>} : memref<208x256xf32, #tpu.memory_space<vmem>>, vector<16xf32>,
        %parallel_loop3A_832 = arith.mulf %parallel_loop3A_749, %parallel_loop3A_831 : vector<16xf32>
        %parallel_loop3A_833 = arith.constant 52 : i32
        %parallel_loop3A_834 = arith.addi %parallel_loop3A_742, %parallel_loop3A_833 : i32
        %parallel_loop3A_835 = arith.index_cast %parallel_loop3A_834 : i32 to index
        %parallel_loop3A_836 = arith.constant 32 : index
        %parallel_loop3A_837 = tpu.vector_load %arg9[%parallel_loop3A_835, %parallel_loop3A_836] {strides = array<i32>} : memref<208x256xf32, #tpu.memory_space<vmem>>, vector<16xf32>,
        %parallel_loop3A_838 = arith.mulf %parallel_loop3A_756, %parallel_loop3A_837 : vector<16xf32>
        %parallel_loop3A_839 = arith.addf %parallel_loop3A_832, %parallel_loop3A_838 : vector<16xf32>
        %parallel_loop3A_840 = arith.constant 104 : i32
        %parallel_loop3A_841 = arith.addi %parallel_loop3A_742, %parallel_loop3A_840 : i32
        %parallel_loop3A_842 = arith.index_cast %parallel_loop3A_841 : i32 to index
        %parallel_loop3A_843 = arith.constant 32 : index
        %parallel_loop3A_844 = tpu.vector_load %arg9[%parallel_loop3A_842, %parallel_loop3A_843] {strides = array<i32>} : memref<208x256xf32, #tpu.memory_space<vmem>>, vector<16xf32>,
        %parallel_loop3A_845 = arith.mulf %parallel_loop3A_763, %parallel_loop3A_844 : vector<16xf32>
        %parallel_loop3A_846 = arith.addf %parallel_loop3A_839, %parallel_loop3A_845 : vector<16xf32>
        %parallel_loop3A_847 = arith.constant 156 : i32
        %parallel_loop3A_848 = arith.addi %parallel_loop3A_742, %parallel_loop3A_847 : i32
        %parallel_loop3A_849 = arith.index_cast %parallel_loop3A_848 : i32 to index
        %parallel_loop3A_850 = arith.constant 32 : index
        %parallel_loop3A_851 = tpu.vector_load %arg9[%parallel_loop3A_849, %parallel_loop3A_850] {strides = array<i32>} : memref<208x256xf32, #tpu.memory_space<vmem>>, vector<16xf32>,
        %parallel_loop3A_852 = arith.mulf %parallel_loop3A_770, %parallel_loop3A_851 : vector<16xf32>
        %parallel_loop3A_853 = arith.addf %parallel_loop3A_846, %parallel_loop3A_852 : vector<16xf32>
        %parallel_loop3A_854 = arith.constant 1568 : i32
        %parallel_loop3A_855 = arith.addi %parallel_loop3A_854, %parallel_loop3A_742 : i32
        %parallel_loop3A_856 = vector.broadcast %parallel_loop3A_855 : i32 to vector<16xi32>
        %parallel_loop3A_857 = arith.addi %mul3A_34, %parallel_loop3A_856 : vector<16xi32>
        tpu.vector_store_idx %arg10[%parallel_loop3A_857], %parallel_loop3A_853 : memref<12544xf32, #tpu.memory_space<vmem>>[vector<16xi32>], vector<16xf32>,
        %parallel_loop3A_858 = arith.index_cast %parallel_loop3A_742 : i32 to index
        %parallel_loop3A_859 = arith.constant 48 : index
        %parallel_loop3A_860 = tpu.vector_load %arg9[%parallel_loop3A_858, %parallel_loop3A_859] {strides = array<i32>} : memref<208x256xf32, #tpu.memory_space<vmem>>, vector<16xf32>,
        %parallel_loop3A_861 = arith.mulf %parallel_loop3A_749, %parallel_loop3A_860 : vector<16xf32>
        %parallel_loop3A_862 = arith.constant 52 : i32
        %parallel_loop3A_863 = arith.addi %parallel_loop3A_742, %parallel_loop3A_862 : i32
        %parallel_loop3A_864 = arith.index_cast %parallel_loop3A_863 : i32 to index
        %parallel_loop3A_865 = arith.constant 48 : index
        %parallel_loop3A_866 = tpu.vector_load %arg9[%parallel_loop3A_864, %parallel_loop3A_865] {strides = array<i32>} : memref<208x256xf32, #tpu.memory_space<vmem>>, vector<16xf32>,
        %parallel_loop3A_867 = arith.mulf %parallel_loop3A_756, %parallel_loop3A_866 : vector<16xf32>
        %parallel_loop3A_868 = arith.addf %parallel_loop3A_861, %parallel_loop3A_867 : vector<16xf32>
        %parallel_loop3A_869 = arith.constant 104 : i32
        %parallel_loop3A_870 = arith.addi %parallel_loop3A_742, %parallel_loop3A_869 : i32
        %parallel_loop3A_871 = arith.index_cast %parallel_loop3A_870 : i32 to index
        %parallel_loop3A_872 = arith.constant 48 : index
        %parallel_loop3A_873 = tpu.vector_load %arg9[%parallel_loop3A_871, %parallel_loop3A_872] {strides = array<i32>} : memref<208x256xf32, #tpu.memory_space<vmem>>, vector<16xf32>,
        %parallel_loop3A_874 = arith.mulf %parallel_loop3A_763, %parallel_loop3A_873 : vector<16xf32>
        %parallel_loop3A_875 = arith.addf %parallel_loop3A_868, %parallel_loop3A_874 : vector<16xf32>
        %parallel_loop3A_876 = arith.constant 156 : i32
        %parallel_loop3A_877 = arith.addi %parallel_loop3A_742, %parallel_loop3A_876 : i32
        %parallel_loop3A_878 = arith.index_cast %parallel_loop3A_877 : i32 to index
        %parallel_loop3A_879 = arith.constant 48 : index
        %parallel_loop3A_880 = tpu.vector_load %arg9[%parallel_loop3A_878, %parallel_loop3A_879] {strides = array<i32>} : memref<208x256xf32, #tpu.memory_space<vmem>>, vector<16xf32>,
        %parallel_loop3A_881 = arith.mulf %parallel_loop3A_770, %parallel_loop3A_880 : vector<16xf32>
        %parallel_loop3A_882 = arith.addf %parallel_loop3A_875, %parallel_loop3A_881 : vector<16xf32>
        %parallel_loop3A_883 = arith.constant 2352 : i32
        %parallel_loop3A_884 = arith.addi %parallel_loop3A_883, %parallel_loop3A_742 : i32
        %parallel_loop3A_885 = vector.broadcast %parallel_loop3A_884 : i32 to vector<16xi32>
        %parallel_loop3A_886 = arith.addi %mul3A_34, %parallel_loop3A_885 : vector<16xi32>
        tpu.vector_store_idx %arg10[%parallel_loop3A_886], %parallel_loop3A_882 : memref<12544xf32, #tpu.memory_space<vmem>>[vector<16xi32>], vector<16xf32>,
        %parallel_loop3A_887 = arith.index_cast %parallel_loop3A_742 : i32 to index
        %parallel_loop3A_888 = arith.constant 64 : index
        %parallel_loop3A_889 = tpu.vector_load %arg9[%parallel_loop3A_887, %parallel_loop3A_888] {strides = array<i32>} : memref<208x256xf32, #tpu.memory_space<vmem>>, vector<16xf32>,
        %parallel_loop3A_890 = arith.mulf %parallel_loop3A_749, %parallel_loop3A_889 : vector<16xf32>
        %parallel_loop3A_891 = arith.constant 52 : i32
        %parallel_loop3A_892 = arith.addi %parallel_loop3A_742, %parallel_loop3A_891 : i32
        %parallel_loop3A_893 = arith.index_cast %parallel_loop3A_892 : i32 to index
        %parallel_loop3A_894 = arith.constant 64 : index
        %parallel_loop3A_895 = tpu.vector_load %arg9[%parallel_loop3A_893, %parallel_loop3A_894] {strides = array<i32>} : memref<208x256xf32, #tpu.memory_space<vmem>>, vector<16xf32>,
        %parallel_loop3A_896 = arith.mulf %parallel_loop3A_756, %parallel_loop3A_895 : vector<16xf32>
        %parallel_loop3A_897 = arith.addf %parallel_loop3A_890, %parallel_loop3A_896 : vector<16xf32>
        %parallel_loop3A_898 = arith.constant 104 : i32
        %parallel_loop3A_899 = arith.addi %parallel_loop3A_742, %parallel_loop3A_898 : i32
        %parallel_loop3A_900 = arith.index_cast %parallel_loop3A_899 : i32 to index
        %parallel_loop3A_901 = arith.constant 64 : index
        %parallel_loop3A_902 = tpu.vector_load %arg9[%parallel_loop3A_900, %parallel_loop3A_901] {strides = array<i32>} : memref<208x256xf32, #tpu.memory_space<vmem>>, vector<16xf32>,
        %parallel_loop3A_903 = arith.mulf %parallel_loop3A_763, %parallel_loop3A_902 : vector<16xf32>
        %parallel_loop3A_904 = arith.addf %parallel_loop3A_897, %parallel_loop3A_903 : vector<16xf32>
        %parallel_loop3A_905 = arith.constant 156 : i32
        %parallel_loop3A_906 = arith.addi %parallel_loop3A_742, %parallel_loop3A_905 : i32
        %parallel_loop3A_907 = arith.index_cast %parallel_loop3A_906 : i32 to index
        %parallel_loop3A_908 = arith.constant 64 : index
        %parallel_loop3A_909 = tpu.vector_load %arg9[%parallel_loop3A_907, %parallel_loop3A_908] {strides = array<i32>} : memref<208x256xf32, #tpu.memory_space<vmem>>, vector<16xf32>,
        %parallel_loop3A_910 = arith.mulf %parallel_loop3A_770, %parallel_loop3A_909 : vector<16xf32>
        %parallel_loop3A_911 = arith.addf %parallel_loop3A_904, %parallel_loop3A_910 : vector<16xf32>
        %parallel_loop3A_912 = arith.constant 3136 : i32
        %parallel_loop3A_913 = arith.addi %parallel_loop3A_912, %parallel_loop3A_742 : i32
        %parallel_loop3A_914 = vector.broadcast %parallel_loop3A_913 : i32 to vector<16xi32>
        %parallel_loop3A_915 = arith.addi %mul3A_34, %parallel_loop3A_914 : vector<16xi32>
        tpu.vector_store_idx %arg10[%parallel_loop3A_915], %parallel_loop3A_911 : memref<12544xf32, #tpu.memory_space<vmem>>[vector<16xi32>], vector<16xf32>,
        %parallel_loop3A_916 = arith.index_cast %parallel_loop3A_742 : i32 to index
        %parallel_loop3A_917 = arith.constant 80 : index
        %parallel_loop3A_918 = tpu.vector_load %arg9[%parallel_loop3A_916, %parallel_loop3A_917] {strides = array<i32>} : memref<208x256xf32, #tpu.memory_space<vmem>>, vector<16xf32>,
        %parallel_loop3A_919 = arith.mulf %parallel_loop3A_749, %parallel_loop3A_918 : vector<16xf32>
        %parallel_loop3A_920 = arith.constant 52 : i32
        %parallel_loop3A_921 = arith.addi %parallel_loop3A_742, %parallel_loop3A_920 : i32
        %parallel_loop3A_922 = arith.index_cast %parallel_loop3A_921 : i32 to index
        %parallel_loop3A_923 = arith.constant 80 : index
        %parallel_loop3A_924 = tpu.vector_load %arg9[%parallel_loop3A_922, %parallel_loop3A_923] {strides = array<i32>} : memref<208x256xf32, #tpu.memory_space<vmem>>, vector<16xf32>,
        %parallel_loop3A_925 = arith.mulf %parallel_loop3A_756, %parallel_loop3A_924 : vector<16xf32>
        %parallel_loop3A_926 = arith.addf %parallel_loop3A_919, %parallel_loop3A_925 : vector<16xf32>
        %parallel_loop3A_927 = arith.constant 104 : i32
        %parallel_loop3A_928 = arith.addi %parallel_loop3A_742, %parallel_loop3A_927 : i32
        %parallel_loop3A_929 = arith.index_cast %parallel_loop3A_928 : i32 to index
        %parallel_loop3A_930 = arith.constant 80 : index
        %parallel_loop3A_931 = tpu.vector_load %arg9[%parallel_loop3A_929, %parallel_loop3A_930] {strides = array<i32>} : memref<208x256xf32, #tpu.memory_space<vmem>>, vector<16xf32>,
        %parallel_loop3A_932 = arith.mulf %parallel_loop3A_763, %parallel_loop3A_931 : vector<16xf32>
        %parallel_loop3A_933 = arith.addf %parallel_loop3A_926, %parallel_loop3A_932 : vector<16xf32>
        %parallel_loop3A_934 = arith.constant 156 : i32
        %parallel_loop3A_935 = arith.addi %parallel_loop3A_742, %parallel_loop3A_934 : i32
        %parallel_loop3A_936 = arith.index_cast %parallel_loop3A_935 : i32 to index
        %parallel_loop3A_937 = arith.constant 80 : index
        %parallel_loop3A_938 = tpu.vector_load %arg9[%parallel_loop3A_936, %parallel_loop3A_937] {strides = array<i32>} : memref<208x256xf32, #tpu.memory_space<vmem>>, vector<16xf32>,
        %parallel_loop3A_939 = arith.mulf %parallel_loop3A_770, %parallel_loop3A_938 : vector<16xf32>
        %parallel_loop3A_940 = arith.addf %parallel_loop3A_933, %parallel_loop3A_939 : vector<16xf32>
        %parallel_loop3A_941 = arith.constant 3920 : i32
        %parallel_loop3A_942 = arith.addi %parallel_loop3A_941, %parallel_loop3A_742 : i32
        %parallel_loop3A_943 = vector.broadcast %parallel_loop3A_942 : i32 to vector<16xi32>
        %parallel_loop3A_944 = arith.addi %mul3A_34, %parallel_loop3A_943 : vector<16xi32>
        tpu.vector_store_idx %arg10[%parallel_loop3A_944], %parallel_loop3A_940 : memref<12544xf32, #tpu.memory_space<vmem>>[vector<16xi32>], vector<16xf32>,
        %parallel_loop3A_945 = arith.index_cast %parallel_loop3A_742 : i32 to index
        %parallel_loop3A_946 = arith.constant 96 : index
        %parallel_loop3A_947 = tpu.vector_load %arg9[%parallel_loop3A_945, %parallel_loop3A_946] {strides = array<i32>} : memref<208x256xf32, #tpu.memory_space<vmem>>, vector<16xf32>,
        %parallel_loop3A_948 = arith.mulf %parallel_loop3A_749, %parallel_loop3A_947 : vector<16xf32>
        %parallel_loop3A_949 = arith.constant 52 : i32
        %parallel_loop3A_950 = arith.addi %parallel_loop3A_742, %parallel_loop3A_949 : i32
        %parallel_loop3A_951 = arith.index_cast %parallel_loop3A_950 : i32 to index
        %parallel_loop3A_952 = arith.constant 96 : index
        %parallel_loop3A_953 = tpu.vector_load %arg9[%parallel_loop3A_951, %parallel_loop3A_952] {strides = array<i32>} : memref<208x256xf32, #tpu.memory_space<vmem>>, vector<16xf32>,
        %parallel_loop3A_954 = arith.mulf %parallel_loop3A_756, %parallel_loop3A_953 : vector<16xf32>
        %parallel_loop3A_955 = arith.addf %parallel_loop3A_948, %parallel_loop3A_954 : vector<16xf32>
        %parallel_loop3A_956 = arith.constant 104 : i32
        %parallel_loop3A_957 = arith.addi %parallel_loop3A_742, %parallel_loop3A_956 : i32
        %parallel_loop3A_958 = arith.index_cast %parallel_loop3A_957 : i32 to index
        %parallel_loop3A_959 = arith.constant 96 : index
        %parallel_loop3A_960 = tpu.vector_load %arg9[%parallel_loop3A_958, %parallel_loop3A_959] {strides = array<i32>} : memref<208x256xf32, #tpu.memory_space<vmem>>, vector<16xf32>,
        %parallel_loop3A_961 = arith.mulf %parallel_loop3A_763, %parallel_loop3A_960 : vector<16xf32>
        %parallel_loop3A_962 = arith.addf %parallel_loop3A_955, %parallel_loop3A_961 : vector<16xf32>
        %parallel_loop3A_963 = arith.constant 156 : i32
        %parallel_loop3A_964 = arith.addi %parallel_loop3A_742, %parallel_loop3A_963 : i32
        %parallel_loop3A_965 = arith.index_cast %parallel_loop3A_964 : i32 to index
        %parallel_loop3A_966 = arith.constant 96 : index
        %parallel_loop3A_967 = tpu.vector_load %arg9[%parallel_loop3A_965, %parallel_loop3A_966] {strides = array<i32>} : memref<208x256xf32, #tpu.memory_space<vmem>>, vector<16xf32>,
        %parallel_loop3A_968 = arith.mulf %parallel_loop3A_770, %parallel_loop3A_967 : vector<16xf32>
        %parallel_loop3A_969 = arith.addf %parallel_loop3A_962, %parallel_loop3A_968 : vector<16xf32>
        %parallel_loop3A_970 = arith.constant 4704 : i32
        %parallel_loop3A_971 = arith.addi %parallel_loop3A_970, %parallel_loop3A_742 : i32
        %parallel_loop3A_972 = vector.broadcast %parallel_loop3A_971 : i32 to vector<16xi32>
        %parallel_loop3A_973 = arith.addi %mul3A_34, %parallel_loop3A_972 : vector<16xi32>
        tpu.vector_store_idx %arg10[%parallel_loop3A_973], %parallel_loop3A_969 : memref<12544xf32, #tpu.memory_space<vmem>>[vector<16xi32>], vector<16xf32>,
        %parallel_loop3A_974 = arith.index_cast %parallel_loop3A_742 : i32 to index
        %parallel_loop3A_975 = arith.constant 112 : index
        %parallel_loop3A_976 = tpu.vector_load %arg9[%parallel_loop3A_974, %parallel_loop3A_975] {strides = array<i32>} : memref<208x256xf32, #tpu.memory_space<vmem>>, vector<16xf32>,
        %parallel_loop3A_977 = arith.mulf %parallel_loop3A_749, %parallel_loop3A_976 : vector<16xf32>
        %parallel_loop3A_978 = arith.constant 52 : i32
        %parallel_loop3A_979 = arith.addi %parallel_loop3A_742, %parallel_loop3A_978 : i32
        %parallel_loop3A_980 = arith.index_cast %parallel_loop3A_979 : i32 to index
        %parallel_loop3A_981 = arith.constant 112 : index
        %parallel_loop3A_982 = tpu.vector_load %arg9[%parallel_loop3A_980, %parallel_loop3A_981] {strides = array<i32>} : memref<208x256xf32, #tpu.memory_space<vmem>>, vector<16xf32>,
        %parallel_loop3A_983 = arith.mulf %parallel_loop3A_756, %parallel_loop3A_982 : vector<16xf32>
        %parallel_loop3A_984 = arith.addf %parallel_loop3A_977, %parallel_loop3A_983 : vector<16xf32>
        %parallel_loop3A_985 = arith.constant 104 : i32
        %parallel_loop3A_986 = arith.addi %parallel_loop3A_742, %parallel_loop3A_985 : i32
        %parallel_loop3A_987 = arith.index_cast %parallel_loop3A_986 : i32 to index
        %parallel_loop3A_988 = arith.constant 112 : index
        %parallel_loop3A_989 = tpu.vector_load %arg9[%parallel_loop3A_987, %parallel_loop3A_988] {strides = array<i32>} : memref<208x256xf32, #tpu.memory_space<vmem>>, vector<16xf32>,
        %parallel_loop3A_990 = arith.mulf %parallel_loop3A_763, %parallel_loop3A_989 : vector<16xf32>
        %parallel_loop3A_991 = arith.addf %parallel_loop3A_984, %parallel_loop3A_990 : vector<16xf32>
        %parallel_loop3A_992 = arith.constant 156 : i32
        %parallel_loop3A_993 = arith.addi %parallel_loop3A_742, %parallel_loop3A_992 : i32
        %parallel_loop3A_994 = arith.index_cast %parallel_loop3A_993 : i32 to index
        %parallel_loop3A_995 = arith.constant 112 : index
        %parallel_loop3A_996 = tpu.vector_load %arg9[%parallel_loop3A_994, %parallel_loop3A_995] {strides = array<i32>} : memref<208x256xf32, #tpu.memory_space<vmem>>, vector<16xf32>,
        %parallel_loop3A_997 = arith.mulf %parallel_loop3A_770, %parallel_loop3A_996 : vector<16xf32>
        %parallel_loop3A_998 = arith.addf %parallel_loop3A_991, %parallel_loop3A_997 : vector<16xf32>
        %parallel_loop3A_999 = arith.constant 5488 : i32
        %parallel_loop3A_1000 = arith.addi %parallel_loop3A_999, %parallel_loop3A_742 : i32
        %parallel_loop3A_1001 = vector.broadcast %parallel_loop3A_1000 : i32 to vector<16xi32>
        %parallel_loop3A_1002 = arith.addi %mul3A_34, %parallel_loop3A_1001 : vector<16xi32>
        tpu.vector_store_idx %arg10[%parallel_loop3A_1002], %parallel_loop3A_998 : memref<12544xf32, #tpu.memory_space<vmem>>[vector<16xi32>], vector<16xf32>,
        %parallel_loop3A_1003 = arith.index_cast %parallel_loop3A_742 : i32 to index
        %parallel_loop3A_1004 = arith.constant 128 : index
        %parallel_loop3A_1005 = tpu.vector_load %arg9[%parallel_loop3A_1003, %parallel_loop3A_1004] {strides = array<i32>} : memref<208x256xf32, #tpu.memory_space<vmem>>, vector<16xf32>,
        %parallel_loop3A_1006 = arith.mulf %parallel_loop3A_749, %parallel_loop3A_1005 : vector<16xf32>
        %parallel_loop3A_1007 = arith.constant 52 : i32
        %parallel_loop3A_1008 = arith.addi %parallel_loop3A_742, %parallel_loop3A_1007 : i32
        %parallel_loop3A_1009 = arith.index_cast %parallel_loop3A_1008 : i32 to index
        %parallel_loop3A_1010 = arith.constant 128 : index
        %parallel_loop3A_1011 = tpu.vector_load %arg9[%parallel_loop3A_1009, %parallel_loop3A_1010] {strides = array<i32>} : memref<208x256xf32, #tpu.memory_space<vmem>>, vector<16xf32>,
        %parallel_loop3A_1012 = arith.mulf %parallel_loop3A_756, %parallel_loop3A_1011 : vector<16xf32>
        %parallel_loop3A_1013 = arith.addf %parallel_loop3A_1006, %parallel_loop3A_1012 : vector<16xf32>
        %parallel_loop3A_1014 = arith.constant 104 : i32
        %parallel_loop3A_1015 = arith.addi %parallel_loop3A_742, %parallel_loop3A_1014 : i32
        %parallel_loop3A_1016 = arith.index_cast %parallel_loop3A_1015 : i32 to index
        %parallel_loop3A_1017 = arith.constant 128 : index
        %parallel_loop3A_1018 = tpu.vector_load %arg9[%parallel_loop3A_1016, %parallel_loop3A_1017] {strides = array<i32>} : memref<208x256xf32, #tpu.memory_space<vmem>>, vector<16xf32>,
        %parallel_loop3A_1019 = arith.mulf %parallel_loop3A_763, %parallel_loop3A_1018 : vector<16xf32>
        %parallel_loop3A_1020 = arith.addf %parallel_loop3A_1013, %parallel_loop3A_1019 : vector<16xf32>
        %parallel_loop3A_1021 = arith.constant 156 : i32
        %parallel_loop3A_1022 = arith.addi %parallel_loop3A_742, %parallel_loop3A_1021 : i32
        %parallel_loop3A_1023 = arith.index_cast %parallel_loop3A_1022 : i32 to index
        %parallel_loop3A_1024 = arith.constant 128 : index
        %parallel_loop3A_1025 = tpu.vector_load %arg9[%parallel_loop3A_1023, %parallel_loop3A_1024] {strides = array<i32>} : memref<208x256xf32, #tpu.memory_space<vmem>>, vector<16xf32>,
        %parallel_loop3A_1026 = arith.mulf %parallel_loop3A_770, %parallel_loop3A_1025 : vector<16xf32>
        %parallel_loop3A_1027 = arith.addf %parallel_loop3A_1020, %parallel_loop3A_1026 : vector<16xf32>
        %parallel_loop3A_1028 = arith.constant 6272 : i32
        %parallel_loop3A_1029 = arith.addi %parallel_loop3A_1028, %parallel_loop3A_742 : i32
        %parallel_loop3A_1030 = vector.broadcast %parallel_loop3A_1029 : i32 to vector<16xi32>
        %parallel_loop3A_1031 = arith.addi %mul3A_34, %parallel_loop3A_1030 : vector<16xi32>
        tpu.vector_store_idx %arg10[%parallel_loop3A_1031], %parallel_loop3A_1027 : memref<12544xf32, #tpu.memory_space<vmem>>[vector<16xi32>], vector<16xf32>,
        %parallel_loop3A_1032 = arith.index_cast %parallel_loop3A_742 : i32 to index
        %parallel_loop3A_1033 = arith.constant 144 : index
        %parallel_loop3A_1034 = tpu.vector_load %arg9[%parallel_loop3A_1032, %parallel_loop3A_1033] {strides = array<i32>} : memref<208x256xf32, #tpu.memory_space<vmem>>, vector<16xf32>,
        %parallel_loop3A_1035 = arith.mulf %parallel_loop3A_749, %parallel_loop3A_1034 : vector<16xf32>
        %parallel_loop3A_1036 = arith.constant 52 : i32
        %parallel_loop3A_1037 = arith.addi %parallel_loop3A_742, %parallel_loop3A_1036 : i32
        %parallel_loop3A_1038 = arith.index_cast %parallel_loop3A_1037 : i32 to index
        %parallel_loop3A_1039 = arith.constant 144 : index
        %parallel_loop3A_1040 = tpu.vector_load %arg9[%parallel_loop3A_1038, %parallel_loop3A_1039] {strides = array<i32>} : memref<208x256xf32, #tpu.memory_space<vmem>>, vector<16xf32>,
        %parallel_loop3A_1041 = arith.mulf %parallel_loop3A_756, %parallel_loop3A_1040 : vector<16xf32>
        %parallel_loop3A_1042 = arith.addf %parallel_loop3A_1035, %parallel_loop3A_1041 : vector<16xf32>
        %parallel_loop3A_1043 = arith.constant 104 : i32
        %parallel_loop3A_1044 = arith.addi %parallel_loop3A_742, %parallel_loop3A_1043 : i32
        %parallel_loop3A_1045 = arith.index_cast %parallel_loop3A_1044 : i32 to index
        %parallel_loop3A_1046 = arith.constant 144 : index
        %parallel_loop3A_1047 = tpu.vector_load %arg9[%parallel_loop3A_1045, %parallel_loop3A_1046] {strides = array<i32>} : memref<208x256xf32, #tpu.memory_space<vmem>>, vector<16xf32>,
        %parallel_loop3A_1048 = arith.mulf %parallel_loop3A_763, %parallel_loop3A_1047 : vector<16xf32>
        %parallel_loop3A_1049 = arith.addf %parallel_loop3A_1042, %parallel_loop3A_1048 : vector<16xf32>
        %parallel_loop3A_1050 = arith.constant 156 : i32
        %parallel_loop3A_1051 = arith.addi %parallel_loop3A_742, %parallel_loop3A_1050 : i32
        %parallel_loop3A_1052 = arith.index_cast %parallel_loop3A_1051 : i32 to index
        %parallel_loop3A_1053 = arith.constant 144 : index
        %parallel_loop3A_1054 = tpu.vector_load %arg9[%parallel_loop3A_1052, %parallel_loop3A_1053] {strides = array<i32>} : memref<208x256xf32, #tpu.memory_space<vmem>>, vector<16xf32>,
        %parallel_loop3A_1055 = arith.mulf %parallel_loop3A_770, %parallel_loop3A_1054 : vector<16xf32>
        %parallel_loop3A_1056 = arith.addf %parallel_loop3A_1049, %parallel_loop3A_1055 : vector<16xf32>
        %parallel_loop3A_1057 = arith.constant 7056 : i32
        %parallel_loop3A_1058 = arith.addi %parallel_loop3A_1057, %parallel_loop3A_742 : i32
        %parallel_loop3A_1059 = vector.broadcast %parallel_loop3A_1058 : i32 to vector<16xi32>
        %parallel_loop3A_1060 = arith.addi %mul3A_34, %parallel_loop3A_1059 : vector<16xi32>
        tpu.vector_store_idx %arg10[%parallel_loop3A_1060], %parallel_loop3A_1056 : memref<12544xf32, #tpu.memory_space<vmem>>[vector<16xi32>], vector<16xf32>,
        %parallel_loop3A_1061 = arith.index_cast %parallel_loop3A_742 : i32 to index
        %parallel_loop3A_1062 = arith.constant 160 : index
        %parallel_loop3A_1063 = tpu.vector_load %arg9[%parallel_loop3A_1061, %parallel_loop3A_1062] {strides = array<i32>} : memref<208x256xf32, #tpu.memory_space<vmem>>, vector<16xf32>,
        %parallel_loop3A_1064 = arith.mulf %parallel_loop3A_749, %parallel_loop3A_1063 : vector<16xf32>
        %parallel_loop3A_1065 = arith.constant 52 : i32
        %parallel_loop3A_1066 = arith.addi %parallel_loop3A_742, %parallel_loop3A_1065 : i32
        %parallel_loop3A_1067 = arith.index_cast %parallel_loop3A_1066 : i32 to index
        %parallel_loop3A_1068 = arith.constant 160 : index
        %parallel_loop3A_1069 = tpu.vector_load %arg9[%parallel_loop3A_1067, %parallel_loop3A_1068] {strides = array<i32>} : memref<208x256xf32, #tpu.memory_space<vmem>>, vector<16xf32>,
        %parallel_loop3A_1070 = arith.mulf %parallel_loop3A_756, %parallel_loop3A_1069 : vector<16xf32>
        %parallel_loop3A_1071 = arith.addf %parallel_loop3A_1064, %parallel_loop3A_1070 : vector<16xf32>
        %parallel_loop3A_1072 = arith.constant 104 : i32
        %parallel_loop3A_1073 = arith.addi %parallel_loop3A_742, %parallel_loop3A_1072 : i32
        %parallel_loop3A_1074 = arith.index_cast %parallel_loop3A_1073 : i32 to index
        %parallel_loop3A_1075 = arith.constant 160 : index
        %parallel_loop3A_1076 = tpu.vector_load %arg9[%parallel_loop3A_1074, %parallel_loop3A_1075] {strides = array<i32>} : memref<208x256xf32, #tpu.memory_space<vmem>>, vector<16xf32>,
        %parallel_loop3A_1077 = arith.mulf %parallel_loop3A_763, %parallel_loop3A_1076 : vector<16xf32>
        %parallel_loop3A_1078 = arith.addf %parallel_loop3A_1071, %parallel_loop3A_1077 : vector<16xf32>
        %parallel_loop3A_1079 = arith.constant 156 : i32
        %parallel_loop3A_1080 = arith.addi %parallel_loop3A_742, %parallel_loop3A_1079 : i32
        %parallel_loop3A_1081 = arith.index_cast %parallel_loop3A_1080 : i32 to index
        %parallel_loop3A_1082 = arith.constant 160 : index
        %parallel_loop3A_1083 = tpu.vector_load %arg9[%parallel_loop3A_1081, %parallel_loop3A_1082] {strides = array<i32>} : memref<208x256xf32, #tpu.memory_space<vmem>>, vector<16xf32>,
        %parallel_loop3A_1084 = arith.mulf %parallel_loop3A_770, %parallel_loop3A_1083 : vector<16xf32>
        %parallel_loop3A_1085 = arith.addf %parallel_loop3A_1078, %parallel_loop3A_1084 : vector<16xf32>
        %parallel_loop3A_1086 = arith.constant 7840 : i32
        %parallel_loop3A_1087 = arith.addi %parallel_loop3A_1086, %parallel_loop3A_742 : i32
        %parallel_loop3A_1088 = vector.broadcast %parallel_loop3A_1087 : i32 to vector<16xi32>
        %parallel_loop3A_1089 = arith.addi %mul3A_34, %parallel_loop3A_1088 : vector<16xi32>
        tpu.vector_store_idx %arg10[%parallel_loop3A_1089], %parallel_loop3A_1085 : memref<12544xf32, #tpu.memory_space<vmem>>[vector<16xi32>], vector<16xf32>,
        %parallel_loop3A_1090 = arith.index_cast %parallel_loop3A_742 : i32 to index
        %parallel_loop3A_1091 = arith.constant 176 : index
        %parallel_loop3A_1092 = tpu.vector_load %arg9[%parallel_loop3A_1090, %parallel_loop3A_1091] {strides = array<i32>} : memref<208x256xf32, #tpu.memory_space<vmem>>, vector<16xf32>,
        %parallel_loop3A_1093 = arith.mulf %parallel_loop3A_749, %parallel_loop3A_1092 : vector<16xf32>
        %parallel_loop3A_1094 = arith.constant 52 : i32
        %parallel_loop3A_1095 = arith.addi %parallel_loop3A_742, %parallel_loop3A_1094 : i32
        %parallel_loop3A_1096 = arith.index_cast %parallel_loop3A_1095 : i32 to index
        %parallel_loop3A_1097 = arith.constant 176 : index
        %parallel_loop3A_1098 = tpu.vector_load %arg9[%parallel_loop3A_1096, %parallel_loop3A_1097] {strides = array<i32>} : memref<208x256xf32, #tpu.memory_space<vmem>>, vector<16xf32>,
        %parallel_loop3A_1099 = arith.mulf %parallel_loop3A_756, %parallel_loop3A_1098 : vector<16xf32>
        %parallel_loop3A_1100 = arith.addf %parallel_loop3A_1093, %parallel_loop3A_1099 : vector<16xf32>
        %parallel_loop3A_1101 = arith.constant 104 : i32
        %parallel_loop3A_1102 = arith.addi %parallel_loop3A_742, %parallel_loop3A_1101 : i32
        %parallel_loop3A_1103 = arith.index_cast %parallel_loop3A_1102 : i32 to index
        %parallel_loop3A_1104 = arith.constant 176 : index
        %parallel_loop3A_1105 = tpu.vector_load %arg9[%parallel_loop3A_1103, %parallel_loop3A_1104] {strides = array<i32>} : memref<208x256xf32, #tpu.memory_space<vmem>>, vector<16xf32>,
        %parallel_loop3A_1106 = arith.mulf %parallel_loop3A_763, %parallel_loop3A_1105 : vector<16xf32>
        %parallel_loop3A_1107 = arith.addf %parallel_loop3A_1100, %parallel_loop3A_1106 : vector<16xf32>
        %parallel_loop3A_1108 = arith.constant 156 : i32
        %parallel_loop3A_1109 = arith.addi %parallel_loop3A_742, %parallel_loop3A_1108 : i32
        %parallel_loop3A_1110 = arith.index_cast %parallel_loop3A_1109 : i32 to index
        %parallel_loop3A_1111 = arith.constant 176 : index
        %parallel_loop3A_1112 = tpu.vector_load %arg9[%parallel_loop3A_1110, %parallel_loop3A_1111] {strides = array<i32>} : memref<208x256xf32, #tpu.memory_space<vmem>>, vector<16xf32>,
        %parallel_loop3A_1113 = arith.mulf %parallel_loop3A_770, %parallel_loop3A_1112 : vector<16xf32>
        %parallel_loop3A_1114 = arith.addf %parallel_loop3A_1107, %parallel_loop3A_1113 : vector<16xf32>
        %parallel_loop3A_1115 = arith.constant 8624 : i32
        %parallel_loop3A_1116 = arith.addi %parallel_loop3A_1115, %parallel_loop3A_742 : i32
        %parallel_loop3A_1117 = vector.broadcast %parallel_loop3A_1116 : i32 to vector<16xi32>
        %parallel_loop3A_1118 = arith.addi %mul3A_34, %parallel_loop3A_1117 : vector<16xi32>
        tpu.vector_store_idx %arg10[%parallel_loop3A_1118], %parallel_loop3A_1114 : memref<12544xf32, #tpu.memory_space<vmem>>[vector<16xi32>], vector<16xf32>,
        %parallel_loop3A_1119 = arith.index_cast %parallel_loop3A_742 : i32 to index
        %parallel_loop3A_1120 = arith.constant 192 : index
        %parallel_loop3A_1121 = tpu.vector_load %arg9[%parallel_loop3A_1119, %parallel_loop3A_1120] {strides = array<i32>} : memref<208x256xf32, #tpu.memory_space<vmem>>, vector<16xf32>,
        %parallel_loop3A_1122 = arith.mulf %parallel_loop3A_749, %parallel_loop3A_1121 : vector<16xf32>
        %parallel_loop3A_1123 = arith.constant 52 : i32
        %parallel_loop3A_1124 = arith.addi %parallel_loop3A_742, %parallel_loop3A_1123 : i32
        %parallel_loop3A_1125 = arith.index_cast %parallel_loop3A_1124 : i32 to index
        %parallel_loop3A_1126 = arith.constant 192 : index
        %parallel_loop3A_1127 = tpu.vector_load %arg9[%parallel_loop3A_1125, %parallel_loop3A_1126] {strides = array<i32>} : memref<208x256xf32, #tpu.memory_space<vmem>>, vector<16xf32>,
        %parallel_loop3A_1128 = arith.mulf %parallel_loop3A_756, %parallel_loop3A_1127 : vector<16xf32>
        %parallel_loop3A_1129 = arith.addf %parallel_loop3A_1122, %parallel_loop3A_1128 : vector<16xf32>
        %parallel_loop3A_1130 = arith.constant 104 : i32
        %parallel_loop3A_1131 = arith.addi %parallel_loop3A_742, %parallel_loop3A_1130 : i32
        %parallel_loop3A_1132 = arith.index_cast %parallel_loop3A_1131 : i32 to index
        %parallel_loop3A_1133 = arith.constant 192 : index
        %parallel_loop3A_1134 = tpu.vector_load %arg9[%parallel_loop3A_1132, %parallel_loop3A_1133] {strides = array<i32>} : memref<208x256xf32, #tpu.memory_space<vmem>>, vector<16xf32>,
        %parallel_loop3A_1135 = arith.mulf %parallel_loop3A_763, %parallel_loop3A_1134 : vector<16xf32>
        %parallel_loop3A_1136 = arith.addf %parallel_loop3A_1129, %parallel_loop3A_1135 : vector<16xf32>
        %parallel_loop3A_1137 = arith.constant 156 : i32
        %parallel_loop3A_1138 = arith.addi %parallel_loop3A_742, %parallel_loop3A_1137 : i32
        %parallel_loop3A_1139 = arith.index_cast %parallel_loop3A_1138 : i32 to index
        %parallel_loop3A_1140 = arith.constant 192 : index
        %parallel_loop3A_1141 = tpu.vector_load %arg9[%parallel_loop3A_1139, %parallel_loop3A_1140] {strides = array<i32>} : memref<208x256xf32, #tpu.memory_space<vmem>>, vector<16xf32>,
        %parallel_loop3A_1142 = arith.mulf %parallel_loop3A_770, %parallel_loop3A_1141 : vector<16xf32>
        %parallel_loop3A_1143 = arith.addf %parallel_loop3A_1136, %parallel_loop3A_1142 : vector<16xf32>
        %parallel_loop3A_1144 = arith.constant 9408 : i32
        %parallel_loop3A_1145 = arith.addi %parallel_loop3A_1144, %parallel_loop3A_742 : i32
        %parallel_loop3A_1146 = vector.broadcast %parallel_loop3A_1145 : i32 to vector<16xi32>
        %parallel_loop3A_1147 = arith.addi %mul3A_34, %parallel_loop3A_1146 : vector<16xi32>
        tpu.vector_store_idx %arg10[%parallel_loop3A_1147], %parallel_loop3A_1143 : memref<12544xf32, #tpu.memory_space<vmem>>[vector<16xi32>], vector<16xf32>,
        %parallel_loop3A_1148 = arith.index_cast %parallel_loop3A_742 : i32 to index
        %parallel_loop3A_1149 = arith.constant 208 : index
        %parallel_loop3A_1150 = tpu.vector_load %arg9[%parallel_loop3A_1148, %parallel_loop3A_1149] {strides = array<i32>} : memref<208x256xf32, #tpu.memory_space<vmem>>, vector<16xf32>,
        %parallel_loop3A_1151 = arith.mulf %parallel_loop3A_749, %parallel_loop3A_1150 : vector<16xf32>
        %parallel_loop3A_1152 = arith.constant 52 : i32
        %parallel_loop3A_1153 = arith.addi %parallel_loop3A_742, %parallel_loop3A_1152 : i32
        %parallel_loop3A_1154 = arith.index_cast %parallel_loop3A_1153 : i32 to index
        %parallel_loop3A_1155 = arith.constant 208 : index
        %parallel_loop3A_1156 = tpu.vector_load %arg9[%parallel_loop3A_1154, %parallel_loop3A_1155] {strides = array<i32>} : memref<208x256xf32, #tpu.memory_space<vmem>>, vector<16xf32>,
        %parallel_loop3A_1157 = arith.mulf %parallel_loop3A_756, %parallel_loop3A_1156 : vector<16xf32>
        %parallel_loop3A_1158 = arith.addf %parallel_loop3A_1151, %parallel_loop3A_1157 : vector<16xf32>
        %parallel_loop3A_1159 = arith.constant 104 : i32
        %parallel_loop3A_1160 = arith.addi %parallel_loop3A_742, %parallel_loop3A_1159 : i32
        %parallel_loop3A_1161 = arith.index_cast %parallel_loop3A_1160 : i32 to index
        %parallel_loop3A_1162 = arith.constant 208 : index
        %parallel_loop3A_1163 = tpu.vector_load %arg9[%parallel_loop3A_1161, %parallel_loop3A_1162] {strides = array<i32>} : memref<208x256xf32, #tpu.memory_space<vmem>>, vector<16xf32>,
        %parallel_loop3A_1164 = arith.mulf %parallel_loop3A_763, %parallel_loop3A_1163 : vector<16xf32>
        %parallel_loop3A_1165 = arith.addf %parallel_loop3A_1158, %parallel_loop3A_1164 : vector<16xf32>
        %parallel_loop3A_1166 = arith.constant 156 : i32
        %parallel_loop3A_1167 = arith.addi %parallel_loop3A_742, %parallel_loop3A_1166 : i32
        %parallel_loop3A_1168 = arith.index_cast %parallel_loop3A_1167 : i32 to index
        %parallel_loop3A_1169 = arith.constant 208 : index
        %parallel_loop3A_1170 = tpu.vector_load %arg9[%parallel_loop3A_1168, %parallel_loop3A_1169] {strides = array<i32>} : memref<208x256xf32, #tpu.memory_space<vmem>>, vector<16xf32>,
        %parallel_loop3A_1171 = arith.mulf %parallel_loop3A_770, %parallel_loop3A_1170 : vector<16xf32>
        %parallel_loop3A_1172 = arith.addf %parallel_loop3A_1165, %parallel_loop3A_1171 : vector<16xf32>
        %parallel_loop3A_1173 = arith.constant 10192 : i32
        %parallel_loop3A_1174 = arith.addi %parallel_loop3A_1173, %parallel_loop3A_742 : i32
        %parallel_loop3A_1175 = vector.broadcast %parallel_loop3A_1174 : i32 to vector<16xi32>
        %parallel_loop3A_1176 = arith.addi %mul3A_34, %parallel_loop3A_1175 : vector<16xi32>
        tpu.vector_store_idx %arg10[%parallel_loop3A_1176], %parallel_loop3A_1172 : memref<12544xf32, #tpu.memory_space<vmem>>[vector<16xi32>], vector<16xf32>,
        %parallel_loop3A_1177 = arith.index_cast %parallel_loop3A_742 : i32 to index
        %parallel_loop3A_1178 = arith.constant 224 : index
        %parallel_loop3A_1179 = tpu.vector_load %arg9[%parallel_loop3A_1177, %parallel_loop3A_1178] {strides = array<i32>} : memref<208x256xf32, #tpu.memory_space<vmem>>, vector<16xf32>,
        %parallel_loop3A_1180 = arith.mulf %parallel_loop3A_749, %parallel_loop3A_1179 : vector<16xf32>
        %parallel_loop3A_1181 = arith.constant 52 : i32
        %parallel_loop3A_1182 = arith.addi %parallel_loop3A_742, %parallel_loop3A_1181 : i32
        %parallel_loop3A_1183 = arith.index_cast %parallel_loop3A_1182 : i32 to index
        %parallel_loop3A_1184 = arith.constant 224 : index
        %parallel_loop3A_1185 = tpu.vector_load %arg9[%parallel_loop3A_1183, %parallel_loop3A_1184] {strides = array<i32>} : memref<208x256xf32, #tpu.memory_space<vmem>>, vector<16xf32>,
        %parallel_loop3A_1186 = arith.mulf %parallel_loop3A_756, %parallel_loop3A_1185 : vector<16xf32>
        %parallel_loop3A_1187 = arith.addf %parallel_loop3A_1180, %parallel_loop3A_1186 : vector<16xf32>
        %parallel_loop3A_1188 = arith.constant 104 : i32
        %parallel_loop3A_1189 = arith.addi %parallel_loop3A_742, %parallel_loop3A_1188 : i32
        %parallel_loop3A_1190 = arith.index_cast %parallel_loop3A_1189 : i32 to index
        %parallel_loop3A_1191 = arith.constant 224 : index
        %parallel_loop3A_1192 = tpu.vector_load %arg9[%parallel_loop3A_1190, %parallel_loop3A_1191] {strides = array<i32>} : memref<208x256xf32, #tpu.memory_space<vmem>>, vector<16xf32>,
        %parallel_loop3A_1193 = arith.mulf %parallel_loop3A_763, %parallel_loop3A_1192 : vector<16xf32>
        %parallel_loop3A_1194 = arith.addf %parallel_loop3A_1187, %parallel_loop3A_1193 : vector<16xf32>
        %parallel_loop3A_1195 = arith.constant 156 : i32
        %parallel_loop3A_1196 = arith.addi %parallel_loop3A_742, %parallel_loop3A_1195 : i32
        %parallel_loop3A_1197 = arith.index_cast %parallel_loop3A_1196 : i32 to index
        %parallel_loop3A_1198 = arith.constant 224 : index
        %parallel_loop3A_1199 = tpu.vector_load %arg9[%parallel_loop3A_1197, %parallel_loop3A_1198] {strides = array<i32>} : memref<208x256xf32, #tpu.memory_space<vmem>>, vector<16xf32>,
        %parallel_loop3A_1200 = arith.mulf %parallel_loop3A_770, %parallel_loop3A_1199 : vector<16xf32>
        %parallel_loop3A_1201 = arith.addf %parallel_loop3A_1194, %parallel_loop3A_1200 : vector<16xf32>
        %parallel_loop3A_1202 = arith.constant 10976 : i32
        %parallel_loop3A_1203 = arith.addi %parallel_loop3A_1202, %parallel_loop3A_742 : i32
        %parallel_loop3A_1204 = vector.broadcast %parallel_loop3A_1203 : i32 to vector<16xi32>
        %parallel_loop3A_1205 = arith.addi %mul3A_34, %parallel_loop3A_1204 : vector<16xi32>
        tpu.vector_store_idx %arg10[%parallel_loop3A_1205], %parallel_loop3A_1201 : memref<12544xf32, #tpu.memory_space<vmem>>[vector<16xi32>], vector<16xf32>,
        %parallel_loop3A_1206 = arith.index_cast %parallel_loop3A_742 : i32 to index
        %parallel_loop3A_1207 = arith.constant 240 : index
        %parallel_loop3A_1208 = tpu.vector_load %arg9[%parallel_loop3A_1206, %parallel_loop3A_1207] {strides = array<i32>} : memref<208x256xf32, #tpu.memory_space<vmem>>, vector<16xf32>,
        %parallel_loop3A_1209 = arith.mulf %parallel_loop3A_749, %parallel_loop3A_1208 : vector<16xf32>
        %parallel_loop3A_1210 = arith.constant 52 : i32
        %parallel_loop3A_1211 = arith.addi %parallel_loop3A_742, %parallel_loop3A_1210 : i32
        %parallel_loop3A_1212 = arith.index_cast %parallel_loop3A_1211 : i32 to index
        %parallel_loop3A_1213 = arith.constant 240 : index
        %parallel_loop3A_1214 = tpu.vector_load %arg9[%parallel_loop3A_1212, %parallel_loop3A_1213] {strides = array<i32>} : memref<208x256xf32, #tpu.memory_space<vmem>>, vector<16xf32>,
        %parallel_loop3A_1215 = arith.mulf %parallel_loop3A_756, %parallel_loop3A_1214 : vector<16xf32>
        %parallel_loop3A_1216 = arith.addf %parallel_loop3A_1209, %parallel_loop3A_1215 : vector<16xf32>
        %parallel_loop3A_1217 = arith.constant 104 : i32
        %parallel_loop3A_1218 = arith.addi %parallel_loop3A_742, %parallel_loop3A_1217 : i32
        %parallel_loop3A_1219 = arith.index_cast %parallel_loop3A_1218 : i32 to index
        %parallel_loop3A_1220 = arith.constant 240 : index
        %parallel_loop3A_1221 = tpu.vector_load %arg9[%parallel_loop3A_1219, %parallel_loop3A_1220] {strides = array<i32>} : memref<208x256xf32, #tpu.memory_space<vmem>>, vector<16xf32>,
        %parallel_loop3A_1222 = arith.mulf %parallel_loop3A_763, %parallel_loop3A_1221 : vector<16xf32>
        %parallel_loop3A_1223 = arith.addf %parallel_loop3A_1216, %parallel_loop3A_1222 : vector<16xf32>
        %parallel_loop3A_1224 = arith.constant 156 : i32
        %parallel_loop3A_1225 = arith.addi %parallel_loop3A_742, %parallel_loop3A_1224 : i32
        %parallel_loop3A_1226 = arith.index_cast %parallel_loop3A_1225 : i32 to index
        %parallel_loop3A_1227 = arith.constant 240 : index
        %parallel_loop3A_1228 = tpu.vector_load %arg9[%parallel_loop3A_1226, %parallel_loop3A_1227] {strides = array<i32>} : memref<208x256xf32, #tpu.memory_space<vmem>>, vector<16xf32>,
        %parallel_loop3A_1229 = arith.mulf %parallel_loop3A_770, %parallel_loop3A_1228 : vector<16xf32>
        %parallel_loop3A_1230 = arith.addf %parallel_loop3A_1223, %parallel_loop3A_1229 : vector<16xf32>
        %parallel_loop3A_1231 = arith.constant 11760 : i32
        %parallel_loop3A_1232 = arith.addi %parallel_loop3A_1231, %parallel_loop3A_742 : i32
        %parallel_loop3A_1233 = vector.broadcast %parallel_loop3A_1232 : i32 to vector<16xi32>
        %parallel_loop3A_1234 = arith.addi %mul3A_34, %parallel_loop3A_1233 : vector<16xi32>
        tpu.vector_store_idx %arg10[%parallel_loop3A_1234], %parallel_loop3A_1230 : memref<12544xf32, #tpu.memory_space<vmem>>[vector<16xi32>], vector<16xf32>,
      } {sc.loop_unroll_factor = 7 : i64, sc.parallel_access}
      %add3A_741 = arith.addi %mul3A_2, %while3A_44 : i32
      "tpu.region"() ({
        %run_scoped3A = tpu.sem_alloc : memref<!tpu.dma_semaphore, #tpu.memory_space<semaphore_mem>>
        %dma_start3A_742 = arith.constant 0 : i32
        %dma_start3A_743 = tpu.memref_slice %arg5[%add3A_741, %dma_start3A_742] : memref<5000x12544xf32, #tpu.memory_space<hbm>> -> memref<1x12544xf32, #tpu.memory_space<hbm>>
        %dma_start3A_744 = tpu.memref_squeeze %dma_start3A_743 : memref<1x12544xf32, #tpu.memory_space<hbm>> -> memref<12544xf32, #tpu.memory_space<hbm>>
        %dma_start3A_745 = arith.constant 0 : i32
        %dma_start3A_746 = tpu.memref_slice %arg5[%add3A_741, %dma_start3A_745] : memref<5000x12544xf32, #tpu.memory_space<hbm>> -> memref<1x12544xf32, #tpu.memory_space<hbm>>
        %dma_start3A_747 = tpu.memref_squeeze %dma_start3A_746 : memref<1x12544xf32, #tpu.memory_space<hbm>> -> memref<12544xf32, #tpu.memory_space<hbm>>
        tpu.enqueue_dma source(%arg10 : memref<12544xf32, #tpu.memory_space<vmem>>) target(%dma_start3A_747 : memref<12544xf32, #tpu.memory_space<hbm>>) target_semaphore(%run_scoped3A : memref<!tpu.dma_semaphore, #tpu.memory_space<semaphore_mem>>)
        %dma_wait3A_748 = arith.constant 0 : i32
        %dma_wait3A_749 = tpu.memref_slice %arg5[%add3A_741, %dma_wait3A_748] : memref<5000x12544xf32, #tpu.memory_space<hbm>> -> memref<1x12544xf32, #tpu.memory_space<hbm>>
        %dma_wait3A_750 = tpu.memref_squeeze %dma_wait3A_749 : memref<1x12544xf32, #tpu.memory_space<hbm>> -> memref<12544xf32, #tpu.memory_space<hbm>>
        %dma_wait3A_751 = arith.constant 0 : i32
        %dma_wait3A_752 = tpu.memref_slice %arg5[%add3A_741, %dma_wait3A_751] : memref<5000x12544xf32, #tpu.memory_space<hbm>> -> memref<1x12544xf32, #tpu.memory_space<hbm>>
        %dma_wait3A_753 = tpu.memref_squeeze %dma_wait3A_752 : memref<1x12544xf32, #tpu.memory_space<hbm>> -> memref<12544xf32, #tpu.memory_space<hbm>>
        tpu.wait_dma2 semaphore(%run_scoped3A : memref<!tpu.dma_semaphore, #tpu.memory_space<semaphore_mem>>) src(%arg10 : memref<12544xf32, #tpu.memory_space<vmem>>) dst(%dma_wait3A_753 : memref<12544xf32, #tpu.memory_space<hbm>>)
        tpu.yield
      }) : () -> ()
    }
    %while3A_43 = arith.constant 1 : i32
    scf.for %while3A_44 = %while3A_41 to %while3A_37 step %while3A_43  : i32 {
      %get3A = arith.index_cast %while3A_44 : i32 to index
      %get3A_45 = arith.constant 0 : index
      %get3A_46 = tpu.vector_load %arg6[%get3A, %get3A_45] {strides = array<i32>} : memref<160x16xf32, #tpu.memory_space<vmem>>, vector<16xf32>,
      %slice3A = vector.extract_strided_slice %get3A_46 {offsets = [0], sizes = [1], strides = [1]} : vector<16xf32> to vector<1xf32>
      %squeeze3A = vector.extract %slice3A[0] : f32 from vector<1xf32>
      %broadcast_in_dim3A_47 = vector.broadcast %squeeze3A : f32 to vector<16xf32>
      %slice3A_48 = vector.extract_strided_slice %get3A_46 {offsets = [1], sizes = [1], strides = [1]} : vector<16xf32> to vector<1xf32>
      %squeeze3A_49 = vector.extract %slice3A_48[0] : f32 from vector<1xf32>
      %broadcast_in_dim3A_50 = vector.broadcast %squeeze3A_49 : f32 to vector<16xf32>
      %slice3A_51 = vector.extract_strided_slice %get3A_46 {offsets = [2], sizes = [1], strides = [1]} : vector<16xf32> to vector<1xf32>
      %squeeze3A_52 = vector.extract %slice3A_51[0] : f32 from vector<1xf32>
      %broadcast_in_dim3A_53 = vector.broadcast %squeeze3A_52 : f32 to vector<16xf32>
      %slice3A_54 = vector.extract_strided_slice %get3A_46 {offsets = [3], sizes = [1], strides = [1]} : vector<16xf32> to vector<1xf32>
      %squeeze3A_55 = vector.extract %slice3A_54[0] : f32 from vector<1xf32>
      %broadcast_in_dim3A_56 = vector.broadcast %squeeze3A_55 : f32 to vector<16xf32>
      %mul3A_57 = arith.constant 5.000000e-01 : f32
      %mul3A_58 = vector.broadcast %mul3A_57 : f32 to vector<16xf32>
      %mul3A_59 = arith.mulf %broadcast_in_dim3A_53, %mul3A_58 : vector<16xf32>
      %sub3A_60 = arith.subf %broadcast_in_dim3A_47, %mul3A_59 : vector<16xf32>
      %mul3A_61 = arith.constant 5.000000e-01 : f32
      %mul3A_62 = vector.broadcast %mul3A_61 : f32 to vector<16xf32>
      %mul3A_63 = arith.mulf %broadcast_in_dim3A_56, %mul3A_62 : vector<16xf32>
      %sub3A_64 = arith.subf %broadcast_in_dim3A_50, %mul3A_63 : vector<16xf32>
      %get3A_65 = arith.constant 0 : index
      %get3A_66 = tpu.vector_load %arg7[%get3A_65] {strides = array<i32>} : memref<128xf32, #tpu.memory_space<vmem>>, vector<16xf32>,
      %get3A_67 = arith.constant 64 : index
      %get3A_68 = tpu.vector_load %arg7[%get3A_67] {strides = array<i32>} : memref<128xf32, #tpu.memory_space<vmem>>, vector<16xf32>,
      %mul3A_69 = arith.mulf %broadcast_in_dim3A_56, %get3A_66 : vector<16xf32>
      %add3A_70 = arith.addf %sub3A_64, %mul3A_69 : vector<16xf32>
      %mul3A_71 = arith.constant 0.0615835786 : f32
      %mul3A_72 = vector.broadcast %mul3A_71 : f32 to vector<16xf32>
      %mul3A_73 = arith.mulf %add3A_70, %mul3A_72 : vector<16xf32>
      %max3A_74 = arith.constant 0.000000e+00 : f32
      %max3A_75 = vector.broadcast %max3A_74 : f32 to vector<16xf32>
      %max3A_76 = arith.maximumf %mul3A_73, %max3A_75 : vector<16xf32>
      %min3A_77 = arith.constant 6.300000e+01 : f32
      %min3A_78 = vector.broadcast %min3A_77 : f32 to vector<16xf32>
      %min3A_79 = arith.minimumf %max3A_76, %min3A_78 : vector<16xf32>
      %mul3A_80 = arith.mulf %broadcast_in_dim3A_53, %get3A_68 : vector<16xf32>
      %add3A_81 = arith.addf %sub3A_60, %mul3A_80 : vector<16xf32>
      %mul3A_82 = arith.constant 0.0615835786 : f32
      %mul3A_83 = vector.broadcast %mul3A_82 : f32 to vector<16xf32>
      %mul3A_84 = arith.mulf %add3A_81, %mul3A_83 : vector<16xf32>
      %max3A_85 = arith.constant 0.000000e+00 : f32
      %max3A_86 = vector.broadcast %max3A_85 : f32 to vector<16xf32>
      %max3A_87 = arith.maximumf %mul3A_84, %max3A_86 : vector<16xf32>
      %min3A_88 = arith.constant 6.300000e+01 : f32
      %min3A_89 = vector.broadcast %min3A_88 : f32 to vector<16xf32>
      %min3A_90 = arith.minimumf %max3A_87, %min3A_89 : vector<16xf32>
      %convert_element_type3A = arith.fptosi %min3A_79 : vector<16xf32> to vector<16xi32>
      %convert_element_type3A_91 = arith.fptosi %min3A_90 : vector<16xf32> to vector<16xi32>
      %convert_element_type3A_92 = arith.sitofp %convert_element_type3A : vector<16xi32> to vector<16xf32>
      %sub3A_93 = arith.subf %min3A_79, %convert_element_type3A_92 : vector<16xf32>
      %convert_element_type3A_94 = arith.sitofp %convert_element_type3A_91 : vector<16xi32> to vector<16xf32>
      %sub3A_95 = arith.subf %min3A_90, %convert_element_type3A_94 : vector<16xf32>
      %add3A_96 = arith.constant 1 : i32
      %add3A_97 = vector.broadcast %add3A_96 : i32 to vector<16xi32>
      %add3A_98 = arith.addi %convert_element_type3A, %add3A_97 : vector<16xi32>
      %min3A_99 = arith.constant 63 : i32
      %min3A_100 = vector.broadcast %min3A_99 : i32 to vector<16xi32>
      %min3A_101 = arith.minsi %add3A_98, %min3A_100 : vector<16xi32>
      %add3A_102 = arith.constant 1 : i32
      %add3A_103 = vector.broadcast %add3A_102 : i32 to vector<16xi32>
      %add3A_104 = arith.addi %convert_element_type3A_91, %add3A_103 : vector<16xi32>
      %min3A_105 = arith.constant 63 : i32
      %min3A_106 = vector.broadcast %min3A_105 : i32 to vector<16xi32>
      %min3A_107 = arith.minsi %add3A_104, %min3A_106 : vector<16xi32>
      %mul3A_108 = arith.constant 64 : i32
      %mul3A_109 = vector.broadcast %mul3A_108 : i32 to vector<16xi32>
      %mul3A_110 = arith.muli %convert_element_type3A, %mul3A_109 : vector<16xi32>
      %add3A_111 = arith.addi %mul3A_110, %convert_element_type3A_91 : vector<16xi32>
      %mul3A_112 = arith.constant 64 : i32
      %mul3A_113 = vector.broadcast %mul3A_112 : i32 to vector<16xi32>
      %mul3A_114 = arith.muli %convert_element_type3A, %mul3A_113 : vector<16xi32>
      %add3A_115 = arith.addi %mul3A_114, %min3A_107 : vector<16xi32>
      %mul3A_116 = arith.constant 64 : i32
      %mul3A_117 = vector.broadcast %mul3A_116 : i32 to vector<16xi32>
      %mul3A_118 = arith.muli %min3A_101, %mul3A_117 : vector<16xi32>
      %add3A_119 = arith.addi %mul3A_118, %convert_element_type3A_91 : vector<16xi32>
      %mul3A_120 = arith.constant 64 : i32
      %mul3A_121 = vector.broadcast %mul3A_120 : i32 to vector<16xi32>
      %mul3A_122 = arith.muli %min3A_101, %mul3A_121 : vector<16xi32>
      %add3A_123 = arith.addi %mul3A_122, %min3A_107 : vector<16xi32>
      %sub3A_124 = arith.constant 1.000000e+00 : f32
      %sub3A_125 = vector.broadcast %sub3A_124 : f32 to vector<16xf32>
      %sub3A_126 = arith.subf %sub3A_125, %sub3A_93 : vector<16xf32>
      %sub3A_127 = arith.constant 1.000000e+00 : f32
      %sub3A_128 = vector.broadcast %sub3A_127 : f32 to vector<16xf32>
      %sub3A_129 = arith.subf %sub3A_128, %sub3A_95 : vector<16xf32>
      %mul3A_130 = arith.mulf %sub3A_126, %sub3A_129 : vector<16xf32>
      %sub3A_131 = arith.constant 1.000000e+00 : f32
      %sub3A_132 = vector.broadcast %sub3A_131 : f32 to vector<16xf32>
      %sub3A_133 = arith.subf %sub3A_132, %sub3A_93 : vector<16xf32>
      %mul3A_134 = arith.mulf %sub3A_133, %sub3A_95 : vector<16xf32>
      %sub3A_135 = arith.constant 1.000000e+00 : f32
      %sub3A_136 = vector.broadcast %sub3A_135 : f32 to vector<16xf32>
      %sub3A_137 = arith.subf %sub3A_136, %sub3A_95 : vector<16xf32>
      %mul3A_138 = arith.mulf %sub3A_93, %sub3A_137 : vector<16xf32>
      %mul3A_139 = arith.mulf %sub3A_93, %sub3A_95 : vector<16xf32>
      %swap3A_140 = arith.constant 0 : index
      %swap3A_141 = tpu.vector_load %arg8[%swap3A_140] {strides = array<i32>} : memref<208xi32, #tpu.memory_space<vmem>>, vector<16xi32>,
      tpu.vector_store %arg8[%swap3A_140], %add3A_111 {strides = array<i32>} : memref<208xi32, #tpu.memory_space<vmem>>, vector<16xi32>,
      %swap3A_142 = arith.constant 0 : i32
      %swap3A_143 = arith.index_cast %swap3A_142 : i32 to index
      %swap3A_144 = arith.constant 0 : index
      %swap3A_145 = tpu.vector_load %arg11[%swap3A_143, %swap3A_144] {strides = array<i32>} : memref<4x64xf32, #tpu.memory_space<vmem>>, vector<16xf32>,
      tpu.vector_store %arg11[%swap3A_143, %swap3A_144], %mul3A_130 {strides = array<i32>} : memref<4x64xf32, #tpu.memory_space<vmem>>, vector<16xf32>,
      %swap3A_146 = arith.constant 52 : index
      %swap3A_147 = tpu.vector_load %arg8[%swap3A_146] {strides = array<i32>} : memref<208xi32, #tpu.memory_space<vmem>>, vector<16xi32>,
      tpu.vector_store %arg8[%swap3A_146], %add3A_115 {strides = array<i32>} : memref<208xi32, #tpu.memory_space<vmem>>, vector<16xi32>,
      %swap3A_148 = arith.constant 1 : i32
      %swap3A_149 = arith.index_cast %swap3A_148 : i32 to index
      %swap3A_150 = arith.constant 0 : index
      %swap3A_151 = tpu.vector_load %arg11[%swap3A_149, %swap3A_150] {strides = array<i32>} : memref<4x64xf32, #tpu.memory_space<vmem>>, vector<16xf32>,
      tpu.vector_store %arg11[%swap3A_149, %swap3A_150], %mul3A_134 {strides = array<i32>} : memref<4x64xf32, #tpu.memory_space<vmem>>, vector<16xf32>,
      %swap3A_152 = arith.constant 104 : index
      %swap3A_153 = tpu.vector_load %arg8[%swap3A_152] {strides = array<i32>} : memref<208xi32, #tpu.memory_space<vmem>>, vector<16xi32>,
      tpu.vector_store %arg8[%swap3A_152], %add3A_119 {strides = array<i32>} : memref<208xi32, #tpu.memory_space<vmem>>, vector<16xi32>,
      %swap3A_154 = arith.constant 2 : i32
      %swap3A_155 = arith.index_cast %swap3A_154 : i32 to index
      %swap3A_156 = arith.constant 0 : index
      %swap3A_157 = tpu.vector_load %arg11[%swap3A_155, %swap3A_156] {strides = array<i32>} : memref<4x64xf32, #tpu.memory_space<vmem>>, vector<16xf32>,
      tpu.vector_store %arg11[%swap3A_155, %swap3A_156], %mul3A_138 {strides = array<i32>} : memref<4x64xf32, #tpu.memory_space<vmem>>, vector<16xf32>,
      %swap3A_158 = arith.constant 156 : index
      %swap3A_159 = tpu.vector_load %arg8[%swap3A_158] {strides = array<i32>} : memref<208xi32, #tpu.memory_space<vmem>>, vector<16xi32>,
      tpu.vector_store %arg8[%swap3A_158], %add3A_123 {strides = array<i32>} : memref<208xi32, #tpu.memory_space<vmem>>, vector<16xi32>,
      %swap3A_160 = arith.constant 3 : i32
      %swap3A_161 = arith.index_cast %swap3A_160 : i32 to index
      %swap3A_162 = arith.constant 0 : index
      %swap3A_163 = tpu.vector_load %arg11[%swap3A_161, %swap3A_162] {strides = array<i32>} : memref<4x64xf32, #tpu.memory_space<vmem>>, vector<16xf32>,
      tpu.vector_store %arg11[%swap3A_161, %swap3A_162], %mul3A_139 {strides = array<i32>} : memref<4x64xf32, #tpu.memory_space<vmem>>, vector<16xf32>,
      %get3A_164 = arith.index_cast %while3A_44 : i32 to index
      %get3A_165 = arith.constant 0 : index
      %get3A_166 = tpu.vector_load %arg6[%get3A_164, %get3A_165] {strides = array<i32>} : memref<160x16xf32, #tpu.memory_space<vmem>>, vector<16xf32>,
      %slice3A_167 = vector.extract_strided_slice %get3A_166 {offsets = [0], sizes = [1], strides = [1]} : vector<16xf32> to vector<1xf32>
      %squeeze3A_168 = vector.extract %slice3A_167[0] : f32 from vector<1xf32>
      %broadcast_in_dim3A_169 = vector.broadcast %squeeze3A_168 : f32 to vector<16xf32>
      %slice3A_170 = vector.extract_strided_slice %get3A_166 {offsets = [1], sizes = [1], strides = [1]} : vector<16xf32> to vector<1xf32>
      %squeeze3A_171 = vector.extract %slice3A_170[0] : f32 from vector<1xf32>
      %broadcast_in_dim3A_172 = vector.broadcast %squeeze3A_171 : f32 to vector<16xf32>
      %slice3A_173 = vector.extract_strided_slice %get3A_166 {offsets = [2], sizes = [1], strides = [1]} : vector<16xf32> to vector<1xf32>
      %squeeze3A_174 = vector.extract %slice3A_173[0] : f32 from vector<1xf32>
      %broadcast_in_dim3A_175 = vector.broadcast %squeeze3A_174 : f32 to vector<16xf32>
      %slice3A_176 = vector.extract_strided_slice %get3A_166 {offsets = [3], sizes = [1], strides = [1]} : vector<16xf32> to vector<1xf32>
      %squeeze3A_177 = vector.extract %slice3A_176[0] : f32 from vector<1xf32>
      %broadcast_in_dim3A_178 = vector.broadcast %squeeze3A_177 : f32 to vector<16xf32>
      %mul3A_179 = arith.constant 5.000000e-01 : f32
      %mul3A_180 = vector.broadcast %mul3A_179 : f32 to vector<16xf32>
      %mul3A_181 = arith.mulf %broadcast_in_dim3A_175, %mul3A_180 : vector<16xf32>
      %sub3A_182 = arith.subf %broadcast_in_dim3A_169, %mul3A_181 : vector<16xf32>
      %mul3A_183 = arith.constant 5.000000e-01 : f32
      %mul3A_184 = vector.broadcast %mul3A_183 : f32 to vector<16xf32>
      %mul3A_185 = arith.mulf %broadcast_in_dim3A_178, %mul3A_184 : vector<16xf32>
      %sub3A_186 = arith.subf %broadcast_in_dim3A_172, %mul3A_185 : vector<16xf32>
      %get3A_187 = arith.constant 16 : index
      %get3A_188 = tpu.vector_load %arg7[%get3A_187] {strides = array<i32>} : memref<128xf32, #tpu.memory_space<vmem>>, vector<16xf32>,
      %get3A_189 = arith.constant 80 : index
      %get3A_190 = tpu.vector_load %arg7[%get3A_189] {strides = array<i32>} : memref<128xf32, #tpu.memory_space<vmem>>, vector<16xf32>,
      %mul3A_191 = arith.mulf %broadcast_in_dim3A_178, %get3A_188 : vector<16xf32>
      %add3A_192 = arith.addf %sub3A_186, %mul3A_191 : vector<16xf32>
      %mul3A_193 = arith.constant 0.0615835786 : f32
      %mul3A_194 = vector.broadcast %mul3A_193 : f32 to vector<16xf32>
      %mul3A_195 = arith.mulf %add3A_192, %mul3A_194 : vector<16xf32>
      %max3A_196 = arith.constant 0.000000e+00 : f32
      %max3A_197 = vector.broadcast %max3A_196 : f32 to vector<16xf32>
      %max3A_198 = arith.maximumf %mul3A_195, %max3A_197 : vector<16xf32>
      %min3A_199 = arith.constant 6.300000e+01 : f32
      %min3A_200 = vector.broadcast %min3A_199 : f32 to vector<16xf32>
      %min3A_201 = arith.minimumf %max3A_198, %min3A_200 : vector<16xf32>
      %mul3A_202 = arith.mulf %broadcast_in_dim3A_175, %get3A_190 : vector<16xf32>
      %add3A_203 = arith.addf %sub3A_182, %mul3A_202 : vector<16xf32>
      %mul3A_204 = arith.constant 0.0615835786 : f32
      %mul3A_205 = vector.broadcast %mul3A_204 : f32 to vector<16xf32>
      %mul3A_206 = arith.mulf %add3A_203, %mul3A_205 : vector<16xf32>
      %max3A_207 = arith.constant 0.000000e+00 : f32
      %max3A_208 = vector.broadcast %max3A_207 : f32 to vector<16xf32>
      %max3A_209 = arith.maximumf %mul3A_206, %max3A_208 : vector<16xf32>
      %min3A_210 = arith.constant 6.300000e+01 : f32
      %min3A_211 = vector.broadcast %min3A_210 : f32 to vector<16xf32>
      %min3A_212 = arith.minimumf %max3A_209, %min3A_211 : vector<16xf32>
      %convert_element_type3A_213 = arith.fptosi %min3A_201 : vector<16xf32> to vector<16xi32>
      %convert_element_type3A_214 = arith.fptosi %min3A_212 : vector<16xf32> to vector<16xi32>
      %convert_element_type3A_215 = arith.sitofp %convert_element_type3A_213 : vector<16xi32> to vector<16xf32>
      %sub3A_216 = arith.subf %min3A_201, %convert_element_type3A_215 : vector<16xf32>
      %convert_element_type3A_217 = arith.sitofp %convert_element_type3A_214 : vector<16xi32> to vector<16xf32>
      %sub3A_218 = arith.subf %min3A_212, %convert_element_type3A_217 : vector<16xf32>
      %add3A_219 = arith.constant 1 : i32
      %add3A_220 = vector.broadcast %add3A_219 : i32 to vector<16xi32>
      %add3A_221 = arith.addi %convert_element_type3A_213, %add3A_220 : vector<16xi32>
      %min3A_222 = arith.constant 63 : i32
      %min3A_223 = vector.broadcast %min3A_222 : i32 to vector<16xi32>
      %min3A_224 = arith.minsi %add3A_221, %min3A_223 : vector<16xi32>
      %add3A_225 = arith.constant 1 : i32
      %add3A_226 = vector.broadcast %add3A_225 : i32 to vector<16xi32>
      %add3A_227 = arith.addi %convert_element_type3A_214, %add3A_226 : vector<16xi32>
      %min3A_228 = arith.constant 63 : i32
      %min3A_229 = vector.broadcast %min3A_228 : i32 to vector<16xi32>
      %min3A_230 = arith.minsi %add3A_227, %min3A_229 : vector<16xi32>
      %mul3A_231 = arith.constant 64 : i32
      %mul3A_232 = vector.broadcast %mul3A_231 : i32 to vector<16xi32>
      %mul3A_233 = arith.muli %convert_element_type3A_213, %mul3A_232 : vector<16xi32>
      %add3A_234 = arith.addi %mul3A_233, %convert_element_type3A_214 : vector<16xi32>
      %mul3A_235 = arith.constant 64 : i32
      %mul3A_236 = vector.broadcast %mul3A_235 : i32 to vector<16xi32>
      %mul3A_237 = arith.muli %convert_element_type3A_213, %mul3A_236 : vector<16xi32>
      %add3A_238 = arith.addi %mul3A_237, %min3A_230 : vector<16xi32>
      %mul3A_239 = arith.constant 64 : i32
      %mul3A_240 = vector.broadcast %mul3A_239 : i32 to vector<16xi32>
      %mul3A_241 = arith.muli %min3A_224, %mul3A_240 : vector<16xi32>
      %add3A_242 = arith.addi %mul3A_241, %convert_element_type3A_214 : vector<16xi32>
      %mul3A_243 = arith.constant 64 : i32
      %mul3A_244 = vector.broadcast %mul3A_243 : i32 to vector<16xi32>
      %mul3A_245 = arith.muli %min3A_224, %mul3A_244 : vector<16xi32>
      %add3A_246 = arith.addi %mul3A_245, %min3A_230 : vector<16xi32>
      %sub3A_247 = arith.constant 1.000000e+00 : f32
      %sub3A_248 = vector.broadcast %sub3A_247 : f32 to vector<16xf32>
      %sub3A_249 = arith.subf %sub3A_248, %sub3A_216 : vector<16xf32>
      %sub3A_250 = arith.constant 1.000000e+00 : f32
      %sub3A_251 = vector.broadcast %sub3A_250 : f32 to vector<16xf32>
      %sub3A_252 = arith.subf %sub3A_251, %sub3A_218 : vector<16xf32>
      %mul3A_253 = arith.mulf %sub3A_249, %sub3A_252 : vector<16xf32>
      %sub3A_254 = arith.constant 1.000000e+00 : f32
      %sub3A_255 = vector.broadcast %sub3A_254 : f32 to vector<16xf32>
      %sub3A_256 = arith.subf %sub3A_255, %sub3A_216 : vector<16xf32>
      %mul3A_257 = arith.mulf %sub3A_256, %sub3A_218 : vector<16xf32>
      %sub3A_258 = arith.constant 1.000000e+00 : f32
      %sub3A_259 = vector.broadcast %sub3A_258 : f32 to vector<16xf32>
      %sub3A_260 = arith.subf %sub3A_259, %sub3A_218 : vector<16xf32>
      %mul3A_261 = arith.mulf %sub3A_216, %sub3A_260 : vector<16xf32>
      %mul3A_262 = arith.mulf %sub3A_216, %sub3A_218 : vector<16xf32>
      %swap3A_263 = arith.constant 16 : index
      %swap3A_264 = tpu.vector_load %arg8[%swap3A_263] {strides = array<i32>} : memref<208xi32, #tpu.memory_space<vmem>>, vector<16xi32>,
      tpu.vector_store %arg8[%swap3A_263], %add3A_234 {strides = array<i32>} : memref<208xi32, #tpu.memory_space<vmem>>, vector<16xi32>,
      %swap3A_265 = arith.constant 0 : i32
      %swap3A_266 = arith.index_cast %swap3A_265 : i32 to index
      %swap3A_267 = arith.constant 16 : index
      %swap3A_268 = tpu.vector_load %arg11[%swap3A_266, %swap3A_267] {strides = array<i32>} : memref<4x64xf32, #tpu.memory_space<vmem>>, vector<16xf32>,
      tpu.vector_store %arg11[%swap3A_266, %swap3A_267], %mul3A_253 {strides = array<i32>} : memref<4x64xf32, #tpu.memory_space<vmem>>, vector<16xf32>,
      %swap3A_269 = arith.constant 68 : index
      %swap3A_270 = tpu.vector_load %arg8[%swap3A_269] {strides = array<i32>} : memref<208xi32, #tpu.memory_space<vmem>>, vector<16xi32>,
      tpu.vector_store %arg8[%swap3A_269], %add3A_238 {strides = array<i32>} : memref<208xi32, #tpu.memory_space<vmem>>, vector<16xi32>,
      %swap3A_271 = arith.constant 1 : i32
      %swap3A_272 = arith.index_cast %swap3A_271 : i32 to index
      %swap3A_273 = arith.constant 16 : index
      %swap3A_274 = tpu.vector_load %arg11[%swap3A_272, %swap3A_273] {strides = array<i32>} : memref<4x64xf32, #tpu.memory_space<vmem>>, vector<16xf32>,
      tpu.vector_store %arg11[%swap3A_272, %swap3A_273], %mul3A_257 {strides = array<i32>} : memref<4x64xf32, #tpu.memory_space<vmem>>, vector<16xf32>,
      %swap3A_275 = arith.constant 120 : index
      %swap3A_276 = tpu.vector_load %arg8[%swap3A_275] {strides = array<i32>} : memref<208xi32, #tpu.memory_space<vmem>>, vector<16xi32>,
      tpu.vector_store %arg8[%swap3A_275], %add3A_242 {strides = array<i32>} : memref<208xi32, #tpu.memory_space<vmem>>, vector<16xi32>,
      %swap3A_277 = arith.constant 2 : i32
      %swap3A_278 = arith.index_cast %swap3A_277 : i32 to index
      %swap3A_279 = arith.constant 16 : index
      %swap3A_280 = tpu.vector_load %arg11[%swap3A_278, %swap3A_279] {strides = array<i32>} : memref<4x64xf32, #tpu.memory_space<vmem>>, vector<16xf32>,
      tpu.vector_store %arg11[%swap3A_278, %swap3A_279], %mul3A_261 {strides = array<i32>} : memref<4x64xf32, #tpu.memory_space<vmem>>, vector<16xf32>,
      %swap3A_281 = arith.constant 172 : index
      %swap3A_282 = tpu.vector_load %arg8[%swap3A_281] {strides = array<i32>} : memref<208xi32, #tpu.memory_space<vmem>>, vector<16xi32>,
      tpu.vector_store %arg8[%swap3A_281], %add3A_246 {strides = array<i32>} : memref<208xi32, #tpu.memory_space<vmem>>, vector<16xi32>,
      %swap3A_283 = arith.constant 3 : i32
      %swap3A_284 = arith.index_cast %swap3A_283 : i32 to index
      %swap3A_285 = arith.constant 16 : index
      %swap3A_286 = tpu.vector_load %arg11[%swap3A_284, %swap3A_285] {strides = array<i32>} : memref<4x64xf32, #tpu.memory_space<vmem>>, vector<16xf32>,
      tpu.vector_store %arg11[%swap3A_284, %swap3A_285], %mul3A_262 {strides = array<i32>} : memref<4x64xf32, #tpu.memory_space<vmem>>, vector<16xf32>,
      %get3A_287 = arith.index_cast %while3A_44 : i32 to index
      %get3A_288 = arith.constant 0 : index
      %get3A_289 = tpu.vector_load %arg6[%get3A_287, %get3A_288] {strides = array<i32>} : memref<160x16xf32, #tpu.memory_space<vmem>>, vector<16xf32>,
      %slice3A_290 = vector.extract_strided_slice %get3A_289 {offsets = [0], sizes = [1], strides = [1]} : vector<16xf32> to vector<1xf32>
      %squeeze3A_291 = vector.extract %slice3A_290[0] : f32 from vector<1xf32>
      %broadcast_in_dim3A_292 = vector.broadcast %squeeze3A_291 : f32 to vector<16xf32>
      %slice3A_293 = vector.extract_strided_slice %get3A_289 {offsets = [1], sizes = [1], strides = [1]} : vector<16xf32> to vector<1xf32>
      %squeeze3A_294 = vector.extract %slice3A_293[0] : f32 from vector<1xf32>
      %broadcast_in_dim3A_295 = vector.broadcast %squeeze3A_294 : f32 to vector<16xf32>
      %slice3A_296 = vector.extract_strided_slice %get3A_289 {offsets = [2], sizes = [1], strides = [1]} : vector<16xf32> to vector<1xf32>
      %squeeze3A_297 = vector.extract %slice3A_296[0] : f32 from vector<1xf32>
      %broadcast_in_dim3A_298 = vector.broadcast %squeeze3A_297 : f32 to vector<16xf32>
      %slice3A_299 = vector.extract_strided_slice %get3A_289 {offsets = [3], sizes = [1], strides = [1]} : vector<16xf32> to vector<1xf32>
      %squeeze3A_300 = vector.extract %slice3A_299[0] : f32 from vector<1xf32>
      %broadcast_in_dim3A_301 = vector.broadcast %squeeze3A_300 : f32 to vector<16xf32>
      %mul3A_302 = arith.constant 5.000000e-01 : f32
      %mul3A_303 = vector.broadcast %mul3A_302 : f32 to vector<16xf32>
      %mul3A_304 = arith.mulf %broadcast_in_dim3A_298, %mul3A_303 : vector<16xf32>
      %sub3A_305 = arith.subf %broadcast_in_dim3A_292, %mul3A_304 : vector<16xf32>
      %mul3A_306 = arith.constant 5.000000e-01 : f32
      %mul3A_307 = vector.broadcast %mul3A_306 : f32 to vector<16xf32>
      %mul3A_308 = arith.mulf %broadcast_in_dim3A_301, %mul3A_307 : vector<16xf32>
      %sub3A_309 = arith.subf %broadcast_in_dim3A_295, %mul3A_308 : vector<16xf32>
      %get3A_310 = arith.constant 32 : index
      %get3A_311 = tpu.vector_load %arg7[%get3A_310] {strides = array<i32>} : memref<128xf32, #tpu.memory_space<vmem>>, vector<16xf32>,
      %get3A_312 = arith.constant 96 : index
      %get3A_313 = tpu.vector_load %arg7[%get3A_312] {strides = array<i32>} : memref<128xf32, #tpu.memory_space<vmem>>, vector<16xf32>,
      %mul3A_314 = arith.mulf %broadcast_in_dim3A_301, %get3A_311 : vector<16xf32>
      %add3A_315 = arith.addf %sub3A_309, %mul3A_314 : vector<16xf32>
      %mul3A_316 = arith.constant 0.0615835786 : f32
      %mul3A_317 = vector.broadcast %mul3A_316 : f32 to vector<16xf32>
      %mul3A_318 = arith.mulf %add3A_315, %mul3A_317 : vector<16xf32>
      %max3A_319 = arith.constant 0.000000e+00 : f32
      %max3A_320 = vector.broadcast %max3A_319 : f32 to vector<16xf32>
      %max3A_321 = arith.maximumf %mul3A_318, %max3A_320 : vector<16xf32>
      %min3A_322 = arith.constant 6.300000e+01 : f32
      %min3A_323 = vector.broadcast %min3A_322 : f32 to vector<16xf32>
      %min3A_324 = arith.minimumf %max3A_321, %min3A_323 : vector<16xf32>
      %mul3A_325 = arith.mulf %broadcast_in_dim3A_298, %get3A_313 : vector<16xf32>
      %add3A_326 = arith.addf %sub3A_305, %mul3A_325 : vector<16xf32>
      %mul3A_327 = arith.constant 0.0615835786 : f32
      %mul3A_328 = vector.broadcast %mul3A_327 : f32 to vector<16xf32>
      %mul3A_329 = arith.mulf %add3A_326, %mul3A_328 : vector<16xf32>
      %max3A_330 = arith.constant 0.000000e+00 : f32
      %max3A_331 = vector.broadcast %max3A_330 : f32 to vector<16xf32>
      %max3A_332 = arith.maximumf %mul3A_329, %max3A_331 : vector<16xf32>
      %min3A_333 = arith.constant 6.300000e+01 : f32
      %min3A_334 = vector.broadcast %min3A_333 : f32 to vector<16xf32>
      %min3A_335 = arith.minimumf %max3A_332, %min3A_334 : vector<16xf32>
      %convert_element_type3A_336 = arith.fptosi %min3A_324 : vector<16xf32> to vector<16xi32>
      %convert_element_type3A_337 = arith.fptosi %min3A_335 : vector<16xf32> to vector<16xi32>
      %convert_element_type3A_338 = arith.sitofp %convert_element_type3A_336 : vector<16xi32> to vector<16xf32>
      %sub3A_339 = arith.subf %min3A_324, %convert_element_type3A_338 : vector<16xf32>
      %convert_element_type3A_340 = arith.sitofp %convert_element_type3A_337 : vector<16xi32> to vector<16xf32>
      %sub3A_341 = arith.subf %min3A_335, %convert_element_type3A_340 : vector<16xf32>
      %add3A_342 = arith.constant 1 : i32
      %add3A_343 = vector.broadcast %add3A_342 : i32 to vector<16xi32>
      %add3A_344 = arith.addi %convert_element_type3A_336, %add3A_343 : vector<16xi32>
      %min3A_345 = arith.constant 63 : i32
      %min3A_346 = vector.broadcast %min3A_345 : i32 to vector<16xi32>
      %min3A_347 = arith.minsi %add3A_344, %min3A_346 : vector<16xi32>
      %add3A_348 = arith.constant 1 : i32
      %add3A_349 = vector.broadcast %add3A_348 : i32 to vector<16xi32>
      %add3A_350 = arith.addi %convert_element_type3A_337, %add3A_349 : vector<16xi32>
      %min3A_351 = arith.constant 63 : i32
      %min3A_352 = vector.broadcast %min3A_351 : i32 to vector<16xi32>
      %min3A_353 = arith.minsi %add3A_350, %min3A_352 : vector<16xi32>
      %mul3A_354 = arith.constant 64 : i32
      %mul3A_355 = vector.broadcast %mul3A_354 : i32 to vector<16xi32>
      %mul3A_356 = arith.muli %convert_element_type3A_336, %mul3A_355 : vector<16xi32>
      %add3A_357 = arith.addi %mul3A_356, %convert_element_type3A_337 : vector<16xi32>
      %mul3A_358 = arith.constant 64 : i32
      %mul3A_359 = vector.broadcast %mul3A_358 : i32 to vector<16xi32>
      %mul3A_360 = arith.muli %convert_element_type3A_336, %mul3A_359 : vector<16xi32>
      %add3A_361 = arith.addi %mul3A_360, %min3A_353 : vector<16xi32>
      %mul3A_362 = arith.constant 64 : i32
      %mul3A_363 = vector.broadcast %mul3A_362 : i32 to vector<16xi32>
      %mul3A_364 = arith.muli %min3A_347, %mul3A_363 : vector<16xi32>
      %add3A_365 = arith.addi %mul3A_364, %convert_element_type3A_337 : vector<16xi32>
      %mul3A_366 = arith.constant 64 : i32
      %mul3A_367 = vector.broadcast %mul3A_366 : i32 to vector<16xi32>
      %mul3A_368 = arith.muli %min3A_347, %mul3A_367 : vector<16xi32>
      %add3A_369 = arith.addi %mul3A_368, %min3A_353 : vector<16xi32>
      %sub3A_370 = arith.constant 1.000000e+00 : f32
      %sub3A_371 = vector.broadcast %sub3A_370 : f32 to vector<16xf32>
      %sub3A_372 = arith.subf %sub3A_371, %sub3A_339 : vector<16xf32>
      %sub3A_373 = arith.constant 1.000000e+00 : f32
      %sub3A_374 = vector.broadcast %sub3A_373 : f32 to vector<16xf32>
      %sub3A_375 = arith.subf %sub3A_374, %sub3A_341 : vector<16xf32>
      %mul3A_376 = arith.mulf %sub3A_372, %sub3A_375 : vector<16xf32>
      %sub3A_377 = arith.constant 1.000000e+00 : f32
      %sub3A_378 = vector.broadcast %sub3A_377 : f32 to vector<16xf32>
      %sub3A_379 = arith.subf %sub3A_378, %sub3A_339 : vector<16xf32>
      %mul3A_380 = arith.mulf %sub3A_379, %sub3A_341 : vector<16xf32>
      %sub3A_381 = arith.constant 1.000000e+00 : f32
      %sub3A_382 = vector.broadcast %sub3A_381 : f32 to vector<16xf32>
      %sub3A_383 = arith.subf %sub3A_382, %sub3A_341 : vector<16xf32>
      %mul3A_384 = arith.mulf %sub3A_339, %sub3A_383 : vector<16xf32>
      %mul3A_385 = arith.mulf %sub3A_339, %sub3A_341 : vector<16xf32>
      %swap3A_386 = arith.constant 32 : index
      %swap3A_387 = tpu.vector_load %arg8[%swap3A_386] {strides = array<i32>} : memref<208xi32, #tpu.memory_space<vmem>>, vector<16xi32>,
      tpu.vector_store %arg8[%swap3A_386], %add3A_357 {strides = array<i32>} : memref<208xi32, #tpu.memory_space<vmem>>, vector<16xi32>,
      %swap3A_388 = arith.constant 0 : i32
      %swap3A_389 = arith.index_cast %swap3A_388 : i32 to index
      %swap3A_390 = arith.constant 32 : index
      %swap3A_391 = tpu.vector_load %arg11[%swap3A_389, %swap3A_390] {strides = array<i32>} : memref<4x64xf32, #tpu.memory_space<vmem>>, vector<16xf32>,
      tpu.vector_store %arg11[%swap3A_389, %swap3A_390], %mul3A_376 {strides = array<i32>} : memref<4x64xf32, #tpu.memory_space<vmem>>, vector<16xf32>,
      %swap3A_392 = arith.constant 84 : index
      %swap3A_393 = tpu.vector_load %arg8[%swap3A_392] {strides = array<i32>} : memref<208xi32, #tpu.memory_space<vmem>>, vector<16xi32>,
      tpu.vector_store %arg8[%swap3A_392], %add3A_361 {strides = array<i32>} : memref<208xi32, #tpu.memory_space<vmem>>, vector<16xi32>,
      %swap3A_394 = arith.constant 1 : i32
      %swap3A_395 = arith.index_cast %swap3A_394 : i32 to index
      %swap3A_396 = arith.constant 32 : index
      %swap3A_397 = tpu.vector_load %arg11[%swap3A_395, %swap3A_396] {strides = array<i32>} : memref<4x64xf32, #tpu.memory_space<vmem>>, vector<16xf32>,
      tpu.vector_store %arg11[%swap3A_395, %swap3A_396], %mul3A_380 {strides = array<i32>} : memref<4x64xf32, #tpu.memory_space<vmem>>, vector<16xf32>,
      %swap3A_398 = arith.constant 136 : index
      %swap3A_399 = tpu.vector_load %arg8[%swap3A_398] {strides = array<i32>} : memref<208xi32, #tpu.memory_space<vmem>>, vector<16xi32>,
      tpu.vector_store %arg8[%swap3A_398], %add3A_365 {strides = array<i32>} : memref<208xi32, #tpu.memory_space<vmem>>, vector<16xi32>,
      %swap3A_400 = arith.constant 2 : i32
      %swap3A_401 = arith.index_cast %swap3A_400 : i32 to index
      %swap3A_402 = arith.constant 32 : index
      %swap3A_403 = tpu.vector_load %arg11[%swap3A_401, %swap3A_402] {strides = array<i32>} : memref<4x64xf32, #tpu.memory_space<vmem>>, vector<16xf32>,
      tpu.vector_store %arg11[%swap3A_401, %swap3A_402], %mul3A_384 {strides = array<i32>} : memref<4x64xf32, #tpu.memory_space<vmem>>, vector<16xf32>,
      %swap3A_404 = arith.constant 188 : index
      %swap3A_405 = tpu.vector_load %arg8[%swap3A_404] {strides = array<i32>} : memref<208xi32, #tpu.memory_space<vmem>>, vector<16xi32>,
      tpu.vector_store %arg8[%swap3A_404], %add3A_369 {strides = array<i32>} : memref<208xi32, #tpu.memory_space<vmem>>, vector<16xi32>,
      %swap3A_406 = arith.constant 3 : i32
      %swap3A_407 = arith.index_cast %swap3A_406 : i32 to index
      %swap3A_408 = arith.constant 32 : index
      %swap3A_409 = tpu.vector_load %arg11[%swap3A_407, %swap3A_408] {strides = array<i32>} : memref<4x64xf32, #tpu.memory_space<vmem>>, vector<16xf32>,
      tpu.vector_store %arg11[%swap3A_407, %swap3A_408], %mul3A_385 {strides = array<i32>} : memref<4x64xf32, #tpu.memory_space<vmem>>, vector<16xf32>,
      %get3A_410 = arith.index_cast %while3A_44 : i32 to index
      %get3A_411 = arith.constant 0 : index
      %get3A_412 = tpu.vector_load %arg6[%get3A_410, %get3A_411] {strides = array<i32>} : memref<160x16xf32, #tpu.memory_space<vmem>>, vector<16xf32>,
      %slice3A_413 = vector.extract_strided_slice %get3A_412 {offsets = [0], sizes = [1], strides = [1]} : vector<16xf32> to vector<1xf32>
      %squeeze3A_414 = vector.extract %slice3A_413[0] : f32 from vector<1xf32>
      %broadcast_in_dim3A_415 = vector.broadcast %squeeze3A_414 : f32 to vector<16xf32>
      %slice3A_416 = vector.extract_strided_slice %get3A_412 {offsets = [1], sizes = [1], strides = [1]} : vector<16xf32> to vector<1xf32>
      %squeeze3A_417 = vector.extract %slice3A_416[0] : f32 from vector<1xf32>
      %broadcast_in_dim3A_418 = vector.broadcast %squeeze3A_417 : f32 to vector<16xf32>
      %slice3A_419 = vector.extract_strided_slice %get3A_412 {offsets = [2], sizes = [1], strides = [1]} : vector<16xf32> to vector<1xf32>
      %squeeze3A_420 = vector.extract %slice3A_419[0] : f32 from vector<1xf32>
      %broadcast_in_dim3A_421 = vector.broadcast %squeeze3A_420 : f32 to vector<16xf32>
      %slice3A_422 = vector.extract_strided_slice %get3A_412 {offsets = [3], sizes = [1], strides = [1]} : vector<16xf32> to vector<1xf32>
      %squeeze3A_423 = vector.extract %slice3A_422[0] : f32 from vector<1xf32>
      %broadcast_in_dim3A_424 = vector.broadcast %squeeze3A_423 : f32 to vector<16xf32>
      %mul3A_425 = arith.constant 5.000000e-01 : f32
      %mul3A_426 = vector.broadcast %mul3A_425 : f32 to vector<16xf32>
      %mul3A_427 = arith.mulf %broadcast_in_dim3A_421, %mul3A_426 : vector<16xf32>
      %sub3A_428 = arith.subf %broadcast_in_dim3A_415, %mul3A_427 : vector<16xf32>
      %mul3A_429 = arith.constant 5.000000e-01 : f32
      %mul3A_430 = vector.broadcast %mul3A_429 : f32 to vector<16xf32>
      %mul3A_431 = arith.mulf %broadcast_in_dim3A_424, %mul3A_430 : vector<16xf32>
      %sub3A_432 = arith.subf %broadcast_in_dim3A_418, %mul3A_431 : vector<16xf32>
      %get3A_433 = arith.constant 33 : index
      %get3A_434 = tpu.vector_load %arg7[%get3A_433] {strides = array<i32>} : memref<128xf32, #tpu.memory_space<vmem>>, vector<16xf32>,
      %get3A_435 = arith.constant 97 : index
      %get3A_436 = tpu.vector_load %arg7[%get3A_435] {strides = array<i32>} : memref<128xf32, #tpu.memory_space<vmem>>, vector<16xf32>,
      %mul3A_437 = arith.mulf %broadcast_in_dim3A_424, %get3A_434 : vector<16xf32>
      %add3A_438 = arith.addf %sub3A_432, %mul3A_437 : vector<16xf32>
      %mul3A_439 = arith.constant 0.0615835786 : f32
      %mul3A_440 = vector.broadcast %mul3A_439 : f32 to vector<16xf32>
      %mul3A_441 = arith.mulf %add3A_438, %mul3A_440 : vector<16xf32>
      %max3A_442 = arith.constant 0.000000e+00 : f32
      %max3A_443 = vector.broadcast %max3A_442 : f32 to vector<16xf32>
      %max3A_444 = arith.maximumf %mul3A_441, %max3A_443 : vector<16xf32>
      %min3A_445 = arith.constant 6.300000e+01 : f32
      %min3A_446 = vector.broadcast %min3A_445 : f32 to vector<16xf32>
      %min3A_447 = arith.minimumf %max3A_444, %min3A_446 : vector<16xf32>
      %mul3A_448 = arith.mulf %broadcast_in_dim3A_421, %get3A_436 : vector<16xf32>
      %add3A_449 = arith.addf %sub3A_428, %mul3A_448 : vector<16xf32>
      %mul3A_450 = arith.constant 0.0615835786 : f32
      %mul3A_451 = vector.broadcast %mul3A_450 : f32 to vector<16xf32>
      %mul3A_452 = arith.mulf %add3A_449, %mul3A_451 : vector<16xf32>
      %max3A_453 = arith.constant 0.000000e+00 : f32
      %max3A_454 = vector.broadcast %max3A_453 : f32 to vector<16xf32>
      %max3A_455 = arith.maximumf %mul3A_452, %max3A_454 : vector<16xf32>
      %min3A_456 = arith.constant 6.300000e+01 : f32
      %min3A_457 = vector.broadcast %min3A_456 : f32 to vector<16xf32>
      %min3A_458 = arith.minimumf %max3A_455, %min3A_457 : vector<16xf32>
      %convert_element_type3A_459 = arith.fptosi %min3A_447 : vector<16xf32> to vector<16xi32>
      %convert_element_type3A_460 = arith.fptosi %min3A_458 : vector<16xf32> to vector<16xi32>
      %convert_element_type3A_461 = arith.sitofp %convert_element_type3A_459 : vector<16xi32> to vector<16xf32>
      %sub3A_462 = arith.subf %min3A_447, %convert_element_type3A_461 : vector<16xf32>
      %convert_element_type3A_463 = arith.sitofp %convert_element_type3A_460 : vector<16xi32> to vector<16xf32>
      %sub3A_464 = arith.subf %min3A_458, %convert_element_type3A_463 : vector<16xf32>
      %add3A_465 = arith.constant 1 : i32
      %add3A_466 = vector.broadcast %add3A_465 : i32 to vector<16xi32>
      %add3A_467 = arith.addi %convert_element_type3A_459, %add3A_466 : vector<16xi32>
      %min3A_468 = arith.constant 63 : i32
      %min3A_469 = vector.broadcast %min3A_468 : i32 to vector<16xi32>
      %min3A_470 = arith.minsi %add3A_467, %min3A_469 : vector<16xi32>
      %add3A_471 = arith.constant 1 : i32
      %add3A_472 = vector.broadcast %add3A_471 : i32 to vector<16xi32>
      %add3A_473 = arith.addi %convert_element_type3A_460, %add3A_472 : vector<16xi32>
      %min3A_474 = arith.constant 63 : i32
      %min3A_475 = vector.broadcast %min3A_474 : i32 to vector<16xi32>
      %min3A_476 = arith.minsi %add3A_473, %min3A_475 : vector<16xi32>
      %mul3A_477 = arith.constant 64 : i32
      %mul3A_478 = vector.broadcast %mul3A_477 : i32 to vector<16xi32>
      %mul3A_479 = arith.muli %convert_element_type3A_459, %mul3A_478 : vector<16xi32>
      %add3A_480 = arith.addi %mul3A_479, %convert_element_type3A_460 : vector<16xi32>
      %mul3A_481 = arith.constant 64 : i32
      %mul3A_482 = vector.broadcast %mul3A_481 : i32 to vector<16xi32>
      %mul3A_483 = arith.muli %convert_element_type3A_459, %mul3A_482 : vector<16xi32>
      %add3A_484 = arith.addi %mul3A_483, %min3A_476 : vector<16xi32>
      %mul3A_485 = arith.constant 64 : i32
      %mul3A_486 = vector.broadcast %mul3A_485 : i32 to vector<16xi32>
      %mul3A_487 = arith.muli %min3A_470, %mul3A_486 : vector<16xi32>
      %add3A_488 = arith.addi %mul3A_487, %convert_element_type3A_460 : vector<16xi32>
      %mul3A_489 = arith.constant 64 : i32
      %mul3A_490 = vector.broadcast %mul3A_489 : i32 to vector<16xi32>
      %mul3A_491 = arith.muli %min3A_470, %mul3A_490 : vector<16xi32>
      %add3A_492 = arith.addi %mul3A_491, %min3A_476 : vector<16xi32>
      %sub3A_493 = arith.constant 1.000000e+00 : f32
      %sub3A_494 = vector.broadcast %sub3A_493 : f32 to vector<16xf32>
      %sub3A_495 = arith.subf %sub3A_494, %sub3A_462 : vector<16xf32>
      %sub3A_496 = arith.constant 1.000000e+00 : f32
      %sub3A_497 = vector.broadcast %sub3A_496 : f32 to vector<16xf32>
      %sub3A_498 = arith.subf %sub3A_497, %sub3A_464 : vector<16xf32>
      %mul3A_499 = arith.mulf %sub3A_495, %sub3A_498 : vector<16xf32>
      %sub3A_500 = arith.constant 1.000000e+00 : f32
      %sub3A_501 = vector.broadcast %sub3A_500 : f32 to vector<16xf32>
      %sub3A_502 = arith.subf %sub3A_501, %sub3A_462 : vector<16xf32>
      %mul3A_503 = arith.mulf %sub3A_502, %sub3A_464 : vector<16xf32>
      %sub3A_504 = arith.constant 1.000000e+00 : f32
      %sub3A_505 = vector.broadcast %sub3A_504 : f32 to vector<16xf32>
      %sub3A_506 = arith.subf %sub3A_505, %sub3A_464 : vector<16xf32>
      %mul3A_507 = arith.mulf %sub3A_462, %sub3A_506 : vector<16xf32>
      %mul3A_508 = arith.mulf %sub3A_462, %sub3A_464 : vector<16xf32>
      %swap3A_509 = arith.constant 33 : index
      %swap3A_510 = tpu.vector_load %arg8[%swap3A_509] {strides = array<i32>} : memref<208xi32, #tpu.memory_space<vmem>>, vector<16xi32>,
      tpu.vector_store %arg8[%swap3A_509], %add3A_480 {strides = array<i32>} : memref<208xi32, #tpu.memory_space<vmem>>, vector<16xi32>,
      %swap3A_511 = arith.constant 0 : i32
      %swap3A_512 = arith.index_cast %swap3A_511 : i32 to index
      %swap3A_513 = arith.constant 33 : index
      %swap3A_514 = tpu.vector_load %arg11[%swap3A_512, %swap3A_513] {strides = array<i32>} : memref<4x64xf32, #tpu.memory_space<vmem>>, vector<16xf32>,
      tpu.vector_store %arg11[%swap3A_512, %swap3A_513], %mul3A_499 {strides = array<i32>} : memref<4x64xf32, #tpu.memory_space<vmem>>, vector<16xf32>,
      %swap3A_515 = arith.constant 85 : index
      %swap3A_516 = tpu.vector_load %arg8[%swap3A_515] {strides = array<i32>} : memref<208xi32, #tpu.memory_space<vmem>>, vector<16xi32>,
      tpu.vector_store %arg8[%swap3A_515], %add3A_484 {strides = array<i32>} : memref<208xi32, #tpu.memory_space<vmem>>, vector<16xi32>,
      %swap3A_517 = arith.constant 1 : i32
      %swap3A_518 = arith.index_cast %swap3A_517 : i32 to index
      %swap3A_519 = arith.constant 33 : index
      %swap3A_520 = tpu.vector_load %arg11[%swap3A_518, %swap3A_519] {strides = array<i32>} : memref<4x64xf32, #tpu.memory_space<vmem>>, vector<16xf32>,
      tpu.vector_store %arg11[%swap3A_518, %swap3A_519], %mul3A_503 {strides = array<i32>} : memref<4x64xf32, #tpu.memory_space<vmem>>, vector<16xf32>,
      %swap3A_521 = arith.constant 137 : index
      %swap3A_522 = tpu.vector_load %arg8[%swap3A_521] {strides = array<i32>} : memref<208xi32, #tpu.memory_space<vmem>>, vector<16xi32>,
      tpu.vector_store %arg8[%swap3A_521], %add3A_488 {strides = array<i32>} : memref<208xi32, #tpu.memory_space<vmem>>, vector<16xi32>,
      %swap3A_523 = arith.constant 2 : i32
      %swap3A_524 = arith.index_cast %swap3A_523 : i32 to index
      %swap3A_525 = arith.constant 33 : index
      %swap3A_526 = tpu.vector_load %arg11[%swap3A_524, %swap3A_525] {strides = array<i32>} : memref<4x64xf32, #tpu.memory_space<vmem>>, vector<16xf32>,
      tpu.vector_store %arg11[%swap3A_524, %swap3A_525], %mul3A_507 {strides = array<i32>} : memref<4x64xf32, #tpu.memory_space<vmem>>, vector<16xf32>,
      %swap3A_527 = arith.constant 189 : index
      %swap3A_528 = tpu.vector_load %arg8[%swap3A_527] {strides = array<i32>} : memref<208xi32, #tpu.memory_space<vmem>>, vector<16xi32>,
      tpu.vector_store %arg8[%swap3A_527], %add3A_492 {strides = array<i32>} : memref<208xi32, #tpu.memory_space<vmem>>, vector<16xi32>,
      %swap3A_529 = arith.constant 3 : i32
      %swap3A_530 = arith.index_cast %swap3A_529 : i32 to index
      %swap3A_531 = arith.constant 33 : index
      %swap3A_532 = tpu.vector_load %arg11[%swap3A_530, %swap3A_531] {strides = array<i32>} : memref<4x64xf32, #tpu.memory_space<vmem>>, vector<16xf32>,
      tpu.vector_store %arg11[%swap3A_530, %swap3A_531], %mul3A_508 {strides = array<i32>} : memref<4x64xf32, #tpu.memory_space<vmem>>, vector<16xf32>,
      %dma_start3A = arith.constant 0 : i32
      %dma_start3A_533 = arith.constant 0 : i32
      %dma_start3A_534 = tpu.memref_slice %arg9[%dma_start3A, %dma_start3A_533] : memref<208x256xf32, #tpu.memory_space<vmem>> -> memref<16x256xf32, #tpu.memory_space<vmem>>
      %dma_start3A_535 = arith.constant 0 : i32
      %dma_start3A_536 = tpu.memref_slice %arg8[%dma_start3A_535] : memref<208xi32, #tpu.memory_space<vmem>> -> memref<16xi32, #tpu.memory_space<vmem>>
      %dma_start3A_537 = arith.constant 0 : i32
      %dma_start3A_538 = arith.constant 0 : i32
      %dma_start3A_539 = tpu.memref_slice %arg2[%dma_start3A_537, %dma_start3A_538] : memref<4096x256xf32, #tpu.memory_space<hbm>> -> memref<4096x256xf32, #tpu.memory_space<hbm>>
      tpu.enqueue_indirect_dma source(%dma_start3A_539 : memref<4096x256xf32, #tpu.memory_space<hbm>>) target(%dma_start3A_534 : memref<16x256xf32, #tpu.memory_space<vmem>>) offsets(%dma_start3A_536 : memref<16xi32, #tpu.memory_space<vmem>>) semaphore(%arg12 : memref<!tpu.dma_semaphore, #tpu.memory_space<semaphore_mem>>)
      %dma_start3A_540 = arith.constant 16 : i32
      %dma_start3A_541 = arith.constant 0 : i32
      %dma_start3A_542 = tpu.memref_slice %arg9[%dma_start3A_540, %dma_start3A_541] : memref<208x256xf32, #tpu.memory_space<vmem>> -> memref<16x256xf32, #tpu.memory_space<vmem>>
      %dma_start3A_543 = arith.constant 16 : i32
      %dma_start3A_544 = tpu.memref_slice %arg8[%dma_start3A_543] : memref<208xi32, #tpu.memory_space<vmem>> -> memref<16xi32, #tpu.memory_space<vmem>>
      %dma_start3A_545 = arith.constant 0 : i32
      %dma_start3A_546 = arith.constant 0 : i32
      %dma_start3A_547 = tpu.memref_slice %arg2[%dma_start3A_545, %dma_start3A_546] : memref<4096x256xf32, #tpu.memory_space<hbm>> -> memref<4096x256xf32, #tpu.memory_space<hbm>>
      tpu.enqueue_indirect_dma source(%dma_start3A_547 : memref<4096x256xf32, #tpu.memory_space<hbm>>) target(%dma_start3A_542 : memref<16x256xf32, #tpu.memory_space<vmem>>) offsets(%dma_start3A_544 : memref<16xi32, #tpu.memory_space<vmem>>) semaphore(%arg12 : memref<!tpu.dma_semaphore, #tpu.memory_space<semaphore_mem>>)
      %dma_start3A_548 = arith.constant 32 : i32
      %dma_start3A_549 = arith.constant 0 : i32
      %dma_start3A_550 = tpu.memref_slice %arg9[%dma_start3A_548, %dma_start3A_549] : memref<208x256xf32, #tpu.memory_space<vmem>> -> memref<16x256xf32, #tpu.memory_space<vmem>>
      %dma_start3A_551 = arith.constant 32 : i32
      %dma_start3A_552 = tpu.memref_slice %arg8[%dma_start3A_551] : memref<208xi32, #tpu.memory_space<vmem>> -> memref<16xi32, #tpu.memory_space<vmem>>
      %dma_start3A_553 = arith.constant 0 : i32
      %dma_start3A_554 = arith.constant 0 : i32
      %dma_start3A_555 = tpu.memref_slice %arg2[%dma_start3A_553, %dma_start3A_554] : memref<4096x256xf32, #tpu.memory_space<hbm>> -> memref<4096x256xf32, #tpu.memory_space<hbm>>
      tpu.enqueue_indirect_dma source(%dma_start3A_555 : memref<4096x256xf32, #tpu.memory_space<hbm>>) target(%dma_start3A_550 : memref<16x256xf32, #tpu.memory_space<vmem>>) offsets(%dma_start3A_552 : memref<16xi32, #tpu.memory_space<vmem>>) semaphore(%arg12 : memref<!tpu.dma_semaphore, #tpu.memory_space<semaphore_mem>>)
      %dma_start3A_556 = arith.constant 48 : i32
      %dma_start3A_557 = arith.constant 0 : i32
      %dma_start3A_558 = tpu.memref_slice %arg9[%dma_start3A_556, %dma_start3A_557] : memref<208x256xf32, #tpu.memory_space<vmem>> -> memref<16x256xf32, #tpu.memory_space<vmem>>
      %dma_start3A_559 = arith.constant 48 : i32
      %dma_start3A_560 = tpu.memref_slice %arg8[%dma_start3A_559] : memref<208xi32, #tpu.memory_space<vmem>> -> memref<16xi32, #tpu.memory_space<vmem>>
      %dma_start3A_561 = arith.constant 0 : i32
      %dma_start3A_562 = arith.constant 0 : i32
      %dma_start3A_563 = tpu.memref_slice %arg2[%dma_start3A_561, %dma_start3A_562] : memref<4096x256xf32, #tpu.memory_space<hbm>> -> memref<4096x256xf32, #tpu.memory_space<hbm>>
      tpu.enqueue_indirect_dma source(%dma_start3A_563 : memref<4096x256xf32, #tpu.memory_space<hbm>>) target(%dma_start3A_558 : memref<16x256xf32, #tpu.memory_space<vmem>>) offsets(%dma_start3A_560 : memref<16xi32, #tpu.memory_space<vmem>>) semaphore(%arg12 : memref<!tpu.dma_semaphore, #tpu.memory_space<semaphore_mem>>)
      %dma_start3A_564 = arith.constant 64 : i32
      %dma_start3A_565 = arith.constant 0 : i32
      %dma_start3A_566 = tpu.memref_slice %arg9[%dma_start3A_564, %dma_start3A_565] : memref<208x256xf32, #tpu.memory_space<vmem>> -> memref<16x256xf32, #tpu.memory_space<vmem>>
      %dma_start3A_567 = arith.constant 64 : i32
      %dma_start3A_568 = tpu.memref_slice %arg8[%dma_start3A_567] : memref<208xi32, #tpu.memory_space<vmem>> -> memref<16xi32, #tpu.memory_space<vmem>>
      %dma_start3A_569 = arith.constant 0 : i32
      %dma_start3A_570 = arith.constant 0 : i32
      %dma_start3A_571 = tpu.memref_slice %arg2[%dma_start3A_569, %dma_start3A_570] : memref<4096x256xf32, #tpu.memory_space<hbm>> -> memref<4096x256xf32, #tpu.memory_space<hbm>>
      tpu.enqueue_indirect_dma source(%dma_start3A_571 : memref<4096x256xf32, #tpu.memory_space<hbm>>) target(%dma_start3A_566 : memref<16x256xf32, #tpu.memory_space<vmem>>) offsets(%dma_start3A_568 : memref<16xi32, #tpu.memory_space<vmem>>) semaphore(%arg12 : memref<!tpu.dma_semaphore, #tpu.memory_space<semaphore_mem>>)
      %dma_start3A_572 = arith.constant 80 : i32
      %dma_start3A_573 = arith.constant 0 : i32
      %dma_start3A_574 = tpu.memref_slice %arg9[%dma_start3A_572, %dma_start3A_573] : memref<208x256xf32, #tpu.memory_space<vmem>> -> memref<16x256xf32, #tpu.memory_space<vmem>>
      %dma_start3A_575 = arith.constant 80 : i32
      %dma_start3A_576 = tpu.memref_slice %arg8[%dma_start3A_575] : memref<208xi32, #tpu.memory_space<vmem>> -> memref<16xi32, #tpu.memory_space<vmem>>
      %dma_start3A_577 = arith.constant 0 : i32
      %dma_start3A_578 = arith.constant 0 : i32
      %dma_start3A_579 = tpu.memref_slice %arg2[%dma_start3A_577, %dma_start3A_578] : memref<4096x256xf32, #tpu.memory_space<hbm>> -> memref<4096x256xf32, #tpu.memory_space<hbm>>
      tpu.enqueue_indirect_dma source(%dma_start3A_579 : memref<4096x256xf32, #tpu.memory_space<hbm>>) target(%dma_start3A_574 : memref<16x256xf32, #tpu.memory_space<vmem>>) offsets(%dma_start3A_576 : memref<16xi32, #tpu.memory_space<vmem>>) semaphore(%arg12 : memref<!tpu.dma_semaphore, #tpu.memory_space<semaphore_mem>>)
      %dma_start3A_580 = arith.constant 96 : i32
      %dma_start3A_581 = arith.constant 0 : i32
      %dma_start3A_582 = tpu.memref_slice %arg9[%dma_start3A_580, %dma_start3A_581] : memref<208x256xf32, #tpu.memory_space<vmem>> -> memref<16x256xf32, #tpu.memory_space<vmem>>
      %dma_start3A_583 = arith.constant 96 : i32
      %dma_start3A_584 = tpu.memref_slice %arg8[%dma_start3A_583] : memref<208xi32, #tpu.memory_space<vmem>> -> memref<16xi32, #tpu.memory_space<vmem>>
      %dma_start3A_585 = arith.constant 0 : i32
      %dma_start3A_586 = arith.constant 0 : i32
      %dma_start3A_587 = tpu.memref_slice %arg2[%dma_start3A_585, %dma_start3A_586] : memref<4096x256xf32, #tpu.memory_space<hbm>> -> memref<4096x256xf32, #tpu.memory_space<hbm>>
      tpu.enqueue_indirect_dma source(%dma_start3A_587 : memref<4096x256xf32, #tpu.memory_space<hbm>>) target(%dma_start3A_582 : memref<16x256xf32, #tpu.memory_space<vmem>>) offsets(%dma_start3A_584 : memref<16xi32, #tpu.memory_space<vmem>>) semaphore(%arg12 : memref<!tpu.dma_semaphore, #tpu.memory_space<semaphore_mem>>)
      %dma_start3A_588 = arith.constant 112 : i32
      %dma_start3A_589 = arith.constant 0 : i32
      %dma_start3A_590 = tpu.memref_slice %arg9[%dma_start3A_588, %dma_start3A_589] : memref<208x256xf32, #tpu.memory_space<vmem>> -> memref<16x256xf32, #tpu.memory_space<vmem>>
      %dma_start3A_591 = arith.constant 112 : i32
      %dma_start3A_592 = tpu.memref_slice %arg8[%dma_start3A_591] : memref<208xi32, #tpu.memory_space<vmem>> -> memref<16xi32, #tpu.memory_space<vmem>>
      %dma_start3A_593 = arith.constant 0 : i32
      %dma_start3A_594 = arith.constant 0 : i32
      %dma_start3A_595 = tpu.memref_slice %arg2[%dma_start3A_593, %dma_start3A_594] : memref<4096x256xf32, #tpu.memory_space<hbm>> -> memref<4096x256xf32, #tpu.memory_space<hbm>>
      tpu.enqueue_indirect_dma source(%dma_start3A_595 : memref<4096x256xf32, #tpu.memory_space<hbm>>) target(%dma_start3A_590 : memref<16x256xf32, #tpu.memory_space<vmem>>) offsets(%dma_start3A_592 : memref<16xi32, #tpu.memory_space<vmem>>) semaphore(%arg12 : memref<!tpu.dma_semaphore, #tpu.memory_space<semaphore_mem>>)
      %dma_start3A_596 = arith.constant 128 : i32
      %dma_start3A_597 = arith.constant 0 : i32
      %dma_start3A_598 = tpu.memref_slice %arg9[%dma_start3A_596, %dma_start3A_597] : memref<208x256xf32, #tpu.memory_space<vmem>> -> memref<16x256xf32, #tpu.memory_space<vmem>>
      %dma_start3A_599 = arith.constant 128 : i32
      %dma_start3A_600 = tpu.memref_slice %arg8[%dma_start3A_599] : memref<208xi32, #tpu.memory_space<vmem>> -> memref<16xi32, #tpu.memory_space<vmem>>
      %dma_start3A_601 = arith.constant 0 : i32
      %dma_start3A_602 = arith.constant 0 : i32
      %dma_start3A_603 = tpu.memref_slice %arg2[%dma_start3A_601, %dma_start3A_602] : memref<4096x256xf32, #tpu.memory_space<hbm>> -> memref<4096x256xf32, #tpu.memory_space<hbm>>
      tpu.enqueue_indirect_dma source(%dma_start3A_603 : memref<4096x256xf32, #tpu.memory_space<hbm>>) target(%dma_start3A_598 : memref<16x256xf32, #tpu.memory_space<vmem>>) offsets(%dma_start3A_600 : memref<16xi32, #tpu.memory_space<vmem>>) semaphore(%arg12 : memref<!tpu.dma_semaphore, #tpu.memory_space<semaphore_mem>>)
      %dma_start3A_604 = arith.constant 144 : i32
      %dma_start3A_605 = arith.constant 0 : i32
      %dma_start3A_606 = tpu.memref_slice %arg9[%dma_start3A_604, %dma_start3A_605] : memref<208x256xf32, #tpu.memory_space<vmem>> -> memref<16x256xf32, #tpu.memory_space<vmem>>
      %dma_start3A_607 = arith.constant 144 : i32
      %dma_start3A_608 = tpu.memref_slice %arg8[%dma_start3A_607] : memref<208xi32, #tpu.memory_space<vmem>> -> memref<16xi32, #tpu.memory_space<vmem>>
      %dma_start3A_609 = arith.constant 0 : i32
      %dma_start3A_610 = arith.constant 0 : i32
      %dma_start3A_611 = tpu.memref_slice %arg2[%dma_start3A_609, %dma_start3A_610] : memref<4096x256xf32, #tpu.memory_space<hbm>> -> memref<4096x256xf32, #tpu.memory_space<hbm>>
      tpu.enqueue_indirect_dma source(%dma_start3A_611 : memref<4096x256xf32, #tpu.memory_space<hbm>>) target(%dma_start3A_606 : memref<16x256xf32, #tpu.memory_space<vmem>>) offsets(%dma_start3A_608 : memref<16xi32, #tpu.memory_space<vmem>>) semaphore(%arg12 : memref<!tpu.dma_semaphore, #tpu.memory_space<semaphore_mem>>)
      %dma_start3A_612 = arith.constant 160 : i32
      %dma_start3A_613 = arith.constant 0 : i32
      %dma_start3A_614 = tpu.memref_slice %arg9[%dma_start3A_612, %dma_start3A_613] : memref<208x256xf32, #tpu.memory_space<vmem>> -> memref<16x256xf32, #tpu.memory_space<vmem>>
      %dma_start3A_615 = arith.constant 160 : i32
      %dma_start3A_616 = tpu.memref_slice %arg8[%dma_start3A_615] : memref<208xi32, #tpu.memory_space<vmem>> -> memref<16xi32, #tpu.memory_space<vmem>>
      %dma_start3A_617 = arith.constant 0 : i32
      %dma_start3A_618 = arith.constant 0 : i32
      %dma_start3A_619 = tpu.memref_slice %arg2[%dma_start3A_617, %dma_start3A_618] : memref<4096x256xf32, #tpu.memory_space<hbm>> -> memref<4096x256xf32, #tpu.memory_space<hbm>>
      tpu.enqueue_indirect_dma source(%dma_start3A_619 : memref<4096x256xf32, #tpu.memory_space<hbm>>) target(%dma_start3A_614 : memref<16x256xf32, #tpu.memory_space<vmem>>) offsets(%dma_start3A_616 : memref<16xi32, #tpu.memory_space<vmem>>) semaphore(%arg12 : memref<!tpu.dma_semaphore, #tpu.memory_space<semaphore_mem>>)
      %dma_start3A_620 = arith.constant 176 : i32
      %dma_start3A_621 = arith.constant 0 : i32
      %dma_start3A_622 = tpu.memref_slice %arg9[%dma_start3A_620, %dma_start3A_621] : memref<208x256xf32, #tpu.memory_space<vmem>> -> memref<16x256xf32, #tpu.memory_space<vmem>>
      %dma_start3A_623 = arith.constant 176 : i32
      %dma_start3A_624 = tpu.memref_slice %arg8[%dma_start3A_623] : memref<208xi32, #tpu.memory_space<vmem>> -> memref<16xi32, #tpu.memory_space<vmem>>
      %dma_start3A_625 = arith.constant 0 : i32
      %dma_start3A_626 = arith.constant 0 : i32
      %dma_start3A_627 = tpu.memref_slice %arg2[%dma_start3A_625, %dma_start3A_626] : memref<4096x256xf32, #tpu.memory_space<hbm>> -> memref<4096x256xf32, #tpu.memory_space<hbm>>
      tpu.enqueue_indirect_dma source(%dma_start3A_627 : memref<4096x256xf32, #tpu.memory_space<hbm>>) target(%dma_start3A_622 : memref<16x256xf32, #tpu.memory_space<vmem>>) offsets(%dma_start3A_624 : memref<16xi32, #tpu.memory_space<vmem>>) semaphore(%arg12 : memref<!tpu.dma_semaphore, #tpu.memory_space<semaphore_mem>>)
      %dma_start3A_628 = arith.constant 192 : i32
      %dma_start3A_629 = arith.constant 0 : i32
      %dma_start3A_630 = tpu.memref_slice %arg9[%dma_start3A_628, %dma_start3A_629] : memref<208x256xf32, #tpu.memory_space<vmem>> -> memref<16x256xf32, #tpu.memory_space<vmem>>
      %dma_start3A_631 = arith.constant 192 : i32
      %dma_start3A_632 = tpu.memref_slice %arg8[%dma_start3A_631] : memref<208xi32, #tpu.memory_space<vmem>> -> memref<16xi32, #tpu.memory_space<vmem>>
      %dma_start3A_633 = arith.constant 0 : i32
      %dma_start3A_634 = arith.constant 0 : i32
      %dma_start3A_635 = tpu.memref_slice %arg2[%dma_start3A_633, %dma_start3A_634] : memref<4096x256xf32, #tpu.memory_space<hbm>> -> memref<4096x256xf32, #tpu.memory_space<hbm>>
      tpu.enqueue_indirect_dma source(%dma_start3A_635 : memref<4096x256xf32, #tpu.memory_space<hbm>>) target(%dma_start3A_630 : memref<16x256xf32, #tpu.memory_space<vmem>>) offsets(%dma_start3A_632 : memref<16xi32, #tpu.memory_space<vmem>>) semaphore(%arg12 : memref<!tpu.dma_semaphore, #tpu.memory_space<semaphore_mem>>)
      %dma_wait3A = arith.constant 0 : i32
      %dma_wait3A_636 = arith.constant 0 : i32
      %dma_wait3A_637 = tpu.memref_slice %arg9[%dma_wait3A, %dma_wait3A_636] : memref<208x256xf32, #tpu.memory_space<vmem>> -> memref<16x256xf32, #tpu.memory_space<vmem>>
      %dma_wait3A_638 = arith.constant 0 : i32
      %dma_wait3A_639 = tpu.memref_slice %arg8[%dma_wait3A_638] : memref<208xi32, #tpu.memory_space<vmem>> -> memref<16xi32, #tpu.memory_space<vmem>>
      %dma_wait3A_640 = arith.constant 0 : i32
      %dma_wait3A_641 = arith.constant 0 : i32
      %dma_wait3A_642 = tpu.memref_slice %arg2[%dma_wait3A_640, %dma_wait3A_641] : memref<4096x256xf32, #tpu.memory_space<hbm>> -> memref<4096x256xf32, #tpu.memory_space<hbm>>
      tpu.wait_indirect_dma semaphore(%arg12 : memref<!tpu.dma_semaphore, #tpu.memory_space<semaphore_mem>>) src(%dma_wait3A_642 : memref<4096x256xf32, #tpu.memory_space<hbm>>) dst(%dma_wait3A_637 : memref<16x256xf32, #tpu.memory_space<vmem>>)
      %dma_wait3A_643 = arith.constant 16 : i32
      %dma_wait3A_644 = arith.constant 0 : i32
      %dma_wait3A_645 = tpu.memref_slice %arg9[%dma_wait3A_643, %dma_wait3A_644] : memref<208x256xf32, #tpu.memory_space<vmem>> -> memref<16x256xf32, #tpu.memory_space<vmem>>
      %dma_wait3A_646 = arith.constant 16 : i32
      %dma_wait3A_647 = tpu.memref_slice %arg8[%dma_wait3A_646] : memref<208xi32, #tpu.memory_space<vmem>> -> memref<16xi32, #tpu.memory_space<vmem>>
      %dma_wait3A_648 = arith.constant 0 : i32
      %dma_wait3A_649 = arith.constant 0 : i32
      %dma_wait3A_650 = tpu.memref_slice %arg2[%dma_wait3A_648, %dma_wait3A_649] : memref<4096x256xf32, #tpu.memory_space<hbm>> -> memref<4096x256xf32, #tpu.memory_space<hbm>>
      tpu.wait_indirect_dma semaphore(%arg12 : memref<!tpu.dma_semaphore, #tpu.memory_space<semaphore_mem>>) src(%dma_wait3A_650 : memref<4096x256xf32, #tpu.memory_space<hbm>>) dst(%dma_wait3A_645 : memref<16x256xf32, #tpu.memory_space<vmem>>)
      %dma_wait3A_651 = arith.constant 32 : i32
      %dma_wait3A_652 = arith.constant 0 : i32
      %dma_wait3A_653 = tpu.memref_slice %arg9[%dma_wait3A_651, %dma_wait3A_652] : memref<208x256xf32, #tpu.memory_space<vmem>> -> memref<16x256xf32, #tpu.memory_space<vmem>>
      %dma_wait3A_654 = arith.constant 32 : i32
      %dma_wait3A_655 = tpu.memref_slice %arg8[%dma_wait3A_654] : memref<208xi32, #tpu.memory_space<vmem>> -> memref<16xi32, #tpu.memory_space<vmem>>
      %dma_wait3A_656 = arith.constant 0 : i32
      %dma_wait3A_657 = arith.constant 0 : i32
      %dma_wait3A_658 = tpu.memref_slice %arg2[%dma_wait3A_656, %dma_wait3A_657] : memref<4096x256xf32, #tpu.memory_space<hbm>> -> memref<4096x256xf32, #tpu.memory_space<hbm>>
      tpu.wait_indirect_dma semaphore(%arg12 : memref<!tpu.dma_semaphore, #tpu.memory_space<semaphore_mem>>) src(%dma_wait3A_658 : memref<4096x256xf32, #tpu.memory_space<hbm>>) dst(%dma_wait3A_653 : memref<16x256xf32, #tpu.memory_space<vmem>>)
      %dma_wait3A_659 = arith.constant 48 : i32
      %dma_wait3A_660 = arith.constant 0 : i32
      %dma_wait3A_661 = tpu.memref_slice %arg9[%dma_wait3A_659, %dma_wait3A_660] : memref<208x256xf32, #tpu.memory_space<vmem>> -> memref<16x256xf32, #tpu.memory_space<vmem>>
      %dma_wait3A_662 = arith.constant 48 : i32
      %dma_wait3A_663 = tpu.memref_slice %arg8[%dma_wait3A_662] : memref<208xi32, #tpu.memory_space<vmem>> -> memref<16xi32, #tpu.memory_space<vmem>>
      %dma_wait3A_664 = arith.constant 0 : i32
      %dma_wait3A_665 = arith.constant 0 : i32
      %dma_wait3A_666 = tpu.memref_slice %arg2[%dma_wait3A_664, %dma_wait3A_665] : memref<4096x256xf32, #tpu.memory_space<hbm>> -> memref<4096x256xf32, #tpu.memory_space<hbm>>
      tpu.wait_indirect_dma semaphore(%arg12 : memref<!tpu.dma_semaphore, #tpu.memory_space<semaphore_mem>>) src(%dma_wait3A_666 : memref<4096x256xf32, #tpu.memory_space<hbm>>) dst(%dma_wait3A_661 : memref<16x256xf32, #tpu.memory_space<vmem>>)
      %dma_wait3A_667 = arith.constant 64 : i32
      %dma_wait3A_668 = arith.constant 0 : i32
      %dma_wait3A_669 = tpu.memref_slice %arg9[%dma_wait3A_667, %dma_wait3A_668] : memref<208x256xf32, #tpu.memory_space<vmem>> -> memref<16x256xf32, #tpu.memory_space<vmem>>
      %dma_wait3A_670 = arith.constant 64 : i32
      %dma_wait3A_671 = tpu.memref_slice %arg8[%dma_wait3A_670] : memref<208xi32, #tpu.memory_space<vmem>> -> memref<16xi32, #tpu.memory_space<vmem>>
      %dma_wait3A_672 = arith.constant 0 : i32
      %dma_wait3A_673 = arith.constant 0 : i32
      %dma_wait3A_674 = tpu.memref_slice %arg2[%dma_wait3A_672, %dma_wait3A_673] : memref<4096x256xf32, #tpu.memory_space<hbm>> -> memref<4096x256xf32, #tpu.memory_space<hbm>>
      tpu.wait_indirect_dma semaphore(%arg12 : memref<!tpu.dma_semaphore, #tpu.memory_space<semaphore_mem>>) src(%dma_wait3A_674 : memref<4096x256xf32, #tpu.memory_space<hbm>>) dst(%dma_wait3A_669 : memref<16x256xf32, #tpu.memory_space<vmem>>)
      %dma_wait3A_675 = arith.constant 80 : i32
      %dma_wait3A_676 = arith.constant 0 : i32
      %dma_wait3A_677 = tpu.memref_slice %arg9[%dma_wait3A_675, %dma_wait3A_676] : memref<208x256xf32, #tpu.memory_space<vmem>> -> memref<16x256xf32, #tpu.memory_space<vmem>>
      %dma_wait3A_678 = arith.constant 80 : i32
      %dma_wait3A_679 = tpu.memref_slice %arg8[%dma_wait3A_678] : memref<208xi32, #tpu.memory_space<vmem>> -> memref<16xi32, #tpu.memory_space<vmem>>
      %dma_wait3A_680 = arith.constant 0 : i32
      %dma_wait3A_681 = arith.constant 0 : i32
      %dma_wait3A_682 = tpu.memref_slice %arg2[%dma_wait3A_680, %dma_wait3A_681] : memref<4096x256xf32, #tpu.memory_space<hbm>> -> memref<4096x256xf32, #tpu.memory_space<hbm>>
      tpu.wait_indirect_dma semaphore(%arg12 : memref<!tpu.dma_semaphore, #tpu.memory_space<semaphore_mem>>) src(%dma_wait3A_682 : memref<4096x256xf32, #tpu.memory_space<hbm>>) dst(%dma_wait3A_677 : memref<16x256xf32, #tpu.memory_space<vmem>>)
      %dma_wait3A_683 = arith.constant 96 : i32
      %dma_wait3A_684 = arith.constant 0 : i32
      %dma_wait3A_685 = tpu.memref_slice %arg9[%dma_wait3A_683, %dma_wait3A_684] : memref<208x256xf32, #tpu.memory_space<vmem>> -> memref<16x256xf32, #tpu.memory_space<vmem>>
      %dma_wait3A_686 = arith.constant 96 : i32
      %dma_wait3A_687 = tpu.memref_slice %arg8[%dma_wait3A_686] : memref<208xi32, #tpu.memory_space<vmem>> -> memref<16xi32, #tpu.memory_space<vmem>>
      %dma_wait3A_688 = arith.constant 0 : i32
      %dma_wait3A_689 = arith.constant 0 : i32
      %dma_wait3A_690 = tpu.memref_slice %arg2[%dma_wait3A_688, %dma_wait3A_689] : memref<4096x256xf32, #tpu.memory_space<hbm>> -> memref<4096x256xf32, #tpu.memory_space<hbm>>
      tpu.wait_indirect_dma semaphore(%arg12 : memref<!tpu.dma_semaphore, #tpu.memory_space<semaphore_mem>>) src(%dma_wait3A_690 : memref<4096x256xf32, #tpu.memory_space<hbm>>) dst(%dma_wait3A_685 : memref<16x256xf32, #tpu.memory_space<vmem>>)
      %dma_wait3A_691 = arith.constant 112 : i32
      %dma_wait3A_692 = arith.constant 0 : i32
      %dma_wait3A_693 = tpu.memref_slice %arg9[%dma_wait3A_691, %dma_wait3A_692] : memref<208x256xf32, #tpu.memory_space<vmem>> -> memref<16x256xf32, #tpu.memory_space<vmem>>
      %dma_wait3A_694 = arith.constant 112 : i32
      %dma_wait3A_695 = tpu.memref_slice %arg8[%dma_wait3A_694] : memref<208xi32, #tpu.memory_space<vmem>> -> memref<16xi32, #tpu.memory_space<vmem>>
      %dma_wait3A_696 = arith.constant 0 : i32
      %dma_wait3A_697 = arith.constant 0 : i32
      %dma_wait3A_698 = tpu.memref_slice %arg2[%dma_wait3A_696, %dma_wait3A_697] : memref<4096x256xf32, #tpu.memory_space<hbm>> -> memref<4096x256xf32, #tpu.memory_space<hbm>>
      tpu.wait_indirect_dma semaphore(%arg12 : memref<!tpu.dma_semaphore, #tpu.memory_space<semaphore_mem>>) src(%dma_wait3A_698 : memref<4096x256xf32, #tpu.memory_space<hbm>>) dst(%dma_wait3A_693 : memref<16x256xf32, #tpu.memory_space<vmem>>)
      %dma_wait3A_699 = arith.constant 128 : i32
      %dma_wait3A_700 = arith.constant 0 : i32
      %dma_wait3A_701 = tpu.memref_slice %arg9[%dma_wait3A_699, %dma_wait3A_700] : memref<208x256xf32, #tpu.memory_space<vmem>> -> memref<16x256xf32, #tpu.memory_space<vmem>>
      %dma_wait3A_702 = arith.constant 128 : i32
      %dma_wait3A_703 = tpu.memref_slice %arg8[%dma_wait3A_702] : memref<208xi32, #tpu.memory_space<vmem>> -> memref<16xi32, #tpu.memory_space<vmem>>
      %dma_wait3A_704 = arith.constant 0 : i32
      %dma_wait3A_705 = arith.constant 0 : i32
      %dma_wait3A_706 = tpu.memref_slice %arg2[%dma_wait3A_704, %dma_wait3A_705] : memref<4096x256xf32, #tpu.memory_space<hbm>> -> memref<4096x256xf32, #tpu.memory_space<hbm>>
      tpu.wait_indirect_dma semaphore(%arg12 : memref<!tpu.dma_semaphore, #tpu.memory_space<semaphore_mem>>) src(%dma_wait3A_706 : memref<4096x256xf32, #tpu.memory_space<hbm>>) dst(%dma_wait3A_701 : memref<16x256xf32, #tpu.memory_space<vmem>>)
      %dma_wait3A_707 = arith.constant 144 : i32
      %dma_wait3A_708 = arith.constant 0 : i32
      %dma_wait3A_709 = tpu.memref_slice %arg9[%dma_wait3A_707, %dma_wait3A_708] : memref<208x256xf32, #tpu.memory_space<vmem>> -> memref<16x256xf32, #tpu.memory_space<vmem>>
      %dma_wait3A_710 = arith.constant 144 : i32
      %dma_wait3A_711 = tpu.memref_slice %arg8[%dma_wait3A_710] : memref<208xi32, #tpu.memory_space<vmem>> -> memref<16xi32, #tpu.memory_space<vmem>>
      %dma_wait3A_712 = arith.constant 0 : i32
      %dma_wait3A_713 = arith.constant 0 : i32
      %dma_wait3A_714 = tpu.memref_slice %arg2[%dma_wait3A_712, %dma_wait3A_713] : memref<4096x256xf32, #tpu.memory_space<hbm>> -> memref<4096x256xf32, #tpu.memory_space<hbm>>
      tpu.wait_indirect_dma semaphore(%arg12 : memref<!tpu.dma_semaphore, #tpu.memory_space<semaphore_mem>>) src(%dma_wait3A_714 : memref<4096x256xf32, #tpu.memory_space<hbm>>) dst(%dma_wait3A_709 : memref<16x256xf32, #tpu.memory_space<vmem>>)
      %dma_wait3A_715 = arith.constant 160 : i32
      %dma_wait3A_716 = arith.constant 0 : i32
      %dma_wait3A_717 = tpu.memref_slice %arg9[%dma_wait3A_715, %dma_wait3A_716] : memref<208x256xf32, #tpu.memory_space<vmem>> -> memref<16x256xf32, #tpu.memory_space<vmem>>
      %dma_wait3A_718 = arith.constant 160 : i32
      %dma_wait3A_719 = tpu.memref_slice %arg8[%dma_wait3A_718] : memref<208xi32, #tpu.memory_space<vmem>> -> memref<16xi32, #tpu.memory_space<vmem>>
      %dma_wait3A_720 = arith.constant 0 : i32
      %dma_wait3A_721 = arith.constant 0 : i32
      %dma_wait3A_722 = tpu.memref_slice %arg2[%dma_wait3A_720, %dma_wait3A_721] : memref<4096x256xf32, #tpu.memory_space<hbm>> -> memref<4096x256xf32, #tpu.memory_space<hbm>>
      tpu.wait_indirect_dma semaphore(%arg12 : memref<!tpu.dma_semaphore, #tpu.memory_space<semaphore_mem>>) src(%dma_wait3A_722 : memref<4096x256xf32, #tpu.memory_space<hbm>>) dst(%dma_wait3A_717 : memref<16x256xf32, #tpu.memory_space<vmem>>)
      %dma_wait3A_723 = arith.constant 176 : i32
      %dma_wait3A_724 = arith.constant 0 : i32
      %dma_wait3A_725 = tpu.memref_slice %arg9[%dma_wait3A_723, %dma_wait3A_724] : memref<208x256xf32, #tpu.memory_space<vmem>> -> memref<16x256xf32, #tpu.memory_space<vmem>>
      %dma_wait3A_726 = arith.constant 176 : i32
      %dma_wait3A_727 = tpu.memref_slice %arg8[%dma_wait3A_726] : memref<208xi32, #tpu.memory_space<vmem>> -> memref<16xi32, #tpu.memory_space<vmem>>
      %dma_wait3A_728 = arith.constant 0 : i32
      %dma_wait3A_729 = arith.constant 0 : i32
      %dma_wait3A_730 = tpu.memref_slice %arg2[%dma_wait3A_728, %dma_wait3A_729] : memref<4096x256xf32, #tpu.memory_space<hbm>> -> memref<4096x256xf32, #tpu.memory_space<hbm>>
      tpu.wait_indirect_dma semaphore(%arg12 : memref<!tpu.dma_semaphore, #tpu.memory_space<semaphore_mem>>) src(%dma_wait3A_730 : memref<4096x256xf32, #tpu.memory_space<hbm>>) dst(%dma_wait3A_725 : memref<16x256xf32, #tpu.memory_space<vmem>>)
      %dma_wait3A_731 = arith.constant 192 : i32
      %dma_wait3A_732 = arith.constant 0 : i32
      %dma_wait3A_733 = tpu.memref_slice %arg9[%dma_wait3A_731, %dma_wait3A_732] : memref<208x256xf32, #tpu.memory_space<vmem>> -> memref<16x256xf32, #tpu.memory_space<vmem>>
      %dma_wait3A_734 = arith.constant 192 : i32
      %dma_wait3A_735 = tpu.memref_slice %arg8[%dma_wait3A_734] : memref<208xi32, #tpu.memory_space<vmem>> -> memref<16xi32, #tpu.memory_space<vmem>>
      %dma_wait3A_736 = arith.constant 0 : i32
      %dma_wait3A_737 = arith.constant 0 : i32
      %dma_wait3A_738 = tpu.memref_slice %arg2[%dma_wait3A_736, %dma_wait3A_737] : memref<4096x256xf32, #tpu.memory_space<hbm>> -> memref<4096x256xf32, #tpu.memory_space<hbm>>
      tpu.wait_indirect_dma semaphore(%arg12 : memref<!tpu.dma_semaphore, #tpu.memory_space<semaphore_mem>>) src(%dma_wait3A_738 : memref<4096x256xf32, #tpu.memory_space<hbm>>) dst(%dma_wait3A_733 : memref<16x256xf32, #tpu.memory_space<vmem>>)
      %parallel_loop3A = arith.constant 0 : i32
      %parallel_loop3A_739 = arith.constant 49 : i32
      %parallel_loop3A_740 = arith.constant 1 : i32
      scf.for %parallel_loop3A_742 = %parallel_loop3A to %parallel_loop3A_739 step %parallel_loop3A_740  : i32 {
        %parallel_loop3A_743 = arith.constant 0 : i32
        %parallel_loop3A_744 = arith.index_cast %parallel_loop3A_743 : i32 to index
        %parallel_loop3A_745 = arith.index_cast %parallel_loop3A_742 : i32 to index
        %parallel_loop3A_746 = tpu.vector_load %arg11[%parallel_loop3A_744, %parallel_loop3A_745] {strides = array<i32>} : memref<4x64xf32, #tpu.memory_space<vmem>>, vector<16xf32>,
        %parallel_loop3A_747 = vector.extract_strided_slice %parallel_loop3A_746 {offsets = [0], sizes = [1], strides = [1]} : vector<16xf32> to vector<1xf32>
        %parallel_loop3A_748 = vector.extract %parallel_loop3A_747[0] : f32 from vector<1xf32>
        %parallel_loop3A_749 = vector.broadcast %parallel_loop3A_748 : f32 to vector<16xf32>
        %parallel_loop3A_750 = arith.constant 1 : i32
        %parallel_loop3A_751 = arith.index_cast %parallel_loop3A_750 : i32 to index
        %parallel_loop3A_752 = arith.index_cast %parallel_loop3A_742 : i32 to index
        %parallel_loop3A_753 = tpu.vector_load %arg11[%parallel_loop3A_751, %parallel_loop3A_752] {strides = array<i32>} : memref<4x64xf32, #tpu.memory_space<vmem>>, vector<16xf32>,
        %parallel_loop3A_754 = vector.extract_strided_slice %parallel_loop3A_753 {offsets = [0], sizes = [1], strides = [1]} : vector<16xf32> to vector<1xf32>
        %parallel_loop3A_755 = vector.extract %parallel_loop3A_754[0] : f32 from vector<1xf32>
        %parallel_loop3A_756 = vector.broadcast %parallel_loop3A_755 : f32 to vector<16xf32>
        %parallel_loop3A_757 = arith.constant 2 : i32
        %parallel_loop3A_758 = arith.index_cast %parallel_loop3A_757 : i32 to index
        %parallel_loop3A_759 = arith.index_cast %parallel_loop3A_742 : i32 to index
        %parallel_loop3A_760 = tpu.vector_load %arg11[%parallel_loop3A_758, %parallel_loop3A_759] {strides = array<i32>} : memref<4x64xf32, #tpu.memory_space<vmem>>, vector<16xf32>,
        %parallel_loop3A_761 = vector.extract_strided_slice %parallel_loop3A_760 {offsets = [0], sizes = [1], strides = [1]} : vector<16xf32> to vector<1xf32>
        %parallel_loop3A_762 = vector.extract %parallel_loop3A_761[0] : f32 from vector<1xf32>
        %parallel_loop3A_763 = vector.broadcast %parallel_loop3A_762 : f32 to vector<16xf32>
        %parallel_loop3A_764 = arith.constant 3 : i32
        %parallel_loop3A_765 = arith.index_cast %parallel_loop3A_764 : i32 to index
        %parallel_loop3A_766 = arith.index_cast %parallel_loop3A_742 : i32 to index
        %parallel_loop3A_767 = tpu.vector_load %arg11[%parallel_loop3A_765, %parallel_loop3A_766] {strides = array<i32>} : memref<4x64xf32, #tpu.memory_space<vmem>>, vector<16xf32>,
        %parallel_loop3A_768 = vector.extract_strided_slice %parallel_loop3A_767 {offsets = [0], sizes = [1], strides = [1]} : vector<16xf32> to vector<1xf32>
        %parallel_loop3A_769 = vector.extract %parallel_loop3A_768[0] : f32 from vector<1xf32>
        %parallel_loop3A_770 = vector.broadcast %parallel_loop3A_769 : f32 to vector<16xf32>
        %parallel_loop3A_771 = arith.index_cast %parallel_loop3A_742 : i32 to index
        %parallel_loop3A_772 = arith.constant 0 : index
        %parallel_loop3A_773 = tpu.vector_load %arg9[%parallel_loop3A_771, %parallel_loop3A_772] {strides = array<i32>} : memref<208x256xf32, #tpu.memory_space<vmem>>, vector<16xf32>,
        %parallel_loop3A_774 = arith.mulf %parallel_loop3A_749, %parallel_loop3A_773 : vector<16xf32>
        %parallel_loop3A_775 = arith.constant 52 : i32
        %parallel_loop3A_776 = arith.addi %parallel_loop3A_742, %parallel_loop3A_775 : i32
        %parallel_loop3A_777 = arith.index_cast %parallel_loop3A_776 : i32 to index
        %parallel_loop3A_778 = arith.constant 0 : index
        %parallel_loop3A_779 = tpu.vector_load %arg9[%parallel_loop3A_777, %parallel_loop3A_778] {strides = array<i32>} : memref<208x256xf32, #tpu.memory_space<vmem>>, vector<16xf32>,
        %parallel_loop3A_780 = arith.mulf %parallel_loop3A_756, %parallel_loop3A_779 : vector<16xf32>
        %parallel_loop3A_781 = arith.addf %parallel_loop3A_774, %parallel_loop3A_780 : vector<16xf32>
        %parallel_loop3A_782 = arith.constant 104 : i32
        %parallel_loop3A_783 = arith.addi %parallel_loop3A_742, %parallel_loop3A_782 : i32
        %parallel_loop3A_784 = arith.index_cast %parallel_loop3A_783 : i32 to index
        %parallel_loop3A_785 = arith.constant 0 : index
        %parallel_loop3A_786 = tpu.vector_load %arg9[%parallel_loop3A_784, %parallel_loop3A_785] {strides = array<i32>} : memref<208x256xf32, #tpu.memory_space<vmem>>, vector<16xf32>,
        %parallel_loop3A_787 = arith.mulf %parallel_loop3A_763, %parallel_loop3A_786 : vector<16xf32>
        %parallel_loop3A_788 = arith.addf %parallel_loop3A_781, %parallel_loop3A_787 : vector<16xf32>
        %parallel_loop3A_789 = arith.constant 156 : i32
        %parallel_loop3A_790 = arith.addi %parallel_loop3A_742, %parallel_loop3A_789 : i32
        %parallel_loop3A_791 = arith.index_cast %parallel_loop3A_790 : i32 to index
        %parallel_loop3A_792 = arith.constant 0 : index
        %parallel_loop3A_793 = tpu.vector_load %arg9[%parallel_loop3A_791, %parallel_loop3A_792] {strides = array<i32>} : memref<208x256xf32, #tpu.memory_space<vmem>>, vector<16xf32>,
        %parallel_loop3A_794 = arith.mulf %parallel_loop3A_770, %parallel_loop3A_793 : vector<16xf32>
        %parallel_loop3A_795 = arith.addf %parallel_loop3A_788, %parallel_loop3A_794 : vector<16xf32>
        %parallel_loop3A_796 = arith.constant 0 : i32
        %parallel_loop3A_797 = arith.addi %parallel_loop3A_796, %parallel_loop3A_742 : i32
        %parallel_loop3A_798 = vector.broadcast %parallel_loop3A_797 : i32 to vector<16xi32>
        %parallel_loop3A_799 = arith.addi %mul3A_34, %parallel_loop3A_798 : vector<16xi32>
        tpu.vector_store_idx %arg10[%parallel_loop3A_799], %parallel_loop3A_795 : memref<12544xf32, #tpu.memory_space<vmem>>[vector<16xi32>], vector<16xf32>,
        %parallel_loop3A_800 = arith.index_cast %parallel_loop3A_742 : i32 to index
        %parallel_loop3A_801 = arith.constant 16 : index
        %parallel_loop3A_802 = tpu.vector_load %arg9[%parallel_loop3A_800, %parallel_loop3A_801] {strides = array<i32>} : memref<208x256xf32, #tpu.memory_space<vmem>>, vector<16xf32>,
        %parallel_loop3A_803 = arith.mulf %parallel_loop3A_749, %parallel_loop3A_802 : vector<16xf32>
        %parallel_loop3A_804 = arith.constant 52 : i32
        %parallel_loop3A_805 = arith.addi %parallel_loop3A_742, %parallel_loop3A_804 : i32
        %parallel_loop3A_806 = arith.index_cast %parallel_loop3A_805 : i32 to index
        %parallel_loop3A_807 = arith.constant 16 : index
        %parallel_loop3A_808 = tpu.vector_load %arg9[%parallel_loop3A_806, %parallel_loop3A_807] {strides = array<i32>} : memref<208x256xf32, #tpu.memory_space<vmem>>, vector<16xf32>,
        %parallel_loop3A_809 = arith.mulf %parallel_loop3A_756, %parallel_loop3A_808 : vector<16xf32>
        %parallel_loop3A_810 = arith.addf %parallel_loop3A_803, %parallel_loop3A_809 : vector<16xf32>
        %parallel_loop3A_811 = arith.constant 104 : i32
        %parallel_loop3A_812 = arith.addi %parallel_loop3A_742, %parallel_loop3A_811 : i32
        %parallel_loop3A_813 = arith.index_cast %parallel_loop3A_812 : i32 to index
        %parallel_loop3A_814 = arith.constant 16 : index
        %parallel_loop3A_815 = tpu.vector_load %arg9[%parallel_loop3A_813, %parallel_loop3A_814] {strides = array<i32>} : memref<208x256xf32, #tpu.memory_space<vmem>>, vector<16xf32>,
        %parallel_loop3A_816 = arith.mulf %parallel_loop3A_763, %parallel_loop3A_815 : vector<16xf32>
        %parallel_loop3A_817 = arith.addf %parallel_loop3A_810, %parallel_loop3A_816 : vector<16xf32>
        %parallel_loop3A_818 = arith.constant 156 : i32
        %parallel_loop3A_819 = arith.addi %parallel_loop3A_742, %parallel_loop3A_818 : i32
        %parallel_loop3A_820 = arith.index_cast %parallel_loop3A_819 : i32 to index
        %parallel_loop3A_821 = arith.constant 16 : index
        %parallel_loop3A_822 = tpu.vector_load %arg9[%parallel_loop3A_820, %parallel_loop3A_821] {strides = array<i32>} : memref<208x256xf32, #tpu.memory_space<vmem>>, vector<16xf32>,
        %parallel_loop3A_823 = arith.mulf %parallel_loop3A_770, %parallel_loop3A_822 : vector<16xf32>
        %parallel_loop3A_824 = arith.addf %parallel_loop3A_817, %parallel_loop3A_823 : vector<16xf32>
        %parallel_loop3A_825 = arith.constant 784 : i32
        %parallel_loop3A_826 = arith.addi %parallel_loop3A_825, %parallel_loop3A_742 : i32
        %parallel_loop3A_827 = vector.broadcast %parallel_loop3A_826 : i32 to vector<16xi32>
        %parallel_loop3A_828 = arith.addi %mul3A_34, %parallel_loop3A_827 : vector<16xi32>
        tpu.vector_store_idx %arg10[%parallel_loop3A_828], %parallel_loop3A_824 : memref<12544xf32, #tpu.memory_space<vmem>>[vector<16xi32>], vector<16xf32>,
        %parallel_loop3A_829 = arith.index_cast %parallel_loop3A_742 : i32 to index
        %parallel_loop3A_830 = arith.constant 32 : index
        %parallel_loop3A_831 = tpu.vector_load %arg9[%parallel_loop3A_829, %parallel_loop3A_830] {strides = array<i32>} : memref<208x256xf32, #tpu.memory_space<vmem>>, vector<16xf32>,
        %parallel_loop3A_832 = arith.mulf %parallel_loop3A_749, %parallel_loop3A_831 : vector<16xf32>
        %parallel_loop3A_833 = arith.constant 52 : i32
        %parallel_loop3A_834 = arith.addi %parallel_loop3A_742, %parallel_loop3A_833 : i32
        %parallel_loop3A_835 = arith.index_cast %parallel_loop3A_834 : i32 to index
        %parallel_loop3A_836 = arith.constant 32 : index
        %parallel_loop3A_837 = tpu.vector_load %arg9[%parallel_loop3A_835, %parallel_loop3A_836] {strides = array<i32>} : memref<208x256xf32, #tpu.memory_space<vmem>>, vector<16xf32>,
        %parallel_loop3A_838 = arith.mulf %parallel_loop3A_756, %parallel_loop3A_837 : vector<16xf32>
        %parallel_loop3A_839 = arith.addf %parallel_loop3A_832, %parallel_loop3A_838 : vector<16xf32>
        %parallel_loop3A_840 = arith.constant 104 : i32
        %parallel_loop3A_841 = arith.addi %parallel_loop3A_742, %parallel_loop3A_840 : i32
        %parallel_loop3A_842 = arith.index_cast %parallel_loop3A_841 : i32 to index
        %parallel_loop3A_843 = arith.constant 32 : index
        %parallel_loop3A_844 = tpu.vector_load %arg9[%parallel_loop3A_842, %parallel_loop3A_843] {strides = array<i32>} : memref<208x256xf32, #tpu.memory_space<vmem>>, vector<16xf32>,
        %parallel_loop3A_845 = arith.mulf %parallel_loop3A_763, %parallel_loop3A_844 : vector<16xf32>
        %parallel_loop3A_846 = arith.addf %parallel_loop3A_839, %parallel_loop3A_845 : vector<16xf32>
        %parallel_loop3A_847 = arith.constant 156 : i32
        %parallel_loop3A_848 = arith.addi %parallel_loop3A_742, %parallel_loop3A_847 : i32
        %parallel_loop3A_849 = arith.index_cast %parallel_loop3A_848 : i32 to index
        %parallel_loop3A_850 = arith.constant 32 : index
        %parallel_loop3A_851 = tpu.vector_load %arg9[%parallel_loop3A_849, %parallel_loop3A_850] {strides = array<i32>} : memref<208x256xf32, #tpu.memory_space<vmem>>, vector<16xf32>,
        %parallel_loop3A_852 = arith.mulf %parallel_loop3A_770, %parallel_loop3A_851 : vector<16xf32>
        %parallel_loop3A_853 = arith.addf %parallel_loop3A_846, %parallel_loop3A_852 : vector<16xf32>
        %parallel_loop3A_854 = arith.constant 1568 : i32
        %parallel_loop3A_855 = arith.addi %parallel_loop3A_854, %parallel_loop3A_742 : i32
        %parallel_loop3A_856 = vector.broadcast %parallel_loop3A_855 : i32 to vector<16xi32>
        %parallel_loop3A_857 = arith.addi %mul3A_34, %parallel_loop3A_856 : vector<16xi32>
        tpu.vector_store_idx %arg10[%parallel_loop3A_857], %parallel_loop3A_853 : memref<12544xf32, #tpu.memory_space<vmem>>[vector<16xi32>], vector<16xf32>,
        %parallel_loop3A_858 = arith.index_cast %parallel_loop3A_742 : i32 to index
        %parallel_loop3A_859 = arith.constant 48 : index
        %parallel_loop3A_860 = tpu.vector_load %arg9[%parallel_loop3A_858, %parallel_loop3A_859] {strides = array<i32>} : memref<208x256xf32, #tpu.memory_space<vmem>>, vector<16xf32>,
        %parallel_loop3A_861 = arith.mulf %parallel_loop3A_749, %parallel_loop3A_860 : vector<16xf32>
        %parallel_loop3A_862 = arith.constant 52 : i32
        %parallel_loop3A_863 = arith.addi %parallel_loop3A_742, %parallel_loop3A_862 : i32
        %parallel_loop3A_864 = arith.index_cast %parallel_loop3A_863 : i32 to index
        %parallel_loop3A_865 = arith.constant 48 : index
        %parallel_loop3A_866 = tpu.vector_load %arg9[%parallel_loop3A_864, %parallel_loop3A_865] {strides = array<i32>} : memref<208x256xf32, #tpu.memory_space<vmem>>, vector<16xf32>,
        %parallel_loop3A_867 = arith.mulf %parallel_loop3A_756, %parallel_loop3A_866 : vector<16xf32>
        %parallel_loop3A_868 = arith.addf %parallel_loop3A_861, %parallel_loop3A_867 : vector<16xf32>
        %parallel_loop3A_869 = arith.constant 104 : i32
        %parallel_loop3A_870 = arith.addi %parallel_loop3A_742, %parallel_loop3A_869 : i32
        %parallel_loop3A_871 = arith.index_cast %parallel_loop3A_870 : i32 to index
        %parallel_loop3A_872 = arith.constant 48 : index
        %parallel_loop3A_873 = tpu.vector_load %arg9[%parallel_loop3A_871, %parallel_loop3A_872] {strides = array<i32>} : memref<208x256xf32, #tpu.memory_space<vmem>>, vector<16xf32>,
        %parallel_loop3A_874 = arith.mulf %parallel_loop3A_763, %parallel_loop3A_873 : vector<16xf32>
        %parallel_loop3A_875 = arith.addf %parallel_loop3A_868, %parallel_loop3A_874 : vector<16xf32>
        %parallel_loop3A_876 = arith.constant 156 : i32
        %parallel_loop3A_877 = arith.addi %parallel_loop3A_742, %parallel_loop3A_876 : i32
        %parallel_loop3A_878 = arith.index_cast %parallel_loop3A_877 : i32 to index
        %parallel_loop3A_879 = arith.constant 48 : index
        %parallel_loop3A_880 = tpu.vector_load %arg9[%parallel_loop3A_878, %parallel_loop3A_879] {strides = array<i32>} : memref<208x256xf32, #tpu.memory_space<vmem>>, vector<16xf32>,
        %parallel_loop3A_881 = arith.mulf %parallel_loop3A_770, %parallel_loop3A_880 : vector<16xf32>
        %parallel_loop3A_882 = arith.addf %parallel_loop3A_875, %parallel_loop3A_881 : vector<16xf32>
        %parallel_loop3A_883 = arith.constant 2352 : i32
        %parallel_loop3A_884 = arith.addi %parallel_loop3A_883, %parallel_loop3A_742 : i32
        %parallel_loop3A_885 = vector.broadcast %parallel_loop3A_884 : i32 to vector<16xi32>
        %parallel_loop3A_886 = arith.addi %mul3A_34, %parallel_loop3A_885 : vector<16xi32>
        tpu.vector_store_idx %arg10[%parallel_loop3A_886], %parallel_loop3A_882 : memref<12544xf32, #tpu.memory_space<vmem>>[vector<16xi32>], vector<16xf32>,
        %parallel_loop3A_887 = arith.index_cast %parallel_loop3A_742 : i32 to index
        %parallel_loop3A_888 = arith.constant 64 : index
        %parallel_loop3A_889 = tpu.vector_load %arg9[%parallel_loop3A_887, %parallel_loop3A_888] {strides = array<i32>} : memref<208x256xf32, #tpu.memory_space<vmem>>, vector<16xf32>,
        %parallel_loop3A_890 = arith.mulf %parallel_loop3A_749, %parallel_loop3A_889 : vector<16xf32>
        %parallel_loop3A_891 = arith.constant 52 : i32
        %parallel_loop3A_892 = arith.addi %parallel_loop3A_742, %parallel_loop3A_891 : i32
        %parallel_loop3A_893 = arith.index_cast %parallel_loop3A_892 : i32 to index
        %parallel_loop3A_894 = arith.constant 64 : index
        %parallel_loop3A_895 = tpu.vector_load %arg9[%parallel_loop3A_893, %parallel_loop3A_894] {strides = array<i32>} : memref<208x256xf32, #tpu.memory_space<vmem>>, vector<16xf32>,
        %parallel_loop3A_896 = arith.mulf %parallel_loop3A_756, %parallel_loop3A_895 : vector<16xf32>
        %parallel_loop3A_897 = arith.addf %parallel_loop3A_890, %parallel_loop3A_896 : vector<16xf32>
        %parallel_loop3A_898 = arith.constant 104 : i32
        %parallel_loop3A_899 = arith.addi %parallel_loop3A_742, %parallel_loop3A_898 : i32
        %parallel_loop3A_900 = arith.index_cast %parallel_loop3A_899 : i32 to index
        %parallel_loop3A_901 = arith.constant 64 : index
        %parallel_loop3A_902 = tpu.vector_load %arg9[%parallel_loop3A_900, %parallel_loop3A_901] {strides = array<i32>} : memref<208x256xf32, #tpu.memory_space<vmem>>, vector<16xf32>,
        %parallel_loop3A_903 = arith.mulf %parallel_loop3A_763, %parallel_loop3A_902 : vector<16xf32>
        %parallel_loop3A_904 = arith.addf %parallel_loop3A_897, %parallel_loop3A_903 : vector<16xf32>
        %parallel_loop3A_905 = arith.constant 156 : i32
        %parallel_loop3A_906 = arith.addi %parallel_loop3A_742, %parallel_loop3A_905 : i32
        %parallel_loop3A_907 = arith.index_cast %parallel_loop3A_906 : i32 to index
        %parallel_loop3A_908 = arith.constant 64 : index
        %parallel_loop3A_909 = tpu.vector_load %arg9[%parallel_loop3A_907, %parallel_loop3A_908] {strides = array<i32>} : memref<208x256xf32, #tpu.memory_space<vmem>>, vector<16xf32>,
        %parallel_loop3A_910 = arith.mulf %parallel_loop3A_770, %parallel_loop3A_909 : vector<16xf32>
        %parallel_loop3A_911 = arith.addf %parallel_loop3A_904, %parallel_loop3A_910 : vector<16xf32>
        %parallel_loop3A_912 = arith.constant 3136 : i32
        %parallel_loop3A_913 = arith.addi %parallel_loop3A_912, %parallel_loop3A_742 : i32
        %parallel_loop3A_914 = vector.broadcast %parallel_loop3A_913 : i32 to vector<16xi32>
        %parallel_loop3A_915 = arith.addi %mul3A_34, %parallel_loop3A_914 : vector<16xi32>
        tpu.vector_store_idx %arg10[%parallel_loop3A_915], %parallel_loop3A_911 : memref<12544xf32, #tpu.memory_space<vmem>>[vector<16xi32>], vector<16xf32>,
        %parallel_loop3A_916 = arith.index_cast %parallel_loop3A_742 : i32 to index
        %parallel_loop3A_917 = arith.constant 80 : index
        %parallel_loop3A_918 = tpu.vector_load %arg9[%parallel_loop3A_916, %parallel_loop3A_917] {strides = array<i32>} : memref<208x256xf32, #tpu.memory_space<vmem>>, vector<16xf32>,
        %parallel_loop3A_919 = arith.mulf %parallel_loop3A_749, %parallel_loop3A_918 : vector<16xf32>
        %parallel_loop3A_920 = arith.constant 52 : i32
        %parallel_loop3A_921 = arith.addi %parallel_loop3A_742, %parallel_loop3A_920 : i32
        %parallel_loop3A_922 = arith.index_cast %parallel_loop3A_921 : i32 to index
        %parallel_loop3A_923 = arith.constant 80 : index
        %parallel_loop3A_924 = tpu.vector_load %arg9[%parallel_loop3A_922, %parallel_loop3A_923] {strides = array<i32>} : memref<208x256xf32, #tpu.memory_space<vmem>>, vector<16xf32>,
        %parallel_loop3A_925 = arith.mulf %parallel_loop3A_756, %parallel_loop3A_924 : vector<16xf32>
        %parallel_loop3A_926 = arith.addf %parallel_loop3A_919, %parallel_loop3A_925 : vector<16xf32>
        %parallel_loop3A_927 = arith.constant 104 : i32
        %parallel_loop3A_928 = arith.addi %parallel_loop3A_742, %parallel_loop3A_927 : i32
        %parallel_loop3A_929 = arith.index_cast %parallel_loop3A_928 : i32 to index
        %parallel_loop3A_930 = arith.constant 80 : index
        %parallel_loop3A_931 = tpu.vector_load %arg9[%parallel_loop3A_929, %parallel_loop3A_930] {strides = array<i32>} : memref<208x256xf32, #tpu.memory_space<vmem>>, vector<16xf32>,
        %parallel_loop3A_932 = arith.mulf %parallel_loop3A_763, %parallel_loop3A_931 : vector<16xf32>
        %parallel_loop3A_933 = arith.addf %parallel_loop3A_926, %parallel_loop3A_932 : vector<16xf32>
        %parallel_loop3A_934 = arith.constant 156 : i32
        %parallel_loop3A_935 = arith.addi %parallel_loop3A_742, %parallel_loop3A_934 : i32
        %parallel_loop3A_936 = arith.index_cast %parallel_loop3A_935 : i32 to index
        %parallel_loop3A_937 = arith.constant 80 : index
        %parallel_loop3A_938 = tpu.vector_load %arg9[%parallel_loop3A_936, %parallel_loop3A_937] {strides = array<i32>} : memref<208x256xf32, #tpu.memory_space<vmem>>, vector<16xf32>,
        %parallel_loop3A_939 = arith.mulf %parallel_loop3A_770, %parallel_loop3A_938 : vector<16xf32>
        %parallel_loop3A_940 = arith.addf %parallel_loop3A_933, %parallel_loop3A_939 : vector<16xf32>
        %parallel_loop3A_941 = arith.constant 3920 : i32
        %parallel_loop3A_942 = arith.addi %parallel_loop3A_941, %parallel_loop3A_742 : i32
        %parallel_loop3A_943 = vector.broadcast %parallel_loop3A_942 : i32 to vector<16xi32>
        %parallel_loop3A_944 = arith.addi %mul3A_34, %parallel_loop3A_943 : vector<16xi32>
        tpu.vector_store_idx %arg10[%parallel_loop3A_944], %parallel_loop3A_940 : memref<12544xf32, #tpu.memory_space<vmem>>[vector<16xi32>], vector<16xf32>,
        %parallel_loop3A_945 = arith.index_cast %parallel_loop3A_742 : i32 to index
        %parallel_loop3A_946 = arith.constant 96 : index
        %parallel_loop3A_947 = tpu.vector_load %arg9[%parallel_loop3A_945, %parallel_loop3A_946] {strides = array<i32>} : memref<208x256xf32, #tpu.memory_space<vmem>>, vector<16xf32>,
        %parallel_loop3A_948 = arith.mulf %parallel_loop3A_749, %parallel_loop3A_947 : vector<16xf32>
        %parallel_loop3A_949 = arith.constant 52 : i32
        %parallel_loop3A_950 = arith.addi %parallel_loop3A_742, %parallel_loop3A_949 : i32
        %parallel_loop3A_951 = arith.index_cast %parallel_loop3A_950 : i32 to index
        %parallel_loop3A_952 = arith.constant 96 : index
        %parallel_loop3A_953 = tpu.vector_load %arg9[%parallel_loop3A_951, %parallel_loop3A_952] {strides = array<i32>} : memref<208x256xf32, #tpu.memory_space<vmem>>, vector<16xf32>,
        %parallel_loop3A_954 = arith.mulf %parallel_loop3A_756, %parallel_loop3A_953 : vector<16xf32>
        %parallel_loop3A_955 = arith.addf %parallel_loop3A_948, %parallel_loop3A_954 : vector<16xf32>
        %parallel_loop3A_956 = arith.constant 104 : i32
        %parallel_loop3A_957 = arith.addi %parallel_loop3A_742, %parallel_loop3A_956 : i32
        %parallel_loop3A_958 = arith.index_cast %parallel_loop3A_957 : i32 to index
        %parallel_loop3A_959 = arith.constant 96 : index
        %parallel_loop3A_960 = tpu.vector_load %arg9[%parallel_loop3A_958, %parallel_loop3A_959] {strides = array<i32>} : memref<208x256xf32, #tpu.memory_space<vmem>>, vector<16xf32>,
        %parallel_loop3A_961 = arith.mulf %parallel_loop3A_763, %parallel_loop3A_960 : vector<16xf32>
        %parallel_loop3A_962 = arith.addf %parallel_loop3A_955, %parallel_loop3A_961 : vector<16xf32>
        %parallel_loop3A_963 = arith.constant 156 : i32
        %parallel_loop3A_964 = arith.addi %parallel_loop3A_742, %parallel_loop3A_963 : i32
        %parallel_loop3A_965 = arith.index_cast %parallel_loop3A_964 : i32 to index
        %parallel_loop3A_966 = arith.constant 96 : index
        %parallel_loop3A_967 = tpu.vector_load %arg9[%parallel_loop3A_965, %parallel_loop3A_966] {strides = array<i32>} : memref<208x256xf32, #tpu.memory_space<vmem>>, vector<16xf32>,
        %parallel_loop3A_968 = arith.mulf %parallel_loop3A_770, %parallel_loop3A_967 : vector<16xf32>
        %parallel_loop3A_969 = arith.addf %parallel_loop3A_962, %parallel_loop3A_968 : vector<16xf32>
        %parallel_loop3A_970 = arith.constant 4704 : i32
        %parallel_loop3A_971 = arith.addi %parallel_loop3A_970, %parallel_loop3A_742 : i32
        %parallel_loop3A_972 = vector.broadcast %parallel_loop3A_971 : i32 to vector<16xi32>
        %parallel_loop3A_973 = arith.addi %mul3A_34, %parallel_loop3A_972 : vector<16xi32>
        tpu.vector_store_idx %arg10[%parallel_loop3A_973], %parallel_loop3A_969 : memref<12544xf32, #tpu.memory_space<vmem>>[vector<16xi32>], vector<16xf32>,
        %parallel_loop3A_974 = arith.index_cast %parallel_loop3A_742 : i32 to index
        %parallel_loop3A_975 = arith.constant 112 : index
        %parallel_loop3A_976 = tpu.vector_load %arg9[%parallel_loop3A_974, %parallel_loop3A_975] {strides = array<i32>} : memref<208x256xf32, #tpu.memory_space<vmem>>, vector<16xf32>,
        %parallel_loop3A_977 = arith.mulf %parallel_loop3A_749, %parallel_loop3A_976 : vector<16xf32>
        %parallel_loop3A_978 = arith.constant 52 : i32
        %parallel_loop3A_979 = arith.addi %parallel_loop3A_742, %parallel_loop3A_978 : i32
        %parallel_loop3A_980 = arith.index_cast %parallel_loop3A_979 : i32 to index
        %parallel_loop3A_981 = arith.constant 112 : index
        %parallel_loop3A_982 = tpu.vector_load %arg9[%parallel_loop3A_980, %parallel_loop3A_981] {strides = array<i32>} : memref<208x256xf32, #tpu.memory_space<vmem>>, vector<16xf32>,
        %parallel_loop3A_983 = arith.mulf %parallel_loop3A_756, %parallel_loop3A_982 : vector<16xf32>
        %parallel_loop3A_984 = arith.addf %parallel_loop3A_977, %parallel_loop3A_983 : vector<16xf32>
        %parallel_loop3A_985 = arith.constant 104 : i32
        %parallel_loop3A_986 = arith.addi %parallel_loop3A_742, %parallel_loop3A_985 : i32
        %parallel_loop3A_987 = arith.index_cast %parallel_loop3A_986 : i32 to index
        %parallel_loop3A_988 = arith.constant 112 : index
        %parallel_loop3A_989 = tpu.vector_load %arg9[%parallel_loop3A_987, %parallel_loop3A_988] {strides = array<i32>} : memref<208x256xf32, #tpu.memory_space<vmem>>, vector<16xf32>,
        %parallel_loop3A_990 = arith.mulf %parallel_loop3A_763, %parallel_loop3A_989 : vector<16xf32>
        %parallel_loop3A_991 = arith.addf %parallel_loop3A_984, %parallel_loop3A_990 : vector<16xf32>
        %parallel_loop3A_992 = arith.constant 156 : i32
        %parallel_loop3A_993 = arith.addi %parallel_loop3A_742, %parallel_loop3A_992 : i32
        %parallel_loop3A_994 = arith.index_cast %parallel_loop3A_993 : i32 to index
        %parallel_loop3A_995 = arith.constant 112 : index
        %parallel_loop3A_996 = tpu.vector_load %arg9[%parallel_loop3A_994, %parallel_loop3A_995] {strides = array<i32>} : memref<208x256xf32, #tpu.memory_space<vmem>>, vector<16xf32>,
        %parallel_loop3A_997 = arith.mulf %parallel_loop3A_770, %parallel_loop3A_996 : vector<16xf32>
        %parallel_loop3A_998 = arith.addf %parallel_loop3A_991, %parallel_loop3A_997 : vector<16xf32>
        %parallel_loop3A_999 = arith.constant 5488 : i32
        %parallel_loop3A_1000 = arith.addi %parallel_loop3A_999, %parallel_loop3A_742 : i32
        %parallel_loop3A_1001 = vector.broadcast %parallel_loop3A_1000 : i32 to vector<16xi32>
        %parallel_loop3A_1002 = arith.addi %mul3A_34, %parallel_loop3A_1001 : vector<16xi32>
        tpu.vector_store_idx %arg10[%parallel_loop3A_1002], %parallel_loop3A_998 : memref<12544xf32, #tpu.memory_space<vmem>>[vector<16xi32>], vector<16xf32>,
        %parallel_loop3A_1003 = arith.index_cast %parallel_loop3A_742 : i32 to index
        %parallel_loop3A_1004 = arith.constant 128 : index
        %parallel_loop3A_1005 = tpu.vector_load %arg9[%parallel_loop3A_1003, %parallel_loop3A_1004] {strides = array<i32>} : memref<208x256xf32, #tpu.memory_space<vmem>>, vector<16xf32>,
        %parallel_loop3A_1006 = arith.mulf %parallel_loop3A_749, %parallel_loop3A_1005 : vector<16xf32>
        %parallel_loop3A_1007 = arith.constant 52 : i32
        %parallel_loop3A_1008 = arith.addi %parallel_loop3A_742, %parallel_loop3A_1007 : i32
        %parallel_loop3A_1009 = arith.index_cast %parallel_loop3A_1008 : i32 to index
        %parallel_loop3A_1010 = arith.constant 128 : index
        %parallel_loop3A_1011 = tpu.vector_load %arg9[%parallel_loop3A_1009, %parallel_loop3A_1010] {strides = array<i32>} : memref<208x256xf32, #tpu.memory_space<vmem>>, vector<16xf32>,
        %parallel_loop3A_1012 = arith.mulf %parallel_loop3A_756, %parallel_loop3A_1011 : vector<16xf32>
        %parallel_loop3A_1013 = arith.addf %parallel_loop3A_1006, %parallel_loop3A_1012 : vector<16xf32>
        %parallel_loop3A_1014 = arith.constant 104 : i32
        %parallel_loop3A_1015 = arith.addi %parallel_loop3A_742, %parallel_loop3A_1014 : i32
        %parallel_loop3A_1016 = arith.index_cast %parallel_loop3A_1015 : i32 to index
        %parallel_loop3A_1017 = arith.constant 128 : index
        %parallel_loop3A_1018 = tpu.vector_load %arg9[%parallel_loop3A_1016, %parallel_loop3A_1017] {strides = array<i32>} : memref<208x256xf32, #tpu.memory_space<vmem>>, vector<16xf32>,
        %parallel_loop3A_1019 = arith.mulf %parallel_loop3A_763, %parallel_loop3A_1018 : vector<16xf32>
        %parallel_loop3A_1020 = arith.addf %parallel_loop3A_1013, %parallel_loop3A_1019 : vector<16xf32>
        %parallel_loop3A_1021 = arith.constant 156 : i32
        %parallel_loop3A_1022 = arith.addi %parallel_loop3A_742, %parallel_loop3A_1021 : i32
        %parallel_loop3A_1023 = arith.index_cast %parallel_loop3A_1022 : i32 to index
        %parallel_loop3A_1024 = arith.constant 128 : index
        %parallel_loop3A_1025 = tpu.vector_load %arg9[%parallel_loop3A_1023, %parallel_loop3A_1024] {strides = array<i32>} : memref<208x256xf32, #tpu.memory_space<vmem>>, vector<16xf32>,
        %parallel_loop3A_1026 = arith.mulf %parallel_loop3A_770, %parallel_loop3A_1025 : vector<16xf32>
        %parallel_loop3A_1027 = arith.addf %parallel_loop3A_1020, %parallel_loop3A_1026 : vector<16xf32>
        %parallel_loop3A_1028 = arith.constant 6272 : i32
        %parallel_loop3A_1029 = arith.addi %parallel_loop3A_1028, %parallel_loop3A_742 : i32
        %parallel_loop3A_1030 = vector.broadcast %parallel_loop3A_1029 : i32 to vector<16xi32>
        %parallel_loop3A_1031 = arith.addi %mul3A_34, %parallel_loop3A_1030 : vector<16xi32>
        tpu.vector_store_idx %arg10[%parallel_loop3A_1031], %parallel_loop3A_1027 : memref<12544xf32, #tpu.memory_space<vmem>>[vector<16xi32>], vector<16xf32>,
        %parallel_loop3A_1032 = arith.index_cast %parallel_loop3A_742 : i32 to index
        %parallel_loop3A_1033 = arith.constant 144 : index
        %parallel_loop3A_1034 = tpu.vector_load %arg9[%parallel_loop3A_1032, %parallel_loop3A_1033] {strides = array<i32>} : memref<208x256xf32, #tpu.memory_space<vmem>>, vector<16xf32>,
        %parallel_loop3A_1035 = arith.mulf %parallel_loop3A_749, %parallel_loop3A_1034 : vector<16xf32>
        %parallel_loop3A_1036 = arith.constant 52 : i32
        %parallel_loop3A_1037 = arith.addi %parallel_loop3A_742, %parallel_loop3A_1036 : i32
        %parallel_loop3A_1038 = arith.index_cast %parallel_loop3A_1037 : i32 to index
        %parallel_loop3A_1039 = arith.constant 144 : index
        %parallel_loop3A_1040 = tpu.vector_load %arg9[%parallel_loop3A_1038, %parallel_loop3A_1039] {strides = array<i32>} : memref<208x256xf32, #tpu.memory_space<vmem>>, vector<16xf32>,
        %parallel_loop3A_1041 = arith.mulf %parallel_loop3A_756, %parallel_loop3A_1040 : vector<16xf32>
        %parallel_loop3A_1042 = arith.addf %parallel_loop3A_1035, %parallel_loop3A_1041 : vector<16xf32>
        %parallel_loop3A_1043 = arith.constant 104 : i32
        %parallel_loop3A_1044 = arith.addi %parallel_loop3A_742, %parallel_loop3A_1043 : i32
        %parallel_loop3A_1045 = arith.index_cast %parallel_loop3A_1044 : i32 to index
        %parallel_loop3A_1046 = arith.constant 144 : index
        %parallel_loop3A_1047 = tpu.vector_load %arg9[%parallel_loop3A_1045, %parallel_loop3A_1046] {strides = array<i32>} : memref<208x256xf32, #tpu.memory_space<vmem>>, vector<16xf32>,
        %parallel_loop3A_1048 = arith.mulf %parallel_loop3A_763, %parallel_loop3A_1047 : vector<16xf32>
        %parallel_loop3A_1049 = arith.addf %parallel_loop3A_1042, %parallel_loop3A_1048 : vector<16xf32>
        %parallel_loop3A_1050 = arith.constant 156 : i32
        %parallel_loop3A_1051 = arith.addi %parallel_loop3A_742, %parallel_loop3A_1050 : i32
        %parallel_loop3A_1052 = arith.index_cast %parallel_loop3A_1051 : i32 to index
        %parallel_loop3A_1053 = arith.constant 144 : index
        %parallel_loop3A_1054 = tpu.vector_load %arg9[%parallel_loop3A_1052, %parallel_loop3A_1053] {strides = array<i32>} : memref<208x256xf32, #tpu.memory_space<vmem>>, vector<16xf32>,
        %parallel_loop3A_1055 = arith.mulf %parallel_loop3A_770, %parallel_loop3A_1054 : vector<16xf32>
        %parallel_loop3A_1056 = arith.addf %parallel_loop3A_1049, %parallel_loop3A_1055 : vector<16xf32>
        %parallel_loop3A_1057 = arith.constant 7056 : i32
        %parallel_loop3A_1058 = arith.addi %parallel_loop3A_1057, %parallel_loop3A_742 : i32
        %parallel_loop3A_1059 = vector.broadcast %parallel_loop3A_1058 : i32 to vector<16xi32>
        %parallel_loop3A_1060 = arith.addi %mul3A_34, %parallel_loop3A_1059 : vector<16xi32>
        tpu.vector_store_idx %arg10[%parallel_loop3A_1060], %parallel_loop3A_1056 : memref<12544xf32, #tpu.memory_space<vmem>>[vector<16xi32>], vector<16xf32>,
        %parallel_loop3A_1061 = arith.index_cast %parallel_loop3A_742 : i32 to index
        %parallel_loop3A_1062 = arith.constant 160 : index
        %parallel_loop3A_1063 = tpu.vector_load %arg9[%parallel_loop3A_1061, %parallel_loop3A_1062] {strides = array<i32>} : memref<208x256xf32, #tpu.memory_space<vmem>>, vector<16xf32>,
        %parallel_loop3A_1064 = arith.mulf %parallel_loop3A_749, %parallel_loop3A_1063 : vector<16xf32>
        %parallel_loop3A_1065 = arith.constant 52 : i32
        %parallel_loop3A_1066 = arith.addi %parallel_loop3A_742, %parallel_loop3A_1065 : i32
        %parallel_loop3A_1067 = arith.index_cast %parallel_loop3A_1066 : i32 to index
        %parallel_loop3A_1068 = arith.constant 160 : index
        %parallel_loop3A_1069 = tpu.vector_load %arg9[%parallel_loop3A_1067, %parallel_loop3A_1068] {strides = array<i32>} : memref<208x256xf32, #tpu.memory_space<vmem>>, vector<16xf32>,
        %parallel_loop3A_1070 = arith.mulf %parallel_loop3A_756, %parallel_loop3A_1069 : vector<16xf32>
        %parallel_loop3A_1071 = arith.addf %parallel_loop3A_1064, %parallel_loop3A_1070 : vector<16xf32>
        %parallel_loop3A_1072 = arith.constant 104 : i32
        %parallel_loop3A_1073 = arith.addi %parallel_loop3A_742, %parallel_loop3A_1072 : i32
        %parallel_loop3A_1074 = arith.index_cast %parallel_loop3A_1073 : i32 to index
        %parallel_loop3A_1075 = arith.constant 160 : index
        %parallel_loop3A_1076 = tpu.vector_load %arg9[%parallel_loop3A_1074, %parallel_loop3A_1075] {strides = array<i32>} : memref<208x256xf32, #tpu.memory_space<vmem>>, vector<16xf32>,
        %parallel_loop3A_1077 = arith.mulf %parallel_loop3A_763, %parallel_loop3A_1076 : vector<16xf32>
        %parallel_loop3A_1078 = arith.addf %parallel_loop3A_1071, %parallel_loop3A_1077 : vector<16xf32>
        %parallel_loop3A_1079 = arith.constant 156 : i32
        %parallel_loop3A_1080 = arith.addi %parallel_loop3A_742, %parallel_loop3A_1079 : i32
        %parallel_loop3A_1081 = arith.index_cast %parallel_loop3A_1080 : i32 to index
        %parallel_loop3A_1082 = arith.constant 160 : index
        %parallel_loop3A_1083 = tpu.vector_load %arg9[%parallel_loop3A_1081, %parallel_loop3A_1082] {strides = array<i32>} : memref<208x256xf32, #tpu.memory_space<vmem>>, vector<16xf32>,
        %parallel_loop3A_1084 = arith.mulf %parallel_loop3A_770, %parallel_loop3A_1083 : vector<16xf32>
        %parallel_loop3A_1085 = arith.addf %parallel_loop3A_1078, %parallel_loop3A_1084 : vector<16xf32>
        %parallel_loop3A_1086 = arith.constant 7840 : i32
        %parallel_loop3A_1087 = arith.addi %parallel_loop3A_1086, %parallel_loop3A_742 : i32
        %parallel_loop3A_1088 = vector.broadcast %parallel_loop3A_1087 : i32 to vector<16xi32>
        %parallel_loop3A_1089 = arith.addi %mul3A_34, %parallel_loop3A_1088 : vector<16xi32>
        tpu.vector_store_idx %arg10[%parallel_loop3A_1089], %parallel_loop3A_1085 : memref<12544xf32, #tpu.memory_space<vmem>>[vector<16xi32>], vector<16xf32>,
        %parallel_loop3A_1090 = arith.index_cast %parallel_loop3A_742 : i32 to index
        %parallel_loop3A_1091 = arith.constant 176 : index
        %parallel_loop3A_1092 = tpu.vector_load %arg9[%parallel_loop3A_1090, %parallel_loop3A_1091] {strides = array<i32>} : memref<208x256xf32, #tpu.memory_space<vmem>>, vector<16xf32>,
        %parallel_loop3A_1093 = arith.mulf %parallel_loop3A_749, %parallel_loop3A_1092 : vector<16xf32>
        %parallel_loop3A_1094 = arith.constant 52 : i32
        %parallel_loop3A_1095 = arith.addi %parallel_loop3A_742, %parallel_loop3A_1094 : i32
        %parallel_loop3A_1096 = arith.index_cast %parallel_loop3A_1095 : i32 to index
        %parallel_loop3A_1097 = arith.constant 176 : index
        %parallel_loop3A_1098 = tpu.vector_load %arg9[%parallel_loop3A_1096, %parallel_loop3A_1097] {strides = array<i32>} : memref<208x256xf32, #tpu.memory_space<vmem>>, vector<16xf32>,
        %parallel_loop3A_1099 = arith.mulf %parallel_loop3A_756, %parallel_loop3A_1098 : vector<16xf32>
        %parallel_loop3A_1100 = arith.addf %parallel_loop3A_1093, %parallel_loop3A_1099 : vector<16xf32>
        %parallel_loop3A_1101 = arith.constant 104 : i32
        %parallel_loop3A_1102 = arith.addi %parallel_loop3A_742, %parallel_loop3A_1101 : i32
        %parallel_loop3A_1103 = arith.index_cast %parallel_loop3A_1102 : i32 to index
        %parallel_loop3A_1104 = arith.constant 176 : index
        %parallel_loop3A_1105 = tpu.vector_load %arg9[%parallel_loop3A_1103, %parallel_loop3A_1104] {strides = array<i32>} : memref<208x256xf32, #tpu.memory_space<vmem>>, vector<16xf32>,
        %parallel_loop3A_1106 = arith.mulf %parallel_loop3A_763, %parallel_loop3A_1105 : vector<16xf32>
        %parallel_loop3A_1107 = arith.addf %parallel_loop3A_1100, %parallel_loop3A_1106 : vector<16xf32>
        %parallel_loop3A_1108 = arith.constant 156 : i32
        %parallel_loop3A_1109 = arith.addi %parallel_loop3A_742, %parallel_loop3A_1108 : i32
        %parallel_loop3A_1110 = arith.index_cast %parallel_loop3A_1109 : i32 to index
        %parallel_loop3A_1111 = arith.constant 176 : index
        %parallel_loop3A_1112 = tpu.vector_load %arg9[%parallel_loop3A_1110, %parallel_loop3A_1111] {strides = array<i32>} : memref<208x256xf32, #tpu.memory_space<vmem>>, vector<16xf32>,
        %parallel_loop3A_1113 = arith.mulf %parallel_loop3A_770, %parallel_loop3A_1112 : vector<16xf32>
        %parallel_loop3A_1114 = arith.addf %parallel_loop3A_1107, %parallel_loop3A_1113 : vector<16xf32>
        %parallel_loop3A_1115 = arith.constant 8624 : i32
        %parallel_loop3A_1116 = arith.addi %parallel_loop3A_1115, %parallel_loop3A_742 : i32
        %parallel_loop3A_1117 = vector.broadcast %parallel_loop3A_1116 : i32 to vector<16xi32>
        %parallel_loop3A_1118 = arith.addi %mul3A_34, %parallel_loop3A_1117 : vector<16xi32>
        tpu.vector_store_idx %arg10[%parallel_loop3A_1118], %parallel_loop3A_1114 : memref<12544xf32, #tpu.memory_space<vmem>>[vector<16xi32>], vector<16xf32>,
        %parallel_loop3A_1119 = arith.index_cast %parallel_loop3A_742 : i32 to index
        %parallel_loop3A_1120 = arith.constant 192 : index
        %parallel_loop3A_1121 = tpu.vector_load %arg9[%parallel_loop3A_1119, %parallel_loop3A_1120] {strides = array<i32>} : memref<208x256xf32, #tpu.memory_space<vmem>>, vector<16xf32>,
        %parallel_loop3A_1122 = arith.mulf %parallel_loop3A_749, %parallel_loop3A_1121 : vector<16xf32>
        %parallel_loop3A_1123 = arith.constant 52 : i32
        %parallel_loop3A_1124 = arith.addi %parallel_loop3A_742, %parallel_loop3A_1123 : i32
        %parallel_loop3A_1125 = arith.index_cast %parallel_loop3A_1124 : i32 to index
        %parallel_loop3A_1126 = arith.constant 192 : index
        %parallel_loop3A_1127 = tpu.vector_load %arg9[%parallel_loop3A_1125, %parallel_loop3A_1126] {strides = array<i32>} : memref<208x256xf32, #tpu.memory_space<vmem>>, vector<16xf32>,
        %parallel_loop3A_1128 = arith.mulf %parallel_loop3A_756, %parallel_loop3A_1127 : vector<16xf32>
        %parallel_loop3A_1129 = arith.addf %parallel_loop3A_1122, %parallel_loop3A_1128 : vector<16xf32>
        %parallel_loop3A_1130 = arith.constant 104 : i32
        %parallel_loop3A_1131 = arith.addi %parallel_loop3A_742, %parallel_loop3A_1130 : i32
        %parallel_loop3A_1132 = arith.index_cast %parallel_loop3A_1131 : i32 to index
        %parallel_loop3A_1133 = arith.constant 192 : index
        %parallel_loop3A_1134 = tpu.vector_load %arg9[%parallel_loop3A_1132, %parallel_loop3A_1133] {strides = array<i32>} : memref<208x256xf32, #tpu.memory_space<vmem>>, vector<16xf32>,
        %parallel_loop3A_1135 = arith.mulf %parallel_loop3A_763, %parallel_loop3A_1134 : vector<16xf32>
        %parallel_loop3A_1136 = arith.addf %parallel_loop3A_1129, %parallel_loop3A_1135 : vector<16xf32>
        %parallel_loop3A_1137 = arith.constant 156 : i32
        %parallel_loop3A_1138 = arith.addi %parallel_loop3A_742, %parallel_loop3A_1137 : i32
        %parallel_loop3A_1139 = arith.index_cast %parallel_loop3A_1138 : i32 to index
        %parallel_loop3A_1140 = arith.constant 192 : index
        %parallel_loop3A_1141 = tpu.vector_load %arg9[%parallel_loop3A_1139, %parallel_loop3A_1140] {strides = array<i32>} : memref<208x256xf32, #tpu.memory_space<vmem>>, vector<16xf32>,
        %parallel_loop3A_1142 = arith.mulf %parallel_loop3A_770, %parallel_loop3A_1141 : vector<16xf32>
        %parallel_loop3A_1143 = arith.addf %parallel_loop3A_1136, %parallel_loop3A_1142 : vector<16xf32>
        %parallel_loop3A_1144 = arith.constant 9408 : i32
        %parallel_loop3A_1145 = arith.addi %parallel_loop3A_1144, %parallel_loop3A_742 : i32
        %parallel_loop3A_1146 = vector.broadcast %parallel_loop3A_1145 : i32 to vector<16xi32>
        %parallel_loop3A_1147 = arith.addi %mul3A_34, %parallel_loop3A_1146 : vector<16xi32>
        tpu.vector_store_idx %arg10[%parallel_loop3A_1147], %parallel_loop3A_1143 : memref<12544xf32, #tpu.memory_space<vmem>>[vector<16xi32>], vector<16xf32>,
        %parallel_loop3A_1148 = arith.index_cast %parallel_loop3A_742 : i32 to index
        %parallel_loop3A_1149 = arith.constant 208 : index
        %parallel_loop3A_1150 = tpu.vector_load %arg9[%parallel_loop3A_1148, %parallel_loop3A_1149] {strides = array<i32>} : memref<208x256xf32, #tpu.memory_space<vmem>>, vector<16xf32>,
        %parallel_loop3A_1151 = arith.mulf %parallel_loop3A_749, %parallel_loop3A_1150 : vector<16xf32>
        %parallel_loop3A_1152 = arith.constant 52 : i32
        %parallel_loop3A_1153 = arith.addi %parallel_loop3A_742, %parallel_loop3A_1152 : i32
        %parallel_loop3A_1154 = arith.index_cast %parallel_loop3A_1153 : i32 to index
        %parallel_loop3A_1155 = arith.constant 208 : index
        %parallel_loop3A_1156 = tpu.vector_load %arg9[%parallel_loop3A_1154, %parallel_loop3A_1155] {strides = array<i32>} : memref<208x256xf32, #tpu.memory_space<vmem>>, vector<16xf32>,
        %parallel_loop3A_1157 = arith.mulf %parallel_loop3A_756, %parallel_loop3A_1156 : vector<16xf32>
        %parallel_loop3A_1158 = arith.addf %parallel_loop3A_1151, %parallel_loop3A_1157 : vector<16xf32>
        %parallel_loop3A_1159 = arith.constant 104 : i32
        %parallel_loop3A_1160 = arith.addi %parallel_loop3A_742, %parallel_loop3A_1159 : i32
        %parallel_loop3A_1161 = arith.index_cast %parallel_loop3A_1160 : i32 to index
        %parallel_loop3A_1162 = arith.constant 208 : index
        %parallel_loop3A_1163 = tpu.vector_load %arg9[%parallel_loop3A_1161, %parallel_loop3A_1162] {strides = array<i32>} : memref<208x256xf32, #tpu.memory_space<vmem>>, vector<16xf32>,
        %parallel_loop3A_1164 = arith.mulf %parallel_loop3A_763, %parallel_loop3A_1163 : vector<16xf32>
        %parallel_loop3A_1165 = arith.addf %parallel_loop3A_1158, %parallel_loop3A_1164 : vector<16xf32>
        %parallel_loop3A_1166 = arith.constant 156 : i32
        %parallel_loop3A_1167 = arith.addi %parallel_loop3A_742, %parallel_loop3A_1166 : i32
        %parallel_loop3A_1168 = arith.index_cast %parallel_loop3A_1167 : i32 to index
        %parallel_loop3A_1169 = arith.constant 208 : index
        %parallel_loop3A_1170 = tpu.vector_load %arg9[%parallel_loop3A_1168, %parallel_loop3A_1169] {strides = array<i32>} : memref<208x256xf32, #tpu.memory_space<vmem>>, vector<16xf32>,
        %parallel_loop3A_1171 = arith.mulf %parallel_loop3A_770, %parallel_loop3A_1170 : vector<16xf32>
        %parallel_loop3A_1172 = arith.addf %parallel_loop3A_1165, %parallel_loop3A_1171 : vector<16xf32>
        %parallel_loop3A_1173 = arith.constant 10192 : i32
        %parallel_loop3A_1174 = arith.addi %parallel_loop3A_1173, %parallel_loop3A_742 : i32
        %parallel_loop3A_1175 = vector.broadcast %parallel_loop3A_1174 : i32 to vector<16xi32>
        %parallel_loop3A_1176 = arith.addi %mul3A_34, %parallel_loop3A_1175 : vector<16xi32>
        tpu.vector_store_idx %arg10[%parallel_loop3A_1176], %parallel_loop3A_1172 : memref<12544xf32, #tpu.memory_space<vmem>>[vector<16xi32>], vector<16xf32>,
        %parallel_loop3A_1177 = arith.index_cast %parallel_loop3A_742 : i32 to index
        %parallel_loop3A_1178 = arith.constant 224 : index
        %parallel_loop3A_1179 = tpu.vector_load %arg9[%parallel_loop3A_1177, %parallel_loop3A_1178] {strides = array<i32>} : memref<208x256xf32, #tpu.memory_space<vmem>>, vector<16xf32>,
        %parallel_loop3A_1180 = arith.mulf %parallel_loop3A_749, %parallel_loop3A_1179 : vector<16xf32>
        %parallel_loop3A_1181 = arith.constant 52 : i32
        %parallel_loop3A_1182 = arith.addi %parallel_loop3A_742, %parallel_loop3A_1181 : i32
        %parallel_loop3A_1183 = arith.index_cast %parallel_loop3A_1182 : i32 to index
        %parallel_loop3A_1184 = arith.constant 224 : index
        %parallel_loop3A_1185 = tpu.vector_load %arg9[%parallel_loop3A_1183, %parallel_loop3A_1184] {strides = array<i32>} : memref<208x256xf32, #tpu.memory_space<vmem>>, vector<16xf32>,
        %parallel_loop3A_1186 = arith.mulf %parallel_loop3A_756, %parallel_loop3A_1185 : vector<16xf32>
        %parallel_loop3A_1187 = arith.addf %parallel_loop3A_1180, %parallel_loop3A_1186 : vector<16xf32>
        %parallel_loop3A_1188 = arith.constant 104 : i32
        %parallel_loop3A_1189 = arith.addi %parallel_loop3A_742, %parallel_loop3A_1188 : i32
        %parallel_loop3A_1190 = arith.index_cast %parallel_loop3A_1189 : i32 to index
        %parallel_loop3A_1191 = arith.constant 224 : index
        %parallel_loop3A_1192 = tpu.vector_load %arg9[%parallel_loop3A_1190, %parallel_loop3A_1191] {strides = array<i32>} : memref<208x256xf32, #tpu.memory_space<vmem>>, vector<16xf32>,
        %parallel_loop3A_1193 = arith.mulf %parallel_loop3A_763, %parallel_loop3A_1192 : vector<16xf32>
        %parallel_loop3A_1194 = arith.addf %parallel_loop3A_1187, %parallel_loop3A_1193 : vector<16xf32>
        %parallel_loop3A_1195 = arith.constant 156 : i32
        %parallel_loop3A_1196 = arith.addi %parallel_loop3A_742, %parallel_loop3A_1195 : i32
        %parallel_loop3A_1197 = arith.index_cast %parallel_loop3A_1196 : i32 to index
        %parallel_loop3A_1198 = arith.constant 224 : index
        %parallel_loop3A_1199 = tpu.vector_load %arg9[%parallel_loop3A_1197, %parallel_loop3A_1198] {strides = array<i32>} : memref<208x256xf32, #tpu.memory_space<vmem>>, vector<16xf32>,
        %parallel_loop3A_1200 = arith.mulf %parallel_loop3A_770, %parallel_loop3A_1199 : vector<16xf32>
        %parallel_loop3A_1201 = arith.addf %parallel_loop3A_1194, %parallel_loop3A_1200 : vector<16xf32>
        %parallel_loop3A_1202 = arith.constant 10976 : i32
        %parallel_loop3A_1203 = arith.addi %parallel_loop3A_1202, %parallel_loop3A_742 : i32
        %parallel_loop3A_1204 = vector.broadcast %parallel_loop3A_1203 : i32 to vector<16xi32>
        %parallel_loop3A_1205 = arith.addi %mul3A_34, %parallel_loop3A_1204 : vector<16xi32>
        tpu.vector_store_idx %arg10[%parallel_loop3A_1205], %parallel_loop3A_1201 : memref<12544xf32, #tpu.memory_space<vmem>>[vector<16xi32>], vector<16xf32>,
        %parallel_loop3A_1206 = arith.index_cast %parallel_loop3A_742 : i32 to index
        %parallel_loop3A_1207 = arith.constant 240 : index
        %parallel_loop3A_1208 = tpu.vector_load %arg9[%parallel_loop3A_1206, %parallel_loop3A_1207] {strides = array<i32>} : memref<208x256xf32, #tpu.memory_space<vmem>>, vector<16xf32>,
        %parallel_loop3A_1209 = arith.mulf %parallel_loop3A_749, %parallel_loop3A_1208 : vector<16xf32>
        %parallel_loop3A_1210 = arith.constant 52 : i32
        %parallel_loop3A_1211 = arith.addi %parallel_loop3A_742, %parallel_loop3A_1210 : i32
        %parallel_loop3A_1212 = arith.index_cast %parallel_loop3A_1211 : i32 to index
        %parallel_loop3A_1213 = arith.constant 240 : index
        %parallel_loop3A_1214 = tpu.vector_load %arg9[%parallel_loop3A_1212, %parallel_loop3A_1213] {strides = array<i32>} : memref<208x256xf32, #tpu.memory_space<vmem>>, vector<16xf32>,
        %parallel_loop3A_1215 = arith.mulf %parallel_loop3A_756, %parallel_loop3A_1214 : vector<16xf32>
        %parallel_loop3A_1216 = arith.addf %parallel_loop3A_1209, %parallel_loop3A_1215 : vector<16xf32>
        %parallel_loop3A_1217 = arith.constant 104 : i32
        %parallel_loop3A_1218 = arith.addi %parallel_loop3A_742, %parallel_loop3A_1217 : i32
        %parallel_loop3A_1219 = arith.index_cast %parallel_loop3A_1218 : i32 to index
        %parallel_loop3A_1220 = arith.constant 240 : index
        %parallel_loop3A_1221 = tpu.vector_load %arg9[%parallel_loop3A_1219, %parallel_loop3A_1220] {strides = array<i32>} : memref<208x256xf32, #tpu.memory_space<vmem>>, vector<16xf32>,
        %parallel_loop3A_1222 = arith.mulf %parallel_loop3A_763, %parallel_loop3A_1221 : vector<16xf32>
        %parallel_loop3A_1223 = arith.addf %parallel_loop3A_1216, %parallel_loop3A_1222 : vector<16xf32>
        %parallel_loop3A_1224 = arith.constant 156 : i32
        %parallel_loop3A_1225 = arith.addi %parallel_loop3A_742, %parallel_loop3A_1224 : i32
        %parallel_loop3A_1226 = arith.index_cast %parallel_loop3A_1225 : i32 to index
        %parallel_loop3A_1227 = arith.constant 240 : index
        %parallel_loop3A_1228 = tpu.vector_load %arg9[%parallel_loop3A_1226, %parallel_loop3A_1227] {strides = array<i32>} : memref<208x256xf32, #tpu.memory_space<vmem>>, vector<16xf32>,
        %parallel_loop3A_1229 = arith.mulf %parallel_loop3A_770, %parallel_loop3A_1228 : vector<16xf32>
        %parallel_loop3A_1230 = arith.addf %parallel_loop3A_1223, %parallel_loop3A_1229 : vector<16xf32>
        %parallel_loop3A_1231 = arith.constant 11760 : i32
        %parallel_loop3A_1232 = arith.addi %parallel_loop3A_1231, %parallel_loop3A_742 : i32
        %parallel_loop3A_1233 = vector.broadcast %parallel_loop3A_1232 : i32 to vector<16xi32>
        %parallel_loop3A_1234 = arith.addi %mul3A_34, %parallel_loop3A_1233 : vector<16xi32>
        tpu.vector_store_idx %arg10[%parallel_loop3A_1234], %parallel_loop3A_1230 : memref<12544xf32, #tpu.memory_space<vmem>>[vector<16xi32>], vector<16xf32>,
      } {sc.loop_unroll_factor = 7 : i64, sc.parallel_access}
      %add3A_741 = arith.addi %mul3A_2, %while3A_44 : i32
      "tpu.region"() ({
        %run_scoped3A = tpu.sem_alloc : memref<!tpu.dma_semaphore, #tpu.memory_space<semaphore_mem>>
        %dma_start3A_742 = arith.constant 0 : i32
        %dma_start3A_743 = tpu.memref_slice %arg5[%add3A_741, %dma_start3A_742] : memref<5000x12544xf32, #tpu.memory_space<hbm>> -> memref<1x12544xf32, #tpu.memory_space<hbm>>
        %dma_start3A_744 = tpu.memref_squeeze %dma_start3A_743 : memref<1x12544xf32, #tpu.memory_space<hbm>> -> memref<12544xf32, #tpu.memory_space<hbm>>
        %dma_start3A_745 = arith.constant 0 : i32
        %dma_start3A_746 = tpu.memref_slice %arg5[%add3A_741, %dma_start3A_745] : memref<5000x12544xf32, #tpu.memory_space<hbm>> -> memref<1x12544xf32, #tpu.memory_space<hbm>>
        %dma_start3A_747 = tpu.memref_squeeze %dma_start3A_746 : memref<1x12544xf32, #tpu.memory_space<hbm>> -> memref<12544xf32, #tpu.memory_space<hbm>>
        tpu.enqueue_dma source(%arg10 : memref<12544xf32, #tpu.memory_space<vmem>>) target(%dma_start3A_747 : memref<12544xf32, #tpu.memory_space<hbm>>) target_semaphore(%run_scoped3A : memref<!tpu.dma_semaphore, #tpu.memory_space<semaphore_mem>>)
        %dma_wait3A_748 = arith.constant 0 : i32
        %dma_wait3A_749 = tpu.memref_slice %arg5[%add3A_741, %dma_wait3A_748] : memref<5000x12544xf32, #tpu.memory_space<hbm>> -> memref<1x12544xf32, #tpu.memory_space<hbm>>
        %dma_wait3A_750 = tpu.memref_squeeze %dma_wait3A_749 : memref<1x12544xf32, #tpu.memory_space<hbm>> -> memref<12544xf32, #tpu.memory_space<hbm>>
        %dma_wait3A_751 = arith.constant 0 : i32
        %dma_wait3A_752 = tpu.memref_slice %arg5[%add3A_741, %dma_wait3A_751] : memref<5000x12544xf32, #tpu.memory_space<hbm>> -> memref<1x12544xf32, #tpu.memory_space<hbm>>
        %dma_wait3A_753 = tpu.memref_squeeze %dma_wait3A_752 : memref<1x12544xf32, #tpu.memory_space<hbm>> -> memref<12544xf32, #tpu.memory_space<hbm>>
        tpu.wait_dma2 semaphore(%run_scoped3A : memref<!tpu.dma_semaphore, #tpu.memory_space<semaphore_mem>>) src(%arg10 : memref<12544xf32, #tpu.memory_space<vmem>>) dst(%dma_wait3A_753 : memref<12544xf32, #tpu.memory_space<hbm>>)
        tpu.yield
      }) : () -> ()
    }
    return
  }
}

</mosaic_0001>

<sc_bundles>
// kernel: kernel.3.cloned.1.call-start
scs
__scs_entry_jumppad:
0x0: {  	(pc) =	sbr.rel $0x88, $3  }
0x1: {  	(tag) =	ssettag $0x0;
	lr =	simm.s32 $0x1  }
0x2: {  	[smem:$0x3F9F] =	sst lr;
	_ =	strace $0xD0000000  }
0x3: {  	_ = 	snop  }
0x4: {  	_ = 	snop  }
0x5: {  	_ = 	snop  }
0x6: {  	_ = 	snop  }
0x7: {  	_ = 	snop  }
__scs_overlays_trampoline_lowered:
0x8: {  	[smem:$0x3FAE] =	sst s0  }
0x9: {  	[smem:$0x3FAF] =	sst s1  }
0xa: {  	[smem:$0x3FB0] =	sst s2  }
0xb: {  	[smem:$0x3FB1] =	sst s3  }
0xc: {  	[smem:$0x3FB2] =	sst s4  }
0xd: {  	[smem:$0x3FB3] =	sst s5  }
0xe: {  	[smem:$0x3FB4] =	sst s6  }
0xf: {  	[smem:$0x3FB5] =	sst s7  }
0x10: {  	[smem:$0x3FB6] =	sst s8  }
0x11: {  	[smem:$0x3FB7] =	sst s9;
	s0 =	simm.s32 @!p0 $0x0  }
0x12: {  	s1 =	sld [smem:$0x3F9D];
	s0 =	simm.s32 @p0 $0x1  }
0x13: {  	[smem:$0x3FB8] =	sst s0;
	s0 =	simm.s32 @!p1 $0x0  }
0x14: {  	s2 =	sld [smem:$0x3F9C];
	s0 =	simm.s32 @p1 $0x1  }
0x15: {  	[smem:$0x3FB9] =	sst s0;
	s0 =	simm.s32 @!p2 $0x0  }
0x16: {  	s3 =	sld [smem:$0x3FDB];
	s0 =	simm.s32 @p2 $0x1  }
0x17: {  	s4 =	simm.s32 $0x1BF5;
	[smem:$0x3FBB] =	sst s0  }
0x18: {  	s0 =	sld [smem:$0x3F9E];
	_ =	swait.ge [sflag:s4], $0x0  }
0x19: {  	s7 =	sld [smem:$0x3F9F]  }
0x1a: {  	s8 =	sadd.s32 $0xFFFFE003, lr  }
0x1b: {  	s9 =	sadd.s32 $0xFFFFFEF7, lr;
	s5 =	simm.s32 $0xFFFFFFFF;
	p2 =	slt.u32 s8, $0xFFFFF086  }
0x1c: {  	p1 =	slt.u32 s9, $0xF7A;
	s5 =	simm.s32 @!p2 $0x0  }
0x1d: {  	s5 =	simm.s32 @p1 $0x1;
	p0 =	seq.s32 s7, s2  }
0x1e: {  	s7 =	smul.u32 @!p0 $0xF7A, s2;
	p2 =	seq.s32 @!p0 s5, $0x0  }
0x1f: {  	s9 =	smul.u32 $0xF7A, s1;
	s8 =	simm.s32 @!p0 $0x1BF5;
	p2 =	por !p2, p0  }
0x20: {  	[sflag:s8] =	ssyncset.s32 @!p0 $0xFFFFF086;
	s6 =	sadd.s32 @!p0 s3, s7;
	s7 =	simm.s32 @!p0 $0x108  }
0x21: {  	s3 =	sadd.s32 s3, s9;
	s6 =	sadd.s32 @!p0 $0x88, s6;
	s7 =	simm.s32 @p2 $0x1082  }
0x22: {  	[simem:s7], [sflag:s8] =	dma.local @!p0 [hbm:s6], $0xF7A  }
0x23: {  	s9 =	sor.u32 $0xD0000000, s2;
	s6 =	simm.s32 $0x108;
	_ =	swait.ge @!p0 [sflag:s8], $0x0  }
0x24: {  	s3 =	sadd.s32 $0x88, s3;
	s6 =	simm.s32 @!p1 $0x1082;
	[sflag:s4] =	ssyncset.s32 $0xFFFFF086  }
0x25: {  	[simem:s6], [sflag:s4] =	dma.local [hbm:s3], $0xF7A  }
0x26: {  	[smem:$0x3F9F] =	sst s1;
	(tag) =	ssettag s2;
	_ =	strace s9  }
0x27: {  	s1 =	sld [smem:$0x3FAF]  }
0x28: {  	s2 =	sld [smem:$0x3FB0]  }
0x29: {  	s4 =	sld [smem:$0x3FB2]  }
0x2a: {  	p0 =	seq.s32 s5, $0x0;
	s5 =	sld [smem:$0x3FB3]  }
0x2b: {  	s6 =	sld [smem:$0x3FB4]  }
0x2c: {  	s7 =	sld [smem:$0x3FB5]  }
0x2d: {  	s3 =	simm.s32 $0x108;
	s8 =	sld [smem:$0x3FB6]  }
0x2e: {  	s3 =	simm.s32 @!p0 $0x1082;
	s9 =	sld [smem:$0x3FB7]  }
0x2f: {  	lr =	sadd.s32 s0, s3;
	s0 =	sld [smem:$0x3FAE]  }
0x30: {  	s3 =	sld [smem:$0x3FB1]  }
0x31: {  	[smem:$0x3FBA] =	sst s10  }
0x32: {  	s10 =	sld [smem:$0x3FB8];
	_ =	sdelay $0x3  }
0x33: {  	p0 =	seq.s32 s10, $0x1;
	s10 =	sld [smem:$0x3FBA];
	_ =	sdelay $0x3  }
0x34: {  	[smem:$0x3FBA] =	sst s10  }
0x35: {  	s10 =	sld [smem:$0x3FB9];
	_ =	sdelay $0x3  }
0x36: {  	p1 =	seq.s32 s10, $0x1;
	s10 =	sld [smem:$0x3FBA];
	_ =	sdelay $0x3  }
0x37: {  	[smem:$0x3FBA] =	sst s10  }
0x38: {  	s10 =	sld [smem:$0x3FBB]  }
0x39: {  	_ = 	snop;
	(pc) =	sbr.ind lr, $3  }
0x3a: {  	_ = 	snop  }
0x3b: {  	_ = 	snop  }
0x3c: {  	p2 =	seq.s32 s10, $0x1;
	s10 =	sld [smem:$0x3FBA]  }
0x3d: {  	_ =	shalt  }
0x3e: {  	_ =	shalt  }
0x3f: {  	_ =	shalt  }
0x40: {  	_ =	shalt  }
0x41: {  	_ =	shalt  }
0x42: {  	_ =	shalt  }
0x43: {  	_ =	shalt  }
0x44: {  	_ =	shalt  }
0x45: {  	_ =	shalt  }
0x46: {  	_ =	shalt  }
0x47: {  	_ =	shalt  }
0x48: {  	_ =	shalt  }
0x49: {  	_ =	shalt  }
0x4a: {  	_ =	shalt  }
0x4b: {  	_ =	shalt  }
0x4c: {  	_ =	shalt  }
0x4d: {  	_ =	shalt  }
0x4e: {  	_ =	shalt  }
0x4f: {  	_ =	shalt  }
0x50: {  	_ =	shalt  }
0x51: {  	_ =	shalt  }
0x52: {  	_ =	shalt  }
0x53: {  	_ =	shalt  }
0x54: {  	_ =	shalt  }
0x55: {  	_ =	shalt  }
0x56: {  	_ =	shalt  }
0x57: {  	_ =	shalt  }
0x58: {  	_ =	shalt  }
0x59: {  	_ =	shalt  }
0x5a: {  	_ =	shalt  }
0x5b: {  	_ =	shalt  }
0x5c: {  	_ =	shalt  }
0x5d: {  	_ =	shalt  }
0x5e: {  	_ =	shalt  }
0x5f: {  	_ =	shalt  }
0x60: {  	_ =	shalt  }
0x61: {  	_ =	shalt  }
0x62: {  	_ =	shalt  }
0x63: {  	_ =	shalt  }
0x64: {  	_ =	shalt  }
0x65: {  	_ =	shalt  }
0x66: {  	_ =	shalt  }
0x67: {  	_ =	shalt  }
0x68: {  	_ =	shalt  }
0x69: {  	_ =	shalt  }
0x6a: {  	_ =	shalt  }
0x6b: {  	_ =	shalt  }
0x6c: {  	_ =	shalt  }
0x6d: {  	_ =	shalt  }
0x6e: {  	_ =	shalt  }
0x6f: {  	_ =	shalt  }
0x70: {  	_ =	shalt  }
0x71: {  	_ =	shalt  }
0x72: {  	_ =	shalt  }
0x73: {  	_ =	shalt  }
0x74: {  	_ =	shalt  }
0x75: {  	_ =	shalt  }
0x76: {  	_ =	shalt  }
0x77: {  	_ =	shalt  }
0x78: {  	_ =	shalt  }
0x79: {  	_ =	shalt  }
0x7a: {  	_ =	shalt  }
0x7b: {  	_ =	shalt  }
0x7c: {  	_ =	shalt  }
0x7d: {  	_ =	shalt  }
0x7e: {  	_ =	shalt  }
0x7f: {  	_ =	shalt  }
0x80: {  	_ =	shalt  }
0x81: {  	_ =	shalt  }
0x82: {  	_ =	shalt  }
0x83: {  	_ =	shalt  }
0x84: {  	_ =	shalt  }
0x85: {  	_ =	shalt  }
0x86: {  	_ =	shalt  }
0x87: {  	_ =	shalt  }
.Lfunc_end0:
.L_simem_size_0:
called_computation.1_lowered:
.L_overlay_start_0:
0x88: {  	s2 =	sld [smem:$0x3FD9]  }
0x89: {  	s3 =	sld [smem:$0x3FFE];
	_ =	sdelay $0x1  }
0x8a: {  	s1 =	srdreg.scid  }
0x8b: {  	s0 =	sand.u32 $0x1, s1  }
0x8c: {  	s17 =	sshll.u32 s0, $0xA;
	s2 =	sadd.s32 s3, s2  }
0x8d: {  	s2 =	sadd.s32 s2, s17  }
0x8e: {  	[smem:$0x3FC6] =	sst s2  }
0x8f: {  	_ = 	snop  }
0x90: {  	s2 =	sld [smem:$0x3FC9]  }
0x91: {  	s18 =	sld [smem:$0x3FD0];
	(tm) =	ssettm $0x1  }
0x92: {  	s4 =	sld [smem:$0x3FFB];
	_ =	sdelay $0x3  }
0x93: {  	_ =	strace s4  }
0x94: {  	s4 =	sld [smem:$0x3FFC];
	_ =	sdelay $0x3  }
0x95: {  	_ =	strace s4  }
0x96: {  	s4 =	sld [smem:$0x3FFD];
	_ =	sdelay $0x3  }
0x97: {  	_ =	strace s4  }
0x98: {  	_ =	strace $0x8FFFFFFF  }
0x99: {  	s19 =	sld [smem:$0x3FDB];
	_ =	sdelay $0x1  }
0x9a: {  	s5 =	simm.s32 $_scs_section_size  }
0x9b: {  	s6 =	simm.s32 $_size__tile_overlayer_lowered;
	s7 =	simm.s32 $_tile_overlayer_lowered  }
0x9c: {  	s22 =	simm.s32 $0x1BFF;
	s21 =	sshll.u32 s7, $0x1;
	s4 =	sadd.s32 s5, s19  }
0x9d: {  	s8 =	simm.s32 $0x0;
	s20 =	sshll.u32 s6, $0x1;
	s6 =	sadd.s32 s21, s4  }
0x9e: {  	[timem:s8], [sflag:s22] =	dma.local [hbm:s6], s20  }
0x9f: {  	_ =	swait.ge [sflag:s22], s20  }
0xa0: {  	s5 =	ssub.s32 $0x0, s20;
	[sflag:s22] =	ssyncset.done $0x0  }
0xa1: {  	[sflag:s22] =	ssyncadd.s32 s5;
	_ =	sdelay $0x1  }
0xa2: {  	s23 =	simm.s32 $0x1B8B  }
0xa3: {  	_ =	swait.ge [sflag:s23], $0x1  }
0xa4: {  	[sflag:s23] =	ssyncset.done $0x0  }
0xa5: {  	s25 =	simm.s32 $0x1B8E;
	s24 =	sld [smem:$0x3FFE];
	[sflag:s23] =	ssyncadd.s32 $0xFFFFFFFF  }
0xa6: {  	s26 =	simm.s32 $execute0_lowered;
	[smem:$0x3FD2] =	sst s25  }
0xa7: {  	s6 =	sshll.u32 s26, $0x1;
	_ =	strace $0x80000046;
	[dreg:$0x1] =	wrdreg $0xFFFFFFFF  }
0xa8: {  	s28 =	simm.s32 $_size_execute0_lowered;
	s4 =	sadd.s32 s4, s6;
	[dreg:$0x0] =	wrdreg $0x0  }
0xa9: {  	s6 =	sshll.u32 s28, $0x1;
	[dreg:$0x2] =	wrdreg s4  }
0xaa: {  	[dreg:$0x3] =	wrdreg s6  }
0xab: {  	[dreg:$0x4] =	wrdreg $0xC0  }
0xac: {  	_ =	task [dreg:s8], $0x5FFFF  }
0xad: {  	[dreg:$0x1] =	wrdreg $0xFFFFFFFF  }
0xae: {  	[dreg:$0x0] =	wrdreg $0x60  }
0xaf: {  	[dreg:$0x2] =	wrdreg s2  }
0xb0: {  	[dreg:$0x3] =	wrdreg s24  }
0xb1: {  	[dreg:$0x4] =	wrdreg s18  }
0xb2: {  	[dreg:$0x5] =	wrdreg $0x9  }
0xb3: {  	_ =	task.clear_ibuf [dreg:s8], $0x6FFFF;
	_ =	strace $0x90000046  }
0xb4: {  	s29 =	simm.s32 $0x9;
	_ =	strace $0x80000048  }
0xb5: {  	_ =	swait.ge [sflag:s29], $0x1  }
0xb6: {  	[sflag:s29] =	ssyncadd.s32 $0xFFFFFFFF  }
0xb7: {  	_ =	strace $0x90000048  }
0xb8: {  	_ =	sfence  }
0xb9: {  	s30 =	sld [smem:$0x0];
	_ =	sdelay $0x2  }
0xba: {  	s31 =	sshll.u32 s1, $0xD;
	s1 =	sshrl.u32 s1, $0x2  }
0xbb: {  	s3 =	sand.u32 $0x4000, s31;
	s1 =	sadd.s32 s1, s30  }
0xbc: {  	s0 =	sor.u32 s3, s0;
	s1 =	sshll.u32 s1, $0x11  }
0xbd: {  	s0 =	sor.u32 s1, s0  }
0xbe: {  	s0 =	sadd.s32 $0x8F2B, s0  }
0xbf: {  	[sflag:s0] =	ssyncadd.remote.s32 $0x1  }
0xc0: {  	_ =	sfence.sel $0xFFFF  }
0xc1: {  	[dreg:$0x0] =	wrdreg $0xFFFFFFFF;
	(pc) =	sbr.abs _section_cstart, $3  }
0xc2: {  	[dreg:$0x1] =	wrdreg $0xFFFFFFFF  }
0xc3: {  	_ =	task.clear_ibuf [dreg:s8], $0x2FFFF;
	_ =	strace $0x9FFFFFFF  }
0xc4: {  	(tm) =	ssettm $0x7FFFFFFF  }
0xc5: {  	_ =	shalt  }
tec
execute0_lowered:
.L_overlay_start_1:
0x0: {  	(tag) =	ssettag $0x1  }
0x1: {  	s0 =	srdreg.scid;
	s1 =	rddreg [dreg:$0x0]  }
0x2: {  	s6 =	stileid.u32;
	s3 =	rddreg [dreg:$0x1];
	s7 =	simm.s32 $0x0  }
0x3: {  	s0 =	sand.u32 $0x1, s0;
	s2 =	sshll.u32 s6, $0x1;
	s6 =	smul.u32 $0xFFFFFEC0, s6  }
0x4: {  	s11 =	simm.s32 $0x2;
	s2 =	sor.u32 s0, s2;
	s5 =	smul.u32 $0xFFFFFF60, s0  }
0x5: {  	s12 =	simm.s32 $0x12180;
	s0 =	ssub.s32 $0x2, s0;
	s4 =	smul.u32 $0xA00, s2  }
0x6: {  	[smem:$0x7FF] =	sst s7;
	s29 =	sshrl.u32 s0, $0x1;
	s2 =	smul.u32 $0xA0, s2  }
0x7: {  	_ =	strace $0x80000047;
	s5 =	sadd.s32 s6, s5;
	s0 =	ssub.s32 s0, s29  }
0x8: {  	s4 =	sadd.s32 s4, s3;
	s3 =	sadd.s32 $0xC00, s3;
	[dreg:$0x5] =	wrdreg s2  }
0x9: {  	v0 =	vlaneseq.u32;
	s30 =	sadd.s32 $0x1388, s5;
	s0 =	smax.u32 s0, $0x1;
	[dreg:$0x4] =	wrdreg s3  }
0xa: {  	v1 =	vimm.s32 $0x0;
	vm0 =	vmmov $0xffff;
	v3 =	vshrl.u32 v0, $0x3;
	s2 =	simm.s32 $0x0;
	s31 =	sadd.s32 $0xE00, s4;
	[dreg:$0x7] =	wrdreg s0  }
0xb: {  	v2 =	vand.u32 $0x7, v0;
	v4 =	vor.u32 $0x8, v0;
	v3 =	vmul.u32 $0x8, v3;
	s8 =	smin.u32 s30, $0xA0;
	s3 =	simm.s32 $0x1;
	[dreg:$0x6] =	wrdreg s31  }
.LBB2_1:
0xc: {  	[dreg:$0x8] =	wrdreg s2  }
0xd: {  	s0 =	simm.s32 $0x0;
	s30 =	rddreg [dreg:$0x4];
	s4 =	simm.s32 $0x5000  }
0xe: {  	[tilespmem:s4], [sflag:$0x2] =	stream.linear.gather [hbm4b:s30+s0], $0x80, $0x38;
	[tilespmem:$0x15480] =	vst v63  }
0xf: {  	_ =	swait.ge [sflag:s11], $0x80  }
0x10: {  	[sflag:s11] =	ssyncset.done $0x0  }
0x11: {  	s31 =	rddreg [dreg:$0x6];
	[sflag:s11] =	ssyncadd.s32 $0xFFFFFF80  }
0x12: {  	[tilespmem:s0], [sflag:$0x2] =	stream.linear.gather [hbm4b:s31+s0], $0x5000, $0x38;
	[tilespmem:$0x15480] =	vst v63  }
0x13: {  	_ =	swait.ge [sflag:s11], $0x5000  }
0x14: {  	[sflag:s11] =	ssyncset.done $0x0  }
0x15: {  	[sflag:s11] =	ssyncadd.s32 $0xFFFFB000  }
0x16: {  	[tilespmem:$0x5080] =	vst v1  }
0x17: {  	[tilespmem:$0x5090] =	vst v1  }
0x18: {  	[tilespmem:$0x50A0] =	vst v1  }
0x19: {  	[tilespmem:$0x50B0] =	vst v1  }
0x1a: {  	[tilespmem:$0x50C0] =	vst v1  }
0x1b: {  	[tilespmem:$0x50D0] =	vst v1  }
0x1c: {  	[tilespmem:$0x50E0] =	vst v1  }
0x1d: {  	[tilespmem:$0x50F0] =	vst v1  }
0x1e: {  	[tilespmem:$0x5100] =	vst v1  }
0x1f: {  	[tilespmem:$0x5110] =	vst v1  }
0x20: {  	[tilespmem:$0x5120] =	vst v1  }
0x21: {  	[tilespmem:$0x5130] =	vst v1  }
0x22: {  	s15 =	simm.s32 $0x0;
	[tilespmem:$0x5140] =	vst v1  }
.LBB2_2:
0x23: {  	s0 =	sshll.u32 s15, $0x9  }
0x24: {  	s0 =	sshra.s32 s0, $0x2  }
0x25: {  	v5 =	vld [tilespmem:s0+$0x0];
	_ =	sdelay $0x3  }
0x26: {  	v6 =	vld [tilespmem:$0x5000]  }
0x27: {  	v8 =	vld [tilespmem:$0x5040];
	v9 =	vbroadcast v5, $0x3  }
0x28: {  	v7 =	vbroadcast v5, $0x2;
	v10 =	vbroadcast v5, $0x0  }
0x29: {  	v5 =	vbroadcast v5, $0x1;
	v12 =	vmul.f32 $5.000000000e-01, v9  }
0x2a: {  	v11 =	vmul.f32 $5.000000000e-01, v7  }
0x2b: {  	v6 =	vmul.f32 v6, v9;
	v5 =	vsub.f32 v5, v12  }
0x2c: {  	v7 =	vmul.f32 v8, v7;
	v10 =	vsub.f32 v10, v11  }
0x2d: {  	v5 =	vadd.f32 v5, v6  }
0x2e: {  	v6 =	vadd.f32 v7, v10  }
0x2f: {  	v5 =	vmul.f32 $6.158357860e-02, v5  }
0x30: {  	v6 =	vmul.f32 $6.158357860e-02, v6  }
0x31: {  	v5 =	vmax.f32 v5, $0.0e+00  }
0x32: {  	v6 =	vmax.f32 v6, $0.0e+00;
	v5 =	vmin.f32 v5, $6.300000000e+01  }
0x33: {  	v6 =	vmin.f32 v6, $6.300000000e+01;
	v7 =	vtrunc.f32 v5  }
0x34: {  	v14 =	vtrunc.f32 v6;
	v7 =	vcvt.f32.s32 v7  }
0x35: {  	v8 =	vcvt.f32.s32 v14  }
0x36: {  	v15 =	vcvt.s32.f32 v7  }
0x37: {  	v16 =	vcvt.s32.f32 v8;
	v17 =	vadd.s32 $0x1, v7;
	v18 =	vadd.s32 $0x1, v8  }
0x38: {  	v7 =	vshll.u32 v7, $0x6;
	vm1 =	vlt.s32 v18, $0x3F;
	v5 =	vsub.f32 v5, v15  }
0x39: {  	v6 =	vsub.f32 v6, v16;
	v12 =	vnsel vm1, $0x3F, v18;
	vm1 =	vlt.s32 v17, $0x3F  }
0x3a: {  	v13 =	vadd.s32 v8, v7;
	v11 =	vnsel vm1, $0x3F, v17;
	v7 =	vadd.s32 v7, v12  }
0x3b: {  	[tilespmem:$0x5080] =	vst v13;
	v9 =	vsub.f32 $1.000000000e+00, v5;
	v10 =	vsub.f32 $1.000000000e+00, v6;
	v11 =	vshll.u32 v11, $0x6  }
0x3c: {  	[tilespmem:$0x50B4] =	vst v7;
	v7 =	vadd.s32 v8, v11  }
0x3d: {  	v14 =	vmul.f32 v10, v9;
	[tilespmem:$0x50E8] =	vst v7;
	v7 =	vadd.s32 v12, v11  }
0x3e: {  	v9 =	vmul.f32 v9, v6;
	[tilespmem:$0x511C] =	vst v7  }
0x3f: {  	v19 =	vmul.f32 v10, v5;
	[tilespmem:$0x15280] =	vst v14  }
0x40: {  	v5 =	vmul.f32 v6, v5;
	[tilespmem:$0x15300] =	vst v9  }
0x41: {  	[tilespmem:$0x15380] =	vst v19  }
0x42: {  	[tilespmem:$0x15400] =	vst v5  }
0x43: {  	v5 =	vld [tilespmem:s0+$0x0];
	_ =	sdelay $0x3  }
0x44: {  	v6 =	vld [tilespmem:$0x5010]  }
0x45: {  	v20 =	vld [tilespmem:$0x5050];
	v21 =	vbroadcast v5, $0x3  }
0x46: {  	v7 =	vbroadcast v5, $0x2;
	v22 =	vbroadcast v5, $0x0  }
0x47: {  	v5 =	vbroadcast v5, $0x1;
	v24 =	vmul.f32 $5.000000000e-01, v21  }
0x48: {  	v23 =	vmul.f32 $5.000000000e-01, v7  }
0x49: {  	v6 =	vmul.f32 v6, v21;
	v5 =	vsub.f32 v5, v24  }
0x4a: {  	v7 =	vmul.f32 v20, v7;
	v10 =	vsub.f32 v22, v23  }
0x4b: {  	v5 =	vadd.f32 v5, v6  }
0x4c: {  	v6 =	vadd.f32 v7, v10  }
0x4d: {  	v5 =	vmul.f32 $6.158357860e-02, v5  }
0x4e: {  	v6 =	vmul.f32 $6.158357860e-02, v6  }
0x4f: {  	v5 =	vmax.f32 v5, $0.0e+00  }
0x50: {  	v6 =	vmax.f32 v6, $0.0e+00;
	v5 =	vmin.f32 v5, $6.300000000e+01  }
0x51: {  	v6 =	vmin.f32 v6, $6.300000000e+01;
	v7 =	vtrunc.f32 v5  }
0x52: {  	v25 =	vtrunc.f32 v6;
	v7 =	vcvt.f32.s32 v7  }
0x53: {  	v8 =	vcvt.f32.s32 v25  }
0x54: {  	v26 =	vcvt.s32.f32 v7  }
0x55: {  	v27 =	vcvt.s32.f32 v8;
	v28 =	vadd.s32 $0x1, v7;
	v29 =	vadd.s32 $0x1, v8  }
0x56: {  	v7 =	vshll.u32 v7, $0x6;
	vm1 =	vlt.s32 v29, $0x3F;
	v5 =	vsub.f32 v5, v26  }
0x57: {  	v6 =	vsub.f32 v6, v27;
	v12 =	vnsel vm1, $0x3F, v29;
	vm1 =	vlt.s32 v28, $0x3F  }
0x58: {  	v30 =	vadd.s32 v8, v7;
	v11 =	vnsel vm1, $0x3F, v28;
	v7 =	vadd.s32 v7, v12  }
0x59: {  	[tilespmem:$0x5090] =	vst v30;
	v9 =	vsub.f32 $1.000000000e+00, v5;
	v10 =	vsub.f32 $1.000000000e+00, v6;
	v11 =	vshll.u32 v11, $0x6  }
0x5a: {  	[tilespmem:$0x50C4] =	vst v7;
	v7 =	vadd.s32 v8, v11  }
0x5b: {  	v31 =	vmul.f32 v10, v9;
	[tilespmem:$0x50F8] =	vst v7;
	v7 =	vadd.s32 v12, v11  }
0x5c: {  	v9 =	vmul.f32 v9, v6;
	[tilespmem:$0x512C] =	vst v7  }
0x5d: {  	v32 =	vmul.f32 v10, v5;
	[tilespmem:$0x15290] =	vst v31  }
0x5e: {  	v5 =	vmul.f32 v6, v5;
	[tilespmem:$0x15310] =	vst v9  }
0x5f: {  	[tilespmem:$0x15390] =	vst v32  }
0x60: {  	[tilespmem:$0x15410] =	vst v5  }
0x61: {  	v5 =	vld [tilespmem:s0+$0x0];
	_ =	sdelay $0x3  }
0x62: {  	v6 =	vld [tilespmem:$0x5020]  }
0x63: {  	v33 =	vld [tilespmem:$0x5060];
	v34 =	vbroadcast v5, $0x3  }
0x64: {  	v7 =	vbroadcast v5, $0x2;
	v35 =	vbroadcast v5, $0x0  }
0x65: {  	v5 =	vbroadcast v5, $0x1;
	v37 =	vmul.f32 $5.000000000e-01, v34  }
0x66: {  	v36 =	vmul.f32 $5.000000000e-01, v7  }
0x67: {  	v6 =	vmul.f32 v6, v34;
	v5 =	vsub.f32 v5, v37  }
0x68: {  	v7 =	vmul.f32 v33, v7;
	v10 =	vsub.f32 v35, v36  }
0x69: {  	v5 =	vadd.f32 v5, v6  }
0x6a: {  	v6 =	vadd.f32 v7, v10  }
0x6b: {  	v5 =	vmul.f32 $6.158357860e-02, v5  }
0x6c: {  	v6 =	vmul.f32 $6.158357860e-02, v6  }
0x6d: {  	v5 =	vmax.f32 v5, $0.0e+00  }
0x6e: {  	v6 =	vmax.f32 v6, $0.0e+00;
	v5 =	vmin.f32 v5, $6.300000000e+01  }
0x6f: {  	v6 =	vmin.f32 v6, $6.300000000e+01;
	v7 =	vtrunc.f32 v5  }
0x70: {  	v38 =	vtrunc.f32 v6;
	v7 =	vcvt.f32.s32 v7  }
0x71: {  	v8 =	vcvt.f32.s32 v38  }
0x72: {  	v39 =	vcvt.s32.f32 v7  }
0x73: {  	v40 =	vcvt.s32.f32 v8;
	v41 =	vadd.s32 $0x1, v7;
	v42 =	vadd.s32 $0x1, v8  }
0x74: {  	v7 =	vshll.u32 v7, $0x6;
	vm1 =	vlt.s32 v42, $0x3F;
	v5 =	vsub.f32 v5, v39  }
0x75: {  	v6 =	vsub.f32 v6, v40;
	v12 =	vnsel vm1, $0x3F, v42;
	vm1 =	vlt.s32 v41, $0x3F  }
0x76: {  	v43 =	vadd.s32 v8, v7;
	v11 =	vnsel vm1, $0x3F, v41;
	v7 =	vadd.s32 v7, v12  }
0x77: {  	[tilespmem:$0x50A0] =	vst v43;
	v9 =	vsub.f32 $1.000000000e+00, v5;
	v10 =	vsub.f32 $1.000000000e+00, v6;
	v11 =	vshll.u32 v11, $0x6  }
0x78: {  	[tilespmem:$0x50D4] =	vst v7;
	v7 =	vadd.s32 v8, v11  }
0x79: {  	v44 =	vmul.f32 v10, v9;
	[tilespmem:$0x5108] =	vst v7;
	v7 =	vadd.s32 v12, v11  }
0x7a: {  	v9 =	vmul.f32 v9, v6;
	[tilespmem:$0x513C] =	vst v7  }
0x7b: {  	v45 =	vmul.f32 v10, v5;
	[tilespmem:$0x152A0] =	vst v44  }
0x7c: {  	v5 =	vmul.f32 v6, v5;
	[tilespmem:$0x15320] =	vst v9  }
0x7d: {  	[tilespmem:$0x153A0] =	vst v45  }
0x7e: {  	[tilespmem:$0x15420] =	vst v5  }
0x7f: {  	v5 =	vld [tilespmem:s0+$0x0];
	_ =	sdelay $0x3  }
0x80: {  	v6 =	vld [tilespmem:$0x5021]  }
0x81: {  	v46 =	vld [tilespmem:$0x5061];
	v47 =	vbroadcast v5, $0x3  }
0x82: {  	v7 =	vbroadcast v5, $0x2;
	v48 =	vbroadcast v5, $0x0  }
0x83: {  	v5 =	vbroadcast v5, $0x1;
	v50 =	vmul.f32 $5.000000000e-01, v47  }
0x84: {  	v49 =	vmul.f32 $5.000000000e-01, v7  }
0x85: {  	v6 =	vmul.f32 v6, v47;
	v5 =	vsub.f32 v5, v50  }
0x86: {  	v7 =	vmul.f32 v46, v7;
	v10 =	vsub.f32 v48, v49  }
0x87: {  	v5 =	vadd.f32 v5, v6  }
0x88: {  	v6 =	vadd.f32 v7, v10  }
0x89: {  	v54 =	vld [tilespmem:$0x5080];
	v5 =	vmul.f32 $6.158357860e-02, v5  }
0x8a: {  	v6 =	vmul.f32 $6.158357860e-02, v6  }
0x8b: {  	v5 =	vmax.f32 v5, $0.0e+00  }
0x8c: {  	v6 =	vmax.f32 v6, $0.0e+00;
	v5 =	vmin.f32 v5, $6.300000000e+01  }
0x8d: {  	v6 =	vmin.f32 v6, $6.300000000e+01;
	v7 =	vtrunc.f32 v5  }
0x8e: {  	v15 =	vshll.u32 v54, $0x1;
	v51 =	vtrunc.f32 v6;
	v7 =	vcvt.f32.s32 v7  }
0x8f: {  	v15 =	vand.u32 $0xFFFFFFF0, v15;
	v11 =	vand.u32 $0x7, v54;
	v8 =	vcvt.f32.s32 v51  }
0x90: {  	v11 =	vor.u32 v11, v15;
	v52 =	vcvt.s32.f32 v7  }
0x91: {  	v53 =	vcvt.s32.f32 v8;
	v55 =	vadd.s32 $0x1, v8;
	v56 =	vadd.s32 $0x1, v7  }
0x92: {  	v7 =	vshll.u32 v7, $0x6;
	vm1 =	vlt.s32 v55, $0x3F;
	v5 =	vsub.f32 v5, v52  }
0x93: {  	v6 =	vsub.f32 v6, v53;
	v57 =	vnsel vm1, $0x3F, v55;
	vm1 =	vlt.s32 v56, $0x3F  }
0x94: {  	v60 =	vadd.s32 v8, v7;
	v9 =	vnsel vm1, $0x3F, v56;
	v7 =	vadd.s32 v7, v57  }
0x95: {  	[tilespmem:$0x50A1] =	vst v60;
	v58 =	vsub.f32 $1.000000000e+00, v5;
	v59 =	vsub.f32 $1.000000000e+00, v6;
	v9 =	vshll.u32 v9, $0x6  }
0x96: {  	v61 =	vperm.xlane v11, v2;
	[tilespmem:$0x50D5] =	vst v7;
	v7 =	vadd.s32 v8, v9  }
0x97: {  	v16 =	vmul.f32 v59, v58;
	[tilespmem:$0x5109] =	vst v7;
	v7 =	vadd.s32 v57, v9  }
0x98: {  	v11 =	vperm.xlane v11, v4;
	v63 =	vadd.s32 v3, v61;
	v12 =	vmul.f32 v58, v6;
	[tilespmem:$0x513D] =	vst v7  }
0x99: {  	v62 =	vmul.f32 v59, v5;
	[tilespmem:$0x152A1] =	vst v16  }
0x9a: {  	v5 =	vmul.f32 v6, v5;
	v6 =	vadd.s32 v3, v11;
	[tilespmem:$0x15321] =	vst v12  }
0x9b: {  	[tilespmem:$0x153A1] =	vst v62  }
0x9c: {  	s16 =	simm.s32 $0x0;
	s29 =	simm.s32 $0x5180;
	[tilespmem:$0x15421] =	vst v5  }
0x9d: {  	[tilespmem:s29], [sflag:$0x1] =	stream.indirect_vreg.gather [hbm4b:s1+s16], $0x80, v63, vm0, $0xb8;
	[tilespmem:$0x15480] =	vst v63  }
0x9e: {  	s30 =	simm.s32 $0x5980  }
0x9f: {  	[tilespmem:s30], [sflag:$0x1] =	stream.indirect_vreg.gather [hbm4b:s1+s16], $0x80, v6, vm0, $0xb8;
	[tilespmem:$0x15480] =	vst v63  }
0xa0: {  	v5 =	vld [tilespmem:$0x5090];
	_ =	sdelay $0x4  }
0xa1: {  	v6 =	vshll.u32 v5, $0x1  }
0xa2: {  	v5 =	vand.u32 $0x7, v5;
	v6 =	vand.u32 $0xFFFFFFF0, v6  }
0xa3: {  	v5 =	vor.u32 v5, v6  }
0xa4: {  	v6 =	vperm.xlane v5, v2;
	_ =	sdelay $0x1  }
0xa5: {  	v5 =	vperm.xlane v5, v4;
	v6 =	vadd.s32 v3, v6;
	_ =	sdelay $0x1  }
0xa6: {  	v5 =	vadd.s32 v3, v5;
	_ =	sdelay $0x1  }
0xa7: {  	s31 =	simm.s32 $0x6180  }
0xa8: {  	[tilespmem:s31], [sflag:$0x1] =	stream.indirect_vreg.gather [hbm4b:s1+s16], $0x80, v6, vm0, $0xb8;
	[tilespmem:$0x15480] =	vst v63  }
0xa9: {  	s2 =	simm.s32 $0x6980  }
0xaa: {  	[tilespmem:s2], [sflag:$0x1] =	stream.indirect_vreg.gather [hbm4b:s1+s16], $0x80, v5, vm0, $0xb8;
	[tilespmem:$0x15480] =	vst v63  }
0xab: {  	v5 =	vld [tilespmem:$0x50A0];
	_ =	sdelay $0x4  }
0xac: {  	v6 =	vshll.u32 v5, $0x1  }
0xad: {  	v5 =	vand.u32 $0x7, v5;
	v6 =	vand.u32 $0xFFFFFFF0, v6  }
0xae: {  	v5 =	vor.u32 v5, v6  }
0xaf: {  	v6 =	vperm.xlane v5, v2;
	_ =	sdelay $0x1  }
0xb0: {  	v5 =	vperm.xlane v5, v4;
	v6 =	vadd.s32 v3, v6;
	_ =	sdelay $0x1  }
0xb1: {  	v5 =	vadd.s32 v3, v5;
	_ =	sdelay $0x1  }
0xb2: {  	s4 =	simm.s32 $0x7180  }
0xb3: {  	[tilespmem:s4], [sflag:$0x1] =	stream.indirect_vreg.gather [hbm4b:s1+s16], $0x80, v6, vm0, $0xb8;
	[tilespmem:$0x15480] =	vst v63  }
0xb4: {  	s5 =	simm.s32 $0x7980  }
0xb5: {  	[tilespmem:s5], [sflag:$0x1] =	stream.indirect_vreg.gather [hbm4b:s1+s16], $0x80, v5, vm0, $0xb8;
	[tilespmem:$0x15480] =	vst v63  }
0xb6: {  	v5 =	vld [tilespmem:$0x50B0];
	_ =	sdelay $0x4  }
0xb7: {  	v6 =	vshll.u32 v5, $0x1  }
0xb8: {  	v5 =	vand.u32 $0x7, v5;
	v6 =	vand.u32 $0xFFFFFFF0, v6  }
0xb9: {  	v5 =	vor.u32 v5, v6  }
0xba: {  	v6 =	vperm.xlane v5, v2;
	_ =	sdelay $0x1  }
0xbb: {  	v5 =	vperm.xlane v5, v4;
	v6 =	vadd.s32 v3, v6;
	_ =	sdelay $0x1  }
0xbc: {  	v5 =	vadd.s32 v3, v5;
	_ =	sdelay $0x1  }
0xbd: {  	s6 =	simm.s32 $0x8180  }
0xbe: {  	[tilespmem:s6], [sflag:$0x1] =	stream.indirect_vreg.gather [hbm4b:s1+s16], $0x80, v6, vm0, $0xb8;
	[tilespmem:$0x15480] =	vst v63  }
0xbf: {  	s7 =	simm.s32 $0x8980  }
0xc0: {  	[tilespmem:s7], [sflag:$0x1] =	stream.indirect_vreg.gather [hbm4b:s1+s16], $0x80, v5, vm0, $0xb8;
	[tilespmem:$0x15480] =	vst v63  }
0xc1: {  	v5 =	vld [tilespmem:$0x50C0];
	_ =	sdelay $0x4  }
0xc2: {  	v6 =	vshll.u32 v5, $0x1  }
0xc3: {  	v5 =	vand.u32 $0x7, v5;
	v6 =	vand.u32 $0xFFFFFFF0, v6  }
0xc4: {  	v5 =	vor.u32 v5, v6  }
0xc5: {  	v6 =	vperm.xlane v5, v2;
	_ =	sdelay $0x1  }
0xc6: {  	v5 =	vperm.xlane v5, v4;
	v6 =	vadd.s32 v3, v6;
	_ =	sdelay $0x1  }
0xc7: {  	v5 =	vadd.s32 v3, v5;
	_ =	sdelay $0x1  }
0xc8: {  	s9 =	simm.s32 $0x9180  }
0xc9: {  	[tilespmem:s9], [sflag:$0x1] =	stream.indirect_vreg.gather [hbm4b:s1+s16], $0x80, v6, vm0, $0xb8;
	[tilespmem:$0x15480] =	vst v63  }
0xca: {  	s10 =	simm.s32 $0x9980  }
0xcb: {  	[tilespmem:s10], [sflag:$0x1] =	stream.indirect_vreg.gather [hbm4b:s1+s16], $0x80, v5, vm0, $0xb8;
	[tilespmem:$0x15480] =	vst v63  }
0xcc: {  	v5 =	vld [tilespmem:$0x50D0];
	_ =	sdelay $0x4  }
0xcd: {  	v6 =	vshll.u32 v5, $0x1  }
0xce: {  	v5 =	vand.u32 $0x7, v5;
	v6 =	vand.u32 $0xFFFFFFF0, v6  }
0xcf: {  	v5 =	vor.u32 v5, v6  }
0xd0: {  	v6 =	vperm.xlane v5, v2;
	_ =	sdelay $0x1  }
0xd1: {  	v5 =	vperm.xlane v5, v4;
	v6 =	vadd.s32 v3, v6;
	_ =	sdelay $0x1  }
0xd2: {  	v5 =	vadd.s32 v3, v5;
	_ =	sdelay $0x1  }
0xd3: {  	s13 =	simm.s32 $0xA180  }
0xd4: {  	[tilespmem:s13], [sflag:$0x1] =	stream.indirect_vreg.gather [hbm4b:s1+s16], $0x80, v6, vm0, $0xb8;
	[tilespmem:$0x15480] =	vst v63  }
0xd5: {  	s14 =	simm.s32 $0xA980  }
0xd6: {  	[tilespmem:s14], [sflag:$0x1] =	stream.indirect_vreg.gather [hbm4b:s1+s16], $0x80, v5, vm0, $0xb8;
	[tilespmem:$0x15480] =	vst v63  }
0xd7: {  	v5 =	vld [tilespmem:$0x50E0];
	_ =	sdelay $0x4  }
0xd8: {  	v6 =	vshll.u32 v5, $0x1  }
0xd9: {  	v5 =	vand.u32 $0x7, v5;
	v6 =	vand.u32 $0xFFFFFFF0, v6  }
0xda: {  	v5 =	vor.u32 v5, v6  }
0xdb: {  	v6 =	vperm.xlane v5, v2;
	_ =	sdelay $0x1  }
0xdc: {  	v5 =	vperm.xlane v5, v4;
	v6 =	vadd.s32 v3, v6;
	_ =	sdelay $0x1  }
0xdd: {  	v5 =	vadd.s32 v3, v5;
	_ =	sdelay $0x1  }
0xde: {  	s17 =	simm.s32 $0xB180  }
0xdf: {  	[tilespmem:s17], [sflag:$0x1] =	stream.indirect_vreg.gather [hbm4b:s1+s16], $0x80, v6, vm0, $0xb8;
	[tilespmem:$0x15480] =	vst v63  }
0xe0: {  	s18 =	simm.s32 $0xB980  }
0xe1: {  	[tilespmem:s18], [sflag:$0x1] =	stream.indirect_vreg.gather [hbm4b:s1+s16], $0x80, v5, vm0, $0xb8;
	[tilespmem:$0x15480] =	vst v63  }
0xe2: {  	v5 =	vld [tilespmem:$0x50F0];
	_ =	sdelay $0x4  }
0xe3: {  	v6 =	vshll.u32 v5, $0x1  }
0xe4: {  	v5 =	vand.u32 $0x7, v5;
	v6 =	vand.u32 $0xFFFFFFF0, v6  }
0xe5: {  	v5 =	vor.u32 v5, v6  }
0xe6: {  	v6 =	vperm.xlane v5, v2;
	_ =	sdelay $0x1  }
0xe7: {  	v5 =	vperm.xlane v5, v4;
	v6 =	vadd.s32 v3, v6;
	_ =	sdelay $0x1  }
0xe8: {  	v5 =	vadd.s32 v3, v5;
	_ =	sdelay $0x1  }
0xe9: {  	s19 =	simm.s32 $0xC180  }
0xea: {  	[tilespmem:s19], [sflag:$0x1] =	stream.indirect_vreg.gather [hbm4b:s1+s16], $0x80, v6, vm0, $0xb8;
	[tilespmem:$0x15480] =	vst v63  }
0xeb: {  	s20 =	simm.s32 $0xC980  }
0xec: {  	[tilespmem:s20], [sflag:$0x1] =	stream.indirect_vreg.gather [hbm4b:s1+s16], $0x80, v5, vm0, $0xb8;
	[tilespmem:$0x15480] =	vst v63  }
0xed: {  	v5 =	vld [tilespmem:$0x5100];
	_ =	sdelay $0x4  }
0xee: {  	v6 =	vshll.u32 v5, $0x1  }
0xef: {  	v5 =	vand.u32 $0x7, v5;
	v6 =	vand.u32 $0xFFFFFFF0, v6  }
0xf0: {  	v5 =	vor.u32 v5, v6  }
0xf1: {  	v6 =	vperm.xlane v5, v2;
	_ =	sdelay $0x1  }
0xf2: {  	v5 =	vperm.xlane v5, v4;
	v6 =	vadd.s32 v3, v6;
	_ =	sdelay $0x1  }
0xf3: {  	v5 =	vadd.s32 v3, v5;
	_ =	sdelay $0x1  }
0xf4: {  	s21 =	simm.s32 $0xD180  }
0xf5: {  	[tilespmem:s21], [sflag:$0x1] =	stream.indirect_vreg.gather [hbm4b:s1+s16], $0x80, v6, vm0, $0xb8;
	[tilespmem:$0x15480] =	vst v63  }
0xf6: {  	s22 =	simm.s32 $0xD980  }
0xf7: {  	[tilespmem:s22], [sflag:$0x1] =	stream.indirect_vreg.gather [hbm4b:s1+s16], $0x80, v5, vm0, $0xb8;
	[tilespmem:$0x15480] =	vst v63  }
0xf8: {  	v5 =	vld [tilespmem:$0x5110];
	_ =	sdelay $0x4  }
0xf9: {  	v6 =	vshll.u32 v5, $0x1  }
0xfa: {  	v5 =	vand.u32 $0x7, v5;
	v6 =	vand.u32 $0xFFFFFFF0, v6  }
0xfb: {  	v5 =	vor.u32 v5, v6  }
0xfc: {  	v6 =	vperm.xlane v5, v2;
	_ =	sdelay $0x1  }
0xfd: {  	v5 =	vperm.xlane v5, v4;
	v6 =	vadd.s32 v3, v6;
	_ =	sdelay $0x1  }
0xfe: {  	v5 =	vadd.s32 v3, v5;
	_ =	sdelay $0x1  }
0xff: {  	s23 =	simm.s32 $0xE180  }
0x100: {  	[tilespmem:s23], [sflag:$0x1] =	stream.indirect_vreg.gather [hbm4b:s1+s16], $0x80, v6, vm0, $0xb8;
	[tilespmem:$0x15480] =	vst v63  }
0x101: {  	s24 =	simm.s32 $0xE980  }
0x102: {  	[tilespmem:s24], [sflag:$0x1] =	stream.indirect_vreg.gather [hbm4b:s1+s16], $0x80, v5, vm0, $0xb8;
	[tilespmem:$0x15480] =	vst v63  }
0x103: {  	v5 =	vld [tilespmem:$0x5120];
	_ =	sdelay $0x4  }
0x104: {  	v6 =	vshll.u32 v5, $0x1  }
0x105: {  	v5 =	vand.u32 $0x7, v5;
	v6 =	vand.u32 $0xFFFFFFF0, v6  }
0x106: {  	v5 =	vor.u32 v5, v6  }
0x107: {  	v6 =	vperm.xlane v5, v2;
	_ =	sdelay $0x1  }
0x108: {  	v5 =	vperm.xlane v5, v4;
	v6 =	vadd.s32 v3, v6;
	_ =	sdelay $0x1  }
0x109: {  	v5 =	vadd.s32 v3, v5;
	_ =	sdelay $0x1  }
0x10a: {  	s25 =	simm.s32 $0xF180  }
0x10b: {  	[tilespmem:s25], [sflag:$0x1] =	stream.indirect_vreg.gather [hbm4b:s1+s16], $0x80, v6, vm0, $0xb8;
	[tilespmem:$0x15480] =	vst v63  }
0x10c: {  	s26 =	simm.s32 $0xF980  }
0x10d: {  	[tilespmem:s26], [sflag:$0x1] =	stream.indirect_vreg.gather [hbm4b:s1+s16], $0x80, v5, vm0, $0xb8;
	[tilespmem:$0x15480] =	vst v63  }
0x10e: {  	v5 =	vld [tilespmem:$0x5130];
	_ =	sdelay $0x4  }
0x10f: {  	v6 =	vshll.u32 v5, $0x1  }
0x110: {  	v5 =	vand.u32 $0x7, v5;
	v6 =	vand.u32 $0xFFFFFFF0, v6  }
0x111: {  	v5 =	vor.u32 v5, v6  }
0x112: {  	v6 =	vperm.xlane v5, v2;
	_ =	sdelay $0x1  }
0x113: {  	v5 =	vperm.xlane v5, v4;
	v6 =	vadd.s32 v3, v6;
	_ =	sdelay $0x1  }
0x114: {  	v5 =	vadd.s32 v3, v5;
	_ =	sdelay $0x1  }
0x115: {  	s28 =	simm.s32 $0x10180  }
0x116: {  	[tilespmem:s28], [sflag:$0x1] =	stream.indirect_vreg.gather [hbm4b:s1+s16], $0x80, v6, vm0, $0xb8;
	[tilespmem:$0x15480] =	vst v63  }
0x117: {  	s29 =	simm.s32 $0x10980  }
0x118: {  	[tilespmem:s29], [sflag:$0x1] =	stream.indirect_vreg.gather [hbm4b:s1+s16], $0x80, v5, vm0, $0xb8;
	[tilespmem:$0x15480] =	vst v63  }
0x119: {  	v5 =	vld [tilespmem:$0x5140];
	_ =	sdelay $0x4  }
0x11a: {  	v6 =	vshll.u32 v5, $0x1  }
0x11b: {  	v5 =	vand.u32 $0x7, v5;
	v6 =	vand.u32 $0xFFFFFFF0, v6  }
0x11c: {  	v5 =	vor.u32 v5, v6  }
0x11d: {  	v6 =	vperm.xlane v5, v2;
	_ =	sdelay $0x1  }
0x11e: {  	v5 =	vperm.xlane v5, v4;
	v6 =	vadd.s32 v3, v6;
	_ =	sdelay $0x1  }
0x11f: {  	v5 =	vadd.s32 v3, v5;
	_ =	sdelay $0x1  }
0x120: {  	s30 =	simm.s32 $0x11180  }
0x121: {  	[tilespmem:s30], [sflag:$0x1] =	stream.indirect_vreg.gather [hbm4b:s1+s16], $0x80, v6, vm0, $0xb8;
	[tilespmem:$0x15480] =	vst v63  }
0x122: {  	s31 =	simm.s32 $0x11980  }
0x123: {  	[tilespmem:s31], [sflag:$0x1] =	stream.indirect_vreg.gather [hbm4b:s1+s16], $0x80, v5, vm0, $0xb8;
	[tilespmem:$0x15480] =	vst v63  }
0x124: {  	_ =	swait.ge [sflag:s3], $0x1000  }
0x125: {  	[sflag:s3] =	ssyncset.done $0x0  }
0x126: {  	[sflag:s3] =	ssyncadd.s32 $0xFFFFF000  }
0x127: {  	_ =	swait.ge [sflag:s3], $0x1000  }
0x128: {  	[sflag:s3] =	ssyncset.done $0x0  }
0x129: {  	[sflag:s3] =	ssyncadd.s32 $0xFFFFF000  }
0x12a: {  	_ =	swait.ge [sflag:s3], $0x1000  }
0x12b: {  	[sflag:s3] =	ssyncset.done $0x0  }
0x12c: {  	[sflag:s3] =	ssyncadd.s32 $0xFFFFF000  }
0x12d: {  	_ =	swait.ge [sflag:s3], $0x1000  }
0x12e: {  	[sflag:s3] =	ssyncset.done $0x0  }
0x12f: {  	[sflag:s3] =	ssyncadd.s32 $0xFFFFF000  }
0x130: {  	_ =	swait.ge [sflag:s3], $0x1000  }
0x131: {  	[sflag:s3] =	ssyncset.done $0x0  }
0x132: {  	[sflag:s3] =	ssyncadd.s32 $0xFFFFF000  }
0x133: {  	_ =	swait.ge [sflag:s3], $0x1000  }
0x134: {  	[sflag:s3] =	ssyncset.done $0x0  }
0x135: {  	[sflag:s3] =	ssyncadd.s32 $0xFFFFF000  }
0x136: {  	_ =	swait.ge [sflag:s3], $0x1000  }
0x137: {  	[sflag:s3] =	ssyncset.done $0x0  }
0x138: {  	[sflag:s3] =	ssyncadd.s32 $0xFFFFF000  }
0x139: {  	_ =	swait.ge [sflag:s3], $0x1000  }
0x13a: {  	[sflag:s3] =	ssyncset.done $0x0  }
0x13b: {  	[sflag:s3] =	ssyncadd.s32 $0xFFFFF000  }
0x13c: {  	_ =	swait.ge [sflag:s3], $0x1000  }
0x13d: {  	[sflag:s3] =	ssyncset.done $0x0  }
0x13e: {  	[sflag:s3] =	ssyncadd.s32 $0xFFFFF000  }
0x13f: {  	_ =	swait.ge [sflag:s3], $0x1000  }
0x140: {  	[sflag:s3] =	ssyncset.done $0x0  }
0x141: {  	[sflag:s3] =	ssyncadd.s32 $0xFFFFF000  }
0x142: {  	_ =	swait.ge [sflag:s3], $0x1000  }
0x143: {  	[sflag:s3] =	ssyncset.done $0x0  }
0x144: {  	[sflag:s3] =	ssyncadd.s32 $0xFFFFF000  }
0x145: {  	_ =	swait.ge [sflag:s3], $0x1000  }
0x146: {  	[sflag:s3] =	ssyncset.done $0x0  }
0x147: {  	[sflag:s3] =	ssyncadd.s32 $0xFFFFF000  }
0x148: {  	_ =	swait.ge [sflag:s3], $0x1000  }
0x149: {  	[sflag:s3] =	ssyncset.done $0x0  }
0x14a: {  	[sflag:s3] =	ssyncadd.s32 $0xFFFFF000  }
.LBB2_3:
0x14b: {  	s0 =	sshll.u32 s16, $0x8  }
0x14c: {  	s2 =	sshll.u32 s16, $0x7;
	s4 =	sadd.s32 $0x34, s16;
	s0 =	sand.u32 $0x3800, s0  }
0x14d: {  	v6 =	vld.msk [tilespmem:s16+$0x15280 ss:$0x0], $0xffff;
	s2 =	sand.u32 $0x380, s2;
	s5 =	sshll.u32 s4, $0x8;
	s4 =	sshll.u32 s4, $0x7  }
0x14e: {  	v7 =	vld.msk [tilespmem:s16+$0x15300 ss:$0x0], $0xffff;
	s17 =	sor.u32 s2, s0;
	s26 =	sand.u32 $0x7800, s5;
	s28 =	sand.u32 $0x380, s4  }
0x14f: {  	v5 =	vld [tilespmem:s17+$0x5180];
	s0 =	sor.u32 s28, s26  }
0x150: {  	s29 =	sadd.s32 $0x9C, s16;
	v10 =	vld [tilespmem:s0+$0x5180]  }
0x151: {  	v8 =	vld.msk [tilespmem:s16+$0x15380 ss:$0x0], $0xffff;
	s30 =	sshll.u32 s29, $0x8;
	s2 =	sshll.u32 s29, $0x7  }
0x152: {  	s4 =	sand.u32 $0xF800, s30;
	v11 =	vld [tilespmem:s17+$0xB980];
	s2 =	sand.u32 $0x380, s2  }
0x153: {  	v9 =	vld.msk [tilespmem:s16+$0x15400 ss:$0x0], $0xffff;
	s2 =	sor.u32 s2, s4  }
0x154: {  	v12 =	vld [tilespmem:s2+$0x5180]  }
0x155: {  	v13 =	vmul.f32 v5, v6;
	v10 =	vmul.f32 v10, v7  }
0x156: {  	v5 =	vmul.u32 $0x31, v0  }
0x157: {  	v11 =	vmul.f32 v11, v8;
	v10 =	vadd.f32 v10, v13  }
0x158: {  	v30 =	vadd.s32 s16, v5  }
0x159: {  	v31 =	vmul.f32 v12, v9;
	v10 =	vadd.f32 v11, v10;
	_ =	sdelay $0x1  }
0x15a: {  	v10 =	vadd.f32 v31, v10;
	_ =	sdelay $0x1  }
0x15b: {  	[tilespmem:v30+s12+$0x0] =	vst.idx.msk $0xffff, v10  }
0x15c: {  	v10 =	vld [tilespmem:s17+$0x5190]  }
0x15d: {  	v32 =	vld [tilespmem:s0+$0x5190];
	_ =	sdelay $0x1  }
0x15e: {  	v33 =	vld [tilespmem:s17+$0xB990];
	_ =	sdelay $0x1  }
0x15f: {  	v13 =	vld [tilespmem:s2+$0x5190]  }
0x160: {  	v10 =	vmul.f32 v10, v6;
	v11 =	vmul.f32 v32, v7;
	_ =	sdelay $0x1  }
0x161: {  	s31 =	sadd.s32 $0x310, s16;
	v34 =	vmul.f32 v33, v8;
	v10 =	vadd.f32 v11, v10  }
0x162: {  	v35 =	vadd.s32 s31, v5  }
0x163: {  	v36 =	vmul.f32 v13, v9;
	v10 =	vadd.f32 v34, v10;
	_ =	sdelay $0x1  }
0x164: {  	v10 =	vadd.f32 v36, v10;
	_ =	sdelay $0x1  }
0x165: {  	[tilespmem:v35+s12+$0x0] =	vst.idx.msk $0xffff, v10  }
0x166: {  	v10 =	vld [tilespmem:s17+$0x51A0]  }
0x167: {  	v37 =	vld [tilespmem:s0+$0x51A0];
	_ =	sdelay $0x1  }
0x168: {  	v12 =	vld [tilespmem:s17+$0xB9A0];
	_ =	sdelay $0x1  }
0x169: {  	v38 =	vld [tilespmem:s2+$0x51A0]  }
0x16a: {  	v10 =	vmul.f32 v10, v6;
	v11 =	vmul.f32 v37, v7;
	_ =	sdelay $0x1  }
0x16b: {  	s5 =	sadd.s32 $0x620, s16;
	v39 =	vmul.f32 v12, v8;
	v10 =	vadd.f32 v11, v10  }
0x16c: {  	v40 =	vadd.s32 s5, v5  }
0x16d: {  	v41 =	vmul.f32 v38, v9;
	v10 =	vadd.f32 v39, v10;
	_ =	sdelay $0x1  }
0x16e: {  	v10 =	vadd.f32 v41, v10;
	_ =	sdelay $0x1  }
0x16f: {  	[tilespmem:v40+s12+$0x0] =	vst.idx.msk $0xffff, v10  }
0x170: {  	v10 =	vld [tilespmem:s17+$0x51B0]  }
0x171: {  	v42 =	vld [tilespmem:s0+$0x51B0];
	_ =	sdelay $0x1  }
0x172: {  	v12 =	vld [tilespmem:s17+$0xB9B0];
	_ =	sdelay $0x1  }
0x173: {  	v43 =	vld [tilespmem:s2+$0x51B0]  }
0x174: {  	v10 =	vmul.f32 v10, v6;
	v11 =	vmul.f32 v42, v7;
	_ =	sdelay $0x1  }
0x175: {  	s6 =	sadd.s32 $0x930, s16;
	v44 =	vmul.f32 v12, v8;
	v10 =	vadd.f32 v11, v10  }
0x176: {  	v45 =	vadd.s32 s6, v5  }
0x177: {  	v46 =	vmul.f32 v43, v9;
	v10 =	vadd.f32 v44, v10;
	_ =	sdelay $0x1  }
0x178: {  	v10 =	vadd.f32 v46, v10;
	_ =	sdelay $0x1  }
0x179: {  	[tilespmem:v45+s12+$0x0] =	vst.idx.msk $0xffff, v10  }
0x17a: {  	v10 =	vld [tilespmem:s17+$0x51C0]  }
0x17b: {  	v47 =	vld [tilespmem:s0+$0x51C0];
	_ =	sdelay $0x1  }
0x17c: {  	v12 =	vld [tilespmem:s17+$0xB9C0];
	_ =	sdelay $0x1  }
0x17d: {  	v48 =	vld [tilespmem:s2+$0x51C0]  }
0x17e: {  	v10 =	vmul.f32 v10, v6;
	v11 =	vmul.f32 v47, v7;
	_ =	sdelay $0x1  }
0x17f: {  	s7 =	sor.u32 $0xC40, s16;
	v49 =	vmul.f32 v12, v8;
	v10 =	vadd.f32 v11, v10  }
0x180: {  	v50 =	vadd.s32 s7, v5  }
0x181: {  	v51 =	vmul.f32 v48, v9;
	v10 =	vadd.f32 v49, v10;
	_ =	sdelay $0x1  }
0x182: {  	v10 =	vadd.f32 v51, v10;
	_ =	sdelay $0x1  }
0x183: {  	[tilespmem:v50+s12+$0x0] =	vst.idx.msk $0xffff, v10  }
0x184: {  	v10 =	vld [tilespmem:s17+$0x51D0]  }
0x185: {  	v52 =	vld [tilespmem:s0+$0x51D0];
	_ =	sdelay $0x1  }
0x186: {  	v12 =	vld [tilespmem:s17+$0xB9D0];
	_ =	sdelay $0x1  }
0x187: {  	v53 =	vld [tilespmem:s2+$0x51D0]  }
0x188: {  	v10 =	vmul.f32 v10, v6;
	v11 =	vmul.f32 v52, v7;
	_ =	sdelay $0x1  }
0x189: {  	s9 =	sadd.s32 $0xF50, s16;
	v54 =	vmul.f32 v12, v8;
	v10 =	vadd.f32 v11, v10  }
0x18a: {  	v55 =	vadd.s32 s9, v5  }
0x18b: {  	v56 =	vmul.f32 v53, v9;
	v10 =	vadd.f32 v54, v10;
	_ =	sdelay $0x1  }
0x18c: {  	v10 =	vadd.f32 v56, v10;
	_ =	sdelay $0x1  }
0x18d: {  	[tilespmem:v55+s12+$0x0] =	vst.idx.msk $0xffff, v10  }
0x18e: {  	v10 =	vld [tilespmem:s17+$0x51E0]  }
0x18f: {  	v57 =	vld [tilespmem:s0+$0x51E0];
	_ =	sdelay $0x1  }
0x190: {  	v12 =	vld [tilespmem:s17+$0xB9E0];
	_ =	sdelay $0x1  }
0x191: {  	v58 =	vld [tilespmem:s2+$0x51E0]  }
0x192: {  	v10 =	vmul.f32 v10, v6;
	v11 =	vmul.f32 v57, v7;
	_ =	sdelay $0x1  }
0x193: {  	s10 =	sadd.s32 $0x1260, s16;
	v59 =	vmul.f32 v12, v8;
	v10 =	vadd.f32 v11, v10  }
0x194: {  	v60 =	vadd.s32 s10, v5  }
0x195: {  	v61 =	vmul.f32 v58, v9;
	v10 =	vadd.f32 v59, v10;
	_ =	sdelay $0x1  }
0x196: {  	v10 =	vadd.f32 v61, v10;
	_ =	sdelay $0x1  }
0x197: {  	[tilespmem:v60+s12+$0x0] =	vst.idx.msk $0xffff, v10  }
0x198: {  	v10 =	vld [tilespmem:s17+$0x51F0]  }
0x199: {  	v62 =	vld [tilespmem:s0+$0x51F0];
	_ =	sdelay $0x1  }
0x19a: {  	v12 =	vld [tilespmem:s17+$0xB9F0];
	_ =	sdelay $0x1  }
0x19b: {  	v63 =	vld [tilespmem:s2+$0x51F0]  }
0x19c: {  	v10 =	vmul.f32 v10, v6;
	v11 =	vmul.f32 v62, v7;
	_ =	sdelay $0x1  }
0x19d: {  	s13 =	sadd.s32 $0x1570, s16;
	v16 =	vmul.f32 v12, v8;
	v10 =	vadd.f32 v11, v10  }
0x19e: {  	v17 =	vadd.s32 s13, v5  }
0x19f: {  	v18 =	vmul.f32 v63, v9;
	v10 =	vadd.f32 v16, v10;
	_ =	sdelay $0x1  }
0x1a0: {  	v10 =	vadd.f32 v18, v10;
	_ =	sdelay $0x1  }
0x1a1: {  	[tilespmem:v17+s12+$0x0] =	vst.idx.msk $0xffff, v10  }
0x1a2: {  	v10 =	vld [tilespmem:s17+$0x5580]  }
0x1a3: {  	v19 =	vld [tilespmem:s0+$0x5580];
	_ =	sdelay $0x1  }
0x1a4: {  	v12 =	vld [tilespmem:s17+$0xBD80];
	_ =	sdelay $0x1  }
0x1a5: {  	v20 =	vld [tilespmem:s2+$0x5580]  }
0x1a6: {  	v10 =	vmul.f32 v10, v6;
	v11 =	vmul.f32 v19, v7;
	_ =	sdelay $0x1  }
0x1a7: {  	s14 =	sor.u32 $0x1880, s16;
	v21 =	vmul.f32 v12, v8;
	v10 =	vadd.f32 v11, v10  }
0x1a8: {  	v22 =	vadd.s32 s14, v5  }
0x1a9: {  	v23 =	vmul.f32 v20, v9;
	v10 =	vadd.f32 v21, v10;
	_ =	sdelay $0x1  }
0x1aa: {  	v10 =	vadd.f32 v23, v10;
	_ =	sdelay $0x1  }
0x1ab: {  	[tilespmem:v22+s12+$0x0] =	vst.idx.msk $0xffff, v10  }
0x1ac: {  	v10 =	vld [tilespmem:s17+$0x5590]  }
0x1ad: {  	v24 =	vld [tilespmem:s0+$0x5590];
	_ =	sdelay $0x1  }
0x1ae: {  	v12 =	vld [tilespmem:s17+$0xBD90];
	_ =	sdelay $0x1  }
0x1af: {  	v25 =	vld [tilespmem:s2+$0x5590]  }
0x1b0: {  	v10 =	vmul.f32 v10, v6;
	v11 =	vmul.f32 v24, v7;
	_ =	sdelay $0x1  }
0x1b1: {  	s18 =	sadd.s32 $0x1B90, s16;
	v26 =	vmul.f32 v12, v8;
	v10 =	vadd.f32 v11, v10  }
0x1b2: {  	v27 =	vadd.s32 s18, v5  }
0x1b3: {  	v28 =	vmul.f32 v25, v9;
	v10 =	vadd.f32 v26, v10;
	_ =	sdelay $0x1  }
0x1b4: {  	v10 =	vadd.f32 v28, v10;
	_ =	sdelay $0x1  }
0x1b5: {  	[tilespmem:v27+s12+$0x0] =	vst.idx.msk $0xffff, v10  }
0x1b6: {  	v10 =	vld [tilespmem:s17+$0x55A0]  }
0x1b7: {  	v29 =	vld [tilespmem:s0+$0x55A0];
	_ =	sdelay $0x1  }
0x1b8: {  	v12 =	vld [tilespmem:s17+$0xBDA0];
	_ =	sdelay $0x1  }
0x1b9: {  	v30 =	vld [tilespmem:s2+$0x55A0]  }
0x1ba: {  	v10 =	vmul.f32 v10, v6;
	v11 =	vmul.f32 v29, v7;
	_ =	sdelay $0x1  }
0x1bb: {  	s19 =	sadd.s32 $0x1EA0, s16;
	v31 =	vmul.f32 v12, v8;
	v10 =	vadd.f32 v11, v10  }
0x1bc: {  	v32 =	vadd.s32 s19, v5  }
0x1bd: {  	v33 =	vmul.f32 v30, v9;
	v10 =	vadd.f32 v31, v10;
	_ =	sdelay $0x1  }
0x1be: {  	v10 =	vadd.f32 v33, v10;
	_ =	sdelay $0x1  }
0x1bf: {  	[tilespmem:v32+s12+$0x0] =	vst.idx.msk $0xffff, v10  }
0x1c0: {  	v10 =	vld [tilespmem:s17+$0x55B0]  }
0x1c1: {  	v34 =	vld [tilespmem:s0+$0x55B0];
	_ =	sdelay $0x1  }
0x1c2: {  	v12 =	vld [tilespmem:s17+$0xBDB0];
	_ =	sdelay $0x1  }
0x1c3: {  	v35 =	vld [tilespmem:s2+$0x55B0]  }
0x1c4: {  	v10 =	vmul.f32 v10, v6;
	v11 =	vmul.f32 v34, v7;
	_ =	sdelay $0x1  }
0x1c5: {  	s20 =	sadd.s32 $0x21B0, s16;
	v36 =	vmul.f32 v12, v8;
	v10 =	vadd.f32 v11, v10  }
0x1c6: {  	v37 =	vadd.s32 s20, v5  }
0x1c7: {  	v38 =	vmul.f32 v35, v9;
	v10 =	vadd.f32 v36, v10;
	_ =	sdelay $0x1  }
0x1c8: {  	v10 =	vadd.f32 v38, v10;
	_ =	sdelay $0x1  }
0x1c9: {  	[tilespmem:v37+s12+$0x0] =	vst.idx.msk $0xffff, v10  }
0x1ca: {  	v10 =	vld [tilespmem:s17+$0x55C0]  }
0x1cb: {  	v39 =	vld [tilespmem:s0+$0x55C0];
	_ =	sdelay $0x1  }
0x1cc: {  	v12 =	vld [tilespmem:s17+$0xBDC0];
	_ =	sdelay $0x1  }
0x1cd: {  	v40 =	vld [tilespmem:s2+$0x55C0]  }
0x1ce: {  	v10 =	vmul.f32 v10, v6;
	v11 =	vmul.f32 v39, v7;
	_ =	sdelay $0x1  }
0x1cf: {  	s21 =	sor.u32 $0x24C0, s16;
	v41 =	vmul.f32 v12, v8;
	v10 =	vadd.f32 v11, v10  }
0x1d0: {  	v42 =	vadd.s32 s21, v5  }
0x1d1: {  	v43 =	vmul.f32 v40, v9;
	v10 =	vadd.f32 v41, v10;
	_ =	sdelay $0x1  }
0x1d2: {  	v10 =	vadd.f32 v43, v10;
	_ =	sdelay $0x1  }
0x1d3: {  	[tilespmem:v42+s12+$0x0] =	vst.idx.msk $0xffff, v10  }
0x1d4: {  	v10 =	vld [tilespmem:s17+$0x55D0]  }
0x1d5: {  	v44 =	vld [tilespmem:s0+$0x55D0];
	_ =	sdelay $0x1  }
0x1d6: {  	v12 =	vld [tilespmem:s17+$0xBDD0];
	_ =	sdelay $0x1  }
0x1d7: {  	v45 =	vld [tilespmem:s2+$0x55D0]  }
0x1d8: {  	v10 =	vmul.f32 v10, v6;
	v11 =	vmul.f32 v44, v7;
	_ =	sdelay $0x1  }
0x1d9: {  	s22 =	sadd.s32 $0x27D0, s16;
	v46 =	vmul.f32 v12, v8;
	v10 =	vadd.f32 v11, v10  }
0x1da: {  	v47 =	vadd.s32 s22, v5  }
0x1db: {  	v48 =	vmul.f32 v45, v9;
	v10 =	vadd.f32 v46, v10;
	_ =	sdelay $0x1  }
0x1dc: {  	v10 =	vadd.f32 v48, v10;
	_ =	sdelay $0x1  }
0x1dd: {  	[tilespmem:v47+s12+$0x0] =	vst.idx.msk $0xffff, v10  }
0x1de: {  	v10 =	vld [tilespmem:s17+$0x55E0]  }
0x1df: {  	v49 =	vld [tilespmem:s0+$0x55E0];
	_ =	sdelay $0x1  }
0x1e0: {  	v12 =	vld [tilespmem:s17+$0xBDE0];
	_ =	sdelay $0x1  }
0x1e1: {  	v50 =	vld [tilespmem:s2+$0x55E0]  }
0x1e2: {  	v10 =	vmul.f32 v10, v6;
	v11 =	vmul.f32 v49, v7;
	_ =	sdelay $0x1  }
0x1e3: {  	s23 =	sadd.s32 $0x2AE0, s16;
	v51 =	vmul.f32 v12, v8;
	v10 =	vadd.f32 v11, v10  }
0x1e4: {  	v52 =	vadd.s32 s23, v5  }
0x1e5: {  	v53 =	vmul.f32 v50, v9;
	v10 =	vadd.f32 v51, v10;
	_ =	sdelay $0x1  }
0x1e6: {  	v10 =	vadd.f32 v53, v10;
	_ =	sdelay $0x1  }
0x1e7: {  	[tilespmem:v52+s12+$0x0] =	vst.idx.msk $0xffff, v10  }
0x1e8: {  	v10 =	vld [tilespmem:s17+$0x55F0]  }
0x1e9: {  	v54 =	vld [tilespmem:s0+$0x55F0];
	_ =	sdelay $0x1  }
0x1ea: {  	v12 =	vld [tilespmem:s17+$0xBDF0];
	_ =	sdelay $0x1  }
0x1eb: {  	v55 =	vld [tilespmem:s2+$0x55F0]  }
0x1ec: {  	v6 =	vmul.f32 v10, v6;
	v7 =	vmul.f32 v54, v7;
	_ =	sdelay $0x1  }
0x1ed: {  	s24 =	sadd.s32 $0x2DF0, s16;
	v6 =	vadd.f32 v7, v6;
	v7 =	vmul.f32 v12, v8  }
0x1ee: {  	v56 =	vadd.s32 s24, v5  }
0x1ef: {  	s25 =	sadd.s32 $0x1, s16;
	v6 =	vadd.f32 v7, v6;
	v7 =	vmul.f32 v55, v9  }
0x1f0: {  	s29 =	sadd.s32 $0x35, s16;
	s26 =	sshll.u32 s25, $0x8;
	v8 =	vld.msk [tilespmem:s16+$0x15281 ss:$0x0], $0xffff  }
0x1f1: {  	s28 =	sshll.u32 s25, $0x7;
	s30 =	sshll.u32 s29, $0x8;
	s4 =	sshll.u32 s29, $0x7;
	v9 =	vld.msk [tilespmem:s16+$0x15301 ss:$0x0], $0xffff;
	v6 =	vadd.f32 v7, v6  }
0x1f2: {  	s4 =	sand.u32 $0x380, s4;
	s0 =	sand.u32 $0x7800, s26;
	s2 =	sand.u32 $0x380, s28;
	v7 =	vld.msk [tilespmem:s16+$0x15381 ss:$0x0], $0xffff  }
0x1f3: {  	s7 =	sadd.s32 $0x69, s16;
	s0 =	sor.u32 s2, s0;
	s2 =	sand.u32 $0x7800, s30;
	[tilespmem:v56+s12+$0x0] =	vst.idx.msk $0xffff, v6;
	v6 =	vld.msk [tilespmem:s16+$0x15401 ss:$0x0], $0xffff  }
0x1f4: {  	s31 =	sshll.u32 s7, $0x8;
	s7 =	sshll.u32 s7, $0x7;
	s2 =	sor.u32 s4, s2;
	v10 =	vld [tilespmem:s0+$0x5180]  }
0x1f5: {  	s9 =	sadd.s32 $0x9D, s16;
	s7 =	sand.u32 $0x380, s7;
	s4 =	sand.u32 $0xF800, s31;
	v57 =	vld [tilespmem:s2+$0x5180]  }
0x1f6: {  	s6 =	sshll.u32 s9, $0x8;
	s9 =	sshll.u32 s9, $0x7;
	s4 =	sor.u32 s7, s4  }
0x1f7: {  	s9 =	sand.u32 $0x380, s9;
	s7 =	sand.u32 $0xF800, s6;
	v58 =	vld [tilespmem:s4+$0x5180]  }
0x1f8: {  	s21 =	sor.u32 s9, s7  }
0x1f9: {  	v59 =	vld [tilespmem:s21+$0x5180]  }
0x1fa: {  	v10 =	vmul.f32 v10, v8;
	v11 =	vmul.f32 v57, v9;
	_ =	sdelay $0x1  }
0x1fb: {  	v60 =	vmul.f32 v58, v7;
	v10 =	vadd.f32 v11, v10  }
0x1fc: {  	v61 =	vadd.s32 s25, v5  }
0x1fd: {  	v62 =	vmul.f32 v59, v6;
	v10 =	vadd.f32 v60, v10;
	_ =	sdelay $0x1  }
0x1fe: {  	v10 =	vadd.f32 v62, v10;
	_ =	sdelay $0x1  }
0x1ff: {  	[tilespmem:v61+s12+$0x0] =	vst.idx.msk $0xffff, v10  }
0x200: {  	v10 =	vld [tilespmem:s0+$0x5190]  }
0x201: {  	v63 =	vld [tilespmem:s2+$0x5190];
	_ =	sdelay $0x1  }
0x202: {  	v12 =	vld [tilespmem:s4+$0x5190];
	_ =	sdelay $0x1  }
0x203: {  	v16 =	vld [tilespmem:s21+$0x5190]  }
0x204: {  	v10 =	vmul.f32 v10, v8;
	v11 =	vmul.f32 v63, v9;
	_ =	sdelay $0x1  }
0x205: {  	s10 =	sadd.s32 $0x311, s16;
	v17 =	vmul.f32 v12, v7;
	v10 =	vadd.f32 v11, v10  }
0x206: {  	v18 =	vadd.s32 s10, v5  }
0x207: {  	v19 =	vmul.f32 v16, v6;
	v10 =	vadd.f32 v17, v10;
	_ =	sdelay $0x1  }
0x208: {  	v10 =	vadd.f32 v19, v10;
	_ =	sdelay $0x1  }
0x209: {  	[tilespmem:v18+s12+$0x0] =	vst.idx.msk $0xffff, v10  }
0x20a: {  	v10 =	vld [tilespmem:s0+$0x51A0]  }
0x20b: {  	v20 =	vld [tilespmem:s2+$0x51A0];
	_ =	sdelay $0x1  }
0x20c: {  	v12 =	vld [tilespmem:s4+$0x51A0];
	_ =	sdelay $0x1  }
0x20d: {  	v21 =	vld [tilespmem:s21+$0x51A0]  }
0x20e: {  	v10 =	vmul.f32 v10, v8;
	v11 =	vmul.f32 v20, v9;
	_ =	sdelay $0x1  }
0x20f: {  	s13 =	sadd.s32 $0x621, s16;
	v22 =	vmul.f32 v12, v7;
	v10 =	vadd.f32 v11, v10  }
0x210: {  	s14 =	sadd.s32 $0x2, s16;
	s10 =	sadd.s32 $0x36, s16;
	v23 =	vadd.s32 s13, v5  }
0x211: {  	s19 =	sshll.u32 s14, $0x8;
	s20 =	sshll.u32 s14, $0x7;
	s22 =	sshll.u32 s10, $0x8;
	v24 =	vmul.f32 v21, v6;
	v10 =	vadd.f32 v22, v10  }
0x212: {  	s23 =	sshll.u32 s10, $0x7;
	s7 =	sand.u32 $0x7800, s19;
	s9 =	sand.u32 $0x380, s20  }
0x213: {  	s26 =	sor.u32 s9, s7;
	s7 =	sand.u32 $0x7800, s22;
	s9 =	sand.u32 $0x380, s23;
	v10 =	vadd.f32 v24, v10  }
0x214: {  	s19 =	sor.u32 s9, s7;
	v16 =	vld [tilespmem:s26+$0x5180]  }
0x215: {  	v17 =	vld [tilespmem:s19+$0x5180];
	[tilespmem:v23+s12+$0x0] =	vst.idx.msk $0xffff, v10  }
0x216: {  	v12 =	vld [tilespmem:s0+$0x51B0]  }
0x217: {  	v25 =	vld [tilespmem:s2+$0x51B0]  }
0x218: {  	s24 =	sadd.s32 $0x6A, s16;
	v11 =	vld.msk [tilespmem:s16+$0x15302 ss:$0x0], $0xffff  }
0x219: {  	s25 =	sshll.u32 s24, $0x8;
	s28 =	sshll.u32 s24, $0x7;
	v14 =	vld [tilespmem:s4+$0x51B0]  }
0x21a: {  	s29 =	sadd.s32 $0x9E, s16;
	s7 =	sand.u32 $0xF800, s25;
	s9 =	sand.u32 $0x380, s28;
	v10 =	vld.msk [tilespmem:s16+$0x15282 ss:$0x0], $0xffff  }
0x21b: {  	s30 =	sshll.u32 s29, $0x8;
	s31 =	sshll.u32 s29, $0x7;
	s20 =	sor.u32 s9, s7;
	v15 =	vld [tilespmem:s21+$0x51B0]  }
0x21c: {  	s7 =	sand.u32 $0xF800, s30;
	s9 =	sand.u32 $0x380, s31;
	v19 =	vld [tilespmem:s20+$0x5180];
	v18 =	vmul.f32 v12, v8;
	v13 =	vmul.f32 v25, v9  }
0x21d: {  	s18 =	sor.u32 s9, s7;
	v12 =	vld.msk [tilespmem:s16+$0x15382 ss:$0x0], $0xffff  }
0x21e: {  	s6 =	sadd.s32 $0x931, s16;
	v21 =	vld [tilespmem:s18+$0x5180];
	v14 =	vmul.f32 v14, v7;
	v18 =	vadd.f32 v13, v18  }
0x21f: {  	v20 =	vadd.s32 s6, v5;
	v17 =	vmul.f32 v17, v11;
	v13 =	vld.msk [tilespmem:s16+$0x15402 ss:$0x0], $0xffff  }
0x220: {  	v16 =	vmul.f32 v16, v10;
	v15 =	vmul.f32 v15, v6;
	v14 =	vadd.f32 v14, v18;
	_ =	sdelay $0x1  }
0x221: {  	v26 =	vadd.f32 v17, v16;
	v27 =	vmul.f32 v19, v12;
	v14 =	vadd.f32 v15, v14  }
0x222: {  	v28 =	vadd.s32 s14, v5  }
0x223: {  	v29 =	vadd.f32 v27, v26;
	v30 =	vmul.f32 v21, v13;
	[tilespmem:v20+s12+$0x0] =	vst.idx.msk $0xffff, v14  }
0x224: {  	v31 =	vld [tilespmem:s0+$0x51C0]  }
0x225: {  	v32 =	vld [tilespmem:s2+$0x51C0];
	v14 =	vadd.f32 v30, v29  }
0x226: {  	v33 =	vld [tilespmem:s4+$0x51C0]  }
0x227: {  	v34 =	vld [tilespmem:s21+$0x51C0];
	[tilespmem:v28+s12+$0x0] =	vst.idx.msk $0xffff, v14  }
0x228: {  	v14 =	vld [tilespmem:s26+$0x5190]  }
0x229: {  	v17 =	vld [tilespmem:s19+$0x5190]  }
0x22a: {  	v16 =	vmul.f32 v31, v8;
	v18 =	vmul.f32 v32, v9  }
0x22b: {  	v35 =	vld [tilespmem:s20+$0x5190]  }
0x22c: {  	s7 =	sadd.s32 $0xC41, s16;
	v15 =	vmul.f32 v33, v7;
	v16 =	vadd.f32 v18, v16  }
0x22d: {  	v37 =	vadd.s32 s7, v5;
	v38 =	vld [tilespmem:s18+$0x5190];
	v36 =	vmul.f32 v34, v6  }
0x22e: {  	v14 =	vmul.f32 v14, v10;
	v39 =	vmul.f32 v17, v11;
	v15 =	vadd.f32 v15, v16;
	_ =	sdelay $0x1  }
0x22f: {  	s9 =	sadd.s32 $0x312, s16;
	v40 =	vmul.f32 v35, v12;
	v14 =	vadd.f32 v39, v14;
	v15 =	vadd.f32 v36, v15  }
0x230: {  	v41 =	vadd.s32 s9, v5  }
0x231: {  	v42 =	vmul.f32 v38, v13;
	v14 =	vadd.f32 v40, v14;
	[tilespmem:v37+s12+$0x0] =	vst.idx.msk $0xffff, v15  }
0x232: {  	v43 =	vld [tilespmem:s0+$0x51D0]  }
0x233: {  	v44 =	vld [tilespmem:s2+$0x51D0];
	v14 =	vadd.f32 v42, v14  }
0x234: {  	v45 =	vld [tilespmem:s4+$0x51D0]  }
0x235: {  	v19 =	vld [tilespmem:s21+$0x51D0];
	[tilespmem:v41+s12+$0x0] =	vst.idx.msk $0xffff, v14  }
0x236: {  	v14 =	vld [tilespmem:s26+$0x51A0]  }
0x237: {  	v17 =	vld [tilespmem:s19+$0x51A0]  }
0x238: {  	v16 =	vmul.f32 v43, v8;
	v18 =	vmul.f32 v44, v9  }
0x239: {  	v46 =	vld [tilespmem:s20+$0x51A0]  }
0x23a: {  	s10 =	sadd.s32 $0xF51, s16;
	v15 =	vmul.f32 v45, v7;
	v16 =	vadd.f32 v18, v16  }
0x23b: {  	v48 =	vadd.s32 s10, v5;
	v49 =	vld [tilespmem:s18+$0x51A0];
	v47 =	vmul.f32 v19, v6  }
0x23c: {  	v14 =	vmul.f32 v14, v10;
	v50 =	vmul.f32 v17, v11;
	v15 =	vadd.f32 v15, v16;
	_ =	sdelay $0x1  }
0x23d: {  	s13 =	sadd.s32 $0x622, s16;
	v51 =	vmul.f32 v46, v12;
	v14 =	vadd.f32 v50, v14;
	v15 =	vadd.f32 v47, v15  }
0x23e: {  	v52 =	vadd.s32 s13, v5  }
0x23f: {  	v53 =	vmul.f32 v49, v13;
	v14 =	vadd.f32 v51, v14;
	[tilespmem:v48+s12+$0x0] =	vst.idx.msk $0xffff, v15  }
0x240: {  	v54 =	vld [tilespmem:s0+$0x51E0]  }
0x241: {  	v55 =	vld [tilespmem:s2+$0x51E0];
	v14 =	vadd.f32 v53, v14  }
0x242: {  	v56 =	vld [tilespmem:s4+$0x51E0]  }
0x243: {  	v19 =	vld [tilespmem:s21+$0x51E0];
	[tilespmem:v52+s12+$0x0] =	vst.idx.msk $0xffff, v14  }
0x244: {  	v14 =	vld [tilespmem:s26+$0x51B0]  }
0x245: {  	v17 =	vld [tilespmem:s19+$0x51B0]  }
0x246: {  	v16 =	vmul.f32 v54, v8;
	v18 =	vmul.f32 v55, v9  }
0x247: {  	v57 =	vld [tilespmem:s20+$0x51B0]  }
0x248: {  	s14 =	sadd.s32 $0x1261, s16;
	v15 =	vmul.f32 v56, v7;
	v16 =	vadd.f32 v18, v16  }
0x249: {  	v59 =	vadd.s32 s14, v5;
	v60 =	vld [tilespmem:s18+$0x51B0];
	v58 =	vmul.f32 v19, v6  }
0x24a: {  	v14 =	vmul.f32 v14, v10;
	v61 =	vmul.f32 v17, v11;
	v15 =	vadd.f32 v15, v16;
	_ =	sdelay $0x1  }
0x24b: {  	s22 =	sadd.s32 $0x932, s16;
	v62 =	vmul.f32 v57, v12;
	v14 =	vadd.f32 v61, v14;
	v15 =	vadd.f32 v58, v15  }
0x24c: {  	v63 =	vadd.s32 s22, v5  }
0x24d: {  	v22 =	vmul.f32 v60, v13;
	v14 =	vadd.f32 v62, v14;
	[tilespmem:v59+s12+$0x0] =	vst.idx.msk $0xffff, v15  }
0x24e: {  	v23 =	vld [tilespmem:s0+$0x51F0]  }
0x24f: {  	v24 =	vld [tilespmem:s2+$0x51F0];
	v14 =	vadd.f32 v22, v14  }
0x250: {  	v25 =	vld [tilespmem:s4+$0x51F0]  }
0x251: {  	v19 =	vld [tilespmem:s21+$0x51F0];
	[tilespmem:v63+s12+$0x0] =	vst.idx.msk $0xffff, v14  }
0x252: {  	v14 =	vld [tilespmem:s26+$0x51C0]  }
0x253: {  	v17 =	vld [tilespmem:s19+$0x51C0]  }
0x254: {  	v16 =	vmul.f32 v23, v8;
	v18 =	vmul.f32 v24, v9  }
0x255: {  	v26 =	vld [tilespmem:s20+$0x51C0]  }
0x256: {  	s5 =	sadd.s32 $0x3, s16;
	s23 =	sadd.s32 $0x1571, s16;
	v15 =	vmul.f32 v25, v7;
	v16 =	vadd.f32 v18, v16  }
0x257: {  	s13 =	sadd.s32 $0x37, s16;
	s29 =	sshll.u32 s5, $0x7;
	v28 =	vadd.s32 s23, v5;
	v29 =	vld [tilespmem:s18+$0x51C0];
	v27 =	vmul.f32 v19, v6  }
0x258: {  	s24 =	sadd.s32 $0xC42, s16;
	s10 =	sand.u32 $0x380, s29;
	s28 =	sshll.u32 s5, $0x8;
	v14 =	vmul.f32 v14, v10;
	v30 =	vmul.f32 v17, v11;
	v15 =	vadd.f32 v15, v16  }
0x259: {  	s30 =	sshll.u32 s13, $0x8;
	s31 =	sshll.u32 s13, $0x7;
	s9 =	sand.u32 $0x7800, s28  }
0x25a: {  	s22 =	sor.u32 s10, s9;
	s9 =	sand.u32 $0x7800, s30;
	s10 =	sand.u32 $0x380, s31;
	v31 =	vmul.f32 v26, v12;
	v14 =	vadd.f32 v30, v14;
	v15 =	vadd.f32 v27, v15  }
0x25b: {  	s23 =	sor.u32 s10, s9;
	v32 =	vadd.s32 s24, v5;
	v39 =	vld [tilespmem:s22+$0x5180]  }
0x25c: {  	v25 =	vld [tilespmem:s23+$0x5180];
	v33 =	vmul.f32 v29, v13;
	v14 =	vadd.f32 v31, v14;
	[tilespmem:v28+s12+$0x0] =	vst.idx.msk $0xffff, v15  }
0x25d: {  	v34 =	vld [tilespmem:s0+$0x5580]  }
0x25e: {  	v35 =	vld [tilespmem:s2+$0x5580];
	v14 =	vadd.f32 v33, v14  }
0x25f: {  	v19 =	vld [tilespmem:s4+$0x5580]  }
0x260: {  	v36 =	vld [tilespmem:s21+$0x5580];
	[tilespmem:v32+s12+$0x0] =	vst.idx.msk $0xffff, v14  }
0x261: {  	v17 =	vld [tilespmem:s26+$0x51D0]  }
0x262: {  	v37 =	vld [tilespmem:s19+$0x51D0]  }
0x263: {  	s6 =	sadd.s32 $0x6B, s16;
	v15 =	vld.msk [tilespmem:s16+$0x15303 ss:$0x0], $0xffff;
	v16 =	vmul.f32 v34, v8;
	v18 =	vmul.f32 v35, v9  }
0x264: {  	s25 =	sadd.s32 $0x1881, s16;
	s14 =	sshll.u32 s6, $0x8;
	s24 =	sshll.u32 s6, $0x7;
	v22 =	vld [tilespmem:s20+$0x51D0]  }
0x265: {  	s29 =	sadd.s32 $0x9F, s16;
	s28 =	sand.u32 $0x380, s24;
	v24 =	vadd.s32 s25, v5;
	s25 =	sand.u32 $0xF800, s14;
	v14 =	vld.msk [tilespmem:s16+$0x15283 ss:$0x0], $0xffff;
	v38 =	vmul.f32 v19, v7;
	v16 =	vadd.f32 v18, v16  }
0x266: {  	s30 =	sshll.u32 s29, $0x8;
	s31 =	sshll.u32 s29, $0x7;
	s24 =	sor.u32 s28, s25;
	v23 =	vld [tilespmem:s18+$0x51D0];
	v20 =	vmul.f32 v36, v6  }
0x267: {  	s7 =	sand.u32 $0xF800, s30;
	s9 =	sand.u32 $0x380, s31;
	v27 =	vld [tilespmem:s24+$0x5180];
	v26 =	vmul.f32 v17, v10;
	v21 =	vmul.f32 v37, v11;
	v18 =	vadd.f32 v38, v16  }
0x268: {  	s25 =	sor.u32 s9, s7;
	v16 =	vld.msk [tilespmem:s16+$0x15383 ss:$0x0], $0xffff  }
0x269: {  	s6 =	sadd.s32 $0xF52, s16;
	v42 =	vld [tilespmem:s25+$0x5180];
	v41 =	vmul.f32 v22, v12;
	v40 =	vadd.f32 v21, v26;
	v18 =	vadd.f32 v20, v18  }
0x26a: {  	v43 =	vadd.s32 s6, v5;
	v44 =	vmul.f32 v25, v15;
	v19 =	vmul.f32 v39, v14;
	v17 =	vld.msk [tilespmem:s16+$0x15403 ss:$0x0], $0xffff  }
0x26b: {  	v46 =	vmul.f32 v23, v13;
	v20 =	vadd.f32 v41, v40;
	[tilespmem:v24+s12+$0x0] =	vst.idx.msk $0xffff, v18  }
0x26c: {  	v45 =	vld [tilespmem:s0+$0x5590]  }
0x26d: {  	v19 =	vadd.f32 v44, v19;
	v47 =	vld [tilespmem:s2+$0x5590];
	v48 =	vmul.f32 v27, v16;
	v20 =	vadd.f32 v46, v20  }
0x26e: {  	v49 =	vadd.s32 s5, v5;
	v50 =	vld [tilespmem:s4+$0x5590]  }
0x26f: {  	v22 =	vmul.f32 v42, v17;
	v51 =	vld [tilespmem:s21+$0x5590];
	v19 =	vadd.f32 v48, v19;
	[tilespmem:v43+s12+$0x0] =	vst.idx.msk $0xffff, v20  }
0x270: {  	v18 =	vld [tilespmem:s26+$0x51E0]  }
0x271: {  	v54 =	vld [tilespmem:s19+$0x51E0];
	v19 =	vadd.f32 v22, v19  }
0x272: {  	v55 =	vld [tilespmem:s20+$0x51E0];
	v52 =	vmul.f32 v45, v8;
	v53 =	vmul.f32 v47, v9  }
0x273: {  	v61 =	vld [tilespmem:s18+$0x51E0];
	[tilespmem:v49+s12+$0x0] =	vst.idx.msk $0xffff, v19  }
0x274: {  	s9 =	sadd.s32 $0x1B91, s16;
	v57 =	vmul.f32 v50, v7;
	v56 =	vadd.f32 v53, v52;
	v21 =	vld [tilespmem:s22+$0x5190]  }
0x275: {  	v58 =	vadd.s32 s9, v5;
	v60 =	vmul.f32 v51, v6;
	v59 =	vld [tilespmem:s23+$0x5190]  }
0x276: {  	v18 =	vmul.f32 v18, v10;
	v23 =	vmul.f32 v54, v11;
	v19 =	vadd.f32 v57, v56  }
0x277: {  	v62 =	vld [tilespmem:s24+$0x5190]  }
0x278: {  	s10 =	sadd.s32 $0x1262, s16;
	v63 =	vmul.f32 v55, v12;
	v18 =	vadd.f32 v23, v18;
	v19 =	vadd.f32 v60, v19  }
0x279: {  	v29 =	vadd.s32 s10, v5;
	v28 =	vld [tilespmem:s25+$0x5190];
	v32 =	vmul.f32 v61, v13;
	v21 =	vmul.f32 v21, v14  }
0x27a: {  	v30 =	vmul.f32 v59, v15;
	v18 =	vadd.f32 v63, v18;
	[tilespmem:v58+s12+$0x0] =	vst.idx.msk $0xffff, v19  }
0x27b: {  	v31 =	vld [tilespmem:s0+$0x55A0]  }
0x27c: {  	s13 =	sadd.s32 $0x313, s16;
	v34 =	vmul.f32 v62, v16;
	v33 =	vld [tilespmem:s2+$0x55A0];
	v21 =	vadd.f32 v30, v21;
	v18 =	vadd.f32 v32, v18  }
0x27d: {  	v35 =	vadd.s32 s13, v5;
	v36 =	vld [tilespmem:s4+$0x55A0]  }
0x27e: {  	v37 =	vmul.f32 v28, v17;
	v38 =	vld [tilespmem:s21+$0x55A0];
	v21 =	vadd.f32 v34, v21;
	[tilespmem:v29+s12+$0x0] =	vst.idx.msk $0xffff, v18  }
0x27f: {  	v18 =	vld [tilespmem:s26+$0x51F0]  }
0x280: {  	v42 =	vld [tilespmem:s19+$0x51F0];
	v39 =	vadd.f32 v37, v21  }
0x281: {  	v43 =	vld [tilespmem:s20+$0x51F0];
	v40 =	vmul.f32 v31, v8;
	v41 =	vmul.f32 v33, v9  }
0x282: {  	v50 =	vld [tilespmem:s18+$0x51F0];
	[tilespmem:v35+s12+$0x0] =	vst.idx.msk $0xffff, v39  }
0x283: {  	s14 =	sadd.s32 $0x1EA1, s16;
	v45 =	vmul.f32 v36, v7;
	v44 =	vadd.f32 v41, v40;
	v46 =	vld [tilespmem:s22+$0x51A0]  }
0x284: {  	v47 =	vadd.s32 s14, v5;
	v49 =	vmul.f32 v38, v6;
	v48 =	vld [tilespmem:s23+$0x51A0]  }
0x285: {  	v18 =	vmul.f32 v18, v10;
	v24 =	vmul.f32 v42, v11;
	v19 =	vadd.f32 v45, v44  }
0x286: {  	v51 =	vld [tilespmem:s24+$0x51A0]  }
0x287: {  	s28 =	sadd.s32 $0x1572, s16;
	v52 =	vmul.f32 v43, v12;
	v18 =	vadd.f32 v24, v18;
	v19 =	vadd.f32 v49, v19  }
0x288: {  	v54 =	vadd.s32 s28, v5;
	v53 =	vld [tilespmem:s25+$0x51A0];
	v57 =	vmul.f32 v50, v13;
	v21 =	vmul.f32 v46, v14  }
0x289: {  	v55 =	vmul.f32 v48, v15;
	v18 =	vadd.f32 v52, v18;
	[tilespmem:v47+s12+$0x0] =	vst.idx.msk $0xffff, v19  }
0x28a: {  	v56 =	vld [tilespmem:s0+$0x55B0]  }
0x28b: {  	s29 =	sadd.s32 $0x623, s16;
	v59 =	vmul.f32 v51, v16;
	v58 =	vld [tilespmem:s2+$0x55B0];
	v21 =	vadd.f32 v55, v21;
	v18 =	vadd.f32 v57, v18  }
0x28c: {  	v60 =	vadd.s32 s29, v5;
	v61 =	vld [tilespmem:s4+$0x55B0]  }
0x28d: {  	v62 =	vmul.f32 v53, v17;
	v63 =	vld [tilespmem:s21+$0x55B0];
	v21 =	vadd.f32 v59, v21;
	[tilespmem:v54+s12+$0x0] =	vst.idx.msk $0xffff, v18  }
0x28e: {  	v18 =	vld [tilespmem:s26+$0x5580]  }
0x28f: {  	v31 =	vld [tilespmem:s19+$0x5580];
	v28 =	vadd.f32 v62, v21  }
0x290: {  	v32 =	vld [tilespmem:s20+$0x5580];
	v29 =	vmul.f32 v56, v8;
	v30 =	vmul.f32 v58, v9  }
0x291: {  	v39 =	vld [tilespmem:s18+$0x5580];
	[tilespmem:v60+s12+$0x0] =	vst.idx.msk $0xffff, v28  }
0x292: {  	s30 =	sadd.s32 $0x21B1, s16;
	v34 =	vmul.f32 v61, v7;
	v33 =	vadd.f32 v30, v29;
	v35 =	vld [tilespmem:s22+$0x51B0]  }
0x293: {  	v36 =	vadd.s32 s30, v5;
	v38 =	vmul.f32 v63, v6;
	v37 =	vld [tilespmem:s23+$0x51B0]  }
0x294: {  	v18 =	vmul.f32 v18, v10;
	v23 =	vmul.f32 v31, v11;
	v19 =	vadd.f32 v34, v33  }
0x295: {  	v40 =	vld [tilespmem:s24+$0x51B0]  }
0x296: {  	s31 =	sadd.s32 $0x1882, s16;
	v41 =	vmul.f32 v32, v12;
	v18 =	vadd.f32 v23, v18;
	v19 =	vadd.f32 v38, v19  }
0x297: {  	v43 =	vadd.s32 s31, v5;
	v42 =	vld [tilespmem:s25+$0x51B0];
	v46 =	vmul.f32 v39, v13;
	v21 =	vmul.f32 v35, v14  }
0x298: {  	v44 =	vmul.f32 v37, v15;
	v18 =	vadd.f32 v41, v18;
	[tilespmem:v36+s12+$0x0] =	vst.idx.msk $0xffff, v19  }
0x299: {  	v45 =	vld [tilespmem:s0+$0x55C0]  }
0x29a: {  	s6 =	sadd.s32 $0x933, s16;
	v48 =	vmul.f32 v40, v16;
	v47 =	vld [tilespmem:s2+$0x55C0];
	v21 =	vadd.f32 v44, v21;
	v18 =	vadd.f32 v46, v18  }
0x29b: {  	v49 =	vadd.s32 s6, v5;
	v50 =	vld [tilespmem:s4+$0x55C0]  }
0x29c: {  	v51 =	vmul.f32 v42, v17;
	v52 =	vld [tilespmem:s21+$0x55C0];
	v21 =	vadd.f32 v48, v21;
	[tilespmem:v43+s12+$0x0] =	vst.idx.msk $0xffff, v18  }
0x29d: {  	v18 =	vld [tilespmem:s26+$0x5590]  }
0x29e: {  	v56 =	vld [tilespmem:s19+$0x5590];
	v53 =	vadd.f32 v51, v21  }
0x29f: {  	v57 =	vld [tilespmem:s20+$0x5590];
	v54 =	vmul.f32 v45, v8;
	v55 =	vmul.f32 v47, v9  }
0x2a0: {  	v30 =	vld [tilespmem:s18+$0x5590];
	[tilespmem:v49+s12+$0x0] =	vst.idx.msk $0xffff, v53  }
0x2a1: {  	s7 =	sadd.s32 $0x24C1, s16;
	v59 =	vmul.f32 v50, v7;
	v58 =	vadd.f32 v55, v54;
	v60 =	vld [tilespmem:s22+$0x51C0]  }
0x2a2: {  	v61 =	vadd.s32 s7, v5;
	v63 =	vmul.f32 v52, v6;
	v62 =	vld [tilespmem:s23+$0x51C0]  }
0x2a3: {  	v18 =	vmul.f32 v18, v10;
	v24 =	vmul.f32 v56, v11;
	v19 =	vadd.f32 v59, v58  }
0x2a4: {  	v31 =	vld [tilespmem:s24+$0x51C0]  }
0x2a5: {  	s9 =	sadd.s32 $0x1B92, s16;
	v32 =	vmul.f32 v57, v12;
	v18 =	vadd.f32 v24, v18;
	v19 =	vadd.f32 v63, v19  }
0x2a6: {  	v34 =	vadd.s32 s9, v5;
	v33 =	vld [tilespmem:s25+$0x51C0];
	v37 =	vmul.f32 v30, v13;
	v21 =	vmul.f32 v60, v14  }
0x2a7: {  	v35 =	vmul.f32 v62, v15;
	v18 =	vadd.f32 v32, v18;
	[tilespmem:v61+s12+$0x0] =	vst.idx.msk $0xffff, v19  }
0x2a8: {  	v36 =	vld [tilespmem:s0+$0x55D0]  }
0x2a9: {  	s10 =	sadd.s32 $0xC43, s16;
	v39 =	vmul.f32 v31, v16;
	v38 =	vld [tilespmem:s2+$0x55D0];
	v21 =	vadd.f32 v35, v21;
	v18 =	vadd.f32 v37, v18  }
0x2aa: {  	v40 =	vadd.s32 s10, v5;
	v41 =	vld [tilespmem:s4+$0x55D0]  }
0x2ab: {  	v42 =	vmul.f32 v33, v17;
	v43 =	vld [tilespmem:s21+$0x55D0];
	v21 =	vadd.f32 v39, v21;
	[tilespmem:v34+s12+$0x0] =	vst.idx.msk $0xffff, v18  }
0x2ac: {  	v18 =	vld [tilespmem:s26+$0x55A0]  }
0x2ad: {  	v47 =	vld [tilespmem:s19+$0x55A0];
	v44 =	vadd.f32 v42, v21  }
0x2ae: {  	v48 =	vld [tilespmem:s20+$0x55A0];
	v45 =	vmul.f32 v36, v8;
	v46 =	vmul.f32 v38, v9  }
0x2af: {  	v55 =	vld [tilespmem:s18+$0x55A0];
	[tilespmem:v40+s12+$0x0] =	vst.idx.msk $0xffff, v44  }
0x2b0: {  	s13 =	sadd.s32 $0x27D1, s16;
	v50 =	vmul.f32 v41, v7;
	v49 =	vadd.f32 v46, v45;
	v51 =	vld [tilespmem:s22+$0x51D0]  }
0x2b1: {  	v52 =	vadd.s32 s13, v5;
	v54 =	vmul.f32 v43, v6;
	v53 =	vld [tilespmem:s23+$0x51D0]  }
0x2b2: {  	v25 =	vld.msk [tilespmem:s16+$0x15285 ss:$0x0], $0xffff;
	v18 =	vmul.f32 v18, v10;
	v23 =	vmul.f32 v47, v11;
	v19 =	vadd.f32 v50, v49  }
0x2b3: {  	v56 =	vld [tilespmem:s24+$0x51D0]  }
0x2b4: {  	v26 =	vld.msk [tilespmem:s16+$0x15305 ss:$0x0], $0xffff;
	s14 =	sadd.s32 $0x1EA2, s16;
	v57 =	vmul.f32 v48, v12;
	v18 =	vadd.f32 v23, v18;
	v19 =	vadd.f32 v54, v19  }
0x2b5: {  	v59 =	vadd.s32 s14, v5;
	v58 =	vld [tilespmem:s25+$0x51D0];
	v62 =	vmul.f32 v55, v13;
	v21 =	vmul.f32 v51, v14  }
0x2b6: {  	v20 =	vld.msk [tilespmem:s16+$0x15284 ss:$0x0], $0xffff;
	v60 =	vmul.f32 v53, v15;
	v18 =	vadd.f32 v57, v18;
	[tilespmem:v52+s12+$0x0] =	vst.idx.msk $0xffff, v19  }
0x2b7: {  	v61 =	vld [tilespmem:s0+$0x55E0]  }
0x2b8: {  	s28 =	sadd.s32 $0xF53, s16;
	v28 =	vmul.f32 v56, v16;
	v63 =	vld [tilespmem:s2+$0x55E0];
	v21 =	vadd.f32 v60, v21;
	v18 =	vadd.f32 v62, v18  }
0x2b9: {  	v29 =	vadd.s32 s28, v5;
	v30 =	vld [tilespmem:s4+$0x55E0]  }
0x2ba: {  	v31 =	vmul.f32 v58, v17;
	v32 =	vld [tilespmem:s21+$0x55E0];
	v21 =	vadd.f32 v28, v21;
	[tilespmem:v59+s12+$0x0] =	vst.idx.msk $0xffff, v18  }
0x2bb: {  	v18 =	vld [tilespmem:s26+$0x55B0]  }
0x2bc: {  	v36 =	vld [tilespmem:s19+$0x55B0];
	v33 =	vadd.f32 v31, v21  }
0x2bd: {  	v37 =	vld [tilespmem:s20+$0x55B0];
	v34 =	vmul.f32 v61, v8;
	v35 =	vmul.f32 v63, v9  }
0x2be: {  	v43 =	vld [tilespmem:s18+$0x55B0];
	[tilespmem:v29+s12+$0x0] =	vst.idx.msk $0xffff, v33  }
0x2bf: {  	s29 =	sadd.s32 $0x2AE1, s16;
	v39 =	vmul.f32 v30, v7;
	v38 =	vadd.f32 v35, v34;
	v40 =	vld [tilespmem:s22+$0x51E0]  }
0x2c0: {  	v44 =	vadd.s32 s29, v5;
	v41 =	vld [tilespmem:s23+$0x51E0]  }
0x2c1: {  	v42 =	vmul.f32 v32, v6;
	v45 =	vld [tilespmem:s24+$0x51E0];
	v19 =	vadd.f32 v39, v38  }
0x2c2: {  	v47 =	vld [tilespmem:s25+$0x51E0];
	v18 =	vmul.f32 v18, v10  }
0x2c3: {  	v24 =	vmul.f32 v36, v11;
	v46 =	vmul.f32 v37, v12;
	v37 =	vld [tilespmem:s17+$0x8980];
	v19 =	vadd.f32 v42, v19  }
0x2c4: {  	v39 =	vld [tilespmem:s17+$0xF180]  }
0x2c5: {  	s30 =	sadd.s32 $0x21B2, s16;
	v18 =	vadd.f32 v24, v18;
	v24 =	vld.msk [tilespmem:s16+$0x15385 ss:$0x0], $0xffff;
	[tilespmem:v44+s12+$0x0] =	vst.idx.msk $0xffff, v19  }
0x2c6: {  	v48 =	vadd.s32 s30, v5;
	v49 =	vmul.f32 v43, v13;
	v27 =	vld [tilespmem:s0+$0x55F0]  }
0x2c7: {  	v21 =	vmul.f32 v40, v14;
	v22 =	vmul.f32 v41, v15;
	v18 =	vadd.f32 v46, v18;
	v28 =	vld [tilespmem:s2+$0x55F0]  }
0x2c8: {  	v23 =	vld [tilespmem:s4+$0x55F0]  }
0x2c9: {  	v50 =	vadd.f32 v22, v21;
	v18 =	vadd.f32 v49, v18;
	v21 =	vld.msk [tilespmem:s16+$0x15304 ss:$0x0], $0xffff  }
0x2ca: {  	v22 =	vld.msk [tilespmem:s16+$0x15405 ss:$0x0], $0xffff  }
0x2cb: {  	s5 =	sadd.s32 $0x4, s16;
	s31 =	sadd.s32 $0x1263, s16;
	[tilespmem:v48+s12+$0x0] =	vst.idx.msk $0xffff, v18;
	v18 =	vld.msk [tilespmem:s16+$0x15384 ss:$0x0], $0xffff  }
0x2cc: {  	s6 =	sshll.u32 s5, $0x7;
	s7 =	sadd.s32 $0x6C, s16;
	s4 =	sshll.u32 s5, $0x8;
	v34 =	vld [tilespmem:s26+$0x55C0]  }
0x2cd: {  	s28 =	sadd.s32 $0x39, s16;
	v51 =	vmul.f32 v45, v16;
	s2 =	sand.u32 $0x380, s6;
	s0 =	sand.u32 $0x7800, s4;
	v35 =	vld [tilespmem:s19+$0x55C0]  }
0x2ce: {  	s9 =	sshll.u32 s7, $0x8;
	s10 =	sshll.u32 s7, $0x7;
	v52 =	vadd.s32 s31, v5;
	s30 =	sor.u32 s2, s0;
	v33 =	vld [tilespmem:s20+$0x55C0]  }
0x2cf: {  	s7 =	sshll.u32 s28, $0x7;
	v53 =	vmul.f32 v47, v17;
	v19 =	vadd.f32 v51, v50;
	s0 =	sand.u32 $0xF800, s9;
	s9 =	sadd.s32 $0x5, s16;
	v36 =	vld [tilespmem:s30+$0x5180]  }
0x2d0: {  	s2 =	sand.u32 $0x380, s10;
	s13 =	sshll.u32 s9, $0x8;
	s14 =	sshll.u32 s9, $0x7;
	v48 =	vld [tilespmem:s18+$0x55C0]  }
0x2d1: {  	s31 =	sor.u32 s2, s0;
	v54 =	vadd.f32 v53, v19;
	v19 =	vld.msk [tilespmem:s16+$0x15404 ss:$0x0], $0xffff;
	s0 =	sand.u32 $0x7800, s13;
	s2 =	sand.u32 $0x380, s14  }
0x2d2: {  	s7 =	sand.u32 $0x380, s7;
	s6 =	sadd.s32 $0x6D, s16;
	v38 =	vld [tilespmem:s31+$0x5180];
	s2 =	sor.u32 s2, s0  }
0x2d3: {  	s29 =	sshll.u32 s28, $0x8;
	s4 =	sadd.s32 $0x1573, s16;
	s10 =	sshll.u32 s6, $0x7;
	[tilespmem:v52+s12+$0x0] =	vst.idx.msk $0xffff, v54;
	v40 =	vld [tilespmem:s2+$0x5180]  }
0x2d4: {  	s10 =	sand.u32 $0x380, s10;
	s13 =	sshll.u32 s6, $0x8;
	s14 =	sadd.s32 $0xA1, s16;
	v29 =	vld [tilespmem:s22+$0x51F0]  }
0x2d5: {  	s0 =	sand.u32 $0x7800, s29;
	s28 =	sshll.u32 s14, $0x8;
	s6 =	sshll.u32 s14, $0x7;
	v30 =	vld [tilespmem:s23+$0x51F0]  }
0x2d6: {  	s0 =	sor.u32 s7, s0;
	s7 =	sand.u32 $0xF800, s13;
	s13 =	sadd.s32 $0x6, s16;
	v31 =	vld [tilespmem:s24+$0x51F0]  }
0x2d7: {  	v32 =	vld [tilespmem:s25+$0x51F0];
	s29 =	sor.u32 s10, s7;
	s7 =	sand.u32 $0xF800, s28;
	s10 =	sand.u32 $0x380, s6  }
0x2d8: {  	v41 =	vld [tilespmem:s0+$0x5180];
	s14 =	sshll.u32 s13, $0x7;
	s28 =	sor.u32 s10, s7;
	s10 =	sshll.u32 s13, $0x8  }
0x2d9: {  	v37 =	vmul.f32 v37, v21;
	v42 =	vld [tilespmem:s29+$0x5180];
	v36 =	vmul.f32 v36, v20;
	s7 =	sand.u32 $0x7800, s10;
	s10 =	sand.u32 $0x380, s14;
	s14 =	sadd.s32 $0x3A, s16  }
0x2da: {  	v43 =	vld [tilespmem:s28+$0x5180];
	s10 =	sor.u32 s10, s7;
	s6 =	sshll.u32 s14, $0x8;
	s14 =	sshll.u32 s14, $0x7  }
0x2db: {  	v57 =	vadd.s32 s5, v5;
	v56 =	vmul.f32 v38, v18;
	v36 =	vadd.f32 v37, v36;
	s7 =	sand.u32 $0x7800, s6;
	s14 =	sand.u32 $0x380, s14;
	s6 =	sadd.s32 $0x6E, s16;
	v55 =	vld [tilespmem:s10+$0x5180]  }
0x2dc: {  	v46 =	vadd.s32 s4, v5;
	v44 =	vmul.f32 v29, v14;
	v45 =	vmul.f32 v30, v15;
	v29 =	vld.msk [tilespmem:s16+$0x15286 ss:$0x0], $0xffff;
	s4 =	sor.u32 s14, s7;
	s14 =	sshll.u32 s6, $0x8;
	s6 =	sshll.u32 s6, $0x7  }
0x2dd: {  	v39 =	vmul.f32 v39, v19;
	v30 =	vld.msk [tilespmem:s16+$0x15306 ss:$0x0], $0xffff;
	s7 =	sadd.s32 $0xA2, s16;
	v36 =	vadd.f32 v56, v36;
	s14 =	sand.u32 $0xF800, s14;
	s6 =	sand.u32 $0x380, s6  }
0x2de: {  	v31 =	vmul.f32 v31, v16;
	v47 =	vld [tilespmem:s4+$0x5180];
	v44 =	vadd.f32 v45, v44;
	s5 =	sor.u32 s6, s14;
	s14 =	sshll.u32 s7, $0x8;
	s7 =	sshll.u32 s7, $0x7  }
0x2df: {  	v58 =	vmul.f32 v40, v25;
	v59 =	vmul.f32 v41, v26;
	v36 =	vadd.f32 v39, v36;
	v60 =	vld [tilespmem:s5+$0x5180];
	s6 =	sand.u32 $0xF800, s14;
	s7 =	sand.u32 $0x380, s7  }
0x2e0: {  	v32 =	vmul.f32 v32, v17;
	v44 =	vadd.f32 v31, v44;
	v31 =	vld.msk [tilespmem:s16+$0x15386 ss:$0x0], $0xffff;
	s7 =	sor.u32 s7, s6  }
0x2e1: {  	v61 =	vmul.f32 v42, v24;
	v37 =	vadd.f32 v59, v58;
	[tilespmem:v57+s12+$0x0] =	vst.idx.msk $0xffff, v36;
	v62 =	vld [tilespmem:s7+$0x5180]  }
0x2e2: {  	v63 =	vadd.s32 s9, v5;
	v38 =	vld [tilespmem:s30+$0x5190]  }
0x2e3: {  	v53 =	vmul.f32 v43, v22;
	v52 =	vadd.f32 v61, v37;
	v44 =	vadd.f32 v32, v44;
	v32 =	vld.msk [tilespmem:s16+$0x15406 ss:$0x0], $0xffff  }
0x2e4: {  	v50 =	vmul.f32 v55, v29;
	v55 =	vld [tilespmem:s17+$0x8990];
	v51 =	vmul.f32 v47, v30  }
0x2e5: {  	v57 =	vld [tilespmem:s31+$0x5190];
	v36 =	vadd.f32 v53, v52  }
0x2e6: {  	v58 =	vld [tilespmem:s17+$0xF190];
	[tilespmem:v46+s12+$0x0] =	vst.idx.msk $0xffff, v44;
	v54 =	vadd.f32 v51, v50;
	v41 =	vmul.f32 v60, v31  }
0x2e7: {  	v56 =	vadd.s32 s13, v5;
	[tilespmem:v63+s12+$0x0] =	vst.idx.msk $0xffff, v36;
	v46 =	vld [tilespmem:s22+$0x5580]  }
0x2e8: {  	v36 =	vld [tilespmem:s2+$0x5190];
	v39 =	vadd.f32 v41, v54;
	v40 =	vmul.f32 v62, v32  }
0x2e9: {  	v59 =	vld [tilespmem:s0+$0x5190]  }
0x2ea: {  	v61 =	vld [tilespmem:s29+$0x5190];
	v38 =	vmul.f32 v38, v20;
	v60 =	vmul.f32 v55, v21;
	v39 =	vadd.f32 v40, v39  }
0x2eb: {  	v53 =	vld [tilespmem:s28+$0x5190]  }
0x2ec: {  	s14 =	sadd.s32 $0x314, s16;
	v50 =	vld [tilespmem:s25+$0x5580];
	v62 =	vmul.f32 v57, v18;
	v38 =	vadd.f32 v60, v38;
	[tilespmem:v56+s12+$0x0] =	vst.idx.msk $0xffff, v39  }
0x2ed: {  	v52 =	vadd.s32 s14, v5;
	v41 =	vmul.f32 v58, v19;
	v37 =	vld [tilespmem:s10+$0x5190]  }
0x2ee: {  	v38 =	vadd.f32 v62, v38;
	v36 =	vmul.f32 v36, v25;
	v54 =	vmul.f32 v59, v26;
	v63 =	vld [tilespmem:s4+$0x5190]  }
0x2ef: {  	v34 =	vmul.f32 v34, v10;
	v56 =	vld [tilespmem:s23+$0x5580]  }
0x2f0: {  	s9 =	sadd.s32 $0x315, s16;
	v57 =	vmul.f32 v61, v24;
	v55 =	vld [tilespmem:s5+$0x5190];
	v38 =	vadd.f32 v41, v38;
	v36 =	vadd.f32 v54, v36  }
0x2f1: {  	v49 =	vadd.s32 s9, v5;
	v35 =	vmul.f32 v35, v11;
	v33 =	vmul.f32 v33, v12;
	v59 =	vld [tilespmem:s24+$0x5580]  }
0x2f2: {  	v60 =	vmul.f32 v53, v22;
	v58 =	vld [tilespmem:s7+$0x5190];
	[tilespmem:v52+s12+$0x0] =	vst.idx.msk $0xffff, v38;
	v36 =	vadd.f32 v57, v36  }
0x2f3: {  	v61 =	vld [tilespmem:s30+$0x51A0];
	v37 =	vmul.f32 v37, v29;
	v42 =	vmul.f32 v63, v30  }
0x2f4: {  	v34 =	vadd.f32 v35, v34;
	s14 =	sadd.s32 $0x24C2, s16;
	v62 =	vld [tilespmem:s17+$0x89A0];
	v36 =	vadd.f32 v60, v36;
	v54 =	vmul.f32 v56, v15  }
0x2f5: {  	s13 =	sadd.s32 $0x316, s16;
	v51 =	vld [tilespmem:s31+$0x51A0];
	v56 =	vadd.s32 s14, v5;
	v40 =	vmul.f32 v55, v31;
	v37 =	vadd.f32 v42, v37  }
0x2f6: {  	v33 =	vadd.f32 v33, v34;
	v57 =	vmul.f32 v48, v13;
	v63 =	vadd.s32 s13, v5;
	v55 =	vld [tilespmem:s17+$0xF1A0];
	[tilespmem:v49+s12+$0x0] =	vst.idx.msk $0xffff, v36  }
0x2f7: {  	v52 =	vmul.f32 v58, v32;
	v36 =	vld [tilespmem:s2+$0x51A0];
	v37 =	vadd.f32 v40, v37  }
0x2f8: {  	v53 =	vmul.f32 v46, v14;
	v43 =	vmul.f32 v59, v16;
	v33 =	vadd.f32 v57, v33;
	v58 =	vld [tilespmem:s0+$0x51A0]  }
0x2f9: {  	v59 =	vld [tilespmem:s29+$0x51A0];
	v39 =	vmul.f32 v61, v20;
	v35 =	vmul.f32 v62, v21;
	v37 =	vadd.f32 v52, v37  }
0x2fa: {  	s9 =	sadd.s32 $0x1883, s16;
	v41 =	vadd.f32 v54, v53;
	v62 =	vmul.f32 v51, v18;
	v51 =	vld [tilespmem:s28+$0x51A0];
	[tilespmem:v56+s12+$0x0] =	vst.idx.msk $0xffff, v33  }
0x2fb: {  	v48 =	vmul.f32 v50, v17;
	s13 =	sadd.s32 $0x624, s16;
	v61 =	vadd.s32 s9, v5;
	v35 =	vadd.f32 v35, v39;
	v33 =	vld [tilespmem:s26+$0x55D0];
	[tilespmem:v63+s12+$0x0] =	vst.idx.msk $0xffff, v37  }
0x2fc: {  	v50 =	vadd.s32 s13, v5;
	v60 =	vadd.f32 v43, v41;
	v49 =	vmul.f32 v55, v19;
	v38 =	vld [tilespmem:s10+$0x51A0]  }
0x2fd: {  	v35 =	vadd.f32 v62, v35;
	v36 =	vmul.f32 v36, v25;
	v52 =	vmul.f32 v58, v26;
	v63 =	vld [tilespmem:s4+$0x51A0]  }
0x2fe: {  	v34 =	vld [tilespmem:s19+$0x55D0];
	v37 =	vadd.f32 v48, v60  }
0x2ff: {  	s14 =	sadd.s32 $0x625, s16;
	v54 =	vmul.f32 v59, v24;
	v53 =	vld [tilespmem:s5+$0x51A0];
	v35 =	vadd.f32 v49, v35;
	v36 =	vadd.f32 v52, v36  }
0x300: {  	v56 =	vadd.s32 s14, v5;
	v55 =	vld [tilespmem:s7+$0x51A0];
	[tilespmem:v61+s12+$0x0] =	vst.idx.msk $0xffff, v37  }
0x301: {  	v59 =	vmul.f32 v51, v22;
	v41 =	vld [tilespmem:s22+$0x5590];
	[tilespmem:v50+s12+$0x0] =	vst.idx.msk $0xffff, v35;
	v58 =	vadd.f32 v54, v36  }
0x302: {  	v60 =	vld [tilespmem:s30+$0x51B0];
	v38 =	vmul.f32 v38, v29;
	v57 =	vmul.f32 v63, v30  }
0x303: {  	v43 =	vld [tilespmem:s17+$0x89B0];
	v35 =	vadd.f32 v59, v58  }
0x304: {  	s9 =	sadd.s32 $0x626, s16;
	v48 =	vld [tilespmem:s17+$0xF1B0];
	v61 =	vmul.f32 v53, v31;
	v38 =	vadd.f32 v57, v38  }
0x305: {  	v62 =	vadd.s32 s9, v5;
	v63 =	vld [tilespmem:s31+$0x51B0];
	[tilespmem:v56+s12+$0x0] =	vst.idx.msk $0xffff, v35  }
0x306: {  	v47 =	vmul.f32 v55, v32;
	v35 =	vld [tilespmem:s2+$0x51B0];
	v38 =	vadd.f32 v61, v38  }
0x307: {  	v50 =	vld [tilespmem:s0+$0x51B0]  }
0x308: {  	v59 =	vld [tilespmem:s23+$0x5590];
	v39 =	vmul.f32 v60, v20;
	v51 =	vmul.f32 v43, v21;
	v49 =	vadd.f32 v47, v38  }
0x309: {  	v52 =	vld [tilespmem:s29+$0x51B0]  }
0x30a: {  	s13 =	sadd.s32 $0x934, s16;
	v57 =	vld [tilespmem:s28+$0x51B0];
	v53 =	vadd.f32 v51, v39;
	v54 =	vmul.f32 v63, v18;
	[tilespmem:v62+s12+$0x0] =	vst.idx.msk $0xffff, v49  }
0x30b: {  	v56 =	vadd.s32 s13, v5;
	v42 =	vmul.f32 v48, v19;
	v36 =	vld [tilespmem:s10+$0x51B0]  }
0x30c: {  	v37 =	vadd.f32 v54, v53;
	v35 =	vmul.f32 v35, v25;
	v38 =	vmul.f32 v50, v26;
	v55 =	vld [tilespmem:s4+$0x51B0]  }
0x30d: {  	v48 =	vld [tilespmem:s25+$0x5590]  }
0x30e: {  	s14 =	sadd.s32 $0x935, s16;
	v60 =	vmul.f32 v52, v24;
	v58 =	vld [tilespmem:s5+$0x51B0];
	v37 =	vadd.f32 v42, v37;
	v35 =	vadd.f32 v38, v35  }
0x30f: {  	v63 =	vadd.s32 s14, v5;
	v62 =	vld [tilespmem:s24+$0x5590]  }
0x310: {  	v51 =	vmul.f32 v57, v22;
	v61 =	vld [tilespmem:s7+$0x51B0];
	[tilespmem:v56+s12+$0x0] =	vst.idx.msk $0xffff, v37;
	v35 =	vadd.f32 v60, v35  }
0x311: {  	v52 =	vld [tilespmem:s30+$0x51C0];
	v36 =	vmul.f32 v36, v29;
	v40 =	vmul.f32 v55, v30  }
0x312: {  	v53 =	vld [tilespmem:s17+$0x89C0];
	v35 =	vadd.f32 v51, v35  }
0x313: {  	s9 =	sadd.s32 $0x936, s16;
	v44 =	vld [tilespmem:s31+$0x51C0];
	v39 =	vmul.f32 v58, v31;
	v36 =	vadd.f32 v40, v36  }
0x314: {  	v54 =	vadd.s32 s9, v5;
	v57 =	vld [tilespmem:s17+$0xF1C0];
	[tilespmem:v63+s12+$0x0] =	vst.idx.msk $0xffff, v35  }
0x315: {  	v55 =	vmul.f32 v61, v32;
	v35 =	vld [tilespmem:s2+$0x51C0];
	v36 =	vadd.f32 v39, v36  }
0x316: {  	v41 =	vmul.f32 v41, v14;
	v56 =	vmul.f32 v59, v15;
	v60 =	vld [tilespmem:s0+$0x51C0]  }
0x317: {  	v61 =	vld [tilespmem:s29+$0x51C0];
	v38 =	vmul.f32 v52, v20;
	v40 =	vmul.f32 v53, v21;
	v36 =	vadd.f32 v55, v36  }
0x318: {  	s13 =	sadd.s32 $0x1B93, s16;
	v59 =	vmul.f32 v62, v16;
	v58 =	vadd.f32 v56, v41;
	v47 =	vld [tilespmem:s28+$0x51C0];
	v51 =	vmul.f32 v44, v18  }
0x319: {  	s14 =	sadd.s32 $0xC44, s16;
	v63 =	vadd.s32 s13, v5;
	v53 =	vmul.f32 v48, v17;
	v48 =	vld [tilespmem:s20+$0x55D0];
	v38 =	vadd.f32 v40, v38;
	[tilespmem:v54+s12+$0x0] =	vst.idx.msk $0xffff, v36  }
0x31a: {  	v62 =	vadd.f32 v59, v58;
	v45 =	vmul.f32 v57, v19;
	v54 =	vadd.s32 s14, v5;
	v37 =	vld [tilespmem:s10+$0x51C0]  }
0x31b: {  	v38 =	vadd.f32 v51, v38;
	v35 =	vmul.f32 v35, v25;
	v55 =	vmul.f32 v60, v26;
	v52 =	vld [tilespmem:s4+$0x51C0]  }
0x31c: {  	v44 =	vld [tilespmem:s18+$0x55D0];
	v36 =	vadd.f32 v53, v62  }
0x31d: {  	s9 =	sadd.s32 $0xC45, s16;
	v57 =	vmul.f32 v61, v24;
	v56 =	vld [tilespmem:s5+$0x51C0];
	v38 =	vadd.f32 v45, v38;
	v35 =	vadd.f32 v55, v35  }
0x31e: {  	v59 =	vadd.s32 s9, v5;
	v58 =	vld [tilespmem:s7+$0x51C0];
	[tilespmem:v63+s12+$0x0] =	vst.idx.msk $0xffff, v36  }
0x31f: {  	v61 =	vmul.f32 v47, v22;
	v41 =	vld [tilespmem:s22+$0x55A0];
	v35 =	vadd.f32 v57, v35;
	[tilespmem:v54+s12+$0x0] =	vst.idx.msk $0xffff, v38  }
0x320: {  	v37 =	vmul.f32 v37, v29;
	v60 =	vmul.f32 v52, v30;
	v62 =	vld [tilespmem:s30+$0x51D0]  }
0x321: {  	v35 =	vadd.f32 v61, v35;
	v49 =	vld [tilespmem:s17+$0x89D0]  }
0x322: {  	s13 =	sadd.s32 $0xC46, s16;
	v63 =	vmul.f32 v56, v31;
	v51 =	vld [tilespmem:s31+$0x51D0];
	v37 =	vadd.f32 v60, v37  }
0x323: {  	v50 =	vadd.s32 s13, v5;
	v53 =	vld [tilespmem:s17+$0xF1D0];
	[tilespmem:v59+s12+$0x0] =	vst.idx.msk $0xffff, v35  }
0x324: {  	v52 =	vmul.f32 v58, v32;
	v35 =	vld [tilespmem:s2+$0x51D0];
	v37 =	vadd.f32 v63, v37  }
0x325: {  	v55 =	vld [tilespmem:s0+$0x51D0]  }
0x326: {  	v58 =	vld [tilespmem:s29+$0x51D0];
	v56 =	vmul.f32 v62, v20;
	v57 =	vmul.f32 v49, v21;
	v54 =	vadd.f32 v52, v37  }
0x327: {  	v63 =	vld [tilespmem:s28+$0x51D0];
	v60 =	vmul.f32 v51, v18  }
0x328: {  	s14 =	sadd.s32 $0xF54, s16;
	v43 =	vmul.f32 v53, v19;
	v53 =	vld [tilespmem:s23+$0x55A0];
	v59 =	vadd.f32 v57, v56;
	[tilespmem:v50+s12+$0x0] =	vst.idx.msk $0xffff, v54  }
0x329: {  	v33 =	vmul.f32 v33, v10;
	v34 =	vmul.f32 v34, v11;
	v62 =	vadd.s32 s14, v5;
	v36 =	vld [tilespmem:s10+$0x51D0]  }
0x32a: {  	v35 =	vmul.f32 v35, v25;
	v37 =	vmul.f32 v55, v26;
	v61 =	vld [tilespmem:s4+$0x51D0];
	v38 =	vadd.f32 v60, v59  }
0x32b: {  	v33 =	vadd.f32 v34, v33;
	v56 =	vld [tilespmem:s24+$0x55A0]  }
0x32c: {  	s9 =	sadd.s32 $0xF55, s16;
	v54 =	vmul.f32 v58, v24;
	v52 =	vld [tilespmem:s5+$0x51D0];
	v35 =	vadd.f32 v37, v35;
	v38 =	vadd.f32 v43, v38  }
0x32d: {  	v41 =	vmul.f32 v41, v14;
	v57 =	vadd.s32 s9, v5;
	v50 =	vld [tilespmem:s25+$0x55A0];
	v58 =	vmul.f32 v63, v22  }
0x32e: {  	s14 =	sadd.s32 $0x27D2, s16;
	v55 =	vld [tilespmem:s7+$0x51D0];
	v63 =	vmul.f32 v53, v15;
	v35 =	vadd.f32 v54, v35;
	[tilespmem:v62+s12+$0x0] =	vst.idx.msk $0xffff, v38  }
0x32f: {  	v51 =	vadd.s32 s14, v5;
	v36 =	vmul.f32 v36, v29;
	v40 =	vmul.f32 v61, v30;
	v38 =	vld [tilespmem:s30+$0x51E0]  }
0x330: {  	v53 =	vmul.f32 v44, v13;
	v35 =	vadd.f32 v58, v35;
	v59 =	vld [tilespmem:s17+$0x89E0];
	v61 =	vmul.f32 v48, v12  }
0x331: {  	s13 =	sadd.s32 $0xF56, s16;
	v41 =	vadd.f32 v63, v41;
	v39 =	vmul.f32 v52, v31;
	v48 =	vld [tilespmem:s17+$0xF1E0];
	v36 =	vadd.f32 v40, v36  }
0x332: {  	s9 =	sadd.s32 $0x1EA3, s16;
	v60 =	vadd.s32 s13, v5;
	v54 =	vmul.f32 v56, v16;
	v45 =	vld [tilespmem:s31+$0x51E0];
	[tilespmem:v57+s12+$0x0] =	vst.idx.msk $0xffff, v35;
	v33 =	vadd.f32 v61, v33  }
0x333: {  	v58 =	vadd.s32 s9, v5;
	v62 =	vmul.f32 v55, v32;
	v52 =	vld [tilespmem:s2+$0x51E0];
	v36 =	vadd.f32 v39, v36  }
0x334: {  	v57 =	vadd.f32 v54, v41;
	v55 =	vld [tilespmem:s0+$0x51E0];
	v61 =	vmul.f32 v50, v17;
	v33 =	vadd.f32 v53, v33  }
0x335: {  	v56 =	vld [tilespmem:s29+$0x51E0];
	v38 =	vmul.f32 v38, v20;
	v34 =	vmul.f32 v59, v21;
	v36 =	vadd.f32 v62, v36  }
0x336: {  	v35 =	vadd.f32 v61, v57;
	[tilespmem:v51+s12+$0x0] =	vst.idx.msk $0xffff, v33;
	v62 =	vmul.f32 v48, v19;
	v48 =	vld [tilespmem:s28+$0x51E0]  }
0x337: {  	s13 =	sadd.s32 $0x1264, s16;
	v59 =	vmul.f32 v45, v18;
	v34 =	vadd.f32 v34, v38;
	v33 =	vld [tilespmem:s26+$0x55E0];
	[tilespmem:v60+s12+$0x0] =	vst.idx.msk $0xffff, v36  }
0x338: {  	v63 =	vadd.s32 s13, v5;
	[tilespmem:v58+s12+$0x0] =	vst.idx.msk $0xffff, v35;
	v37 =	vld [tilespmem:s10+$0x51E0]  }
0x339: {  	v49 =	vmul.f32 v52, v25;
	v50 =	vmul.f32 v55, v26;
	v60 =	vld [tilespmem:s4+$0x51E0];
	v34 =	vadd.f32 v59, v34  }
0x33a: {  	v41 =	vld [tilespmem:s22+$0x55B0]  }
0x33b: {  	s14 =	sadd.s32 $0x1265, s16;
	v53 =	vmul.f32 v56, v24;
	v51 =	vld [tilespmem:s5+$0x51E0];
	v38 =	vadd.f32 v50, v49;
	v52 =	vadd.f32 v62, v34  }
0x33c: {  	v55 =	vadd.s32 s14, v5;
	v54 =	vld [tilespmem:s7+$0x51E0]  }
0x33d: {  	v34 =	vld [tilespmem:s19+$0x55E0];
	v57 =	vadd.f32 v53, v38;
	v58 =	vmul.f32 v48, v22;
	[tilespmem:v63+s12+$0x0] =	vst.idx.msk $0xffff, v52  }
0x33e: {  	v37 =	vmul.f32 v37, v29;
	v56 =	vmul.f32 v60, v30;
	v59 =	vld [tilespmem:s30+$0x51F0]  }
0x33f: {  	v36 =	vadd.f32 v58, v57;
	v61 =	vld [tilespmem:s17+$0x89F0]  }
0x340: {  	s9 =	sadd.s32 $0x1266, s16;
	v60 =	vmul.f32 v51, v31;
	v63 =	vld [tilespmem:s31+$0x51F0];
	v37 =	vadd.f32 v56, v37  }
0x341: {  	v62 =	vadd.s32 s9, v5;
	v47 =	vld [tilespmem:s17+$0xF1F0];
	[tilespmem:v55+s12+$0x0] =	vst.idx.msk $0xffff, v36  }
0x342: {  	v46 =	vmul.f32 v54, v32;
	v35 =	vld [tilespmem:s2+$0x51F0];
	v37 =	vadd.f32 v60, v37  }
0x343: {  	v49 =	vld [tilespmem:s0+$0x51F0]  }
0x344: {  	v52 =	vld [tilespmem:s29+$0x51F0];
	v50 =	vmul.f32 v59, v20;
	v51 =	vmul.f32 v61, v21;
	v48 =	vadd.f32 v46, v37  }
0x345: {  	v57 =	vld [tilespmem:s28+$0x51F0]  }
0x346: {  	s13 =	sadd.s32 $0x1574, s16;
	v54 =	vmul.f32 v63, v18;
	v59 =	vld [tilespmem:s23+$0x55B0];
	v53 =	vadd.f32 v51, v50;
	[tilespmem:v62+s12+$0x0] =	vst.idx.msk $0xffff, v48  }
0x347: {  	v56 =	vadd.s32 s13, v5;
	v42 =	vmul.f32 v47, v19;
	v36 =	vld [tilespmem:s10+$0x51F0]  }
0x348: {  	v35 =	vmul.f32 v35, v25;
	v37 =	vmul.f32 v49, v26;
	v55 =	vld [tilespmem:s4+$0x51F0];
	v38 =	vadd.f32 v54, v53  }
0x349: {  	v62 =	vld [tilespmem:s24+$0x55B0]  }
0x34a: {  	s14 =	sadd.s32 $0x1575, s16;
	v60 =	vmul.f32 v52, v24;
	v58 =	vld [tilespmem:s5+$0x51F0];
	v35 =	vadd.f32 v37, v35;
	v38 =	vadd.f32 v42, v38  }
0x34b: {  	v63 =	vadd.s32 s14, v5;
	v48 =	vld [tilespmem:s25+$0x55B0]  }
0x34c: {  	v52 =	vmul.f32 v57, v22;
	v61 =	vld [tilespmem:s7+$0x51F0];
	v35 =	vadd.f32 v60, v35;
	[tilespmem:v56+s12+$0x0] =	vst.idx.msk $0xffff, v38  }
0x34d: {  	v36 =	vmul.f32 v36, v29;
	v40 =	vmul.f32 v55, v30;
	v38 =	vld [tilespmem:s30+$0x5580]  }
0x34e: {  	v35 =	vadd.f32 v52, v35;
	v53 =	vld [tilespmem:s17+$0x8D80]  }
0x34f: {  	s9 =	sadd.s32 $0x1576, s16;
	v39 =	vmul.f32 v58, v31;
	v44 =	vld [tilespmem:s31+$0x5580];
	v36 =	vadd.f32 v40, v36  }
0x350: {  	v41 =	vmul.f32 v41, v14;
	v54 =	vadd.s32 s9, v5;
	v56 =	vmul.f32 v59, v15;
	v57 =	vld [tilespmem:s17+$0xF580];
	[tilespmem:v63+s12+$0x0] =	vst.idx.msk $0xffff, v35  }
0x351: {  	v55 =	vmul.f32 v61, v32;
	v35 =	vld [tilespmem:s2+$0x5580];
	v36 =	vadd.f32 v39, v36  }
0x352: {  	v59 =	vmul.f32 v62, v16;
	v58 =	vadd.f32 v56, v41;
	v60 =	vld [tilespmem:s0+$0x5580]  }
0x353: {  	v61 =	vld [tilespmem:s29+$0x5580];
	v38 =	vmul.f32 v38, v20;
	v40 =	vmul.f32 v53, v21;
	v36 =	vadd.f32 v55, v36  }
0x354: {  	s13 =	sadd.s32 $0x21B3, s16;
	v47 =	vld [tilespmem:s28+$0x5580];
	v62 =	vadd.f32 v59, v58  }
0x355: {  	s14 =	sadd.s32 $0x1884, s16;
	v63 =	vadd.s32 s13, v5;
	v52 =	vmul.f32 v44, v18;
	v44 =	vld [tilespmem:s18+$0x55E0];
	v38 =	vadd.f32 v40, v38;
	[tilespmem:v54+s12+$0x0] =	vst.idx.msk $0xffff, v36  }
0x356: {  	v45 =	vmul.f32 v57, v19;
	v55 =	vadd.s32 s14, v5;
	v54 =	vmul.f32 v48, v17;
	v37 =	vld [tilespmem:s10+$0x5580]  }
0x357: {  	v35 =	vmul.f32 v35, v25;
	v56 =	vmul.f32 v60, v26;
	v53 =	vld [tilespmem:s4+$0x5580];
	v38 =	vadd.f32 v52, v38  }
0x358: {  	v48 =	vld [tilespmem:s20+$0x55E0];
	v36 =	vadd.f32 v54, v62  }
0x359: {  	s9 =	sadd.s32 $0x1885, s16;
	v58 =	vmul.f32 v61, v24;
	v57 =	vld [tilespmem:s5+$0x5580];
	v35 =	vadd.f32 v56, v35;
	v38 =	vadd.f32 v45, v38  }
0x35a: {  	v60 =	vadd.s32 s9, v5;
	v59 =	vld [tilespmem:s7+$0x5580];
	[tilespmem:v63+s12+$0x0] =	vst.idx.msk $0xffff, v36  }
0x35b: {  	v62 =	vmul.f32 v47, v22;
	v35 =	vadd.f32 v58, v35;
	v41 =	vld [tilespmem:s22+$0x55C0];
	[tilespmem:v55+s12+$0x0] =	vst.idx.msk $0xffff, v38  }
0x35c: {  	v37 =	vmul.f32 v37, v29;
	v61 =	vmul.f32 v53, v30;
	v63 =	vld [tilespmem:s30+$0x5590]  }
0x35d: {  	v35 =	vadd.f32 v62, v35;
	v50 =	vld [tilespmem:s17+$0x8D90]  }
0x35e: {  	s13 =	sadd.s32 $0x1886, s16;
	v49 =	vmul.f32 v57, v31;
	v52 =	vld [tilespmem:s31+$0x5590];
	v37 =	vadd.f32 v61, v37  }
0x35f: {  	v51 =	vadd.s32 s13, v5;
	v54 =	vld [tilespmem:s17+$0xF590];
	[tilespmem:v60+s12+$0x0] =	vst.idx.msk $0xffff, v35  }
0x360: {  	v53 =	vmul.f32 v59, v32;
	v35 =	vld [tilespmem:s2+$0x5590];
	v37 =	vadd.f32 v49, v37  }
0x361: {  	v56 =	vld [tilespmem:s0+$0x5590]  }
0x362: {  	v59 =	vld [tilespmem:s29+$0x5590];
	v57 =	vmul.f32 v63, v20;
	v58 =	vmul.f32 v50, v21;
	v55 =	vadd.f32 v53, v37  }
0x363: {  	v61 =	vmul.f32 v52, v18;
	v52 =	vld [tilespmem:s28+$0x5590]  }
0x364: {  	s14 =	sadd.s32 $0x1B94, s16;
	v43 =	vmul.f32 v54, v19;
	v54 =	vld [tilespmem:s23+$0x55C0];
	v60 =	vadd.f32 v58, v57;
	[tilespmem:v51+s12+$0x0] =	vst.idx.msk $0xffff, v55  }
0x365: {  	v63 =	vadd.s32 s14, v5;
	v36 =	vld [tilespmem:s10+$0x5590]  }
0x366: {  	v35 =	vmul.f32 v35, v25;
	v37 =	vmul.f32 v56, v26;
	v62 =	vld [tilespmem:s4+$0x5590];
	v38 =	vadd.f32 v61, v60  }
0x367: {  	v50 =	vld [tilespmem:s25+$0x55C0]  }
0x368: {  	s9 =	sadd.s32 $0x1B95, s16;
	v55 =	vmul.f32 v59, v24;
	v53 =	vld [tilespmem:s5+$0x5590];
	v35 =	vadd.f32 v37, v35;
	v38 =	vadd.f32 v43, v38  }
0x369: {  	v33 =	vmul.f32 v33, v10;
	v34 =	vmul.f32 v34, v11;
	v57 =	vadd.s32 s9, v5;
	v56 =	vld [tilespmem:s7+$0x5590]  }
0x36a: {  	v58 =	vmul.f32 v52, v22;
	v43 =	vld [tilespmem:s24+$0x55C0];
	v35 =	vadd.f32 v55, v35;
	[tilespmem:v63+s12+$0x0] =	vst.idx.msk $0xffff, v38  }
0x36b: {  	v33 =	vadd.f32 v34, v33;
	s9 =	sadd.s32 $0x24C3, s16;
	v36 =	vmul.f32 v36, v29;
	v40 =	vmul.f32 v62, v30;
	v38 =	vld [tilespmem:s30+$0x55A0]  }
0x36c: {  	v41 =	vmul.f32 v41, v14;
	v47 =	vadd.s32 s9, v5;
	v35 =	vadd.f32 v58, v35;
	v59 =	vld [tilespmem:s17+$0x8DA0]  }
0x36d: {  	s13 =	sadd.s32 $0x1B96, s16;
	s14 =	sadd.s32 $0x2AE2, s16;
	v61 =	vmul.f32 v48, v12;
	v39 =	vmul.f32 v53, v31;
	v45 =	vld [tilespmem:s31+$0x55A0];
	v36 =	vadd.f32 v40, v36  }
0x36e: {  	v60 =	vadd.s32 s13, v5;
	v52 =	vadd.s32 s14, v5;
	v42 =	vld [tilespmem:s17+$0xF5A0];
	v53 =	vmul.f32 v54, v15;
	[tilespmem:v57+s12+$0x0] =	vst.idx.msk $0xffff, v35  }
0x36f: {  	v33 =	vadd.f32 v61, v33;
	v62 =	vmul.f32 v56, v32;
	v40 =	vld [tilespmem:s2+$0x55A0];
	v36 =	vadd.f32 v39, v36  }
0x370: {  	v63 =	vmul.f32 v44, v13;
	v54 =	vld [tilespmem:s0+$0x55A0];
	v56 =	vadd.f32 v53, v41;
	v57 =	vmul.f32 v43, v16  }
0x371: {  	v55 =	vld [tilespmem:s29+$0x55A0];
	v38 =	vmul.f32 v38, v20;
	v34 =	vmul.f32 v59, v21;
	v36 =	vadd.f32 v62, v36  }
0x372: {  	v35 =	vadd.f32 v63, v33;
	v33 =	vld [tilespmem:s21+$0x55F0];
	v37 =	vadd.f32 v57, v56;
	v62 =	vmul.f32 v50, v17  }
0x373: {  	s13 =	sadd.s32 $0x1EA4, s16;
	v63 =	vld [tilespmem:s28+$0x55A0];
	v59 =	vadd.f32 v34, v38;
	[tilespmem:v60+s12+$0x0] =	vst.idx.msk $0xffff, v36;
	v60 =	vmul.f32 v45, v18  }
0x374: {  	v42 =	vmul.f32 v42, v19;
	v40 =	vmul.f32 v40, v25;
	v36 =	vadd.s32 s13, v5;
	v58 =	vld [tilespmem:s10+$0x55A0]  }
0x375: {  	v49 =	vmul.f32 v54, v26;
	v51 =	vadd.f32 v62, v37;
	v61 =	vld [tilespmem:s4+$0x55A0];
	v34 =	vadd.f32 v60, v59  }
0x376: {  	[tilespmem:v52+s12+$0x0] =	vst.idx.msk $0xffff, v35;
	v54 =	vmul.f32 v55, v24;
	v50 =	vld [tilespmem:s5+$0x55A0]  }
0x377: {  	s14 =	sadd.s32 $0x1EA5, s16;
	v53 =	vadd.f32 v49, v40;
	v55 =	vld [tilespmem:s7+$0x55A0];
	[tilespmem:v47+s12+$0x0] =	vst.idx.msk $0xffff, v51;
	v52 =	vadd.f32 v42, v34  }
0x378: {  	v56 =	vadd.s32 s14, v5;
	v59 =	vmul.f32 v63, v22;
	v43 =	vld [tilespmem:s22+$0x55D0]  }
0x379: {  	v34 =	vld [tilespmem:s26+$0x55F0];
	v57 =	vmul.f32 v58, v29;
	[tilespmem:v36+s12+$0x0] =	vst.idx.msk $0xffff, v52;
	v58 =	vadd.f32 v54, v53  }
0x37a: {  	v38 =	vmul.f32 v61, v30;
	v60 =	vld [tilespmem:s30+$0x55B0]  }
0x37b: {  	v62 =	vld [tilespmem:s17+$0x8DB0];
	v36 =	vadd.f32 v59, v58  }
0x37c: {  	s21 =	sadd.s32 $0x1EA6, s16;
	v61 =	vmul.f32 v50, v31;
	v48 =	vld [tilespmem:s31+$0x55B0];
	v38 =	vadd.f32 v38, v57  }
0x37d: {  	v63 =	vadd.s32 s21, v5;
	v50 =	vld [tilespmem:s17+$0xF5B0];
	[tilespmem:v56+s12+$0x0] =	vst.idx.msk $0xffff, v36  }
0x37e: {  	v49 =	vmul.f32 v55, v32;
	v38 =	vadd.f32 v61, v38;
	v35 =	vld [tilespmem:s2+$0x55B0]  }
0x37f: {  	v52 =	vld [tilespmem:s0+$0x55B0]  }
0x380: {  	v61 =	vld [tilespmem:s23+$0x55D0];
	v51 =	vadd.f32 v49, v38;
	v39 =	vmul.f32 v60, v20;
	v53 =	vmul.f32 v62, v21  }
0x381: {  	v54 =	vld [tilespmem:s29+$0x55B0]  }
0x382: {  	s26 =	sadd.s32 $0x21B4, s16;
	v59 =	vld [tilespmem:s28+$0x55B0];
	v56 =	vmul.f32 v48, v18;
	[tilespmem:v63+s12+$0x0] =	vst.idx.msk $0xffff, v51;
	v55 =	vadd.f32 v53, v39  }
0x383: {  	v58 =	vadd.s32 s26, v5;
	v41 =	vmul.f32 v50, v19;
	v36 =	vld [tilespmem:s10+$0x55B0]  }
0x384: {  	v57 =	vld [tilespmem:s4+$0x55B0];
	v37 =	vadd.f32 v56, v55;
	v35 =	vmul.f32 v35, v25;
	v38 =	vmul.f32 v52, v26  }
0x385: {  	v48 =	vld [tilespmem:s25+$0x55D0]  }
0x386: {  	s9 =	sadd.s32 $0x21B5, s16;
	v60 =	vld [tilespmem:s5+$0x55B0];
	v62 =	vmul.f32 v54, v24;
	v37 =	vadd.f32 v41, v37;
	v35 =	vadd.f32 v38, v35  }
0x387: {  	v53 =	vadd.s32 s9, v5;
	v63 =	vld [tilespmem:s7+$0x55B0]  }
0x388: {  	v52 =	vld [tilespmem:s24+$0x55D0];
	v54 =	vmul.f32 v59, v22;
	[tilespmem:v58+s12+$0x0] =	vst.idx.msk $0xffff, v37;
	v35 =	vadd.f32 v62, v35  }
0x389: {  	v36 =	vmul.f32 v36, v29;
	v40 =	vmul.f32 v57, v30;
	v55 =	vld [tilespmem:s30+$0x55C0]  }
0x38a: {  	v56 =	vld [tilespmem:s17+$0x8DC0];
	v35 =	vadd.f32 v54, v35  }
0x38b: {  	s13 =	sadd.s32 $0x21B6, s16;
	v39 =	vmul.f32 v60, v31;
	v59 =	vld [tilespmem:s17+$0xF5C0];
	v36 =	vadd.f32 v40, v36  }
0x38c: {  	v61 =	vmul.f32 v61, v15;
	v57 =	vadd.s32 s13, v5;
	v60 =	vmul.f32 v43, v14;
	v44 =	vld [tilespmem:s31+$0x55C0];
	[tilespmem:v53+s12+$0x0] =	vst.idx.msk $0xffff, v35  }
0x38d: {  	s14 =	sadd.s32 $0x27D3, s16;
	v58 =	vmul.f32 v63, v32;
	v36 =	vadd.f32 v39, v36;
	v35 =	vld [tilespmem:s2+$0x55C0]  }
0x38e: {  	v52 =	vmul.f32 v52, v16;
	v51 =	vadd.f32 v61, v60;
	v53 =	vadd.s32 s14, v5;
	v62 =	vld [tilespmem:s0+$0x55C0]  }
0x38f: {  	v63 =	vld [tilespmem:s29+$0x55C0];
	v36 =	vadd.f32 v58, v36;
	v38 =	vmul.f32 v55, v20;
	v40 =	vmul.f32 v56, v21  }
0x390: {  	v37 =	vadd.f32 v52, v51;
	v58 =	vmul.f32 v48, v17;
	v41 =	vmul.f32 v59, v19;
	v59 =	vld [tilespmem:s28+$0x55C0]  }
0x391: {  	s21 =	sadd.s32 $0x24C4, s16;
	v56 =	vmul.f32 v44, v18;
	[tilespmem:v57+s12+$0x0] =	vst.idx.msk $0xffff, v36;
	v38 =	vadd.f32 v40, v38;
	v36 =	vld [tilespmem:s19+$0x55F0]  }
0x392: {  	v55 =	vadd.s32 s21, v5;
	v37 =	vadd.f32 v58, v37;
	v54 =	vld [tilespmem:s10+$0x55C0]  }
0x393: {  	v57 =	vld [tilespmem:s4+$0x55C0];
	v38 =	vadd.f32 v56, v38;
	v35 =	vmul.f32 v35, v25;
	v60 =	vmul.f32 v62, v26  }
0x394: {  	v61 =	vld [tilespmem:s5+$0x55C0];
	v62 =	vmul.f32 v63, v24  }
0x395: {  	s26 =	sadd.s32 $0x24C5, s16;
	v63 =	vld [tilespmem:s7+$0x55C0];
	[tilespmem:v53+s12+$0x0] =	vst.idx.msk $0xffff, v37;
	v38 =	vadd.f32 v41, v38;
	v40 =	vadd.f32 v60, v35  }
0x396: {  	v49 =	vadd.s32 s26, v5;
	v44 =	vld [tilespmem:s22+$0x55E0]  }
0x397: {  	v53 =	vmul.f32 v59, v22;
	v35 =	vld [tilespmem:s20+$0x55F0];
	[tilespmem:v55+s12+$0x0] =	vst.idx.msk $0xffff, v38;
	v52 =	vadd.f32 v62, v40  }
0x398: {  	v50 =	vmul.f32 v54, v29;
	v51 =	vmul.f32 v57, v30;
	v54 =	vld [tilespmem:s30+$0x55D0]  }
0x399: {  	v43 =	vld [tilespmem:s17+$0x8DD0];
	v38 =	vadd.f32 v53, v52  }
0x39a: {  	s9 =	sadd.s32 $0x24C6, s16;
	v55 =	vmul.f32 v61, v31;
	v57 =	vld [tilespmem:s31+$0x55D0];
	v39 =	vadd.f32 v51, v50  }
0x39b: {  	v56 =	vadd.s32 s9, v5;
	v59 =	vld [tilespmem:s17+$0xF5D0];
	[tilespmem:v49+s12+$0x0] =	vst.idx.msk $0xffff, v38  }
0x39c: {  	v58 =	vmul.f32 v63, v32;
	v39 =	vadd.f32 v55, v39;
	v37 =	vld [tilespmem:s2+$0x55D0]  }
0x39d: {  	v61 =	vld [tilespmem:s0+$0x55D0]  }
0x39e: {  	v63 =	vld [tilespmem:s29+$0x55D0];
	v60 =	vadd.f32 v58, v39;
	v41 =	vmul.f32 v54, v20;
	v62 =	vmul.f32 v43, v21  }
0x39f: {  	v53 =	vmul.f32 v57, v18;
	v57 =	vld [tilespmem:s28+$0x55D0]  }
0x3a0: {  	s13 =	sadd.s32 $0x27D4, s16;
	v55 =	vmul.f32 v59, v19;
	v59 =	vld [tilespmem:s23+$0x55E0];
	[tilespmem:v56+s12+$0x0] =	vst.idx.msk $0xffff, v60;
	v52 =	vadd.f32 v62, v41  }
0x3a1: {  	v56 =	vadd.s32 s13, v5;
	v38 =	vld [tilespmem:s10+$0x55D0]  }
0x3a2: {  	v54 =	vld [tilespmem:s4+$0x55D0];
	v40 =	vadd.f32 v53, v52;
	v37 =	vmul.f32 v37, v25;
	v39 =	vmul.f32 v61, v26  }
0x3a3: {  	v62 =	vld [tilespmem:s24+$0x55E0]  }
0x3a4: {  	s14 =	sadd.s32 $0x27D5, s16;
	v58 =	vld [tilespmem:s5+$0x55D0];
	v60 =	vmul.f32 v63, v24;
	v40 =	vadd.f32 v55, v40;
	v37 =	vadd.f32 v39, v37  }
0x3a5: {  	v61 =	vld [tilespmem:s7+$0x55D0];
	v63 =	vadd.s32 s14, v5  }
0x3a6: {  	v52 =	vld [tilespmem:s25+$0x55E0];
	v53 =	vmul.f32 v57, v22;
	[tilespmem:v56+s12+$0x0] =	vst.idx.msk $0xffff, v40;
	v37 =	vadd.f32 v60, v37  }
0x3a7: {  	v38 =	vmul.f32 v38, v29;
	v42 =	vmul.f32 v54, v30;
	v40 =	vld [tilespmem:s30+$0x55E0]  }
0x3a8: {  	v54 =	vld [tilespmem:s17+$0x8DE0];
	v37 =	vadd.f32 v53, v37  }
0x3a9: {  	s19 =	sadd.s32 $0x27D6, s16;
	v41 =	vmul.f32 v58, v31;
	v46 =	vld [tilespmem:s31+$0x55E0];
	v38 =	vadd.f32 v42, v38  }
0x3aa: {  	v57 =	vmul.f32 v44, v14;
	v55 =	vadd.s32 s19, v5;
	v58 =	vmul.f32 v59, v15;
	v47 =	vld [tilespmem:s17+$0xF5E0];
	[tilespmem:v63+s12+$0x0] =	vst.idx.msk $0xffff, v37  }
0x3ab: {  	v56 =	vmul.f32 v61, v32;
	v38 =	vadd.f32 v41, v38;
	v37 =	vld [tilespmem:s2+$0x55E0]  }
0x3ac: {  	v60 =	vmul.f32 v62, v16;
	v59 =	vadd.f32 v58, v57;
	v61 =	vld [tilespmem:s0+$0x55E0]  }
0x3ad: {  	s20 =	sadd.s32 $0x2AE3, s16;
	v62 =	vmul.f32 v52, v17;
	v49 =	vld [tilespmem:s29+$0x55E0];
	v38 =	vadd.f32 v56, v38  }
0x3ae: {  	v63 =	vadd.s32 s20, v5;
	v50 =	vadd.f32 v60, v59;
	v51 =	vmul.f32 v40, v20;
	v56 =	vld [tilespmem:s28+$0x55E0]  }
0x3af: {  	v52 =	vmul.f32 v54, v21;
	[tilespmem:v55+s12+$0x0] =	vst.idx.msk $0xffff, v38;
	v55 =	vmul.f32 v46, v18;
	v46 =	vld [tilespmem:s18+$0x55F0]  }
0x3b0: {  	v53 =	vld [tilespmem:s10+$0x55E0]  }
0x3b1: {  	s21 =	sadd.s32 $0x2AE4, s16;
	v38 =	vadd.f32 v62, v50;
	v39 =	vadd.f32 v52, v51;
	v54 =	vld [tilespmem:s4+$0x55E0]  }
0x3b2: {  	v58 =	vadd.s32 s21, v5;
	v60 =	vmul.f32 v47, v19;
	v57 =	vld [tilespmem:s5+$0x55E0];
	v37 =	vmul.f32 v37, v25  }
0x3b3: {  	v62 =	vld [tilespmem:s7+$0x55E0];
	v44 =	vmul.f32 v61, v26;
	[tilespmem:v63+s12+$0x0] =	vst.idx.msk $0xffff, v38;
	v59 =	vadd.f32 v55, v39  }
0x3b4: {  	v8 =	vmul.f32 v27, v8;
	v47 =	vld [tilespmem:s22+$0x55F0]  }
0x3b5: {  	v61 =	vmul.f32 v49, v24;
	s22 =	sadd.s32 $0x2AE5, s16;
	v48 =	vld [tilespmem:s23+$0x55F0];
	v37 =	vadd.f32 v44, v37;
	v38 =	vadd.f32 v60, v59  }
0x3b6: {  	v51 =	vld [tilespmem:s24+$0x55F0];
	v63 =	vadd.s32 s22, v5;
	v41 =	vmul.f32 v53, v29;
	v42 =	vmul.f32 v54, v30  }
0x3b7: {  	v52 =	vmul.f32 v56, v22;
	v37 =	vadd.f32 v61, v37;
	v54 =	vld [tilespmem:s25+$0x55F0];
	[tilespmem:v58+s12+$0x0] =	vst.idx.msk $0xffff, v38  }
0x3b8: {  	v9 =	vmul.f32 v28, v9;
	s23 =	sadd.s32 $0x2AE6, s16;
	v53 =	vmul.f32 v57, v31;
	v56 =	vld [tilespmem:s30+$0x55F0];
	v41 =	vadd.f32 v42, v41  }
0x3b9: {  	v7 =	vmul.f32 v23, v7;
	v55 =	vadd.s32 s23, v5;
	v60 =	vld [tilespmem:s31+$0x55F0];
	v57 =	vadd.f32 v52, v37  }
0x3ba: {  	v8 =	vadd.f32 v9, v8;
	v59 =	vmul.f32 v62, v32;
	v61 =	vld [tilespmem:s17+$0x8DF0];
	v58 =	vadd.f32 v53, v41  }
0x3bb: {  	v10 =	vmul.f32 v34, v10;
	v11 =	vmul.f32 v36, v11;
	[tilespmem:v63+s12+$0x0] =	vst.idx.msk $0xffff, v57;
	v63 =	vld [tilespmem:s17+$0xF5F0]  }
0x3bc: {  	v7 =	vadd.f32 v7, v8;
	v36 =	vld [tilespmem:s2+$0x55F0];
	v62 =	vadd.f32 v59, v58  }
0x3bd: {  	v6 =	vmul.f32 v33, v6;
	v10 =	vadd.f32 v11, v10;
	v35 =	vmul.f32 v35, v12;
	s24 =	sadd.s32 $0x2DF1, s16;
	v38 =	vld [tilespmem:s0+$0x55F0]  }
0x3be: {  	v50 =	vadd.s32 s24, v5;
	v14 =	vmul.f32 v47, v14;
	v15 =	vmul.f32 v48, v15;
	v49 =	vld [tilespmem:s29+$0x55F0];
	[tilespmem:v55+s12+$0x0] =	vst.idx.msk $0xffff, v62  }
0x3bf: {  	v6 =	vadd.f32 v6, v7;
	v37 =	vadd.f32 v35, v10;
	v44 =	vmul.f32 v51, v16;
	v45 =	vld [tilespmem:s10+$0x55F0]  }
0x3c0: {  	s25 =	sadd.s32 $0x2DF2, s16;
	v41 =	vmul.f32 v46, v13;
	v42 =	vadd.f32 v15, v14;
	v48 =	vmul.f32 v54, v17;
	v46 =	vld [tilespmem:s4+$0x55F0]  }
0x3c1: {  	v53 =	vadd.s32 s25, v5;
	v54 =	vld [tilespmem:s28+$0x55F0];
	v7 =	vmul.f32 v56, v20;
	v9 =	vmul.f32 v61, v21  }
0x3c2: {  	s26 =	sadd.s32 $0x2DF3, s16;
	s28 =	sadd.s32 $0x2DF4, s16;
	s29 =	sadd.s32 $0x2DF5, s16;
	v8 =	vadd.f32 v41, v37;
	v47 =	vadd.f32 v44, v42;
	v51 =	vmul.f32 v60, v18;
	v52 =	vld [tilespmem:s5+$0x55F0]  }
0x3c3: {  	[tilespmem:v50+s12+$0x0] =	vst.idx.msk $0xffff, v6;
	v56 =	vadd.s32 s26, v5;
	v58 =	vadd.s32 s28, v5;
	v60 =	vadd.s32 s29, v5  }
0x3c4: {  	v7 =	vadd.f32 v9, v7;
	v55 =	vld [tilespmem:s7+$0x55F0];
	v12 =	vmul.f32 v36, v25;
	v10 =	vmul.f32 v38, v26  }
0x3c5: {  	v11 =	vadd.f32 v48, v47;
	v15 =	vmul.f32 v45, v29;
	v16 =	vmul.f32 v46, v30  }
0x3c6: {  	v19 =	vmul.f32 v63, v19;
	v57 =	vmul.f32 v49, v24;
	v10 =	vadd.f32 v10, v12  }
0x3c7: {  	s30 =	sadd.s32 $0x2DF6, s16;
	v7 =	vadd.f32 v51, v7;
	v59 =	vmul.f32 v52, v31;
	v6 =	vadd.f32 v16, v15  }
0x3c8: {  	p0 =	slt.u32 s16, $0x2A;
	v5 =	vadd.s32 s30, v5;
	[tilespmem:v53+s12+$0x0] =	vst.idx.msk $0xffff, v8;
	v62 =	vmul.f32 v54, v22;
	v61 =	vadd.f32 v57, v10  }
.Ltmp0:
0x3c9: {  	v7 =	vadd.f32 v19, v7;
	v63 =	vmul.f32 v55, v32;
	v6 =	vadd.f32 v59, v6;
	(pc) =	sbr.rel @p0 .LBB2_3-.Ltmp0, $4  }
0x3ca: {  	[tilespmem:v56+s12+$0x0] =	vst.idx.msk $0xffff, v11;
	v8 =	vadd.f32 v62, v61  }
0x3cb: {  	[tilespmem:v58+s12+$0x0] =	vst.idx.msk $0xffff, v7;
	v6 =	vadd.f32 v63, v6  }
0x3cc: {  	s31 =	sadd.s32 $0x7, s16;
	[tilespmem:v60+s12+$0x0] =	vst.idx.msk $0xffff, v8  }
0x3cd: {  	s16 =	smov.u32 s31;
	[tilespmem:v5+s12+$0x0] =	vst.idx.msk $0xffff, v6  }
0x3ce: {  	s0 =	rddreg [dreg:$0x5]  }
0x3cf: {  	s0 =	sadd.s32 s0, s15  }
0x3d0: {  	s0 =	sshrl.u32 s0, $0x3  }
0x3d1: {  	s2 =	sshll.u32 s15, $0x7;
	s0 =	smul.u32 $0x18800, s0  }
0x3d2: {  	s2 =	sand.u32 $0x380, s2  }
0x3d3: {  	s30 =	rddreg [dreg:$0x2];
	s15 =	sadd.s32 $0x1, s15;
	s0 =	sor.u32 s2, s0  }
0x3d4: {  	s31 =	simm.s32 $0x80;
	p0 =	sne.s32 s15, s8;
	s0 =	sshrl.u32 s0, $0x3  }
.Ltmp1:
0x3d5: {  	s4 =	simm.s32 $0x400;
	s0 =	sadd.s32 s30, s0;
	(pc) =	sbr.rel @p0 .LBB2_2-.Ltmp1, $4  }
0x3d6: {  	[hbm4b:s0+s31] =	stream.strided.scatter [tilespmem:s12], [sflag:$0x2], $0x3100, s4, s31, $0x38;
	[tilespmem:$0x15480] =	vst v63  }
0x3d7: {  	_ =	swait.ge [sflag:s11], $0x3100  }
0x3d8: {  	[sflag:s11] =	ssyncset.done $0x0  }
0x3d9: {  	[sflag:s11] =	ssyncadd.s32 $0xFFFFCF00  }
0x3da: {  	s2 =	rddreg [dreg:$0x8]  }
0x3db: {  	s0 =	rddreg [dreg:$0x7];
	s2 =	sadd.s32 $0x1, s2  }
0x3dc: {  	p0 =	sne.s32 s2, s0  }
.Ltmp2:
0x3dd: {  	_ = 	snop;
	(pc) =	sbr.rel @p0 .LBB2_1-.Ltmp2, $1  }
0x3de: {  	_ =	sdelay $0x3  }
0x3df: {  	_ =	sfence.sel $0x180000  }
0x3e0: {  	[bflag:$0x0] =	sbarrier.arrive $0xFFFF  }
0x3e1: {  	_ =	strace $0x90000047  }
0x3e2: {  	s0 =	stileid.u32;
	[bflag:$0x2] =	sbarrier.arrive $0xFFFF  }
0x3e3: {  	p0 =	sne.s32 s0, $0x0;
	s0 =	rddreg [dreg:$0x3]  }
0x3e4: {  	s0 =	sadd.s32 @!p0 $0x100000, s0  }
0x3e5: {  	[sflag:s0] =	ssyncadd.tile.s32 @!p0 $0x1;
	_ =	shalt  }
.Lfunc_end2:
_tile_overlayer_lowered:
.L_overlay_start_2:
0x3e6: {  	(tag) =	ssettag $0x2  }
0x3e7: {  	s0 =	rddreg [dreg:$0x0];
	s2 =	stileid.u32  }
0x3e8: {  	s1 =	rddreg [dreg:$0x1];
	p0 =	sne.s32 s2, $0x0  }
0x3e9: {  	s3 =	rddreg [dreg:$0x2];
	[bflag:$0x3] =	sbarrier.arrive $0xFFFF;
	s2 =	simm.s32 @!p0 $0x1C02  }
0x3ea: {  	[timem:s3], [sflag:s2] =	dma.local @!p0 [hbm:s0], s1  }
0x3eb: {  	s0 =	simm.s32 @!p0 $0x2  }
0x3ec: {  	_ =	swait.ge @!p0 [sflag:s0], s1  }
0x3ed: {  	s1 =	ssub.s32 @!p0 $0x0, s1;
	[sflag:s0] =	ssyncset.done @!p0 $0x0  }
0x3ee: {  	[sflag:s0] =	ssyncadd.s32 @!p0 s1  }
0x3ef: {  	[bflag:$0x3] =	sbarrier.arrive $0xFFFF  }
0x3f0: {  	_ =	shalt  }

// kernel: sparse-core-data-format-call.cloned.1.call-start
scs
called_computation_lowered:
.L_overlay_start_0:
0x0: {  	s2 =	sld [smem:$0x3FD9]  }
0x1: {  	s3 =	sld [smem:$0x3FFE];
	_ =	sdelay $0x1  }
0x2: {  	s1 =	srdreg.scid  }
0x3: {  	s0 =	sand.u32 $0x1, s1  }
0x4: {  	s18 =	sshll.u32 s0, $0xA;
	s2 =	sadd.s32 s3, s2  }
0x5: {  	s2 =	sadd.s32 s2, s18  }
0x6: {  	[smem:$0x3FC6] =	sst s2  }
0x7: {  	_ = 	snop  }
0x8: {  	s2 =	sld [smem:$0x3FD0];
	(tm) =	ssettm $0x1  }
0x9: {  	s19 =	sld [smem:$0x3FFB];
	_ =	sdelay $0x3  }
0xa: {  	_ =	strace s19  }
0xb: {  	s3 =	sld [smem:$0x3FFC];
	_ =	sdelay $0x3  }
0xc: {  	_ =	strace s3  }
0xd: {  	s3 =	sld [smem:$0x3FFD];
	_ =	sdelay $0x3  }
0xe: {  	_ =	strace s3  }
0xf: {  	_ =	strace $0x8FFFFFFF  }
0x10: {  	s20 =	sld [smem:$0x3FDB];
	_ =	sdelay $0x1  }
0x11: {  	s4 =	simm.s32 $_scs_section_size  }
0x12: {  	s5 =	simm.s32 $_size__tile_overlayer_lowered;
	s6 =	simm.s32 $_tile_overlayer_lowered  }
0x13: {  	s23 =	simm.s32 $0x1BFF;
	s22 =	sshll.u32 s6, $0x1;
	s3 =	sadd.s32 s4, s20  }
0x14: {  	s7 =	simm.s32 $0x0;
	s21 =	sshll.u32 s5, $0x1;
	s5 =	sadd.s32 s22, s3  }
0x15: {  	[timem:s7], [sflag:s23] =	dma.local [hbm:s5], s21  }
0x16: {  	_ =	swait.ge [sflag:s23], s21  }
0x17: {  	s4 =	ssub.s32 $0x0, s21;
	[sflag:s23] =	ssyncset.done $0x0  }
0x18: {  	[sflag:s23] =	ssyncadd.s32 s4;
	_ =	sdelay $0x1  }
0x19: {  	s24 =	simm.s32 $0x1B8B  }
0x1a: {  	_ =	swait.ge [sflag:s24], $0x1  }
0x1b: {  	[sflag:s24] =	ssyncset.done $0x0  }
0x1c: {  	s26 =	simm.s32 $0x1B8E;
	s25 =	sld [smem:$0x3FFE];
	[sflag:s24] =	ssyncadd.s32 $0xFFFFFFFF  }
0x1d: {  	s27 =	simm.s32 $execute0_lowered;
	[smem:$0x3FD2] =	sst s26  }
0x1e: {  	s5 =	sshll.u32 s27, $0x1;
	_ =	strace $0x80000049;
	[dreg:$0x1] =	wrdreg $0xFFFFFFFF  }
0x1f: {  	s28 =	simm.s32 $_size_execute0_lowered;
	s3 =	sadd.s32 s3, s5;
	[dreg:$0x0] =	wrdreg $0x0  }
0x20: {  	s5 =	sshll.u32 s28, $0x1;
	[dreg:$0x2] =	wrdreg s3  }
0x21: {  	[dreg:$0x3] =	wrdreg s5  }
0x22: {  	[dreg:$0x4] =	wrdreg $0xC0  }
0x23: {  	_ =	task [dreg:s7], $0x5FFFF  }
0x24: {  	[dreg:$0x1] =	wrdreg $0xFFFFFFFF  }
0x25: {  	[dreg:$0x0] =	wrdreg $0x60  }
0x26: {  	[dreg:$0x2] =	wrdreg s25  }
0x27: {  	[dreg:$0x3] =	wrdreg s2  }
0x28: {  	[dreg:$0x4] =	wrdreg $0x9  }
0x29: {  	_ =	task.clear_ibuf [dreg:s7], $0x5FFFF;
	_ =	strace $0x90000049  }
0x2a: {  	s29 =	simm.s32 $0x9;
	_ =	strace $0x8000004B  }
0x2b: {  	_ =	swait.ge [sflag:s29], $0x1  }
0x2c: {  	[sflag:s29] =	ssyncadd.s32 $0xFFFFFFFF  }
0x2d: {  	_ =	strace $0x9000004B  }
0x2e: {  	_ =	sfence  }
0x2f: {  	s30 =	sld [smem:$0x0];
	_ =	sdelay $0x2  }
0x30: {  	s31 =	sshll.u32 s1, $0xD;
	s1 =	sshrl.u32 s1, $0x2  }
0x31: {  	s3 =	sand.u32 $0x4000, s31;
	s1 =	sadd.s32 s1, s30  }
0x32: {  	s0 =	sor.u32 s3, s0;
	s1 =	sshll.u32 s1, $0x11  }
0x33: {  	s0 =	sor.u32 s1, s0  }
0x34: {  	s0 =	sadd.s32 $0x8F2B, s0  }
0x35: {  	[sflag:s0] =	ssyncadd.remote.s32 $0x1  }
0x36: {  	_ =	sfence.sel $0xFFFF  }
0x37: {  	[dreg:$0x0] =	wrdreg $0xFFFFFFFF;
	(pc) =	sbr.abs _section_cstart, $3  }
0x38: {  	[dreg:$0x1] =	wrdreg $0xFFFFFFFF  }
0x39: {  	_ =	task.clear_ibuf [dreg:s7], $0x2FFFF;
	_ =	strace $0x9FFFFFFF  }
0x3a: {  	(tm) =	ssettm $0x7FFFFFFF  }
0x3b: {  	_ =	shalt  }
tec
execute0_lowered:
.L_overlay_start_1:
0x0: {  	(tag) =	ssettag $0x1  }
0x1: {  	s0 =	stileid.u32  }
0x2: {  	s4 =	srdreg.scid;
	s1 =	sshll.u32 s0, $0x7  }
0x3: {  	s8 =	rddreg [dreg:$0x0];
	_ =	strace $0x8000004A;
	s1 =	sand.u32 $0x80, s1  }
0x4: {  	s9 =	simm.s32 $0x2;
	s20 =	simm.s32 $0x0;
	s3 =	ssub.s32 $0x100, s1  }
0x5: {  	s22 =	simm.s32 $0x0;
	s23 =	simm.s32 $0x0;
	s5 =	sshrl.u32 s3, $0x7  }
0x6: {  	s2 =	sshrl.u32 s0, $0x1;
	s3 =	sshrl.u32 s3, $0x8;
	s5 =	sand.u32 $0x1, s5  }
0x7: {  	s4 =	sand.u32 $0x1, s4;
	p0 =	seq.s32 s2, $0x7;
	s3 =	sadd.s32 s3, s5  }
0x8: {  	s21 =	simm.s32 $0x0;
	s6 =	ssub.s32 $0x4, s4;
	s3 =	simm.s32 @p0 $0x0  }
0x9: {  	s11 =	simm.s32 $0x0;
	s13 =	simm.s32 $0x0;
	s7 =	smul.u32 s3, s6  }
.Ltmp0:
0xa: {  	s14 =	simm.s32 $0x0;
	s15 =	simm.s32 $0x0;
	(pc) =	sbr.rel .LBB1_1-.Ltmp0, $4  }
0xb: {  	s19 =	simm.s32 $0x0;
	s8 =	sadd.s32 $0x7A8C00, s8;
	s0 =	simm.s32 $0x0  }
0xc: {  	s16 =	smov.u32 s4;
	s6 =	simm.s32 $0x1;
	s7 =	smul.u32 $0x28, s7  }
0xd: {  	s17 =	smov.u32 s2;
	s18 =	smov.u32 s1;
	[sflag:s6] =	ssyncpa.u1 $0x0  }
0xe: {  	p0 =	por $0x0, $0x0;
	[sflag:s9] =	ssyncpa.u1 $0x0;
	s9 =	sor.u32 $0x1, s7  }
.LBB1_4:
0xf: {  	s29 =	sshll.u32 s11, $0x8  }
0x10: {  	s30 =	sshll.u32 s14, $0x3;
	s31 =	sshll.u32 s11, $0x7;
	s28 =	sshra.s32 s28, $0x2  }
0x11: {  	p1 =	sgt.s32 s13, $0x6;
	s3 =	sshra.s32 s13, $0x1F;
	s5 =	sshra.s32 s0, $0x1F  }
0x12: {  	p3 =	sgt.s32 s11, $0x1308;
	s29 =	sand.u32 $0xFFFFF800, s29;
	s30 =	sand.u32 $0xFFFFFC00, s30  }
0x13: {  	s12 =	sand.u32 $0x300, s31;
	s27 =	sadd.s32 s28, s27;
	s29 =	sadd.s32 s30, s29  }
0x14: {  	s3 =	sand.u32 s3, s13;
	s5 =	sand.u32 s5, s0;
	s29 =	sor.u32 s12, s29  }
0x15: {  	s12 =	smov.u32 s0;
	s28 =	sshrl.u32 s29, $0x8;
	s29 =	smov.u32 s13  }
0x16: {  	s30 =	smulhi.u32 $0x1A36E3, s28;
	s29 =	simm.s32 @!p1 $0x6;
	p1 =	sgt.s32 s0, $0x6  }
0x17: {  	s3 =	ssub.s32 s29, s3;
	s12 =	simm.s32 @!p1 $0x6;
	p1 =	sgt.s32 s14, $0x80  }
0x18: {  	s29 =	sshra.s32 s14, $0x1F;
	s5 =	ssub.s32 s12, s5;
	s12 =	smov.u32 s14  }
0x19: {  	s10 =	sadd.s32 $0xFFFFFFFA, s3;
	s29 =	sand.u32 s29, s14;
	s3 =	ssub.s32 $0x7, s3  }
0x1a: {  	s12 =	simm.s32 @!p1 $0x80;
	p2 =	sgt.s32 s10, $0x0;
	s10 =	sadd.s32 $0xFFFFFFFA, s5  }
0x1b: {  	s12 =	ssub.s32 s12, s29;
	p1 =	sgt.s32 s10, $0x0;
	s10 =	smov.u32 s11  }
0x1c: {  	s5 =	ssub.s32 $0x7, s5;
	s29 =	sadd.s32 $0xFFFFFF80, s12;
	s10 =	simm.s32 @!p3 $0x1308  }
0x1d: {  	v5 =	vld [tilespmem:s25+$0xFFFFFFD0];
	[tilespmem:s26+$0x2040 ss:$0x81] =	vst.msk $0xffff, v4;
	s12 =	ssub.s32 $0x100, s12;
	p3 =	sgt.s32 s29, $0x7F;
	s29 =	sshra.s32 s11, $0x1F  }
0x1e: {  	v59 =	vld [tilespmem:s25+$0xFFFFFFE0];
	[tilespmem:s26+$0x2850 ss:$0x81] =	vst.msk $0xffff, v3;
	s3 =	simm.s32 @p2 $0x0;
	s29 =	sand.u32 s29, s11;
	s12 =	simm.s32 @p3 $0x0  }
0x1f: {  	v60 =	vld [tilespmem:s25+$0xFFFFFFF0];
	[tilespmem:s26+$0x3060 ss:$0x81] =	vst.msk $0xffff, v2;
	s10 =	ssub.s32 s10, s29;
	s29 =	sshrl.u32 s30, $0x1;
	s3 =	smul.u32 s12, s3  }
0x20: {  	v61 =	vld [tilespmem:s25+$0x0];
	[tilespmem:s26+$0x0 ss:$0x81] =	vst.msk $0xffff, v0;
	s5 =	simm.s32 @p1 $0x0;
	s26 =	smul.u32 $0x1388, s29  }
0x21: {  	v62 =	vld [tilespmem:s25+$0x10];
	[tilespmem:s27+$0x3870 ss:$0x81] =	vst.msk $0xffff, v1;
	s12 =	sand.u32 $0x78, s14;
	s30 =	sand.u32 $0x80, s31;
	s29 =	smul.u32 $0x111700, s13  }
0x22: {  	v63 =	vld [tilespmem:s25+$0x20];
	[tilespmem:s27+$0x810 ss:$0x81] =	vst.msk $0xffff, v5;
	s31 =	sadd.s32 $0xFFFFECF8, s10;
	s12 =	sor.u32 s12, s30;
	s30 =	smul.u32 $0x27100, s0  }
0x23: {  	v6 =	vld [tilespmem:s25+$0xFFFFFFC0];
	[tilespmem:s27+$0x1020 ss:$0x81] =	vst.msk $0xffff, v59;
	s3 =	smul.u32 s5, s3;
	p1 =	sgt.s32 s31, $0x7F;
	s5 =	ssub.s32 $0x1388, s10  }
0x24: {  	[tilespmem:s27+$0x1830 ss:$0x81] =	vst.msk $0xffff, v60;
	s31 =	rddreg [dreg:$0x1];
	s12 =	sshrl.u32 s12, $0x3;
	s5 =	simm.s32 @p1 $0x0  }
0x25: {  	[tilespmem:s27+$0x2040 ss:$0x81] =	vst.msk $0xffff, v61;
	s26 =	ssub.s32 s28, s26;
	s3 =	smul.u32 s5, s3;
	s5 =	sadd.s32 s31, s29  }
0x26: {  	[tilespmem:s27+$0x2850 ss:$0x81] =	vst.msk $0xffff, v62;
	s28 =	sand.u32 $0x7, s14;
	s29 =	sshll.u32 s26, $0x5;
	s5 =	sadd.s32 s30, s5  }
0x27: {  	[tilespmem:s27+$0x3060 ss:$0x81] =	vst.msk $0xffff, v63;
	s31 =	simm.s32 $0x800;
	s30 =	sshll.u32 s28, $0x12;
	s5 =	sadd.s32 s12, s5  }
0x28: {  	[tilespmem:s27+$0x0 ss:$0x81] =	vst.msk $0xffff, v6;
	s3 =	sand.u32 $0x3FFFFFFF, s3;
	s10 =	sor.u32 $0x400, s30;
	s5 =	sadd.s32 s29, s5  }
0x29: {  	[hbm4b:s5+s10] =	stream.strided.scatter [tilespmem:s24], [sflag:$0x2], s3, s31, s10, $0x20;
	[tilespmem:$0x10100] =	vst v63  }
.LBB1_5:
0x2a: {  	p1 =	slt.u32 s19, $0x2;
	s3 =	smov.u32 s23  }
0x2b: {  	s10 =	smov.u32 s22;
	s24 =	smov.u32 s16;
	s25 =	smov.u32 s17  }
0x2c: {  	p0 =	por !p0, !p0;
	p2 =	sgt.s32 @!p1 s23, $0x6;
	s5 =	sshra.s32 @!p1 s23, $0x1F  }
0x2d: {  	s12 =	sshra.s32 @!p1 s22, $0x1F;
	p2 =	por !p2, p1;
	s5 =	sand.u32 @!p1 s5, s23  }
0x2e: {  	s23 =	smov.u32 s13;
	s3 =	simm.s32 @p2 $0x6;
	p2 =	sgt.s32 @!p1 s22, $0x6  }
0x2f: {  	s13 =	smov.u32 s17;
	s3 =	ssub.s32 @!p1 s3, s5;
	p2 =	por !p2, p1  }
0x30: {  	s5 =	sadd.s32 @!p1 $0xFFFFFFFA, s3;
	s10 =	simm.s32 @p2 $0x6;
	s3 =	ssub.s32 @!p1 $0x7, s3  }
0x31: {  	p3 =	sgt.s32 @!p1 s5, $0x0;
	s5 =	sand.u32 @!p1 s12, s22;
	s12 =	sshra.s32 @!p1 s21, $0x1F  }
0x32: {  	p2 =	por !p3, p1;
	s5 =	ssub.s32 @!p1 s10, s5;
	s12 =	sand.u32 @!p1 s12, s21  }
0x33: {  	s3 =	simm.s32 @!p2 $0x0;
	s10 =	sadd.s32 @!p1 $0xFFFFFFFA, s5;
	p2 =	sgt.s32 @!p1 s21, $0x80  }
0x34: {  	p3 =	sgt.s32 @!p1 s10, $0x0;
	p2 =	por !p2, p1;
	s10 =	smov.u32 s21  }
0x35: {  	s5 =	ssub.s32 @!p1 $0x7, s5;
	s10 =	simm.s32 @p2 $0x80;
	p2 =	sgt.s32 @!p1 s20, $0x1308  }
0x36: {  	s21 =	sshra.s32 @!p1 s20, $0x1F;
	s10 =	ssub.s32 @!p1 s10, s12;
	p2 =	por !p2, p1  }
0x37: {  	s12 =	smov.u32 s20;
	s20 =	sand.u32 @!p1 s21, s20;
	s21 =	sadd.s32 @!p1 $0xFFFFFF80, s10  }
0x38: {  	p3 =	por !p3, p1;
	s12 =	simm.s32 @p2 $0x1308;
	p2 =	sgt.s32 @!p1 s21, $0x7F  }
0x39: {  	s10 =	ssub.s32 @!p1 $0x100, s10;
	s12 =	ssub.s32 @!p1 s12, s20;
	p2 =	por !p2, p1  }
0x3a: {  	s5 =	simm.s32 @!p3 $0x0;
	s20 =	sadd.s32 @!p1 $0xFFFFECF8, s12;
	s10 =	simm.s32 @!p2 $0x0  }
0x3b: {  	s12 =	ssub.s32 @!p1 $0x1388, s12;
	s3 =	smul.u32 @!p1 s10, s3;
	s10 =	sadd.s32 $0x80, s15  }
0x3c: {  	p2 =	sgt.s32 @!p1 s20, $0x7F;
	s20 =	sadd.s32 $0x2, s16;
	p3 =	sgt.s32 s10, $0x1387  }
0x3d: {  	p2 =	por !p2, p1;
	s3 =	smul.u32 @!p1 s5, s3;
	s24 =	smov.u32 @p3 s20  }
0x3e: {  	s12 =	simm.s32 @!p2 $0x0;
	s5 =	sadd.s32 $0x8, s17;
	p2 =	sgt.s32 s24, $0x6  }
0x3f: {  	s10 =	simm.s32 @p3 $0x0;
	s3 =	smul.u32 @!p1 s12, s3;
	s25 =	smov.u32 @p2 s5  }
0x40: {  	s5 =	sadd.s32 $0x100, s18;
	s12 =	smov.u32 s18;
	p3 =	sgt.s32 s25, $0x6  }
0x41: {  	s22 =	smov.u32 s0;
	s0 =	smov.u32 s16;
	s12 =	smov.u32 @p3 s5  }
0x42: {  	s21 =	smov.u32 s14;
	s24 =	smov.u32 @p2 s4;
	p2 =	sgt.s32 s12, $0xFF  }
0x43: {  	s14 =	smov.u32 s18;
	s12 =	smov.u32 @p2 s1;
	p2 =	sne.s32 s19, s9  }
.Ltmp1:
0x44: {  	s20 =	smov.u32 s11;
	s11 =	smov.u32 s15;
	(pc) =	sbr.rel @!p2 .LBB1_6-.Ltmp1, $4  }
0x45: {  	s15 =	smov.u32 s10;
	s3 =	sand.u32 @!p1 $0x3FFFFFFF, s3;
	s5 =	simm.s32 @!p1 $0x2  }
0x46: {  	s16 =	smov.u32 s24;
	s25 =	smov.u32 @p3 s2;
	_ =	swait.ge @!p1 [sflag:s5], s3  }
0x47: {  	s3 =	ssub.s32 @!p1 $0x0, s3;
	s17 =	smov.u32 s25;
	[sflag:s5] =	ssyncset.done @!p1 $0x0  }
0x48: {  	s19 =	sadd.s32 $0x1, s19;
	[sflag:s5] =	ssyncadd.s32 @!p1 s3;
	s18 =	smov.u32 s12  }
.LBB1_1:
0x49: {  	p1 =	sge.u32 s19, s7  }
0x4a: {  	s24 =	sshrl.u32 @!p1 s16, $0x3  }
0x4b: {  	s25 =	sshll.u32 @!p1 s15, $0x3;
	s26 =	sshll.u32 @!p1 s16, $0x7;
	s24 =	smul.u32 @!p1 $0xA000, s24  }
0x4c: {  	s27 =	sand.u32 @!p1 $0x7F, s15;
	s25 =	sand.u32 @!p1 $0xFFFFFC00, s25;
	s26 =	sand.u32 @!p1 $0x380, s26  }
0x4d: {  	s24 =	sadd.s32 @!p1 s24, s25;
	s25 =	sor.u32 @!p1 s27, s26  }
0x4e: {  	s25 =	sor.u32 @!p1 s24, s25  }
0x4f: {  	s26 =	smulhi.u32 @!p1 $0xCCCCCCCD, s25  }
0x50: {  	s24 =	smulhi.u32 @!p1 $0xCCCCCCCD, s24  }
0x51: {  	s31 =	sadd.s32 $0xFFFFFFFF, s19;
	s28 =	smul.u32 @!p1 $0x8C00, s18;
	s26 =	sshrl.u32 @!p1 s26, $0xC  }
0x52: {  	s27 =	sxor.u32 @!p1 $0xFFFFFFFF, s19;
	s24 =	sshrl.u32 @!p1 s24, $0xC;
	s26 =	smul.u32 @!p1 $0x1400, s26  }
0x53: {  	s29 =	smul.u32 @!p1 $0x1400, s17;
	s27 =	sshll.u32 @!p1 s27, $0xE;
	s24 =	sand.u32 @!p1 $0x7, s24  }
0x54: {  	s24 =	smul.u32 @!p1 $0x280, s24;
	s25 =	ssub.s32 @!p1 s25, s26;
	s26 =	sadd.s32 @!p1 s8, s28  }
0x55: {  	s27 =	sand.u32 @!p1 $0x4000, s27;
	s26 =	sadd.s32 @!p1 s29, s26;
	s28 =	sand.u32 @!p1 $0x7, s25  }
0x56: {  	s25 =	sshrl.u32 @!p1 s25, $0x3;
	s24 =	sadd.s32 @!p1 s24, s26;
	s26 =	sshll.u32 @!p1 s28, $0x12  }
0x57: {  	s24 =	sadd.s32 @!p1 s25, s24;
	s25 =	sor.u32 @!p1 $0x80, s26;
	s26 =	simm.s32 @!p1 $0x46000  }
0x58: {  	[tilespmem:s27], [sflag:$0x1] =	stream.strided.gather @!p1 [hbm4b:s24+s25], $0x4000, s26, s25, $0x38;
	[tilespmem:$0x10100] =	vst v63  }
0x59: {  	p1 =	sge.u32 s31, s7  }
.Ltmp2:
0x5a: {  	_ = 	snop;
	(pc) =	sbr.rel @p1 .LBB1_5-.Ltmp2, $1  }
0x5b: {  	_ =	sdelay $0x3  }
0x5c: {  	s24 =	simm.s32 $0x1  }
0x5d: {  	_ =	swait.ge [sflag:s6], $0x4000;
	s24 =	simm.s32 @!p0 $0x0  }
0x5e: {  	[sflag:s6] =	ssyncset.done $0x0;
	s25 =	sshll.u32 s24, $0xE  }
0x5f: {  	[sflag:s6] =	ssyncadd.s32 $0xFFFFC000;
	s25 =	sor.u32 $0x40, s25  }
0x60: {  	s24 =	smul.u32 $0x10200, s24;
	v0 =	vld [tilespmem:s25+$0x30]  }
0x61: {  	v1 =	vld [tilespmem:s25+$0xFFFFFFD0]  }
0x62: {  	s24 =	sshrl.u32 s24, $0x2;
	v5 =	vld [tilespmem:s25+$0xFFFFFFE0]  }
0x63: {  	v6 =	vld [tilespmem:s25+$0xFFFFFFF0];
	s27 =	sor.u32 $0x8000, s24  }
0x64: {  	s31 =	sand.u32 $0x1, s19;
	v4 =	vld [tilespmem:s25+$0x0];
	s26 =	sadd.s32 $0x0, s27  }
0x65: {  	v3 =	vld [tilespmem:s25+$0x10];
	s24 =	smul.u32 $0x10200, s31;
	[tilespmem:s26+$0x3870 ss:$0x81] =	vst.msk $0xffff, v0  }
0x66: {  	v2 =	vld [tilespmem:s25+$0x20];
	[tilespmem:s26+$0x810 ss:$0x81] =	vst.msk $0xffff, v1  }
0x67: {  	s24 =	sshrl.u32 s24, $0x2;
	v0 =	vld [tilespmem:s25+$0xFFFFFFC0];
	[tilespmem:s26+$0x1020 ss:$0x81] =	vst.msk $0xffff, v5;
	s25 =	sadd.s32 $0x80, s25  }
0x68: {  	s28 =	simm.s32 $0x4;
	s29 =	simm.s32 $0x8;
	s24 =	sor.u32 $0x8000, s24;
	[tilespmem:s26+$0x1830 ss:$0x81] =	vst.msk $0xffff, v6;
	v1 =	vld [tilespmem:s25+$0x30]  }
.LBB1_3:
0x69: {  	p1 =	sne.s32 s29, $0x1FC;
	v5 =	vld [tilespmem:s25+$0xFFFFFFD0];
	[tilespmem:s26+$0x2040 ss:$0x81] =	vst.msk $0xffff, v4  }
0x6a: {  	v6 =	vld [tilespmem:s25+$0xFFFFFFE0];
	[tilespmem:s26+$0x2850 ss:$0x81] =	vst.msk $0xffff, v3  }
0x6b: {  	s30 =	sshra.s32 s28, $0x2;
	s28 =	smov.u32 s29;
	v7 =	vld [tilespmem:s25+$0xFFFFFFF0];
	[tilespmem:s26+$0x3060 ss:$0x81] =	vst.msk $0xffff, v2  }
.Ltmp3:
0x6c: {  	v4 =	vld [tilespmem:s25+$0x0];
	[tilespmem:s26+$0x0 ss:$0x81] =	vst.msk $0xffff, v0;
	s26 =	sadd.s32 s30, s27;
	(pc) =	sbr.rel @p1 .LBB1_3-.Ltmp3, $4  }
0x6d: {  	v3 =	vld [tilespmem:s25+$0x10];
	[tilespmem:s26+$0x3870 ss:$0x81] =	vst.msk $0xffff, v1  }
0x6e: {  	[tilespmem:s26+$0x810 ss:$0x81] =	vst.msk $0xffff, v5;
	v2 =	vld [tilespmem:s25+$0x20]  }
0x6f: {  	v0 =	vld [tilespmem:s25+$0xFFFFFFC0];
	[tilespmem:s26+$0x1020 ss:$0x81] =	vst.msk $0xffff, v6;
	s25 =	sadd.s32 $0x80, s25  }
0x70: {  	s29 =	sadd.s32 $0x4, s29;
	v1 =	vld [tilespmem:s25+$0x30];
	[tilespmem:s26+$0x1830 ss:$0x81] =	vst.msk $0xffff, v7  }
.Ltmp4:
0x71: {  	_ = 	snop;
	(pc) =	sbr.rel .LBB1_4-.Ltmp4, $1  }
0x72: {  	_ =	sdelay $0x3  }
.LBB1_6:
0x73: {  	_ =	sfence.sel $0x180000  }
0x74: {  	s0 =	simm.s32 $0x1;
	[bflag:$0x0] =	sbarrier.arrive $0xFFFF  }
0x75: {  	s30 =	simm.s32 $0x2;
	[sflag:s0] =	ssyncpa.u1 $0x1  }
0x76: {  	[sflag:s30] =	ssyncpa.u1 $0x1  }
0x77: {  	_ =	strace $0x9000004A  }
0x78: {  	s31 =	stileid.u32;
	[bflag:$0x2] =	sbarrier.arrive $0xFFFF  }
0x79: {  	p0 =	sne.s32 s31, $0x0;
	s0 =	rddreg [dreg:$0x2]  }
0x7a: {  	s0 =	sadd.s32 @!p0 $0x100000, s0  }
0x7b: {  	[sflag:s0] =	ssyncadd.tile.s32 @!p0 $0x1;
	_ =	shalt  }
.Lfunc_end1:
_tile_overlayer_lowered:
.L_overlay_start_2:
0x7c: {  	(tag) =	ssettag $0x2  }
0x7d: {  	s0 =	rddreg [dreg:$0x0];
	s2 =	stileid.u32  }
0x7e: {  	s1 =	rddreg [dreg:$0x1];
	p0 =	sne.s32 s2, $0x0  }
0x7f: {  	s3 =	rddreg [dreg:$0x2];
	[bflag:$0x3] =	sbarrier.arrive $0xFFFF;
	s2 =	simm.s32 @!p0 $0x1C01  }
0x80: {  	[timem:s3], [sflag:s2] =	dma.local @!p0 [hbm:s0], s1  }
0x81: {  	s0 =	simm.s32 @!p0 $0x1  }
0x82: {  	_ =	swait.ge @!p0 [sflag:s0], s1  }
0x83: {  	s1 =	ssub.s32 @!p0 $0x0, s1;
	[sflag:s0] =	ssyncset.done @!p0 $0x0  }
0x84: {  	[sflag:s0] =	ssyncadd.s32 @!p0 s1  }
0x85: {  	[bflag:$0x3] =	sbarrier.arrive $0xFFFF  }
0x86: {  	_ =	shalt  }

</sc_bundles>
